<compile_context>
chip_gen: v7x
topology: tpu7x:2x2x1
jax: 0.10.2.dev20260603
libtpu: 0.0.44.dev20260713+nightly
codegen_flags: <defaults>
</compile_context>

<pallas_src>
import functools

import jax
import jax.numpy as jnp
from jax import lax
from jax.experimental import pallas as pl
from jax.experimental.pallas import tpu as pltpu
from jax.experimental.pallas import tpu_sc as plsc

N = 10000
E = 320000
IN_DIM = 29
D = 128
AH = 256
CHD = 128
A = 2048
L = 6

NC = 2
NS = 16
NW = NC * NS

NR = 10240
ROWS_PER_TILE = NR // NS

EPW = 10240
EP = NW * EPW
CH_E = 128
NCHUNK = EPW // CH_E
NPAIR = NCHUNK // 2
EPA = EP + 2 * CH_E
TOTCH = EPA // CH_E

R = 512
GRID = NR // R

@functools.lru_cache(maxsize=1)
def _sc_mesh():
    return plsc.VectorSubcoreMesh(
        core_axis_name="c", subcore_axis_name="s", num_cores=NC, num_subcores=NS
    )


def _mp_body(w, p_hbm, ep_hbm, out_hbm,
             idx0, idx1, rows0, rows1, agg,
             gsem0, gsem1, ssem0, ssem1, isem0, isem1):
    c = lax.axis_index("c")
    s = lax.axis_index("s")
    wid = s * NC + c
    base = s * ROWS_PER_TILE
    cbase = wid * NCHUNK

    zero16 = jnp.zeros((16,), jnp.float32)

    def zrow(i, carry):
        for j in range(w // 16):
            rows0[i, pl.ds(j * 16, 16)] = zero16
        return carry

    lax.fori_loop(0, CH_E, zrow, 0)
    for k in range(ROWS_PER_TILE // CH_E):
        pltpu.sync_copy(rows0, agg.at[pl.ds(base + k * CH_E, CH_E)])

    pltpu.sync_copy(ep_hbm.at[cbase], idx0)
    pltpu.sync_copy(ep_hbm.at[cbase + 1], idx1)
    pltpu.async_copy(p_hbm.at[idx0.at[0]], rows0, gsem0)
    pltpu.async_copy(p_hbm.at[idx1.at[0]], rows1, gsem1)

    plsc.subcore_barrier()

    def pair(k, carry):
        nxt = cbase + 2 * k + 2
        pltpu.make_async_copy(p_hbm.at[idx0.at[0]], rows0, gsem0).wait()
        s0 = pltpu.async_copy(rows0, agg.at[idx0.at[1]], ssem0, add=True)
        pltpu.make_async_copy(p_hbm.at[idx1.at[0]], rows1, gsem1).wait()
        s0.wait()
        i0 = pltpu.async_copy(ep_hbm.at[nxt], idx0, isem0)
        s1 = pltpu.async_copy(rows1, agg.at[idx1.at[1]], ssem1, add=True)
        i0.wait()
        pltpu.async_copy(p_hbm.at[idx0.at[0]], rows0, gsem0)
        s1.wait()
        i1 = pltpu.async_copy(ep_hbm.at[nxt + 1], idx1, isem1)
        i1.wait()
        pltpu.async_copy(p_hbm.at[idx1.at[0]], rows1, gsem1)
        return carry

    lax.fori_loop(0, NPAIR, pair, 0)

    pltpu.make_async_copy(p_hbm.at[idx0.at[0]], rows0, gsem0).wait()
    pltpu.make_async_copy(p_hbm.at[idx1.at[0]], rows1, gsem1).wait()

    plsc.subcore_barrier()

    pltpu.sync_copy(
        agg.at[pl.ds(base, ROWS_PER_TILE)],
        out_hbm.at[c, pl.ds(base, ROWS_PER_TILE)],
    )


def _mp_call(p, ep):
    w = p.shape[1]
    f = pl.kernel(
        functools.partial(_mp_body, w),
        out_type=[jax.ShapeDtypeStruct((NC, NR, w), jnp.float32)],
        mesh=_sc_mesh(),
        scratch_types=(
            [pltpu.VMEM((2, CH_E), jnp.int32)] * 2
            + [
                pltpu.VMEM((CH_E, w), jnp.float32),
                pltpu.VMEM((CH_E, w), jnp.float32),
                pltpu.VMEM_SHARED((NR, w), jnp.float32),
            ]
            + [pltpu.SemaphoreType.DMA] * 6
        ),
        name="sc_mp%d" % w,
    )
    return f(p, ep)


def _combine0_body(x_ref, parts_ref, ws0_ref, b0_ref, wn0_ref, wn_ref,
                   ws_ref, b_ref, p_out, s_out, inv_out):
    s0 = (
        jnp.dot(x_ref[...], ws0_ref[...], preferred_element_type=jnp.float32)
        + b0_ref[...]
    )
    a32 = parts_ref[0] + parts_ref[1]
    inv = 1.0 / jnp.clip(a32[:, 31:32], 1.0, None)
    aggn = jnp.dot(a32, wn0_ref[...], preferred_element_type=jnp.float32) * inv
    h = jnp.maximum(s0 + aggn, 0.0)
    p_out[...] = jnp.dot(h, wn_ref[...], preferred_element_type=jnp.float32)
    s_out[...] = (
        jnp.dot(h, ws_ref[...], preferred_element_type=jnp.float32) + b_ref[...]
    )
    inv_out[...] = jnp.broadcast_to(inv, (R, 8))


def _combine0(xp, parts32, ws0, b0, wn0, wn, ws, b):
    return pl.pallas_call(
        _combine0_body,
        grid=(GRID,),
        in_specs=[
            pl.BlockSpec((R, 32), lambda i: (i, 0)),
            pl.BlockSpec((2, R, D), lambda i: (0, i, 0)),
            pl.BlockSpec((32, D), lambda i: (0, 0)),
            pl.BlockSpec((1, D), lambda i: (0, 0)),
            pl.BlockSpec((D, D), lambda i: (0, 0)),
            pl.BlockSpec((D, D), lambda i: (0, 0)),
            pl.BlockSpec((D, D), lambda i: (0, 0)),
            pl.BlockSpec((1, D), lambda i: (0, 0)),
        ],
        out_specs=[
            pl.BlockSpec((R, D), lambda i: (i, 0)),
            pl.BlockSpec((R, D), lambda i: (i, 0)),
            pl.BlockSpec((R, 8), lambda i: (i, 0)),
        ],
        out_shape=[
            jax.ShapeDtypeStruct((NR, D), jnp.float32),
            jax.ShapeDtypeStruct((NR, D), jnp.float32),
            jax.ShapeDtypeStruct((NR, 8), jnp.float32),
        ],
    )(xp, parts32, ws0, b0, wn0, wn, ws, b)


def _combine_body(s_ref, parts_ref, inv_ref, wn_ref, ws_ref, b_ref, p_out, s_out):
    aggn = (parts_ref[0] + parts_ref[1]) * inv_ref[:, 0:1]
    h = jnp.maximum(s_ref[...] + aggn, 0.0)
    p_out[...] = jnp.dot(h, wn_ref[...], preferred_element_type=jnp.float32)
    s_out[...] = (
        jnp.dot(h, ws_ref[...], preferred_element_type=jnp.float32) + b_ref[...]
    )


def _combine(s, parts, inv8, wn, ws, b):
    return pl.pallas_call(
        _combine_body,
        grid=(GRID,),
        in_specs=[
            pl.BlockSpec((R, D), lambda i: (i, 0)),
            pl.BlockSpec((2, R, D), lambda i: (0, i, 0)),
            pl.BlockSpec((R, 8), lambda i: (i, 0)),
            pl.BlockSpec((D, D), lambda i: (0, 0)),
            pl.BlockSpec((D, D), lambda i: (0, 0)),
            pl.BlockSpec((1, D), lambda i: (0, 0)),
        ],
        out_specs=[
            pl.BlockSpec((R, D), lambda i: (i, 0)),
            pl.BlockSpec((R, D), lambda i: (i, 0)),
        ],
        out_shape=[
            jax.ShapeDtypeStruct((NR, D), jnp.float32),
            jax.ShapeDtypeStruct((NR, D), jnp.float32),
        ],
    )(s, parts, inv8, wn, ws, b)


def _heads_body(s_ref, parts_ref, inv_ref, cw1_ref, cb1_ref, cw2_ref, cb2_ref,
                aw1_ref, ab1_ref, aw2_ref, ab2_ref, vs_out, xf_out):
    i = pl.program_id(0)
    aggn = (parts_ref[0] + parts_ref[1]) * inv_ref[:, 0:1]
    h = jnp.maximum(s_ref[...] + aggn, 0.0)
    hc = jnp.maximum(
        jnp.dot(h, cw1_ref[...], preferred_element_type=jnp.float32)
        + cb1_ref[...],
        0.0,
    )
    vs = jnp.dot(hc, cw2_ref[...], preferred_element_type=jnp.float32) + cb2_ref[...]
    rowid = lax.broadcasted_iota(jnp.int32, (R, 8), 0) + i * R
    vs_out[...] = jnp.where(rowid < N, vs, -1e30)
    ha = jnp.maximum(
        jnp.dot(h, aw1_ref[...], preferred_element_type=jnp.float32)
        + ab1_ref[...],
        0.0,
    )
    xf_out[...] = (
        jnp.dot(ha, aw2_ref[...], preferred_element_type=jnp.float32) + ab2_ref[...]
    )


def _heads(s, parts, inv8, cw1, cb1, cw2p, cb2r, aw1, ab1, aw2, ab2):
    return pl.pallas_call(
        _heads_body,
        grid=(GRID,),
        in_specs=[
            pl.BlockSpec((R, D), lambda i: (i, 0)),
            pl.BlockSpec((2, R, D), lambda i: (0, i, 0)),
            pl.BlockSpec((R, 8), lambda i: (i, 0)),
            pl.BlockSpec((D, CHD), lambda i: (0, 0)),
            pl.BlockSpec((1, CHD), lambda i: (0, 0)),
            pl.BlockSpec((CHD, 8), lambda i: (0, 0)),
            pl.BlockSpec((1, 8), lambda i: (0, 0)),
            pl.BlockSpec((D, AH), lambda i: (0, 0)),
            pl.BlockSpec((1, AH), lambda i: (0, 0)),
            pl.BlockSpec((AH, A), lambda i: (0, 0)),
            pl.BlockSpec((1, A), lambda i: (0, 0)),
        ],
        out_specs=[
            pl.BlockSpec((R, 8), lambda i: (i, 0)),
            pl.BlockSpec((R, A), lambda i: (i, 0)),
        ],
        out_shape=[
            jax.ShapeDtypeStruct((NR, 8), jnp.float32),
            jax.ShapeDtypeStruct((N, A), jnp.float32),
        ],
    )(s, parts, inv8, cw1, cb1, cw2p, cb2r, aw1, ab1, aw2, ab2)


def _softmax_body(vs_ref, out_ref):
    v = vs_ref[:, 0:1]
    m = jnp.max(v)
    e = jnp.exp(vs_ref[...] - m)
    ssum = jnp.sum(e[:, 0:1])
    out_ref[...] = e / ssum


def _softmax(vs8):
    return pl.pallas_call(
        _softmax_body,
        out_shape=jax.ShapeDtypeStruct((NR, 8), jnp.float32),
    )(vs8)


def kernel(x, edge_index, params):
    gnn = params["gnn"]
    act = params["actor"]
    cri = params["critic"]

    src = edge_index[0]
    dst = edge_index[1]
    pad = EPA - E
    padi = jnp.arange(pad, dtype=jnp.int32)
    srcp = jnp.concatenate([src, padi % N])
    dstp = jnp.concatenate([dst, N + padi % (NR - N)])
    ep = jnp.stack(
        [srcp.reshape(TOTCH, CH_E), dstp.reshape(TOTCH, CH_E)], axis=1
    )

    xp = jnp.pad(x, ((0, NR - N), (0, 32 - IN_DIM)))
    x128 = jnp.pad(xp.at[:, 31].set(1.0), ((0, 0), (0, D - 32)))
    wn0 = jnp.pad(gnn[0]["W_neigh"], ((0, D - IN_DIM), (0, 0)))
    ws0 = jnp.pad(gnn[0]["W_self"], ((0, 32 - IN_DIM), (0, 0)))
    b0 = gnn[0]["b"].reshape(1, D)

    (parts32,) = _mp_call(x128, ep)
    p, s, inv8 = _combine0(xp, parts32, ws0, b0, wn0, gnn[1]["W_neigh"],
                           gnn[1]["W_self"], gnn[1]["b"].reshape(1, D))
    (parts,) = _mp_call(p, ep)

    for l in range(2, L):
        wn = gnn[l]["W_neigh"]
        ws = gnn[l]["W_self"]
        b = gnn[l]["b"].reshape(1, D)
        p, s = _combine(s, parts, inv8, wn, ws, b)
        (parts,) = _mp_call(p, ep)

    cw1 = cri["W1"]
    cb1 = cri["b1"].reshape(1, CHD)
    cw2p = jnp.pad(cri["W2"], ((0, 0), (0, 7)))
    cb2r = jnp.broadcast_to(cri["b2"].reshape(1, 1), (1, 8))
    aw1 = act["W1"]
    ab1 = act["b1"].reshape(1, AH)
    aw2 = act["W2"]
    ab2 = act["b2"].reshape(1, A)

    vs8, xf = _heads(s, parts, inv8, cw1, cb1, cw2p, cb2r, aw1, ab1, aw2, ab2)
    prob8 = _softmax(vs8)

    node_vs = vs8[:N, 0]
    node_prob = prob8[:N, 0]
    return (node_vs, node_prob, xf)

# --- scband reference (transcript-rebuilt; emitter-appended) ---
"""Pipeline reference for scband-actor-critic-35459249995856 (READ-ONLY COPY).

The authoritative reference and input builder live on the scoring server;
editing this copy changes nothing except your own understanding.
"""

import jax, jax.numpy as jnp
import numpy as np

N = 10000
E = 320000
IN_DIM = 29          # num_gate_type
D = 128              # graph_embed_size
AH = 256             # actor_hidden_size
CH = 128             # critic_hidden_size
A = 2048             # action_dim (num_xfers)
L = 6                # QGNN layers


def _init_linear(key, fan_in, fan_out):
    k1, k2 = jax.random.split(key)
    lim = 1.0 / np.sqrt(fan_in)
    W = jax.random.uniform(k1, (fan_in, fan_out), jnp.float32, -lim, lim)
    b = jax.random.uniform(k2, (fan_out,), jnp.float32, -lim, lim)
    return W, b


def setup_inputs(seed: int = 0) -> dict:
    key = jax.random.key(seed)
    ks = jax.random.split(key, 2 + 2 * L + 4)
    x = jax.random.normal(ks[0], (N, IN_DIM), dtype=jnp.float32)
    edge_index = jax.random.randint(ks[1], (2, E), 0, N, dtype=jnp.int32)
    gnn = []
    in_d = IN_DIM
    for l in range(L):
        Ws, bs = _init_linear(ks[2 + 2 * l], in_d, D)
        Wn, _ = _init_linear(ks[3 + 2 * l], in_d, D)
        gnn.append({"W_self": Ws, "W_neigh": Wn, "b": bs})
        in_d = D
    aW1, ab1 = _init_linear(ks[2 + 2 * L], D, AH)
    aW2, ab2 = _init_linear(ks[3 + 2 * L], AH, A)
    cW1, cb1 = _init_linear(ks[4 + 2 * L], D, CH)
    cW2, cb2 = _init_linear(ks[5 + 2 * L], CH, 1)
    params = {
        "gnn": gnn,
        "actor": {"W1": aW1, "b1": ab1, "W2": aW2, "b2": ab2},
        "critic": {"W1": cW1, "b1": cb1, "W2": cW2, "b2": cb2},
    }
    return {"x": x, "edge_index": edge_index, "params": params}


def _qgnn(x, edge_index, gnn_params):
    src = edge_index[0]
    dst = edge_index[1]
    deg = jax.ops.segment_sum(jnp.ones((E,), jnp.float32), dst, num_segments=N)
    deg = jnp.clip(deg, 1.0, None)[:, None]
    h = x
    for layer in gnn_params:
        msg = jnp.take(h, src, axis=0)                      # gather  [E, d]
        agg = jax.ops.segment_sum(msg, dst, num_segments=N)  # scatter-add [N, d]
        agg = agg / deg                                      # mean aggregation
        h = jnp.dot(h, layer["W_self"]) + jnp.dot(agg, layer["W_neigh"]) + layer["b"]
        h = jax.nn.relu(h)
    return h


def reference(x, edge_index, params):
    # graph_embedding = QGNN(6, num_gate_type, D, D)
    graph_embed = _qgnn(x, edge_index, params["gnn"])
    # critic: per-node value -> node distribution logits
    c = params["critic"]
    node_vs = jnp.dot(jax.nn.relu(jnp.dot(graph_embed, c["W1"]) + c["b1"]), c["W2"]) + c["b2"]
    node_vs = jnp.squeeze(node_vs, axis=-1)   # [N]
    node_prob = jax.nn.softmax(node_vs, axis=-1)
    # actor: per-node xfer logits
    a = params["actor"]
    xfer_logits = jnp.dot(jax.nn.relu(jnp.dot(graph_embed, a["W1"]) + a["b1"]), a["W2"]) + a["b2"]  # [N, A]
    return (node_vs, node_prob, xfer_logits)

if __name__ == "__main__":
    import jax
    _d = setup_inputs()
    print(jax.jit(kernel)(*tuple(_d.values())))

</pallas_src>

<mosaic_0001>
#map = affine_map<(d0, d1) -> (0, 0)>
#map1 = affine_map<(d0, d1) -> (0, 0, 0)>
module attributes {stable_mosaic.version = 14 : i64} {
  func.func @sc_mp128(%arg0: i32, %arg1: i32, %arg2: memref<10240x128xf32, #tpu.memory_space<hbm>>, %arg3: memref<2562x2x128xi32, #tpu.memory_space<hbm>>, %arg4: memref<2x10240x128xf32, #tpu.memory_space<hbm>>, %arg5: memref<2x128xi32, #tpu.memory_space<vmem>>, %arg6: memref<2x128xi32, #tpu.memory_space<vmem>>, %arg7: memref<128x128xf32, #tpu.memory_space<vmem>>, %arg8: memref<128x128xf32, #tpu.memory_space<vmem>>, %arg9: memref<10240x128xf32, #tpu.memory_space<vmem_shared>>, %arg10: memref<!tpu.dma_semaphore, #tpu.memory_space<semaphore_mem>>, %arg11: memref<!tpu.dma_semaphore, #tpu.memory_space<semaphore_mem>>, %arg12: memref<!tpu.dma_semaphore, #tpu.memory_space<semaphore_mem>>, %arg13: memref<!tpu.dma_semaphore, #tpu.memory_space<semaphore_mem>>, %arg14: memref<!tpu.dma_semaphore, #tpu.memory_space<semaphore_mem>>, %arg15: memref<!tpu.dma_semaphore, #tpu.memory_space<semaphore_mem>>) attributes {dimension_semantics = [#tpu.dimension_semantics<core_parallel>, #tpu.dimension_semantics<subcore_parallel>], iteration_bounds = array<i64: 2, 16>, scalar_prefetch = 0 : i64, scratch_operands = 11 : i64, tpu.core_type = #tpu.core_type<sc_vector_subcore>, window_params = [{transform_indices = #map}, {transform_indices = #map1}, {transform_indices = #map1}]} {
    %mul3A = arith.constant 2 : i32
    %mul3A_0 = arith.muli %arg1, %mul3A : i32
    %add3A = arith.addi %mul3A_0, %arg0 : i32
    %mul3A_1 = arith.constant 640 : i32
    %mul3A_2 = arith.muli %arg1, %mul3A_1 : i32
    %mul3A_3 = arith.constant 80 : i32
    %mul3A_4 = arith.muli %add3A, %mul3A_3 : i32
    %broadcast_in_dim3A = arith.constant 0.000000e+00 : f32
    %broadcast_in_dim3A_5 = vector.broadcast %broadcast_in_dim3A : f32 to vector<16xf32>
    %scan3A = arith.constant 0 : i32
    %scan3A_6 = arith.constant 0 : i32
    %scan3A_7 = arith.constant 128 : i32
    %scan3A_8 = arith.addi %scan3A_6, %scan3A_7 : i32
    %scan3A_9 = arith.constant 1 : i32
    scf.for %scan3A_56 = %scan3A_6 to %scan3A_8 step %scan3A_9  : i32 {
      %swap3A = arith.index_cast %scan3A_56 : i32 to index
      %swap3A_57 = arith.constant 0 : index
      %swap3A_58 = tpu.vector_load %arg7[%swap3A, %swap3A_57] {strides = array<i32>} : memref<128x128xf32, #tpu.memory_space<vmem>>, vector<1x16xf32>,
      %swap3A_59 = vector.shape_cast %swap3A_58 : vector<1x16xf32> to vector<16xf32>
      %swap3A_60 = vector.shape_cast %broadcast_in_dim3A_5 : vector<16xf32> to vector<1x16xf32>
      tpu.vector_store %arg7[%swap3A, %swap3A_57], %swap3A_60 {strides = array<i32>} : memref<128x128xf32, #tpu.memory_space<vmem>>, vector<1x16xf32>,
      %swap3A_61 = arith.index_cast %scan3A_56 : i32 to index
      %swap3A_62 = arith.constant 16 : index
      %swap3A_63 = tpu.vector_load %arg7[%swap3A_61, %swap3A_62] {strides = array<i32>} : memref<128x128xf32, #tpu.memory_space<vmem>>, vector<1x16xf32>,
      %swap3A_64 = vector.shape_cast %swap3A_63 : vector<1x16xf32> to vector<16xf32>
      %swap3A_65 = vector.shape_cast %broadcast_in_dim3A_5 : vector<16xf32> to vector<1x16xf32>
      tpu.vector_store %arg7[%swap3A_61, %swap3A_62], %swap3A_65 {strides = array<i32>} : memref<128x128xf32, #tpu.memory_space<vmem>>, vector<1x16xf32>,
      %swap3A_66 = arith.index_cast %scan3A_56 : i32 to index
      %swap3A_67 = arith.constant 32 : index
      %swap3A_68 = tpu.vector_load %arg7[%swap3A_66, %swap3A_67] {strides = array<i32>} : memref<128x128xf32, #tpu.memory_space<vmem>>, vector<1x16xf32>,
      %swap3A_69 = vector.shape_cast %swap3A_68 : vector<1x16xf32> to vector<16xf32>
      %swap3A_70 = vector.shape_cast %broadcast_in_dim3A_5 : vector<16xf32> to vector<1x16xf32>
      tpu.vector_store %arg7[%swap3A_66, %swap3A_67], %swap3A_70 {strides = array<i32>} : memref<128x128xf32, #tpu.memory_space<vmem>>, vector<1x16xf32>,
      %swap3A_71 = arith.index_cast %scan3A_56 : i32 to index
      %swap3A_72 = arith.constant 48 : index
      %swap3A_73 = tpu.vector_load %arg7[%swap3A_71, %swap3A_72] {strides = array<i32>} : memref<128x128xf32, #tpu.memory_space<vmem>>, vector<1x16xf32>,
      %swap3A_74 = vector.shape_cast %swap3A_73 : vector<1x16xf32> to vector<16xf32>
      %swap3A_75 = vector.shape_cast %broadcast_in_dim3A_5 : vector<16xf32> to vector<1x16xf32>
      tpu.vector_store %arg7[%swap3A_71, %swap3A_72], %swap3A_75 {strides = array<i32>} : memref<128x128xf32, #tpu.memory_space<vmem>>, vector<1x16xf32>,
      %swap3A_76 = arith.index_cast %scan3A_56 : i32 to index
      %swap3A_77 = arith.constant 64 : index
      %swap3A_78 = tpu.vector_load %arg7[%swap3A_76, %swap3A_77] {strides = array<i32>} : memref<128x128xf32, #tpu.memory_space<vmem>>, vector<1x16xf32>,
      %swap3A_79 = vector.shape_cast %swap3A_78 : vector<1x16xf32> to vector<16xf32>
      %swap3A_80 = vector.shape_cast %broadcast_in_dim3A_5 : vector<16xf32> to vector<1x16xf32>
      tpu.vector_store %arg7[%swap3A_76, %swap3A_77], %swap3A_80 {strides = array<i32>} : memref<128x128xf32, #tpu.memory_space<vmem>>, vector<1x16xf32>,
      %swap3A_81 = arith.index_cast %scan3A_56 : i32 to index
      %swap3A_82 = arith.constant 80 : index
      %swap3A_83 = tpu.vector_load %arg7[%swap3A_81, %swap3A_82] {strides = array<i32>} : memref<128x128xf32, #tpu.memory_space<vmem>>, vector<1x16xf32>,
      %swap3A_84 = vector.shape_cast %swap3A_83 : vector<1x16xf32> to vector<16xf32>
      %swap3A_85 = vector.shape_cast %broadcast_in_dim3A_5 : vector<16xf32> to vector<1x16xf32>
      tpu.vector_store %arg7[%swap3A_81, %swap3A_82], %swap3A_85 {strides = array<i32>} : memref<128x128xf32, #tpu.memory_space<vmem>>, vector<1x16xf32>,
      %swap3A_86 = arith.index_cast %scan3A_56 : i32 to index
      %swap3A_87 = arith.constant 96 : index
      %swap3A_88 = tpu.vector_load %arg7[%swap3A_86, %swap3A_87] {strides = array<i32>} : memref<128x128xf32, #tpu.memory_space<vmem>>, vector<1x16xf32>,
      %swap3A_89 = vector.shape_cast %swap3A_88 : vector<1x16xf32> to vector<16xf32>
      %swap3A_90 = vector.shape_cast %broadcast_in_dim3A_5 : vector<16xf32> to vector<1x16xf32>
      tpu.vector_store %arg7[%swap3A_86, %swap3A_87], %swap3A_90 {strides = array<i32>} : memref<128x128xf32, #tpu.memory_space<vmem>>, vector<1x16xf32>,
      %swap3A_91 = arith.index_cast %scan3A_56 : i32 to index
      %swap3A_92 = arith.constant 112 : index
      %swap3A_93 = tpu.vector_load %arg7[%swap3A_91, %swap3A_92] {strides = array<i32>} : memref<128x128xf32, #tpu.memory_space<vmem>>, vector<1x16xf32>,
      %swap3A_94 = vector.shape_cast %swap3A_93 : vector<1x16xf32> to vector<16xf32>
      %swap3A_95 = vector.shape_cast %broadcast_in_dim3A_5 : vector<16xf32> to vector<1x16xf32>
      tpu.vector_store %arg7[%swap3A_91, %swap3A_92], %swap3A_95 {strides = array<i32>} : memref<128x128xf32, #tpu.memory_space<vmem>>, vector<1x16xf32>,
    }
    %scan3A_10 = arith.constant 128 : i32
    %add3A_11 = arith.constant 0 : i32
    %add3A_12 = arith.addi %mul3A_2, %add3A_11 : i32
    "tpu.region"() ({
      %run_scoped3A = tpu.sem_alloc : memref<!tpu.dma_semaphore, #tpu.memory_space<semaphore_mem>>
      %dma_start3A_56 = arith.constant 0 : i32
      %dma_start3A_57 = tpu.memref_slice %arg9[%add3A_12, %dma_start3A_56] : memref<10240x128xf32, #tpu.memory_space<vmem_shared>> -> memref<128x128xf32, #tpu.memory_space<vmem_shared>>
      %dma_start3A_58 = arith.constant 0 : i32
      %dma_start3A_59 = tpu.memref_slice %arg9[%add3A_12, %dma_start3A_58] : memref<10240x128xf32, #tpu.memory_space<vmem_shared>> -> memref<128x128xf32, #tpu.memory_space<vmem_shared>>
      tpu.enqueue_dma source(%arg7 : memref<128x128xf32, #tpu.memory_space<vmem>>) target(%dma_start3A_59 : memref<128x128xf32, #tpu.memory_space<vmem_shared>>) target_semaphore(%run_scoped3A : memref<!tpu.dma_semaphore, #tpu.memory_space<semaphore_mem>>)
      %dma_wait3A_60 = arith.constant 0 : i32
      %dma_wait3A_61 = tpu.memref_slice %arg9[%add3A_12, %dma_wait3A_60] : memref<10240x128xf32, #tpu.memory_space<vmem_shared>> -> memref<128x128xf32, #tpu.memory_space<vmem_shared>>
      %dma_wait3A_62 = arith.constant 0 : i32
      %dma_wait3A_63 = tpu.memref_slice %arg9[%add3A_12, %dma_wait3A_62] : memref<10240x128xf32, #tpu.memory_space<vmem_shared>> -> memref<128x128xf32, #tpu.memory_space<vmem_shared>>
      tpu.wait_dma2 semaphore(%run_scoped3A : memref<!tpu.dma_semaphore, #tpu.memory_space<semaphore_mem>>) src(%arg7 : memref<128x128xf32, #tpu.memory_space<vmem>>) dst(%dma_wait3A_63 : memref<128x128xf32, #tpu.memory_space<vmem_shared>>)
      tpu.yield
    }) : () -> ()
    %add3A_13 = arith.constant 128 : i32
    %add3A_14 = arith.addi %mul3A_2, %add3A_13 : i32
    "tpu.region"() ({
      %run_scoped3A = tpu.sem_alloc : memref<!tpu.dma_semaphore, #tpu.memory_space<semaphore_mem>>
      %dma_start3A_56 = arith.constant 0 : i32
      %dma_start3A_57 = tpu.memref_slice %arg9[%add3A_14, %dma_start3A_56] : memref<10240x128xf32, #tpu.memory_space<vmem_shared>> -> memref<128x128xf32, #tpu.memory_space<vmem_shared>>
      %dma_start3A_58 = arith.constant 0 : i32
      %dma_start3A_59 = tpu.memref_slice %arg9[%add3A_14, %dma_start3A_58] : memref<10240x128xf32, #tpu.memory_space<vmem_shared>> -> memref<128x128xf32, #tpu.memory_space<vmem_shared>>
      tpu.enqueue_dma source(%arg7 : memref<128x128xf32, #tpu.memory_space<vmem>>) target(%dma_start3A_59 : memref<128x128xf32, #tpu.memory_space<vmem_shared>>) target_semaphore(%run_scoped3A : memref<!tpu.dma_semaphore, #tpu.memory_space<semaphore_mem>>)
      %dma_wait3A_60 = arith.constant 0 : i32
      %dma_wait3A_61 = tpu.memref_slice %arg9[%add3A_14, %dma_wait3A_60] : memref<10240x128xf32, #tpu.memory_space<vmem_shared>> -> memref<128x128xf32, #tpu.memory_space<vmem_shared>>
      %dma_wait3A_62 = arith.constant 0 : i32
      %dma_wait3A_63 = tpu.memref_slice %arg9[%add3A_14, %dma_wait3A_62] : memref<10240x128xf32, #tpu.memory_space<vmem_shared>> -> memref<128x128xf32, #tpu.memory_space<vmem_shared>>
      tpu.wait_dma2 semaphore(%run_scoped3A : memref<!tpu.dma_semaphore, #tpu.memory_space<semaphore_mem>>) src(%arg7 : memref<128x128xf32, #tpu.memory_space<vmem>>) dst(%dma_wait3A_63 : memref<128x128xf32, #tpu.memory_space<vmem_shared>>)
      tpu.yield
    }) : () -> ()
    %add3A_15 = arith.constant 256 : i32
    %add3A_16 = arith.addi %mul3A_2, %add3A_15 : i32
    "tpu.region"() ({
      %run_scoped3A = tpu.sem_alloc : memref<!tpu.dma_semaphore, #tpu.memory_space<semaphore_mem>>
      %dma_start3A_56 = arith.constant 0 : i32
      %dma_start3A_57 = tpu.memref_slice %arg9[%add3A_16, %dma_start3A_56] : memref<10240x128xf32, #tpu.memory_space<vmem_shared>> -> memref<128x128xf32, #tpu.memory_space<vmem_shared>>
      %dma_start3A_58 = arith.constant 0 : i32
      %dma_start3A_59 = tpu.memref_slice %arg9[%add3A_16, %dma_start3A_58] : memref<10240x128xf32, #tpu.memory_space<vmem_shared>> -> memref<128x128xf32, #tpu.memory_space<vmem_shared>>
      tpu.enqueue_dma source(%arg7 : memref<128x128xf32, #tpu.memory_space<vmem>>) target(%dma_start3A_59 : memref<128x128xf32, #tpu.memory_space<vmem_shared>>) target_semaphore(%run_scoped3A : memref<!tpu.dma_semaphore, #tpu.memory_space<semaphore_mem>>)
      %dma_wait3A_60 = arith.constant 0 : i32
      %dma_wait3A_61 = tpu.memref_slice %arg9[%add3A_16, %dma_wait3A_60] : memref<10240x128xf32, #tpu.memory_space<vmem_shared>> -> memref<128x128xf32, #tpu.memory_space<vmem_shared>>
      %dma_wait3A_62 = arith.constant 0 : i32
      %dma_wait3A_63 = tpu.memref_slice %arg9[%add3A_16, %dma_wait3A_62] : memref<10240x128xf32, #tpu.memory_space<vmem_shared>> -> memref<128x128xf32, #tpu.memory_space<vmem_shared>>
      tpu.wait_dma2 semaphore(%run_scoped3A : memref<!tpu.dma_semaphore, #tpu.memory_space<semaphore_mem>>) src(%arg7 : memref<128x128xf32, #tpu.memory_space<vmem>>) dst(%dma_wait3A_63 : memref<128x128xf32, #tpu.memory_space<vmem_shared>>)
      tpu.yield
    }) : () -> ()
    %add3A_17 = arith.constant 384 : i32
    %add3A_18 = arith.addi %mul3A_2, %add3A_17 : i32
    "tpu.region"() ({
      %run_scoped3A = tpu.sem_alloc : memref<!tpu.dma_semaphore, #tpu.memory_space<semaphore_mem>>
      %dma_start3A_56 = arith.constant 0 : i32
      %dma_start3A_57 = tpu.memref_slice %arg9[%add3A_18, %dma_start3A_56] : memref<10240x128xf32, #tpu.memory_space<vmem_shared>> -> memref<128x128xf32, #tpu.memory_space<vmem_shared>>
      %dma_start3A_58 = arith.constant 0 : i32
      %dma_start3A_59 = tpu.memref_slice %arg9[%add3A_18, %dma_start3A_58] : memref<10240x128xf32, #tpu.memory_space<vmem_shared>> -> memref<128x128xf32, #tpu.memory_space<vmem_shared>>
      tpu.enqueue_dma source(%arg7 : memref<128x128xf32, #tpu.memory_space<vmem>>) target(%dma_start3A_59 : memref<128x128xf32, #tpu.memory_space<vmem_shared>>) target_semaphore(%run_scoped3A : memref<!tpu.dma_semaphore, #tpu.memory_space<semaphore_mem>>)
      %dma_wait3A_60 = arith.constant 0 : i32
      %dma_wait3A_61 = tpu.memref_slice %arg9[%add3A_18, %dma_wait3A_60] : memref<10240x128xf32, #tpu.memory_space<vmem_shared>> -> memref<128x128xf32, #tpu.memory_space<vmem_shared>>
      %dma_wait3A_62 = arith.constant 0 : i32
      %dma_wait3A_63 = tpu.memref_slice %arg9[%add3A_18, %dma_wait3A_62] : memref<10240x128xf32, #tpu.memory_space<vmem_shared>> -> memref<128x128xf32, #tpu.memory_space<vmem_shared>>
      tpu.wait_dma2 semaphore(%run_scoped3A : memref<!tpu.dma_semaphore, #tpu.memory_space<semaphore_mem>>) src(%arg7 : memref<128x128xf32, #tpu.memory_space<vmem>>) dst(%dma_wait3A_63 : memref<128x128xf32, #tpu.memory_space<vmem_shared>>)
      tpu.yield
    }) : () -> ()
    %add3A_19 = arith.constant 512 : i32
    %add3A_20 = arith.addi %mul3A_2, %add3A_19 : i32
    "tpu.region"() ({
      %run_scoped3A = tpu.sem_alloc : memref<!tpu.dma_semaphore, #tpu.memory_space<semaphore_mem>>
      %dma_start3A_56 = arith.constant 0 : i32
      %dma_start3A_57 = tpu.memref_slice %arg9[%add3A_20, %dma_start3A_56] : memref<10240x128xf32, #tpu.memory_space<vmem_shared>> -> memref<128x128xf32, #tpu.memory_space<vmem_shared>>
      %dma_start3A_58 = arith.constant 0 : i32
      %dma_start3A_59 = tpu.memref_slice %arg9[%add3A_20, %dma_start3A_58] : memref<10240x128xf32, #tpu.memory_space<vmem_shared>> -> memref<128x128xf32, #tpu.memory_space<vmem_shared>>
      tpu.enqueue_dma source(%arg7 : memref<128x128xf32, #tpu.memory_space<vmem>>) target(%dma_start3A_59 : memref<128x128xf32, #tpu.memory_space<vmem_shared>>) target_semaphore(%run_scoped3A : memref<!tpu.dma_semaphore, #tpu.memory_space<semaphore_mem>>)
      %dma_wait3A_60 = arith.constant 0 : i32
      %dma_wait3A_61 = tpu.memref_slice %arg9[%add3A_20, %dma_wait3A_60] : memref<10240x128xf32, #tpu.memory_space<vmem_shared>> -> memref<128x128xf32, #tpu.memory_space<vmem_shared>>
      %dma_wait3A_62 = arith.constant 0 : i32
      %dma_wait3A_63 = tpu.memref_slice %arg9[%add3A_20, %dma_wait3A_62] : memref<10240x128xf32, #tpu.memory_space<vmem_shared>> -> memref<128x128xf32, #tpu.memory_space<vmem_shared>>
      tpu.wait_dma2 semaphore(%run_scoped3A : memref<!tpu.dma_semaphore, #tpu.memory_space<semaphore_mem>>) src(%arg7 : memref<128x128xf32, #tpu.memory_space<vmem>>) dst(%dma_wait3A_63 : memref<128x128xf32, #tpu.memory_space<vmem_shared>>)
      tpu.yield
    }) : () -> ()
    "tpu.region"() ({
      %run_scoped3A = tpu.sem_alloc : memref<!tpu.dma_semaphore, #tpu.memory_space<semaphore_mem>>
      %dma_start3A_56 = arith.constant 0 : i32
      %dma_start3A_57 = arith.constant 0 : i32
      %dma_start3A_58 = tpu.memref_slice %arg3[%mul3A_4, %dma_start3A_56, %dma_start3A_57] : memref<2562x2x128xi32, #tpu.memory_space<hbm>> -> memref<1x2x128xi32, #tpu.memory_space<hbm>>
      %dma_start3A_59 = tpu.memref_squeeze %dma_start3A_58 : memref<1x2x128xi32, #tpu.memory_space<hbm>> -> memref<2x128xi32, #tpu.memory_space<hbm>>
      %dma_start3A_60 = arith.constant 0 : i32
      %dma_start3A_61 = arith.constant 0 : i32
      %dma_start3A_62 = tpu.memref_slice %arg3[%mul3A_4, %dma_start3A_60, %dma_start3A_61] : memref<2562x2x128xi32, #tpu.memory_space<hbm>> -> memref<1x2x128xi32, #tpu.memory_space<hbm>>
      %dma_start3A_63 = tpu.memref_squeeze %dma_start3A_62 : memref<1x2x128xi32, #tpu.memory_space<hbm>> -> memref<2x128xi32, #tpu.memory_space<hbm>>
      tpu.enqueue_dma source(%dma_start3A_63 : memref<2x128xi32, #tpu.memory_space<hbm>>) target(%arg5 : memref<2x128xi32, #tpu.memory_space<vmem>>) target_semaphore(%run_scoped3A : memref<!tpu.dma_semaphore, #tpu.memory_space<semaphore_mem>>)
      %dma_wait3A_64 = arith.constant 0 : i32
      %dma_wait3A_65 = arith.constant 0 : i32
      %dma_wait3A_66 = tpu.memref_slice %arg3[%mul3A_4, %dma_wait3A_64, %dma_wait3A_65] : memref<2562x2x128xi32, #tpu.memory_space<hbm>> -> memref<1x2x128xi32, #tpu.memory_space<hbm>>
      %dma_wait3A_67 = tpu.memref_squeeze %dma_wait3A_66 : memref<1x2x128xi32, #tpu.memory_space<hbm>> -> memref<2x128xi32, #tpu.memory_space<hbm>>
      %dma_wait3A_68 = arith.constant 0 : i32
      %dma_wait3A_69 = arith.constant 0 : i32
      %dma_wait3A_70 = tpu.memref_slice %arg3[%mul3A_4, %dma_wait3A_68, %dma_wait3A_69] : memref<2562x2x128xi32, #tpu.memory_space<hbm>> -> memref<1x2x128xi32, #tpu.memory_space<hbm>>
      %dma_wait3A_71 = tpu.memref_squeeze %dma_wait3A_70 : memref<1x2x128xi32, #tpu.memory_space<hbm>> -> memref<2x128xi32, #tpu.memory_space<hbm>>
      tpu.wait_dma2 semaphore(%run_scoped3A : memref<!tpu.dma_semaphore, #tpu.memory_space<semaphore_mem>>) src(%dma_wait3A_71 : memref<2x128xi32, #tpu.memory_space<hbm>>) dst(%arg5 : memref<2x128xi32, #tpu.memory_space<vmem>>)
      tpu.yield
    }) : () -> ()
    %add3A_21 = arith.constant 1 : i32
    %add3A_22 = arith.addi %mul3A_4, %add3A_21 : i32
    "tpu.region"() ({
      %run_scoped3A = tpu.sem_alloc : memref<!tpu.dma_semaphore, #tpu.memory_space<semaphore_mem>>
      %dma_start3A_56 = arith.constant 0 : i32
      %dma_start3A_57 = arith.constant 0 : i32
      %dma_start3A_58 = tpu.memref_slice %arg3[%add3A_22, %dma_start3A_56, %dma_start3A_57] : memref<2562x2x128xi32, #tpu.memory_space<hbm>> -> memref<1x2x128xi32, #tpu.memory_space<hbm>>
      %dma_start3A_59 = tpu.memref_squeeze %dma_start3A_58 : memref<1x2x128xi32, #tpu.memory_space<hbm>> -> memref<2x128xi32, #tpu.memory_space<hbm>>
      %dma_start3A_60 = arith.constant 0 : i32
      %dma_start3A_61 = arith.constant 0 : i32
      %dma_start3A_62 = tpu.memref_slice %arg3[%add3A_22, %dma_start3A_60, %dma_start3A_61] : memref<2562x2x128xi32, #tpu.memory_space<hbm>> -> memref<1x2x128xi32, #tpu.memory_space<hbm>>
      %dma_start3A_63 = tpu.memref_squeeze %dma_start3A_62 : memref<1x2x128xi32, #tpu.memory_space<hbm>> -> memref<2x128xi32, #tpu.memory_space<hbm>>
      tpu.enqueue_dma source(%dma_start3A_63 : memref<2x128xi32, #tpu.memory_space<hbm>>) target(%arg6 : memref<2x128xi32, #tpu.memory_space<vmem>>) target_semaphore(%run_scoped3A : memref<!tpu.dma_semaphore, #tpu.memory_space<semaphore_mem>>)
      %dma_wait3A_64 = arith.constant 0 : i32
      %dma_wait3A_65 = arith.constant 0 : i32
      %dma_wait3A_66 = tpu.memref_slice %arg3[%add3A_22, %dma_wait3A_64, %dma_wait3A_65] : memref<2562x2x128xi32, #tpu.memory_space<hbm>> -> memref<1x2x128xi32, #tpu.memory_space<hbm>>
      %dma_wait3A_67 = tpu.memref_squeeze %dma_wait3A_66 : memref<1x2x128xi32, #tpu.memory_space<hbm>> -> memref<2x128xi32, #tpu.memory_space<hbm>>
      %dma_wait3A_68 = arith.constant 0 : i32
      %dma_wait3A_69 = arith.constant 0 : i32
      %dma_wait3A_70 = tpu.memref_slice %arg3[%add3A_22, %dma_wait3A_68, %dma_wait3A_69] : memref<2562x2x128xi32, #tpu.memory_space<hbm>> -> memref<1x2x128xi32, #tpu.memory_space<hbm>>
      %dma_wait3A_71 = tpu.memref_squeeze %dma_wait3A_70 : memref<1x2x128xi32, #tpu.memory_space<hbm>> -> memref<2x128xi32, #tpu.memory_space<hbm>>
      tpu.wait_dma2 semaphore(%run_scoped3A : memref<!tpu.dma_semaphore, #tpu.memory_space<semaphore_mem>>) src(%dma_wait3A_71 : memref<2x128xi32, #tpu.memory_space<hbm>>) dst(%arg6 : memref<2x128xi32, #tpu.memory_space<vmem>>)
      tpu.yield
    }) : () -> ()
    %dma_start3A = arith.constant 0 : i32
    %dma_start3A_23 = arith.constant 0 : i32
    %dma_start3A_24 = tpu.memref_slice %arg5[%dma_start3A, %dma_start3A_23] : memref<2x128xi32, #tpu.memory_space<vmem>> -> memref<1x128xi32, #tpu.memory_space<vmem>>
    %dma_start3A_25 = tpu.memref_squeeze %dma_start3A_24 : memref<1x128xi32, #tpu.memory_space<vmem>> -> memref<128xi32, #tpu.memory_space<vmem>>
    %dma_start3A_26 = arith.constant 0 : i32
    %dma_start3A_27 = arith.constant 0 : i32
    %dma_start3A_28 = tpu.memref_slice %arg2[%dma_start3A_26, %dma_start3A_27] : memref<10240x128xf32, #tpu.memory_space<hbm>> -> memref<10240x128xf32, #tpu.memory_space<hbm>>
    tpu.enqueue_indirect_dma source(%dma_start3A_28 : memref<10240x128xf32, #tpu.memory_space<hbm>>) target(%arg7 : memref<128x128xf32, #tpu.memory_space<vmem>>) offsets(%dma_start3A_25 : memref<128xi32, #tpu.memory_space<vmem>>) semaphore(%arg10 : memref<!tpu.dma_semaphore, #tpu.memory_space<semaphore_mem>>)
    %dma_start3A_29 = arith.constant 0 : i32
    %dma_start3A_30 = arith.constant 0 : i32
    %dma_start3A_31 = tpu.memref_slice %arg6[%dma_start3A_29, %dma_start3A_30] : memref<2x128xi32, #tpu.memory_space<vmem>> -> memref<1x128xi32, #tpu.memory_space<vmem>>
    %dma_start3A_32 = tpu.memref_squeeze %dma_start3A_31 : memref<1x128xi32, #tpu.memory_space<vmem>> -> memref<128xi32, #tpu.memory_space<vmem>>
    %dma_start3A_33 = arith.constant 0 : i32
    %dma_start3A_34 = arith.constant 0 : i32
    %dma_start3A_35 = tpu.memref_slice %arg2[%dma_start3A_33, %dma_start3A_34] : memref<10240x128xf32, #tpu.memory_space<hbm>> -> memref<10240x128xf32, #tpu.memory_space<hbm>>
    tpu.enqueue_indirect_dma source(%dma_start3A_35 : memref<10240x128xf32, #tpu.memory_space<hbm>>) target(%arg8 : memref<128x128xf32, #tpu.memory_space<vmem>>) offsets(%dma_start3A_32 : memref<128xi32, #tpu.memory_space<vmem>>) semaphore(%arg11 : memref<!tpu.dma_semaphore, #tpu.memory_space<semaphore_mem>>)
    %barrier3A = arith.constant 0 : index
    tpu.barrier barrier_id(%barrier3A)
    %scan3A_36 = arith.constant 0 : i32
    %scan3A_37 = arith.constant 0 : i32
    %scan3A_38 = arith.constant 40 : i32
    %scan3A_39 = arith.addi %scan3A_37, %scan3A_38 : i32
    %scan3A_40 = arith.constant 1 : i32
    scf.for %scan3A_56 = %scan3A_37 to %scan3A_39 step %scan3A_40  : i32 {
      %mul3A_57 = arith.constant 2 : i32
      %mul3A_58 = arith.muli %mul3A_57, %scan3A_56 : i32
      %add3A_59 = arith.addi %mul3A_4, %mul3A_58 : i32
      %add3A_60 = arith.constant 2 : i32
      %add3A_61 = arith.addi %add3A_59, %add3A_60 : i32
      %dma_wait3A_62 = arith.constant 0 : i32
      %dma_wait3A_63 = arith.constant 0 : i32
      %dma_wait3A_64 = tpu.memref_slice %arg5[%dma_wait3A_62, %dma_wait3A_63] : memref<2x128xi32, #tpu.memory_space<vmem>> -> memref<1x128xi32, #tpu.memory_space<vmem>>
      %dma_wait3A_65 = tpu.memref_squeeze %dma_wait3A_64 : memref<1x128xi32, #tpu.memory_space<vmem>> -> memref<128xi32, #tpu.memory_space<vmem>>
      %dma_wait3A_66 = arith.constant 0 : i32
      %dma_wait3A_67 = arith.constant 0 : i32
      %dma_wait3A_68 = tpu.memref_slice %arg2[%dma_wait3A_66, %dma_wait3A_67] : memref<10240x128xf32, #tpu.memory_space<hbm>> -> memref<10240x128xf32, #tpu.memory_space<hbm>>
      tpu.wait_indirect_dma semaphore(%arg10 : memref<!tpu.dma_semaphore, #tpu.memory_space<semaphore_mem>>) src(%dma_wait3A_68 : memref<10240x128xf32, #tpu.memory_space<hbm>>) dst(%arg7 : memref<128x128xf32, #tpu.memory_space<vmem>>)
      %dma_start3A_69 = arith.constant 1 : i32
      %dma_start3A_70 = arith.constant 0 : i32
      %dma_start3A_71 = tpu.memref_slice %arg5[%dma_start3A_69, %dma_start3A_70] : memref<2x128xi32, #tpu.memory_space<vmem>> -> memref<1x128xi32, #tpu.memory_space<vmem>>
      %dma_start3A_72 = tpu.memref_squeeze %dma_start3A_71 : memref<1x128xi32, #tpu.memory_space<vmem>> -> memref<128xi32, #tpu.memory_space<vmem>>
      %dma_start3A_73 = arith.constant 0 : i32
      %dma_start3A_74 = arith.constant 0 : i32
      %dma_start3A_75 = tpu.memref_slice %arg9[%dma_start3A_73, %dma_start3A_74] : memref<10240x128xf32, #tpu.memory_space<vmem_shared>> -> memref<10240x128xf32, #tpu.memory_space<vmem_shared>>
      tpu.enqueue_indirect_dma source(%arg7 : memref<128x128xf32, #tpu.memory_space<vmem>>) target(%dma_start3A_75 : memref<10240x128xf32, #tpu.memory_space<vmem_shared>>) offsets(%dma_start3A_72 : memref<128xi32, #tpu.memory_space<vmem>>) semaphore(%arg12 : memref<!tpu.dma_semaphore, #tpu.memory_space<semaphore_mem>>) {add = true}
      %dma_wait3A_76 = arith.constant 0 : i32
      %dma_wait3A_77 = arith.constant 0 : i32
      %dma_wait3A_78 = tpu.memref_slice %arg6[%dma_wait3A_76, %dma_wait3A_77] : memref<2x128xi32, #tpu.memory_space<vmem>> -> memref<1x128xi32, #tpu.memory_space<vmem>>
      %dma_wait3A_79 = tpu.memref_squeeze %dma_wait3A_78 : memref<1x128xi32, #tpu.memory_space<vmem>> -> memref<128xi32, #tpu.memory_space<vmem>>
      %dma_wait3A_80 = arith.constant 0 : i32
      %dma_wait3A_81 = arith.constant 0 : i32
      %dma_wait3A_82 = tpu.memref_slice %arg2[%dma_wait3A_80, %dma_wait3A_81] : memref<10240x128xf32, #tpu.memory_space<hbm>> -> memref<10240x128xf32, #tpu.memory_space<hbm>>
      tpu.wait_indirect_dma semaphore(%arg11 : memref<!tpu.dma_semaphore, #tpu.memory_space<semaphore_mem>>) src(%dma_wait3A_82 : memref<10240x128xf32, #tpu.memory_space<hbm>>) dst(%arg8 : memref<128x128xf32, #tpu.memory_space<vmem>>)
      %dma_wait3A_83 = arith.constant 1 : i32
      %dma_wait3A_84 = arith.constant 0 : i32
      %dma_wait3A_85 = tpu.memref_slice %arg5[%dma_wait3A_83, %dma_wait3A_84] : memref<2x128xi32, #tpu.memory_space<vmem>> -> memref<1x128xi32, #tpu.memory_space<vmem>>
      %dma_wait3A_86 = tpu.memref_squeeze %dma_wait3A_85 : memref<1x128xi32, #tpu.memory_space<vmem>> -> memref<128xi32, #tpu.memory_space<vmem>>
      %dma_wait3A_87 = arith.constant 0 : i32
      %dma_wait3A_88 = arith.constant 0 : i32
      %dma_wait3A_89 = tpu.memref_slice %arg9[%dma_wait3A_87, %dma_wait3A_88] : memref<10240x128xf32, #tpu.memory_space<vmem_shared>> -> memref<10240x128xf32, #tpu.memory_space<vmem_shared>>
      tpu.wait_indirect_dma semaphore(%arg12 : memref<!tpu.dma_semaphore, #tpu.memory_space<semaphore_mem>>) src(%arg7 : memref<128x128xf32, #tpu.memory_space<vmem>>) dst(%dma_wait3A_89 : memref<10240x128xf32, #tpu.memory_space<vmem_shared>>)
      %dma_start3A_90 = arith.constant 0 : i32
      %dma_start3A_91 = arith.constant 0 : i32
      %dma_start3A_92 = tpu.memref_slice %arg3[%add3A_61, %dma_start3A_90, %dma_start3A_91] : memref<2562x2x128xi32, #tpu.memory_space<hbm>> -> memref<1x2x128xi32, #tpu.memory_space<hbm>>
      %dma_start3A_93 = tpu.memref_squeeze %dma_start3A_92 : memref<1x2x128xi32, #tpu.memory_space<hbm>> -> memref<2x128xi32, #tpu.memory_space<hbm>>
      %dma_start3A_94 = arith.constant 0 : i32
      %dma_start3A_95 = arith.constant 0 : i32
      %dma_start3A_96 = tpu.memref_slice %arg3[%add3A_61, %dma_start3A_94, %dma_start3A_95] : memref<2562x2x128xi32, #tpu.memory_space<hbm>> -> memref<1x2x128xi32, #tpu.memory_space<hbm>>
      %dma_start3A_97 = tpu.memref_squeeze %dma_start3A_96 : memref<1x2x128xi32, #tpu.memory_space<hbm>> -> memref<2x128xi32, #tpu.memory_space<hbm>>
      tpu.enqueue_dma source(%dma_start3A_97 : memref<2x128xi32, #tpu.memory_space<hbm>>) target(%arg5 : memref<2x128xi32, #tpu.memory_space<vmem>>) target_semaphore(%arg14 : memref<!tpu.dma_semaphore, #tpu.memory_space<semaphore_mem>>)
      %dma_start3A_98 = arith.constant 1 : i32
      %dma_start3A_99 = arith.constant 0 : i32
      %dma_start3A_100 = tpu.memref_slice %arg6[%dma_start3A_98, %dma_start3A_99] : memref<2x128xi32, #tpu.memory_space<vmem>> -> memref<1x128xi32, #tpu.memory_space<vmem>>
      %dma_start3A_101 = tpu.memref_squeeze %dma_start3A_100 : memref<1x128xi32, #tpu.memory_space<vmem>> -> memref<128xi32, #tpu.memory_space<vmem>>
      %dma_start3A_102 = arith.constant 0 : i32
      %dma_start3A_103 = arith.constant 0 : i32
      %dma_start3A_104 = tpu.memref_slice %arg9[%dma_start3A_102, %dma_start3A_103] : memref<10240x128xf32, #tpu.memory_space<vmem_shared>> -> memref<10240x128xf32, #tpu.memory_space<vmem_shared>>
      tpu.enqueue_indirect_dma source(%arg8 : memref<128x128xf32, #tpu.memory_space<vmem>>) target(%dma_start3A_104 : memref<10240x128xf32, #tpu.memory_space<vmem_shared>>) offsets(%dma_start3A_101 : memref<128xi32, #tpu.memory_space<vmem>>) semaphore(%arg13 : memref<!tpu.dma_semaphore, #tpu.memory_space<semaphore_mem>>) {add = true}
      %dma_wait3A_105 = arith.constant 0 : i32
      %dma_wait3A_106 = arith.constant 0 : i32
      %dma_wait3A_107 = tpu.memref_slice %arg3[%add3A_61, %dma_wait3A_105, %dma_wait3A_106] : memref<2562x2x128xi32, #tpu.memory_space<hbm>> -> memref<1x2x128xi32, #tpu.memory_space<hbm>>
      %dma_wait3A_108 = tpu.memref_squeeze %dma_wait3A_107 : memref<1x2x128xi32, #tpu.memory_space<hbm>> -> memref<2x128xi32, #tpu.memory_space<hbm>>
      %dma_wait3A_109 = arith.constant 0 : i32
      %dma_wait3A_110 = arith.constant 0 : i32
      %dma_wait3A_111 = tpu.memref_slice %arg3[%add3A_61, %dma_wait3A_109, %dma_wait3A_110] : memref<2562x2x128xi32, #tpu.memory_space<hbm>> -> memref<1x2x128xi32, #tpu.memory_space<hbm>>
      %dma_wait3A_112 = tpu.memref_squeeze %dma_wait3A_111 : memref<1x2x128xi32, #tpu.memory_space<hbm>> -> memref<2x128xi32, #tpu.memory_space<hbm>>
      tpu.wait_dma2 semaphore(%arg14 : memref<!tpu.dma_semaphore, #tpu.memory_space<semaphore_mem>>) src(%dma_wait3A_112 : memref<2x128xi32, #tpu.memory_space<hbm>>) dst(%arg5 : memref<2x128xi32, #tpu.memory_space<vmem>>)
      %dma_start3A_113 = arith.constant 0 : i32
      %dma_start3A_114 = arith.constant 0 : i32
      %dma_start3A_115 = tpu.memref_slice %arg5[%dma_start3A_113, %dma_start3A_114] : memref<2x128xi32, #tpu.memory_space<vmem>> -> memref<1x128xi32, #tpu.memory_space<vmem>>
      %dma_start3A_116 = tpu.memref_squeeze %dma_start3A_115 : memref<1x128xi32, #tpu.memory_space<vmem>> -> memref<128xi32, #tpu.memory_space<vmem>>
      %dma_start3A_117 = arith.constant 0 : i32
      %dma_start3A_118 = arith.constant 0 : i32
      %dma_start3A_119 = tpu.memref_slice %arg2[%dma_start3A_117, %dma_start3A_118] : memref<10240x128xf32, #tpu.memory_space<hbm>> -> memref<10240x128xf32, #tpu.memory_space<hbm>>
      tpu.enqueue_indirect_dma source(%dma_start3A_119 : memref<10240x128xf32, #tpu.memory_space<hbm>>) target(%arg7 : memref<128x128xf32, #tpu.memory_space<vmem>>) offsets(%dma_start3A_116 : memref<128xi32, #tpu.memory_space<vmem>>) semaphore(%arg10 : memref<!tpu.dma_semaphore, #tpu.memory_space<semaphore_mem>>)
      %dma_wait3A_120 = arith.constant 1 : i32
      %dma_wait3A_121 = arith.constant 0 : i32
      %dma_wait3A_122 = tpu.memref_slice %arg6[%dma_wait3A_120, %dma_wait3A_121] : memref<2x128xi32, #tpu.memory_space<vmem>> -> memref<1x128xi32, #tpu.memory_space<vmem>>
      %dma_wait3A_123 = tpu.memref_squeeze %dma_wait3A_122 : memref<1x128xi32, #tpu.memory_space<vmem>> -> memref<128xi32, #tpu.memory_space<vmem>>
      %dma_wait3A_124 = arith.constant 0 : i32
      %dma_wait3A_125 = arith.constant 0 : i32
      %dma_wait3A_126 = tpu.memref_slice %arg9[%dma_wait3A_124, %dma_wait3A_125] : memref<10240x128xf32, #tpu.memory_space<vmem_shared>> -> memref<10240x128xf32, #tpu.memory_space<vmem_shared>>
      tpu.wait_indirect_dma semaphore(%arg13 : memref<!tpu.dma_semaphore, #tpu.memory_space<semaphore_mem>>) src(%arg8 : memref<128x128xf32, #tpu.memory_space<vmem>>) dst(%dma_wait3A_126 : memref<10240x128xf32, #tpu.memory_space<vmem_shared>>)
      %add3A_127 = arith.constant 1 : i32
      %add3A_128 = arith.addi %add3A_61, %add3A_127 : i32
      %dma_start3A_129 = arith.constant 0 : i32
      %dma_start3A_130 = arith.constant 0 : i32
      %dma_start3A_131 = tpu.memref_slice %arg3[%add3A_128, %dma_start3A_129, %dma_start3A_130] : memref<2562x2x128xi32, #tpu.memory_space<hbm>> -> memref<1x2x128xi32, #tpu.memory_space<hbm>>
      %dma_start3A_132 = tpu.memref_squeeze %dma_start3A_131 : memref<1x2x128xi32, #tpu.memory_space<hbm>> -> memref<2x128xi32, #tpu.memory_space<hbm>>
      %dma_start3A_133 = arith.constant 0 : i32
      %dma_start3A_134 = arith.constant 0 : i32
      %dma_start3A_135 = tpu.memref_slice %arg3[%add3A_128, %dma_start3A_133, %dma_start3A_134] : memref<2562x2x128xi32, #tpu.memory_space<hbm>> -> memref<1x2x128xi32, #tpu.memory_space<hbm>>
      %dma_start3A_136 = tpu.memref_squeeze %dma_start3A_135 : memref<1x2x128xi32, #tpu.memory_space<hbm>> -> memref<2x128xi32, #tpu.memory_space<hbm>>
      tpu.enqueue_dma source(%dma_start3A_136 : memref<2x128xi32, #tpu.memory_space<hbm>>) target(%arg6 : memref<2x128xi32, #tpu.memory_space<vmem>>) target_semaphore(%arg15 : memref<!tpu.dma_semaphore, #tpu.memory_space<semaphore_mem>>)
      %dma_wait3A_137 = arith.constant 0 : i32
      %dma_wait3A_138 = arith.constant 0 : i32
      %dma_wait3A_139 = tpu.memref_slice %arg3[%add3A_128, %dma_wait3A_137, %dma_wait3A_138] : memref<2562x2x128xi32, #tpu.memory_space<hbm>> -> memref<1x2x128xi32, #tpu.memory_space<hbm>>
      %dma_wait3A_140 = tpu.memref_squeeze %dma_wait3A_139 : memref<1x2x128xi32, #tpu.memory_space<hbm>> -> memref<2x128xi32, #tpu.memory_space<hbm>>
      %dma_wait3A_141 = arith.constant 0 : i32
      %dma_wait3A_142 = arith.constant 0 : i32
      %dma_wait3A_143 = tpu.memref_slice %arg3[%add3A_128, %dma_wait3A_141, %dma_wait3A_142] : memref<2562x2x128xi32, #tpu.memory_space<hbm>> -> memref<1x2x128xi32, #tpu.memory_space<hbm>>
      %dma_wait3A_144 = tpu.memref_squeeze %dma_wait3A_143 : memref<1x2x128xi32, #tpu.memory_space<hbm>> -> memref<2x128xi32, #tpu.memory_space<hbm>>
      tpu.wait_dma2 semaphore(%arg15 : memref<!tpu.dma_semaphore, #tpu.memory_space<semaphore_mem>>) src(%dma_wait3A_144 : memref<2x128xi32, #tpu.memory_space<hbm>>) dst(%arg6 : memref<2x128xi32, #tpu.memory_space<vmem>>)
      %dma_start3A_145 = arith.constant 0 : i32
      %dma_start3A_146 = arith.constant 0 : i32
      %dma_start3A_147 = tpu.memref_slice %arg6[%dma_start3A_145, %dma_start3A_146] : memref<2x128xi32, #tpu.memory_space<vmem>> -> memref<1x128xi32, #tpu.memory_space<vmem>>
      %dma_start3A_148 = tpu.memref_squeeze %dma_start3A_147 : memref<1x128xi32, #tpu.memory_space<vmem>> -> memref<128xi32, #tpu.memory_space<vmem>>
      %dma_start3A_149 = arith.constant 0 : i32
      %dma_start3A_150 = arith.constant 0 : i32
      %dma_start3A_151 = tpu.memref_slice %arg2[%dma_start3A_149, %dma_start3A_150] : memref<10240x128xf32, #tpu.memory_space<hbm>> -> memref<10240x128xf32, #tpu.memory_space<hbm>>
      tpu.enqueue_indirect_dma source(%dma_start3A_151 : memref<10240x128xf32, #tpu.memory_space<hbm>>) target(%arg8 : memref<128x128xf32, #tpu.memory_space<vmem>>) offsets(%dma_start3A_148 : memref<128xi32, #tpu.memory_space<vmem>>) semaphore(%arg11 : memref<!tpu.dma_semaphore, #tpu.memory_space<semaphore_mem>>)
    }
    %scan3A_41 = arith.constant 40 : i32
    %dma_wait3A = arith.constant 0 : i32
    %dma_wait3A_42 = arith.constant 0 : i32
    %dma_wait3A_43 = tpu.memref_slice %arg5[%dma_wait3A, %dma_wait3A_42] : memref<2x128xi32, #tpu.memory_space<vmem>> -> memref<1x128xi32, #tpu.memory_space<vmem>>
    %dma_wait3A_44 = tpu.memref_squeeze %dma_wait3A_43 : memref<1x128xi32, #tpu.memory_space<vmem>> -> memref<128xi32, #tpu.memory_space<vmem>>
    %dma_wait3A_45 = arith.constant 0 : i32
    %dma_wait3A_46 = arith.constant 0 : i32
    %dma_wait3A_47 = tpu.memref_slice %arg2[%dma_wait3A_45, %dma_wait3A_46] : memref<10240x128xf32, #tpu.memory_space<hbm>> -> memref<10240x128xf32, #tpu.memory_space<hbm>>
    tpu.wait_indirect_dma semaphore(%arg10 : memref<!tpu.dma_semaphore, #tpu.memory_space<semaphore_mem>>) src(%dma_wait3A_47 : memref<10240x128xf32, #tpu.memory_space<hbm>>) dst(%arg7 : memref<128x128xf32, #tpu.memory_space<vmem>>)
    %dma_wait3A_48 = arith.constant 0 : i32
    %dma_wait3A_49 = arith.constant 0 : i32
    %dma_wait3A_50 = tpu.memref_slice %arg6[%dma_wait3A_48, %dma_wait3A_49] : memref<2x128xi32, #tpu.memory_space<vmem>> -> memref<1x128xi32, #tpu.memory_space<vmem>>
    %dma_wait3A_51 = tpu.memref_squeeze %dma_wait3A_50 : memref<1x128xi32, #tpu.memory_space<vmem>> -> memref<128xi32, #tpu.memory_space<vmem>>
    %dma_wait3A_52 = arith.constant 0 : i32
    %dma_wait3A_53 = arith.constant 0 : i32
    %dma_wait3A_54 = tpu.memref_slice %arg2[%dma_wait3A_52, %dma_wait3A_53] : memref<10240x128xf32, #tpu.memory_space<hbm>> -> memref<10240x128xf32, #tpu.memory_space<hbm>>
    tpu.wait_indirect_dma semaphore(%arg11 : memref<!tpu.dma_semaphore, #tpu.memory_space<semaphore_mem>>) src(%dma_wait3A_54 : memref<10240x128xf32, #tpu.memory_space<hbm>>) dst(%arg8 : memref<128x128xf32, #tpu.memory_space<vmem>>)
    %barrier3A_55 = arith.constant 0 : index
    tpu.barrier barrier_id(%barrier3A_55)
    "tpu.region"() ({
      %run_scoped3A = tpu.sem_alloc : memref<!tpu.dma_semaphore, #tpu.memory_space<semaphore_mem>>
      %dma_start3A_56 = arith.constant 0 : i32
      %dma_start3A_57 = tpu.memref_slice %arg4[%arg0, %mul3A_2, %dma_start3A_56] : memref<2x10240x128xf32, #tpu.memory_space<hbm>> -> memref<1x640x128xf32, #tpu.memory_space<hbm>>
      %dma_start3A_58 = tpu.memref_squeeze %dma_start3A_57 : memref<1x640x128xf32, #tpu.memory_space<hbm>> -> memref<640x128xf32, #tpu.memory_space<hbm>>
      %dma_start3A_59 = arith.constant 0 : i32
      %dma_start3A_60 = tpu.memref_slice %arg9[%mul3A_2, %dma_start3A_59] : memref<10240x128xf32, #tpu.memory_space<vmem_shared>> -> memref<640x128xf32, #tpu.memory_space<vmem_shared>>
      tpu.enqueue_dma source(%dma_start3A_60 : memref<640x128xf32, #tpu.memory_space<vmem_shared>>) target(%dma_start3A_58 : memref<640x128xf32, #tpu.memory_space<hbm>>) target_semaphore(%run_scoped3A : memref<!tpu.dma_semaphore, #tpu.memory_space<semaphore_mem>>)
      %dma_wait3A_61 = arith.constant 0 : i32
      %dma_wait3A_62 = tpu.memref_slice %arg4[%arg0, %mul3A_2, %dma_wait3A_61] : memref<2x10240x128xf32, #tpu.memory_space<hbm>> -> memref<1x640x128xf32, #tpu.memory_space<hbm>>
      %dma_wait3A_63 = tpu.memref_squeeze %dma_wait3A_62 : memref<1x640x128xf32, #tpu.memory_space<hbm>> -> memref<640x128xf32, #tpu.memory_space<hbm>>
      %dma_wait3A_64 = arith.constant 0 : i32
      %dma_wait3A_65 = tpu.memref_slice %arg9[%mul3A_2, %dma_wait3A_64] : memref<10240x128xf32, #tpu.memory_space<vmem_shared>> -> memref<640x128xf32, #tpu.memory_space<vmem_shared>>
      tpu.wait_dma2 semaphore(%run_scoped3A : memref<!tpu.dma_semaphore, #tpu.memory_space<semaphore_mem>>) src(%dma_wait3A_65 : memref<640x128xf32, #tpu.memory_space<vmem_shared>>) dst(%dma_wait3A_63 : memref<640x128xf32, #tpu.memory_space<hbm>>)
      tpu.yield
    }) : () -> ()
    return
  }
}

#map = affine_map<(d0, d1) -> (0, 0)>
#map1 = affine_map<(d0, d1) -> (0, 0, 0)>
module attributes {stable_mosaic.version = 14 : i64} {
  func.func @sc_mp128(%arg0: i32, %arg1: i32, %arg2: memref<10240x128xf32, #tpu.memory_space<hbm>>, %arg3: memref<2562x2x128xi32, #tpu.memory_space<hbm>>, %arg4: memref<2x10240x128xf32, #tpu.memory_space<hbm>>, %arg5: memref<2x128xi32, #tpu.memory_space<vmem>>, %arg6: memref<2x128xi32, #tpu.memory_space<vmem>>, %arg7: memref<128x128xf32, #tpu.memory_space<vmem>>, %arg8: memref<128x128xf32, #tpu.memory_space<vmem>>, %arg9: memref<10240x128xf32, #tpu.memory_space<vmem_shared>>, %arg10: memref<!tpu.dma_semaphore, #tpu.memory_space<semaphore_mem>>, %arg11: memref<!tpu.dma_semaphore, #tpu.memory_space<semaphore_mem>>, %arg12: memref<!tpu.dma_semaphore, #tpu.memory_space<semaphore_mem>>, %arg13: memref<!tpu.dma_semaphore, #tpu.memory_space<semaphore_mem>>, %arg14: memref<!tpu.dma_semaphore, #tpu.memory_space<semaphore_mem>>, %arg15: memref<!tpu.dma_semaphore, #tpu.memory_space<semaphore_mem>>) attributes {dimension_semantics = [#tpu.dimension_semantics<core_parallel>, #tpu.dimension_semantics<subcore_parallel>], iteration_bounds = array<i64: 2, 16>, scalar_prefetch = 0 : i64, scratch_operands = 11 : i64, tpu.core_type = #tpu.core_type<sc_vector_subcore>, window_params = [{transform_indices = #map}, {transform_indices = #map1}, {transform_indices = #map1}]} {
    %mul3A = arith.constant 2 : i32
    %mul3A_0 = arith.muli %arg1, %mul3A : i32
    %add3A = arith.addi %mul3A_0, %arg0 : i32
    %mul3A_1 = arith.constant 640 : i32
    %mul3A_2 = arith.muli %arg1, %mul3A_1 : i32
    %mul3A_3 = arith.constant 80 : i32
    %mul3A_4 = arith.muli %add3A, %mul3A_3 : i32
    %broadcast_in_dim3A = arith.constant 0.000000e+00 : f32
    %broadcast_in_dim3A_5 = vector.broadcast %broadcast_in_dim3A : f32 to vector<16xf32>
    %scan3A = arith.constant 0 : i32
    %scan3A_6 = arith.constant 0 : i32
    %scan3A_7 = arith.constant 128 : i32
    %scan3A_8 = arith.addi %scan3A_6, %scan3A_7 : i32
    %scan3A_9 = arith.constant 1 : i32
    scf.for %scan3A_56 = %scan3A_6 to %scan3A_8 step %scan3A_9  : i32 {
      %swap3A = arith.index_cast %scan3A_56 : i32 to index
      %swap3A_57 = arith.constant 0 : index
      %swap3A_58 = tpu.vector_load %arg7[%swap3A, %swap3A_57] {strides = array<i32>} : memref<128x128xf32, #tpu.memory_space<vmem>>, vector<1x16xf32>,
      %swap3A_59 = vector.shape_cast %swap3A_58 : vector<1x16xf32> to vector<16xf32>
      %swap3A_60 = vector.shape_cast %broadcast_in_dim3A_5 : vector<16xf32> to vector<1x16xf32>
      tpu.vector_store %arg7[%swap3A, %swap3A_57], %swap3A_60 {strides = array<i32>} : memref<128x128xf32, #tpu.memory_space<vmem>>, vector<1x16xf32>,
      %swap3A_61 = arith.index_cast %scan3A_56 : i32 to index
      %swap3A_62 = arith.constant 16 : index
      %swap3A_63 = tpu.vector_load %arg7[%swap3A_61, %swap3A_62] {strides = array<i32>} : memref<128x128xf32, #tpu.memory_space<vmem>>, vector<1x16xf32>,
      %swap3A_64 = vector.shape_cast %swap3A_63 : vector<1x16xf32> to vector<16xf32>
      %swap3A_65 = vector.shape_cast %broadcast_in_dim3A_5 : vector<16xf32> to vector<1x16xf32>
      tpu.vector_store %arg7[%swap3A_61, %swap3A_62], %swap3A_65 {strides = array<i32>} : memref<128x128xf32, #tpu.memory_space<vmem>>, vector<1x16xf32>,
      %swap3A_66 = arith.index_cast %scan3A_56 : i32 to index
      %swap3A_67 = arith.constant 32 : index
      %swap3A_68 = tpu.vector_load %arg7[%swap3A_66, %swap3A_67] {strides = array<i32>} : memref<128x128xf32, #tpu.memory_space<vmem>>, vector<1x16xf32>,
      %swap3A_69 = vector.shape_cast %swap3A_68 : vector<1x16xf32> to vector<16xf32>
      %swap3A_70 = vector.shape_cast %broadcast_in_dim3A_5 : vector<16xf32> to vector<1x16xf32>
      tpu.vector_store %arg7[%swap3A_66, %swap3A_67], %swap3A_70 {strides = array<i32>} : memref<128x128xf32, #tpu.memory_space<vmem>>, vector<1x16xf32>,
      %swap3A_71 = arith.index_cast %scan3A_56 : i32 to index
      %swap3A_72 = arith.constant 48 : index
      %swap3A_73 = tpu.vector_load %arg7[%swap3A_71, %swap3A_72] {strides = array<i32>} : memref<128x128xf32, #tpu.memory_space<vmem>>, vector<1x16xf32>,
      %swap3A_74 = vector.shape_cast %swap3A_73 : vector<1x16xf32> to vector<16xf32>
      %swap3A_75 = vector.shape_cast %broadcast_in_dim3A_5 : vector<16xf32> to vector<1x16xf32>
      tpu.vector_store %arg7[%swap3A_71, %swap3A_72], %swap3A_75 {strides = array<i32>} : memref<128x128xf32, #tpu.memory_space<vmem>>, vector<1x16xf32>,
      %swap3A_76 = arith.index_cast %scan3A_56 : i32 to index
      %swap3A_77 = arith.constant 64 : index
      %swap3A_78 = tpu.vector_load %arg7[%swap3A_76, %swap3A_77] {strides = array<i32>} : memref<128x128xf32, #tpu.memory_space<vmem>>, vector<1x16xf32>,
      %swap3A_79 = vector.shape_cast %swap3A_78 : vector<1x16xf32> to vector<16xf32>
      %swap3A_80 = vector.shape_cast %broadcast_in_dim3A_5 : vector<16xf32> to vector<1x16xf32>
      tpu.vector_store %arg7[%swap3A_76, %swap3A_77], %swap3A_80 {strides = array<i32>} : memref<128x128xf32, #tpu.memory_space<vmem>>, vector<1x16xf32>,
      %swap3A_81 = arith.index_cast %scan3A_56 : i32 to index
      %swap3A_82 = arith.constant 80 : index
      %swap3A_83 = tpu.vector_load %arg7[%swap3A_81, %swap3A_82] {strides = array<i32>} : memref<128x128xf32, #tpu.memory_space<vmem>>, vector<1x16xf32>,
      %swap3A_84 = vector.shape_cast %swap3A_83 : vector<1x16xf32> to vector<16xf32>
      %swap3A_85 = vector.shape_cast %broadcast_in_dim3A_5 : vector<16xf32> to vector<1x16xf32>
      tpu.vector_store %arg7[%swap3A_81, %swap3A_82], %swap3A_85 {strides = array<i32>} : memref<128x128xf32, #tpu.memory_space<vmem>>, vector<1x16xf32>,
      %swap3A_86 = arith.index_cast %scan3A_56 : i32 to index
      %swap3A_87 = arith.constant 96 : index
      %swap3A_88 = tpu.vector_load %arg7[%swap3A_86, %swap3A_87] {strides = array<i32>} : memref<128x128xf32, #tpu.memory_space<vmem>>, vector<1x16xf32>,
      %swap3A_89 = vector.shape_cast %swap3A_88 : vector<1x16xf32> to vector<16xf32>
      %swap3A_90 = vector.shape_cast %broadcast_in_dim3A_5 : vector<16xf32> to vector<1x16xf32>
      tpu.vector_store %arg7[%swap3A_86, %swap3A_87], %swap3A_90 {strides = array<i32>} : memref<128x128xf32, #tpu.memory_space<vmem>>, vector<1x16xf32>,
      %swap3A_91 = arith.index_cast %scan3A_56 : i32 to index
      %swap3A_92 = arith.constant 112 : index
      %swap3A_93 = tpu.vector_load %arg7[%swap3A_91, %swap3A_92] {strides = array<i32>} : memref<128x128xf32, #tpu.memory_space<vmem>>, vector<1x16xf32>,
      %swap3A_94 = vector.shape_cast %swap3A_93 : vector<1x16xf32> to vector<16xf32>
      %swap3A_95 = vector.shape_cast %broadcast_in_dim3A_5 : vector<16xf32> to vector<1x16xf32>
      tpu.vector_store %arg7[%swap3A_91, %swap3A_92], %swap3A_95 {strides = array<i32>} : memref<128x128xf32, #tpu.memory_space<vmem>>, vector<1x16xf32>,
    }
    %scan3A_10 = arith.constant 128 : i32
    %add3A_11 = arith.constant 0 : i32
    %add3A_12 = arith.addi %mul3A_2, %add3A_11 : i32
    "tpu.region"() ({
      %run_scoped3A = tpu.sem_alloc : memref<!tpu.dma_semaphore, #tpu.memory_space<semaphore_mem>>
      %dma_start3A_56 = arith.constant 0 : i32
      %dma_start3A_57 = tpu.memref_slice %arg9[%add3A_12, %dma_start3A_56] : memref<10240x128xf32, #tpu.memory_space<vmem_shared>> -> memref<128x128xf32, #tpu.memory_space<vmem_shared>>
      %dma_start3A_58 = arith.constant 0 : i32
      %dma_start3A_59 = tpu.memref_slice %arg9[%add3A_12, %dma_start3A_58] : memref<10240x128xf32, #tpu.memory_space<vmem_shared>> -> memref<128x128xf32, #tpu.memory_space<vmem_shared>>
      tpu.enqueue_dma source(%arg7 : memref<128x128xf32, #tpu.memory_space<vmem>>) target(%dma_start3A_59 : memref<128x128xf32, #tpu.memory_space<vmem_shared>>) target_semaphore(%run_scoped3A : memref<!tpu.dma_semaphore, #tpu.memory_space<semaphore_mem>>)
      %dma_wait3A_60 = arith.constant 0 : i32
      %dma_wait3A_61 = tpu.memref_slice %arg9[%add3A_12, %dma_wait3A_60] : memref<10240x128xf32, #tpu.memory_space<vmem_shared>> -> memref<128x128xf32, #tpu.memory_space<vmem_shared>>
      %dma_wait3A_62 = arith.constant 0 : i32
      %dma_wait3A_63 = tpu.memref_slice %arg9[%add3A_12, %dma_wait3A_62] : memref<10240x128xf32, #tpu.memory_space<vmem_shared>> -> memref<128x128xf32, #tpu.memory_space<vmem_shared>>
      tpu.wait_dma2 semaphore(%run_scoped3A : memref<!tpu.dma_semaphore, #tpu.memory_space<semaphore_mem>>) src(%arg7 : memref<128x128xf32, #tpu.memory_space<vmem>>) dst(%dma_wait3A_63 : memref<128x128xf32, #tpu.memory_space<vmem_shared>>)
      tpu.yield
    }) : () -> ()
    %add3A_13 = arith.constant 128 : i32
    %add3A_14 = arith.addi %mul3A_2, %add3A_13 : i32
    "tpu.region"() ({
      %run_scoped3A = tpu.sem_alloc : memref<!tpu.dma_semaphore, #tpu.memory_space<semaphore_mem>>
      %dma_start3A_56 = arith.constant 0 : i32
      %dma_start3A_57 = tpu.memref_slice %arg9[%add3A_14, %dma_start3A_56] : memref<10240x128xf32, #tpu.memory_space<vmem_shared>> -> memref<128x128xf32, #tpu.memory_space<vmem_shared>>
      %dma_start3A_58 = arith.constant 0 : i32
      %dma_start3A_59 = tpu.memref_slice %arg9[%add3A_14, %dma_start3A_58] : memref<10240x128xf32, #tpu.memory_space<vmem_shared>> -> memref<128x128xf32, #tpu.memory_space<vmem_shared>>
      tpu.enqueue_dma source(%arg7 : memref<128x128xf32, #tpu.memory_space<vmem>>) target(%dma_start3A_59 : memref<128x128xf32, #tpu.memory_space<vmem_shared>>) target_semaphore(%run_scoped3A : memref<!tpu.dma_semaphore, #tpu.memory_space<semaphore_mem>>)
      %dma_wait3A_60 = arith.constant 0 : i32
      %dma_wait3A_61 = tpu.memref_slice %arg9[%add3A_14, %dma_wait3A_60] : memref<10240x128xf32, #tpu.memory_space<vmem_shared>> -> memref<128x128xf32, #tpu.memory_space<vmem_shared>>
      %dma_wait3A_62 = arith.constant 0 : i32
      %dma_wait3A_63 = tpu.memref_slice %arg9[%add3A_14, %dma_wait3A_62] : memref<10240x128xf32, #tpu.memory_space<vmem_shared>> -> memref<128x128xf32, #tpu.memory_space<vmem_shared>>
      tpu.wait_dma2 semaphore(%run_scoped3A : memref<!tpu.dma_semaphore, #tpu.memory_space<semaphore_mem>>) src(%arg7 : memref<128x128xf32, #tpu.memory_space<vmem>>) dst(%dma_wait3A_63 : memref<128x128xf32, #tpu.memory_space<vmem_shared>>)
      tpu.yield
    }) : () -> ()
    %add3A_15 = arith.constant 256 : i32
    %add3A_16 = arith.addi %mul3A_2, %add3A_15 : i32
    "tpu.region"() ({
      %run_scoped3A = tpu.sem_alloc : memref<!tpu.dma_semaphore, #tpu.memory_space<semaphore_mem>>
      %dma_start3A_56 = arith.constant 0 : i32
      %dma_start3A_57 = tpu.memref_slice %arg9[%add3A_16, %dma_start3A_56] : memref<10240x128xf32, #tpu.memory_space<vmem_shared>> -> memref<128x128xf32, #tpu.memory_space<vmem_shared>>
      %dma_start3A_58 = arith.constant 0 : i32
      %dma_start3A_59 = tpu.memref_slice %arg9[%add3A_16, %dma_start3A_58] : memref<10240x128xf32, #tpu.memory_space<vmem_shared>> -> memref<128x128xf32, #tpu.memory_space<vmem_shared>>
      tpu.enqueue_dma source(%arg7 : memref<128x128xf32, #tpu.memory_space<vmem>>) target(%dma_start3A_59 : memref<128x128xf32, #tpu.memory_space<vmem_shared>>) target_semaphore(%run_scoped3A : memref<!tpu.dma_semaphore, #tpu.memory_space<semaphore_mem>>)
      %dma_wait3A_60 = arith.constant 0 : i32
      %dma_wait3A_61 = tpu.memref_slice %arg9[%add3A_16, %dma_wait3A_60] : memref<10240x128xf32, #tpu.memory_space<vmem_shared>> -> memref<128x128xf32, #tpu.memory_space<vmem_shared>>
      %dma_wait3A_62 = arith.constant 0 : i32
      %dma_wait3A_63 = tpu.memref_slice %arg9[%add3A_16, %dma_wait3A_62] : memref<10240x128xf32, #tpu.memory_space<vmem_shared>> -> memref<128x128xf32, #tpu.memory_space<vmem_shared>>
      tpu.wait_dma2 semaphore(%run_scoped3A : memref<!tpu.dma_semaphore, #tpu.memory_space<semaphore_mem>>) src(%arg7 : memref<128x128xf32, #tpu.memory_space<vmem>>) dst(%dma_wait3A_63 : memref<128x128xf32, #tpu.memory_space<vmem_shared>>)
      tpu.yield
    }) : () -> ()
    %add3A_17 = arith.constant 384 : i32
    %add3A_18 = arith.addi %mul3A_2, %add3A_17 : i32
    "tpu.region"() ({
      %run_scoped3A = tpu.sem_alloc : memref<!tpu.dma_semaphore, #tpu.memory_space<semaphore_mem>>
      %dma_start3A_56 = arith.constant 0 : i32
      %dma_start3A_57 = tpu.memref_slice %arg9[%add3A_18, %dma_start3A_56] : memref<10240x128xf32, #tpu.memory_space<vmem_shared>> -> memref<128x128xf32, #tpu.memory_space<vmem_shared>>
      %dma_start3A_58 = arith.constant 0 : i32
      %dma_start3A_59 = tpu.memref_slice %arg9[%add3A_18, %dma_start3A_58] : memref<10240x128xf32, #tpu.memory_space<vmem_shared>> -> memref<128x128xf32, #tpu.memory_space<vmem_shared>>
      tpu.enqueue_dma source(%arg7 : memref<128x128xf32, #tpu.memory_space<vmem>>) target(%dma_start3A_59 : memref<128x128xf32, #tpu.memory_space<vmem_shared>>) target_semaphore(%run_scoped3A : memref<!tpu.dma_semaphore, #tpu.memory_space<semaphore_mem>>)
      %dma_wait3A_60 = arith.constant 0 : i32
      %dma_wait3A_61 = tpu.memref_slice %arg9[%add3A_18, %dma_wait3A_60] : memref<10240x128xf32, #tpu.memory_space<vmem_shared>> -> memref<128x128xf32, #tpu.memory_space<vmem_shared>>
      %dma_wait3A_62 = arith.constant 0 : i32
      %dma_wait3A_63 = tpu.memref_slice %arg9[%add3A_18, %dma_wait3A_62] : memref<10240x128xf32, #tpu.memory_space<vmem_shared>> -> memref<128x128xf32, #tpu.memory_space<vmem_shared>>
      tpu.wait_dma2 semaphore(%run_scoped3A : memref<!tpu.dma_semaphore, #tpu.memory_space<semaphore_mem>>) src(%arg7 : memref<128x128xf32, #tpu.memory_space<vmem>>) dst(%dma_wait3A_63 : memref<128x128xf32, #tpu.memory_space<vmem_shared>>)
      tpu.yield
    }) : () -> ()
    %add3A_19 = arith.constant 512 : i32
    %add3A_20 = arith.addi %mul3A_2, %add3A_19 : i32
    "tpu.region"() ({
      %run_scoped3A = tpu.sem_alloc : memref<!tpu.dma_semaphore, #tpu.memory_space<semaphore_mem>>
      %dma_start3A_56 = arith.constant 0 : i32
      %dma_start3A_57 = tpu.memref_slice %arg9[%add3A_20, %dma_start3A_56] : memref<10240x128xf32, #tpu.memory_space<vmem_shared>> -> memref<128x128xf32, #tpu.memory_space<vmem_shared>>
      %dma_start3A_58 = arith.constant 0 : i32
      %dma_start3A_59 = tpu.memref_slice %arg9[%add3A_20, %dma_start3A_58] : memref<10240x128xf32, #tpu.memory_space<vmem_shared>> -> memref<128x128xf32, #tpu.memory_space<vmem_shared>>
      tpu.enqueue_dma source(%arg7 : memref<128x128xf32, #tpu.memory_space<vmem>>) target(%dma_start3A_59 : memref<128x128xf32, #tpu.memory_space<vmem_shared>>) target_semaphore(%run_scoped3A : memref<!tpu.dma_semaphore, #tpu.memory_space<semaphore_mem>>)
      %dma_wait3A_60 = arith.constant 0 : i32
      %dma_wait3A_61 = tpu.memref_slice %arg9[%add3A_20, %dma_wait3A_60] : memref<10240x128xf32, #tpu.memory_space<vmem_shared>> -> memref<128x128xf32, #tpu.memory_space<vmem_shared>>
      %dma_wait3A_62 = arith.constant 0 : i32
      %dma_wait3A_63 = tpu.memref_slice %arg9[%add3A_20, %dma_wait3A_62] : memref<10240x128xf32, #tpu.memory_space<vmem_shared>> -> memref<128x128xf32, #tpu.memory_space<vmem_shared>>
      tpu.wait_dma2 semaphore(%run_scoped3A : memref<!tpu.dma_semaphore, #tpu.memory_space<semaphore_mem>>) src(%arg7 : memref<128x128xf32, #tpu.memory_space<vmem>>) dst(%dma_wait3A_63 : memref<128x128xf32, #tpu.memory_space<vmem_shared>>)
      tpu.yield
    }) : () -> ()
    "tpu.region"() ({
      %run_scoped3A = tpu.sem_alloc : memref<!tpu.dma_semaphore, #tpu.memory_space<semaphore_mem>>
      %dma_start3A_56 = arith.constant 0 : i32
      %dma_start3A_57 = arith.constant 0 : i32
      %dma_start3A_58 = tpu.memref_slice %arg3[%mul3A_4, %dma_start3A_56, %dma_start3A_57] : memref<2562x2x128xi32, #tpu.memory_space<hbm>> -> memref<1x2x128xi32, #tpu.memory_space<hbm>>
      %dma_start3A_59 = tpu.memref_squeeze %dma_start3A_58 : memref<1x2x128xi32, #tpu.memory_space<hbm>> -> memref<2x128xi32, #tpu.memory_space<hbm>>
      %dma_start3A_60 = arith.constant 0 : i32
      %dma_start3A_61 = arith.constant 0 : i32
      %dma_start3A_62 = tpu.memref_slice %arg3[%mul3A_4, %dma_start3A_60, %dma_start3A_61] : memref<2562x2x128xi32, #tpu.memory_space<hbm>> -> memref<1x2x128xi32, #tpu.memory_space<hbm>>
      %dma_start3A_63 = tpu.memref_squeeze %dma_start3A_62 : memref<1x2x128xi32, #tpu.memory_space<hbm>> -> memref<2x128xi32, #tpu.memory_space<hbm>>
      tpu.enqueue_dma source(%dma_start3A_63 : memref<2x128xi32, #tpu.memory_space<hbm>>) target(%arg5 : memref<2x128xi32, #tpu.memory_space<vmem>>) target_semaphore(%run_scoped3A : memref<!tpu.dma_semaphore, #tpu.memory_space<semaphore_mem>>)
      %dma_wait3A_64 = arith.constant 0 : i32
      %dma_wait3A_65 = arith.constant 0 : i32
      %dma_wait3A_66 = tpu.memref_slice %arg3[%mul3A_4, %dma_wait3A_64, %dma_wait3A_65] : memref<2562x2x128xi32, #tpu.memory_space<hbm>> -> memref<1x2x128xi32, #tpu.memory_space<hbm>>
      %dma_wait3A_67 = tpu.memref_squeeze %dma_wait3A_66 : memref<1x2x128xi32, #tpu.memory_space<hbm>> -> memref<2x128xi32, #tpu.memory_space<hbm>>
      %dma_wait3A_68 = arith.constant 0 : i32
      %dma_wait3A_69 = arith.constant 0 : i32
      %dma_wait3A_70 = tpu.memref_slice %arg3[%mul3A_4, %dma_wait3A_68, %dma_wait3A_69] : memref<2562x2x128xi32, #tpu.memory_space<hbm>> -> memref<1x2x128xi32, #tpu.memory_space<hbm>>
      %dma_wait3A_71 = tpu.memref_squeeze %dma_wait3A_70 : memref<1x2x128xi32, #tpu.memory_space<hbm>> -> memref<2x128xi32, #tpu.memory_space<hbm>>
      tpu.wait_dma2 semaphore(%run_scoped3A : memref<!tpu.dma_semaphore, #tpu.memory_space<semaphore_mem>>) src(%dma_wait3A_71 : memref<2x128xi32, #tpu.memory_space<hbm>>) dst(%arg5 : memref<2x128xi32, #tpu.memory_space<vmem>>)
      tpu.yield
    }) : () -> ()
    %add3A_21 = arith.constant 1 : i32
    %add3A_22 = arith.addi %mul3A_4, %add3A_21 : i32
    "tpu.region"() ({
      %run_scoped3A = tpu.sem_alloc : memref<!tpu.dma_semaphore, #tpu.memory_space<semaphore_mem>>
      %dma_start3A_56 = arith.constant 0 : i32
      %dma_start3A_57 = arith.constant 0 : i32
      %dma_start3A_58 = tpu.memref_slice %arg3[%add3A_22, %dma_start3A_56, %dma_start3A_57] : memref<2562x2x128xi32, #tpu.memory_space<hbm>> -> memref<1x2x128xi32, #tpu.memory_space<hbm>>
      %dma_start3A_59 = tpu.memref_squeeze %dma_start3A_58 : memref<1x2x128xi32, #tpu.memory_space<hbm>> -> memref<2x128xi32, #tpu.memory_space<hbm>>
      %dma_start3A_60 = arith.constant 0 : i32
      %dma_start3A_61 = arith.constant 0 : i32
      %dma_start3A_62 = tpu.memref_slice %arg3[%add3A_22, %dma_start3A_60, %dma_start3A_61] : memref<2562x2x128xi32, #tpu.memory_space<hbm>> -> memref<1x2x128xi32, #tpu.memory_space<hbm>>
      %dma_start3A_63 = tpu.memref_squeeze %dma_start3A_62 : memref<1x2x128xi32, #tpu.memory_space<hbm>> -> memref<2x128xi32, #tpu.memory_space<hbm>>
      tpu.enqueue_dma source(%dma_start3A_63 : memref<2x128xi32, #tpu.memory_space<hbm>>) target(%arg6 : memref<2x128xi32, #tpu.memory_space<vmem>>) target_semaphore(%run_scoped3A : memref<!tpu.dma_semaphore, #tpu.memory_space<semaphore_mem>>)
      %dma_wait3A_64 = arith.constant 0 : i32
      %dma_wait3A_65 = arith.constant 0 : i32
      %dma_wait3A_66 = tpu.memref_slice %arg3[%add3A_22, %dma_wait3A_64, %dma_wait3A_65] : memref<2562x2x128xi32, #tpu.memory_space<hbm>> -> memref<1x2x128xi32, #tpu.memory_space<hbm>>
      %dma_wait3A_67 = tpu.memref_squeeze %dma_wait3A_66 : memref<1x2x128xi32, #tpu.memory_space<hbm>> -> memref<2x128xi32, #tpu.memory_space<hbm>>
      %dma_wait3A_68 = arith.constant 0 : i32
      %dma_wait3A_69 = arith.constant 0 : i32
      %dma_wait3A_70 = tpu.memref_slice %arg3[%add3A_22, %dma_wait3A_68, %dma_wait3A_69] : memref<2562x2x128xi32, #tpu.memory_space<hbm>> -> memref<1x2x128xi32, #tpu.memory_space<hbm>>
      %dma_wait3A_71 = tpu.memref_squeeze %dma_wait3A_70 : memref<1x2x128xi32, #tpu.memory_space<hbm>> -> memref<2x128xi32, #tpu.memory_space<hbm>>
      tpu.wait_dma2 semaphore(%run_scoped3A : memref<!tpu.dma_semaphore, #tpu.memory_space<semaphore_mem>>) src(%dma_wait3A_71 : memref<2x128xi32, #tpu.memory_space<hbm>>) dst(%arg6 : memref<2x128xi32, #tpu.memory_space<vmem>>)
      tpu.yield
    }) : () -> ()
    %dma_start3A = arith.constant 0 : i32
    %dma_start3A_23 = arith.constant 0 : i32
    %dma_start3A_24 = tpu.memref_slice %arg5[%dma_start3A, %dma_start3A_23] : memref<2x128xi32, #tpu.memory_space<vmem>> -> memref<1x128xi32, #tpu.memory_space<vmem>>
    %dma_start3A_25 = tpu.memref_squeeze %dma_start3A_24 : memref<1x128xi32, #tpu.memory_space<vmem>> -> memref<128xi32, #tpu.memory_space<vmem>>
    %dma_start3A_26 = arith.constant 0 : i32
    %dma_start3A_27 = arith.constant 0 : i32
    %dma_start3A_28 = tpu.memref_slice %arg2[%dma_start3A_26, %dma_start3A_27] : memref<10240x128xf32, #tpu.memory_space<hbm>> -> memref<10240x128xf32, #tpu.memory_space<hbm>>
    tpu.enqueue_indirect_dma source(%dma_start3A_28 : memref<10240x128xf32, #tpu.memory_space<hbm>>) target(%arg7 : memref<128x128xf32, #tpu.memory_space<vmem>>) offsets(%dma_start3A_25 : memref<128xi32, #tpu.memory_space<vmem>>) semaphore(%arg10 : memref<!tpu.dma_semaphore, #tpu.memory_space<semaphore_mem>>)
    %dma_start3A_29 = arith.constant 0 : i32
    %dma_start3A_30 = arith.constant 0 : i32
    %dma_start3A_31 = tpu.memref_slice %arg6[%dma_start3A_29, %dma_start3A_30] : memref<2x128xi32, #tpu.memory_space<vmem>> -> memref<1x128xi32, #tpu.memory_space<vmem>>
    %dma_start3A_32 = tpu.memref_squeeze %dma_start3A_31 : memref<1x128xi32, #tpu.memory_space<vmem>> -> memref<128xi32, #tpu.memory_space<vmem>>
    %dma_start3A_33 = arith.constant 0 : i32
    %dma_start3A_34 = arith.constant 0 : i32
    %dma_start3A_35 = tpu.memref_slice %arg2[%dma_start3A_33, %dma_start3A_34] : memref<10240x128xf32, #tpu.memory_space<hbm>> -> memref<10240x128xf32, #tpu.memory_space<hbm>>
    tpu.enqueue_indirect_dma source(%dma_start3A_35 : memref<10240x128xf32, #tpu.memory_space<hbm>>) target(%arg8 : memref<128x128xf32, #tpu.memory_space<vmem>>) offsets(%dma_start3A_32 : memref<128xi32, #tpu.memory_space<vmem>>) semaphore(%arg11 : memref<!tpu.dma_semaphore, #tpu.memory_space<semaphore_mem>>)
    %barrier3A = arith.constant 0 : index
    tpu.barrier barrier_id(%barrier3A)
    %scan3A_36 = arith.constant 0 : i32
    %scan3A_37 = arith.constant 0 : i32
    %scan3A_38 = arith.constant 40 : i32
    %scan3A_39 = arith.addi %scan3A_37, %scan3A_38 : i32
    %scan3A_40 = arith.constant 1 : i32
    scf.for %scan3A_56 = %scan3A_37 to %scan3A_39 step %scan3A_40  : i32 {
      %mul3A_57 = arith.constant 2 : i32
      %mul3A_58 = arith.muli %mul3A_57, %scan3A_56 : i32
      %add3A_59 = arith.addi %mul3A_4, %mul3A_58 : i32
      %add3A_60 = arith.constant 2 : i32
      %add3A_61 = arith.addi %add3A_59, %add3A_60 : i32
      %dma_wait3A_62 = arith.constant 0 : i32
      %dma_wait3A_63 = arith.constant 0 : i32
      %dma_wait3A_64 = tpu.memref_slice %arg5[%dma_wait3A_62, %dma_wait3A_63] : memref<2x128xi32, #tpu.memory_space<vmem>> -> memref<1x128xi32, #tpu.memory_space<vmem>>
      %dma_wait3A_65 = tpu.memref_squeeze %dma_wait3A_64 : memref<1x128xi32, #tpu.memory_space<vmem>> -> memref<128xi32, #tpu.memory_space<vmem>>
      %dma_wait3A_66 = arith.constant 0 : i32
      %dma_wait3A_67 = arith.constant 0 : i32
      %dma_wait3A_68 = tpu.memref_slice %arg2[%dma_wait3A_66, %dma_wait3A_67] : memref<10240x128xf32, #tpu.memory_space<hbm>> -> memref<10240x128xf32, #tpu.memory_space<hbm>>
      tpu.wait_indirect_dma semaphore(%arg10 : memref<!tpu.dma_semaphore, #tpu.memory_space<semaphore_mem>>) src(%dma_wait3A_68 : memref<10240x128xf32, #tpu.memory_space<hbm>>) dst(%arg7 : memref<128x128xf32, #tpu.memory_space<vmem>>)
      %dma_start3A_69 = arith.constant 1 : i32
      %dma_start3A_70 = arith.constant 0 : i32
      %dma_start3A_71 = tpu.memref_slice %arg5[%dma_start3A_69, %dma_start3A_70] : memref<2x128xi32, #tpu.memory_space<vmem>> -> memref<1x128xi32, #tpu.memory_space<vmem>>
      %dma_start3A_72 = tpu.memref_squeeze %dma_start3A_71 : memref<1x128xi32, #tpu.memory_space<vmem>> -> memref<128xi32, #tpu.memory_space<vmem>>
      %dma_start3A_73 = arith.constant 0 : i32
      %dma_start3A_74 = arith.constant 0 : i32
      %dma_start3A_75 = tpu.memref_slice %arg9[%dma_start3A_73, %dma_start3A_74] : memref<10240x128xf32, #tpu.memory_space<vmem_shared>> -> memref<10240x128xf32, #tpu.memory_space<vmem_shared>>
      tpu.enqueue_indirect_dma source(%arg7 : memref<128x128xf32, #tpu.memory_space<vmem>>) target(%dma_start3A_75 : memref<10240x128xf32, #tpu.memory_space<vmem_shared>>) offsets(%dma_start3A_72 : memref<128xi32, #tpu.memory_space<vmem>>) semaphore(%arg12 : memref<!tpu.dma_semaphore, #tpu.memory_space<semaphore_mem>>) {add = true}
      %dma_wait3A_76 = arith.constant 0 : i32
      %dma_wait3A_77 = arith.constant 0 : i32
      %dma_wait3A_78 = tpu.memref_slice %arg6[%dma_wait3A_76, %dma_wait3A_77] : memref<2x128xi32, #tpu.memory_space<vmem>> -> memref<1x128xi32, #tpu.memory_space<vmem>>
      %dma_wait3A_79 = tpu.memref_squeeze %dma_wait3A_78 : memref<1x128xi32, #tpu.memory_space<vmem>> -> memref<128xi32, #tpu.memory_space<vmem>>
      %dma_wait3A_80 = arith.constant 0 : i32
      %dma_wait3A_81 = arith.constant 0 : i32
      %dma_wait3A_82 = tpu.memref_slice %arg2[%dma_wait3A_80, %dma_wait3A_81] : memref<10240x128xf32, #tpu.memory_space<hbm>> -> memref<10240x128xf32, #tpu.memory_space<hbm>>
      tpu.wait_indirect_dma semaphore(%arg11 : memref<!tpu.dma_semaphore, #tpu.memory_space<semaphore_mem>>) src(%dma_wait3A_82 : memref<10240x128xf32, #tpu.memory_space<hbm>>) dst(%arg8 : memref<128x128xf32, #tpu.memory_space<vmem>>)
      %dma_wait3A_83 = arith.constant 1 : i32
      %dma_wait3A_84 = arith.constant 0 : i32
      %dma_wait3A_85 = tpu.memref_slice %arg5[%dma_wait3A_83, %dma_wait3A_84] : memref<2x128xi32, #tpu.memory_space<vmem>> -> memref<1x128xi32, #tpu.memory_space<vmem>>
      %dma_wait3A_86 = tpu.memref_squeeze %dma_wait3A_85 : memref<1x128xi32, #tpu.memory_space<vmem>> -> memref<128xi32, #tpu.memory_space<vmem>>
      %dma_wait3A_87 = arith.constant 0 : i32
      %dma_wait3A_88 = arith.constant 0 : i32
      %dma_wait3A_89 = tpu.memref_slice %arg9[%dma_wait3A_87, %dma_wait3A_88] : memref<10240x128xf32, #tpu.memory_space<vmem_shared>> -> memref<10240x128xf32, #tpu.memory_space<vmem_shared>>
      tpu.wait_indirect_dma semaphore(%arg12 : memref<!tpu.dma_semaphore, #tpu.memory_space<semaphore_mem>>) src(%arg7 : memref<128x128xf32, #tpu.memory_space<vmem>>) dst(%dma_wait3A_89 : memref<10240x128xf32, #tpu.memory_space<vmem_shared>>)
      %dma_start3A_90 = arith.constant 0 : i32
      %dma_start3A_91 = arith.constant 0 : i32
      %dma_start3A_92 = tpu.memref_slice %arg3[%add3A_61, %dma_start3A_90, %dma_start3A_91] : memref<2562x2x128xi32, #tpu.memory_space<hbm>> -> memref<1x2x128xi32, #tpu.memory_space<hbm>>
      %dma_start3A_93 = tpu.memref_squeeze %dma_start3A_92 : memref<1x2x128xi32, #tpu.memory_space<hbm>> -> memref<2x128xi32, #tpu.memory_space<hbm>>
      %dma_start3A_94 = arith.constant 0 : i32
      %dma_start3A_95 = arith.constant 0 : i32
      %dma_start3A_96 = tpu.memref_slice %arg3[%add3A_61, %dma_start3A_94, %dma_start3A_95] : memref<2562x2x128xi32, #tpu.memory_space<hbm>> -> memref<1x2x128xi32, #tpu.memory_space<hbm>>
      %dma_start3A_97 = tpu.memref_squeeze %dma_start3A_96 : memref<1x2x128xi32, #tpu.memory_space<hbm>> -> memref<2x128xi32, #tpu.memory_space<hbm>>
      tpu.enqueue_dma source(%dma_start3A_97 : memref<2x128xi32, #tpu.memory_space<hbm>>) target(%arg5 : memref<2x128xi32, #tpu.memory_space<vmem>>) target_semaphore(%arg14 : memref<!tpu.dma_semaphore, #tpu.memory_space<semaphore_mem>>)
      %dma_start3A_98 = arith.constant 1 : i32
      %dma_start3A_99 = arith.constant 0 : i32
      %dma_start3A_100 = tpu.memref_slice %arg6[%dma_start3A_98, %dma_start3A_99] : memref<2x128xi32, #tpu.memory_space<vmem>> -> memref<1x128xi32, #tpu.memory_space<vmem>>
      %dma_start3A_101 = tpu.memref_squeeze %dma_start3A_100 : memref<1x128xi32, #tpu.memory_space<vmem>> -> memref<128xi32, #tpu.memory_space<vmem>>
      %dma_start3A_102 = arith.constant 0 : i32
      %dma_start3A_103 = arith.constant 0 : i32
      %dma_start3A_104 = tpu.memref_slice %arg9[%dma_start3A_102, %dma_start3A_103] : memref<10240x128xf32, #tpu.memory_space<vmem_shared>> -> memref<10240x128xf32, #tpu.memory_space<vmem_shared>>
      tpu.enqueue_indirect_dma source(%arg8 : memref<128x128xf32, #tpu.memory_space<vmem>>) target(%dma_start3A_104 : memref<10240x128xf32, #tpu.memory_space<vmem_shared>>) offsets(%dma_start3A_101 : memref<128xi32, #tpu.memory_space<vmem>>) semaphore(%arg13 : memref<!tpu.dma_semaphore, #tpu.memory_space<semaphore_mem>>) {add = true}
      %dma_wait3A_105 = arith.constant 0 : i32
      %dma_wait3A_106 = arith.constant 0 : i32
      %dma_wait3A_107 = tpu.memref_slice %arg3[%add3A_61, %dma_wait3A_105, %dma_wait3A_106] : memref<2562x2x128xi32, #tpu.memory_space<hbm>> -> memref<1x2x128xi32, #tpu.memory_space<hbm>>
      %dma_wait3A_108 = tpu.memref_squeeze %dma_wait3A_107 : memref<1x2x128xi32, #tpu.memory_space<hbm>> -> memref<2x128xi32, #tpu.memory_space<hbm>>
      %dma_wait3A_109 = arith.constant 0 : i32
      %dma_wait3A_110 = arith.constant 0 : i32
      %dma_wait3A_111 = tpu.memref_slice %arg3[%add3A_61, %dma_wait3A_109, %dma_wait3A_110] : memref<2562x2x128xi32, #tpu.memory_space<hbm>> -> memref<1x2x128xi32, #tpu.memory_space<hbm>>
      %dma_wait3A_112 = tpu.memref_squeeze %dma_wait3A_111 : memref<1x2x128xi32, #tpu.memory_space<hbm>> -> memref<2x128xi32, #tpu.memory_space<hbm>>
      tpu.wait_dma2 semaphore(%arg14 : memref<!tpu.dma_semaphore, #tpu.memory_space<semaphore_mem>>) src(%dma_wait3A_112 : memref<2x128xi32, #tpu.memory_space<hbm>>) dst(%arg5 : memref<2x128xi32, #tpu.memory_space<vmem>>)
      %dma_start3A_113 = arith.constant 0 : i32
      %dma_start3A_114 = arith.constant 0 : i32
      %dma_start3A_115 = tpu.memref_slice %arg5[%dma_start3A_113, %dma_start3A_114] : memref<2x128xi32, #tpu.memory_space<vmem>> -> memref<1x128xi32, #tpu.memory_space<vmem>>
      %dma_start3A_116 = tpu.memref_squeeze %dma_start3A_115 : memref<1x128xi32, #tpu.memory_space<vmem>> -> memref<128xi32, #tpu.memory_space<vmem>>
      %dma_start3A_117 = arith.constant 0 : i32
      %dma_start3A_118 = arith.constant 0 : i32
      %dma_start3A_119 = tpu.memref_slice %arg2[%dma_start3A_117, %dma_start3A_118] : memref<10240x128xf32, #tpu.memory_space<hbm>> -> memref<10240x128xf32, #tpu.memory_space<hbm>>
      tpu.enqueue_indirect_dma source(%dma_start3A_119 : memref<10240x128xf32, #tpu.memory_space<hbm>>) target(%arg7 : memref<128x128xf32, #tpu.memory_space<vmem>>) offsets(%dma_start3A_116 : memref<128xi32, #tpu.memory_space<vmem>>) semaphore(%arg10 : memref<!tpu.dma_semaphore, #tpu.memory_space<semaphore_mem>>)
      %dma_wait3A_120 = arith.constant 1 : i32
      %dma_wait3A_121 = arith.constant 0 : i32
      %dma_wait3A_122 = tpu.memref_slice %arg6[%dma_wait3A_120, %dma_wait3A_121] : memref<2x128xi32, #tpu.memory_space<vmem>> -> memref<1x128xi32, #tpu.memory_space<vmem>>
      %dma_wait3A_123 = tpu.memref_squeeze %dma_wait3A_122 : memref<1x128xi32, #tpu.memory_space<vmem>> -> memref<128xi32, #tpu.memory_space<vmem>>
      %dma_wait3A_124 = arith.constant 0 : i32
      %dma_wait3A_125 = arith.constant 0 : i32
      %dma_wait3A_126 = tpu.memref_slice %arg9[%dma_wait3A_124, %dma_wait3A_125] : memref<10240x128xf32, #tpu.memory_space<vmem_shared>> -> memref<10240x128xf32, #tpu.memory_space<vmem_shared>>
      tpu.wait_indirect_dma semaphore(%arg13 : memref<!tpu.dma_semaphore, #tpu.memory_space<semaphore_mem>>) src(%arg8 : memref<128x128xf32, #tpu.memory_space<vmem>>) dst(%dma_wait3A_126 : memref<10240x128xf32, #tpu.memory_space<vmem_shared>>)
      %add3A_127 = arith.constant 1 : i32
      %add3A_128 = arith.addi %add3A_61, %add3A_127 : i32
      %dma_start3A_129 = arith.constant 0 : i32
      %dma_start3A_130 = arith.constant 0 : i32
      %dma_start3A_131 = tpu.memref_slice %arg3[%add3A_128, %dma_start3A_129, %dma_start3A_130] : memref<2562x2x128xi32, #tpu.memory_space<hbm>> -> memref<1x2x128xi32, #tpu.memory_space<hbm>>
      %dma_start3A_132 = tpu.memref_squeeze %dma_start3A_131 : memref<1x2x128xi32, #tpu.memory_space<hbm>> -> memref<2x128xi32, #tpu.memory_space<hbm>>
      %dma_start3A_133 = arith.constant 0 : i32
      %dma_start3A_134 = arith.constant 0 : i32
      %dma_start3A_135 = tpu.memref_slice %arg3[%add3A_128, %dma_start3A_133, %dma_start3A_134] : memref<2562x2x128xi32, #tpu.memory_space<hbm>> -> memref<1x2x128xi32, #tpu.memory_space<hbm>>
      %dma_start3A_136 = tpu.memref_squeeze %dma_start3A_135 : memref<1x2x128xi32, #tpu.memory_space<hbm>> -> memref<2x128xi32, #tpu.memory_space<hbm>>
      tpu.enqueue_dma source(%dma_start3A_136 : memref<2x128xi32, #tpu.memory_space<hbm>>) target(%arg6 : memref<2x128xi32, #tpu.memory_space<vmem>>) target_semaphore(%arg15 : memref<!tpu.dma_semaphore, #tpu.memory_space<semaphore_mem>>)
      %dma_wait3A_137 = arith.constant 0 : i32
      %dma_wait3A_138 = arith.constant 0 : i32
      %dma_wait3A_139 = tpu.memref_slice %arg3[%add3A_128, %dma_wait3A_137, %dma_wait3A_138] : memref<2562x2x128xi32, #tpu.memory_space<hbm>> -> memref<1x2x128xi32, #tpu.memory_space<hbm>>
      %dma_wait3A_140 = tpu.memref_squeeze %dma_wait3A_139 : memref<1x2x128xi32, #tpu.memory_space<hbm>> -> memref<2x128xi32, #tpu.memory_space<hbm>>
      %dma_wait3A_141 = arith.constant 0 : i32
      %dma_wait3A_142 = arith.constant 0 : i32
      %dma_wait3A_143 = tpu.memref_slice %arg3[%add3A_128, %dma_wait3A_141, %dma_wait3A_142] : memref<2562x2x128xi32, #tpu.memory_space<hbm>> -> memref<1x2x128xi32, #tpu.memory_space<hbm>>
      %dma_wait3A_144 = tpu.memref_squeeze %dma_wait3A_143 : memref<1x2x128xi32, #tpu.memory_space<hbm>> -> memref<2x128xi32, #tpu.memory_space<hbm>>
      tpu.wait_dma2 semaphore(%arg15 : memref<!tpu.dma_semaphore, #tpu.memory_space<semaphore_mem>>) src(%dma_wait3A_144 : memref<2x128xi32, #tpu.memory_space<hbm>>) dst(%arg6 : memref<2x128xi32, #tpu.memory_space<vmem>>)
      %dma_start3A_145 = arith.constant 0 : i32
      %dma_start3A_146 = arith.constant 0 : i32
      %dma_start3A_147 = tpu.memref_slice %arg6[%dma_start3A_145, %dma_start3A_146] : memref<2x128xi32, #tpu.memory_space<vmem>> -> memref<1x128xi32, #tpu.memory_space<vmem>>
      %dma_start3A_148 = tpu.memref_squeeze %dma_start3A_147 : memref<1x128xi32, #tpu.memory_space<vmem>> -> memref<128xi32, #tpu.memory_space<vmem>>
      %dma_start3A_149 = arith.constant 0 : i32
      %dma_start3A_150 = arith.constant 0 : i32
      %dma_start3A_151 = tpu.memref_slice %arg2[%dma_start3A_149, %dma_start3A_150] : memref<10240x128xf32, #tpu.memory_space<hbm>> -> memref<10240x128xf32, #tpu.memory_space<hbm>>
      tpu.enqueue_indirect_dma source(%dma_start3A_151 : memref<10240x128xf32, #tpu.memory_space<hbm>>) target(%arg8 : memref<128x128xf32, #tpu.memory_space<vmem>>) offsets(%dma_start3A_148 : memref<128xi32, #tpu.memory_space<vmem>>) semaphore(%arg11 : memref<!tpu.dma_semaphore, #tpu.memory_space<semaphore_mem>>)
    }
    %scan3A_41 = arith.constant 40 : i32
    %dma_wait3A = arith.constant 0 : i32
    %dma_wait3A_42 = arith.constant 0 : i32
    %dma_wait3A_43 = tpu.memref_slice %arg5[%dma_wait3A, %dma_wait3A_42] : memref<2x128xi32, #tpu.memory_space<vmem>> -> memref<1x128xi32, #tpu.memory_space<vmem>>
    %dma_wait3A_44 = tpu.memref_squeeze %dma_wait3A_43 : memref<1x128xi32, #tpu.memory_space<vmem>> -> memref<128xi32, #tpu.memory_space<vmem>>
    %dma_wait3A_45 = arith.constant 0 : i32
    %dma_wait3A_46 = arith.constant 0 : i32
    %dma_wait3A_47 = tpu.memref_slice %arg2[%dma_wait3A_45, %dma_wait3A_46] : memref<10240x128xf32, #tpu.memory_space<hbm>> -> memref<10240x128xf32, #tpu.memory_space<hbm>>
    tpu.wait_indirect_dma semaphore(%arg10 : memref<!tpu.dma_semaphore, #tpu.memory_space<semaphore_mem>>) src(%dma_wait3A_47 : memref<10240x128xf32, #tpu.memory_space<hbm>>) dst(%arg7 : memref<128x128xf32, #tpu.memory_space<vmem>>)
    %dma_wait3A_48 = arith.constant 0 : i32
    %dma_wait3A_49 = arith.constant 0 : i32
    %dma_wait3A_50 = tpu.memref_slice %arg6[%dma_wait3A_48, %dma_wait3A_49] : memref<2x128xi32, #tpu.memory_space<vmem>> -> memref<1x128xi32, #tpu.memory_space<vmem>>
    %dma_wait3A_51 = tpu.memref_squeeze %dma_wait3A_50 : memref<1x128xi32, #tpu.memory_space<vmem>> -> memref<128xi32, #tpu.memory_space<vmem>>
    %dma_wait3A_52 = arith.constant 0 : i32
    %dma_wait3A_53 = arith.constant 0 : i32
    %dma_wait3A_54 = tpu.memref_slice %arg2[%dma_wait3A_52, %dma_wait3A_53] : memref<10240x128xf32, #tpu.memory_space<hbm>> -> memref<10240x128xf32, #tpu.memory_space<hbm>>
    tpu.wait_indirect_dma semaphore(%arg11 : memref<!tpu.dma_semaphore, #tpu.memory_space<semaphore_mem>>) src(%dma_wait3A_54 : memref<10240x128xf32, #tpu.memory_space<hbm>>) dst(%arg8 : memref<128x128xf32, #tpu.memory_space<vmem>>)
    %barrier3A_55 = arith.constant 0 : index
    tpu.barrier barrier_id(%barrier3A_55)
    "tpu.region"() ({
      %run_scoped3A = tpu.sem_alloc : memref<!tpu.dma_semaphore, #tpu.memory_space<semaphore_mem>>
      %dma_start3A_56 = arith.constant 0 : i32
      %dma_start3A_57 = tpu.memref_slice %arg4[%arg0, %mul3A_2, %dma_start3A_56] : memref<2x10240x128xf32, #tpu.memory_space<hbm>> -> memref<1x640x128xf32, #tpu.memory_space<hbm>>
      %dma_start3A_58 = tpu.memref_squeeze %dma_start3A_57 : memref<1x640x128xf32, #tpu.memory_space<hbm>> -> memref<640x128xf32, #tpu.memory_space<hbm>>
      %dma_start3A_59 = arith.constant 0 : i32
      %dma_start3A_60 = tpu.memref_slice %arg9[%mul3A_2, %dma_start3A_59] : memref<10240x128xf32, #tpu.memory_space<vmem_shared>> -> memref<640x128xf32, #tpu.memory_space<vmem_shared>>
      tpu.enqueue_dma source(%dma_start3A_60 : memref<640x128xf32, #tpu.memory_space<vmem_shared>>) target(%dma_start3A_58 : memref<640x128xf32, #tpu.memory_space<hbm>>) target_semaphore(%run_scoped3A : memref<!tpu.dma_semaphore, #tpu.memory_space<semaphore_mem>>)
      %dma_wait3A_61 = arith.constant 0 : i32
      %dma_wait3A_62 = tpu.memref_slice %arg4[%arg0, %mul3A_2, %dma_wait3A_61] : memref<2x10240x128xf32, #tpu.memory_space<hbm>> -> memref<1x640x128xf32, #tpu.memory_space<hbm>>
      %dma_wait3A_63 = tpu.memref_squeeze %dma_wait3A_62 : memref<1x640x128xf32, #tpu.memory_space<hbm>> -> memref<640x128xf32, #tpu.memory_space<hbm>>
      %dma_wait3A_64 = arith.constant 0 : i32
      %dma_wait3A_65 = tpu.memref_slice %arg9[%mul3A_2, %dma_wait3A_64] : memref<10240x128xf32, #tpu.memory_space<vmem_shared>> -> memref<640x128xf32, #tpu.memory_space<vmem_shared>>
      tpu.wait_dma2 semaphore(%run_scoped3A : memref<!tpu.dma_semaphore, #tpu.memory_space<semaphore_mem>>) src(%dma_wait3A_65 : memref<640x128xf32, #tpu.memory_space<vmem_shared>>) dst(%dma_wait3A_63 : memref<640x128xf32, #tpu.memory_space<hbm>>)
      tpu.yield
    }) : () -> ()
    return
  }
}

#map = affine_map<(d0, d1) -> (0, 0)>
#map1 = affine_map<(d0, d1) -> (0, 0, 0)>
module attributes {stable_mosaic.version = 14 : i64} {
  func.func @sc_mp128(%arg0: i32, %arg1: i32, %arg2: memref<10240x128xf32, #tpu.memory_space<hbm>>, %arg3: memref<2562x2x128xi32, #tpu.memory_space<hbm>>, %arg4: memref<2x10240x128xf32, #tpu.memory_space<hbm>>, %arg5: memref<2x128xi32, #tpu.memory_space<vmem>>, %arg6: memref<2x128xi32, #tpu.memory_space<vmem>>, %arg7: memref<128x128xf32, #tpu.memory_space<vmem>>, %arg8: memref<128x128xf32, #tpu.memory_space<vmem>>, %arg9: memref<10240x128xf32, #tpu.memory_space<vmem_shared>>, %arg10: memref<!tpu.dma_semaphore, #tpu.memory_space<semaphore_mem>>, %arg11: memref<!tpu.dma_semaphore, #tpu.memory_space<semaphore_mem>>, %arg12: memref<!tpu.dma_semaphore, #tpu.memory_space<semaphore_mem>>, %arg13: memref<!tpu.dma_semaphore, #tpu.memory_space<semaphore_mem>>, %arg14: memref<!tpu.dma_semaphore, #tpu.memory_space<semaphore_mem>>, %arg15: memref<!tpu.dma_semaphore, #tpu.memory_space<semaphore_mem>>) attributes {dimension_semantics = [#tpu.dimension_semantics<core_parallel>, #tpu.dimension_semantics<subcore_parallel>], iteration_bounds = array<i64: 2, 16>, scalar_prefetch = 0 : i64, scratch_operands = 11 : i64, tpu.core_type = #tpu.core_type<sc_vector_subcore>, window_params = [{transform_indices = #map}, {transform_indices = #map1}, {transform_indices = #map1}]} {
    %mul3A = arith.constant 2 : i32
    %mul3A_0 = arith.muli %arg1, %mul3A : i32
    %add3A = arith.addi %mul3A_0, %arg0 : i32
    %mul3A_1 = arith.constant 640 : i32
    %mul3A_2 = arith.muli %arg1, %mul3A_1 : i32
    %mul3A_3 = arith.constant 80 : i32
    %mul3A_4 = arith.muli %add3A, %mul3A_3 : i32
    %broadcast_in_dim3A = arith.constant 0.000000e+00 : f32
    %broadcast_in_dim3A_5 = vector.broadcast %broadcast_in_dim3A : f32 to vector<16xf32>
    %scan3A = arith.constant 0 : i32
    %scan3A_6 = arith.constant 0 : i32
    %scan3A_7 = arith.constant 128 : i32
    %scan3A_8 = arith.addi %scan3A_6, %scan3A_7 : i32
    %scan3A_9 = arith.constant 1 : i32
    scf.for %scan3A_56 = %scan3A_6 to %scan3A_8 step %scan3A_9  : i32 {
      %swap3A = arith.index_cast %scan3A_56 : i32 to index
      %swap3A_57 = arith.constant 0 : index
      %swap3A_58 = tpu.vector_load %arg7[%swap3A, %swap3A_57] {strides = array<i32>} : memref<128x128xf32, #tpu.memory_space<vmem>>, vector<1x16xf32>,
      %swap3A_59 = vector.shape_cast %swap3A_58 : vector<1x16xf32> to vector<16xf32>
      %swap3A_60 = vector.shape_cast %broadcast_in_dim3A_5 : vector<16xf32> to vector<1x16xf32>
      tpu.vector_store %arg7[%swap3A, %swap3A_57], %swap3A_60 {strides = array<i32>} : memref<128x128xf32, #tpu.memory_space<vmem>>, vector<1x16xf32>,
      %swap3A_61 = arith.index_cast %scan3A_56 : i32 to index
      %swap3A_62 = arith.constant 16 : index
      %swap3A_63 = tpu.vector_load %arg7[%swap3A_61, %swap3A_62] {strides = array<i32>} : memref<128x128xf32, #tpu.memory_space<vmem>>, vector<1x16xf32>,
      %swap3A_64 = vector.shape_cast %swap3A_63 : vector<1x16xf32> to vector<16xf32>
      %swap3A_65 = vector.shape_cast %broadcast_in_dim3A_5 : vector<16xf32> to vector<1x16xf32>
      tpu.vector_store %arg7[%swap3A_61, %swap3A_62], %swap3A_65 {strides = array<i32>} : memref<128x128xf32, #tpu.memory_space<vmem>>, vector<1x16xf32>,
      %swap3A_66 = arith.index_cast %scan3A_56 : i32 to index
      %swap3A_67 = arith.constant 32 : index
      %swap3A_68 = tpu.vector_load %arg7[%swap3A_66, %swap3A_67] {strides = array<i32>} : memref<128x128xf32, #tpu.memory_space<vmem>>, vector<1x16xf32>,
      %swap3A_69 = vector.shape_cast %swap3A_68 : vector<1x16xf32> to vector<16xf32>
      %swap3A_70 = vector.shape_cast %broadcast_in_dim3A_5 : vector<16xf32> to vector<1x16xf32>
      tpu.vector_store %arg7[%swap3A_66, %swap3A_67], %swap3A_70 {strides = array<i32>} : memref<128x128xf32, #tpu.memory_space<vmem>>, vector<1x16xf32>,
      %swap3A_71 = arith.index_cast %scan3A_56 : i32 to index
      %swap3A_72 = arith.constant 48 : index
      %swap3A_73 = tpu.vector_load %arg7[%swap3A_71, %swap3A_72] {strides = array<i32>} : memref<128x128xf32, #tpu.memory_space<vmem>>, vector<1x16xf32>,
      %swap3A_74 = vector.shape_cast %swap3A_73 : vector<1x16xf32> to vector<16xf32>
      %swap3A_75 = vector.shape_cast %broadcast_in_dim3A_5 : vector<16xf32> to vector<1x16xf32>
      tpu.vector_store %arg7[%swap3A_71, %swap3A_72], %swap3A_75 {strides = array<i32>} : memref<128x128xf32, #tpu.memory_space<vmem>>, vector<1x16xf32>,
      %swap3A_76 = arith.index_cast %scan3A_56 : i32 to index
      %swap3A_77 = arith.constant 64 : index
      %swap3A_78 = tpu.vector_load %arg7[%swap3A_76, %swap3A_77] {strides = array<i32>} : memref<128x128xf32, #tpu.memory_space<vmem>>, vector<1x16xf32>,
      %swap3A_79 = vector.shape_cast %swap3A_78 : vector<1x16xf32> to vector<16xf32>
      %swap3A_80 = vector.shape_cast %broadcast_in_dim3A_5 : vector<16xf32> to vector<1x16xf32>
      tpu.vector_store %arg7[%swap3A_76, %swap3A_77], %swap3A_80 {strides = array<i32>} : memref<128x128xf32, #tpu.memory_space<vmem>>, vector<1x16xf32>,
      %swap3A_81 = arith.index_cast %scan3A_56 : i32 to index
      %swap3A_82 = arith.constant 80 : index
      %swap3A_83 = tpu.vector_load %arg7[%swap3A_81, %swap3A_82] {strides = array<i32>} : memref<128x128xf32, #tpu.memory_space<vmem>>, vector<1x16xf32>,
      %swap3A_84 = vector.shape_cast %swap3A_83 : vector<1x16xf32> to vector<16xf32>
      %swap3A_85 = vector.shape_cast %broadcast_in_dim3A_5 : vector<16xf32> to vector<1x16xf32>
      tpu.vector_store %arg7[%swap3A_81, %swap3A_82], %swap3A_85 {strides = array<i32>} : memref<128x128xf32, #tpu.memory_space<vmem>>, vector<1x16xf32>,
      %swap3A_86 = arith.index_cast %scan3A_56 : i32 to index
      %swap3A_87 = arith.constant 96 : index
      %swap3A_88 = tpu.vector_load %arg7[%swap3A_86, %swap3A_87] {strides = array<i32>} : memref<128x128xf32, #tpu.memory_space<vmem>>, vector<1x16xf32>,
      %swap3A_89 = vector.shape_cast %swap3A_88 : vector<1x16xf32> to vector<16xf32>
      %swap3A_90 = vector.shape_cast %broadcast_in_dim3A_5 : vector<16xf32> to vector<1x16xf32>
      tpu.vector_store %arg7[%swap3A_86, %swap3A_87], %swap3A_90 {strides = array<i32>} : memref<128x128xf32, #tpu.memory_space<vmem>>, vector<1x16xf32>,
      %swap3A_91 = arith.index_cast %scan3A_56 : i32 to index
      %swap3A_92 = arith.constant 112 : index
      %swap3A_93 = tpu.vector_load %arg7[%swap3A_91, %swap3A_92] {strides = array<i32>} : memref<128x128xf32, #tpu.memory_space<vmem>>, vector<1x16xf32>,
      %swap3A_94 = vector.shape_cast %swap3A_93 : vector<1x16xf32> to vector<16xf32>
      %swap3A_95 = vector.shape_cast %broadcast_in_dim3A_5 : vector<16xf32> to vector<1x16xf32>
      tpu.vector_store %arg7[%swap3A_91, %swap3A_92], %swap3A_95 {strides = array<i32>} : memref<128x128xf32, #tpu.memory_space<vmem>>, vector<1x16xf32>,
    }
    %scan3A_10 = arith.constant 128 : i32
    %add3A_11 = arith.constant 0 : i32
    %add3A_12 = arith.addi %mul3A_2, %add3A_11 : i32
    "tpu.region"() ({
      %run_scoped3A = tpu.sem_alloc : memref<!tpu.dma_semaphore, #tpu.memory_space<semaphore_mem>>
      %dma_start3A_56 = arith.constant 0 : i32
      %dma_start3A_57 = tpu.memref_slice %arg9[%add3A_12, %dma_start3A_56] : memref<10240x128xf32, #tpu.memory_space<vmem_shared>> -> memref<128x128xf32, #tpu.memory_space<vmem_shared>>
      %dma_start3A_58 = arith.constant 0 : i32
      %dma_start3A_59 = tpu.memref_slice %arg9[%add3A_12, %dma_start3A_58] : memref<10240x128xf32, #tpu.memory_space<vmem_shared>> -> memref<128x128xf32, #tpu.memory_space<vmem_shared>>
      tpu.enqueue_dma source(%arg7 : memref<128x128xf32, #tpu.memory_space<vmem>>) target(%dma_start3A_59 : memref<128x128xf32, #tpu.memory_space<vmem_shared>>) target_semaphore(%run_scoped3A : memref<!tpu.dma_semaphore, #tpu.memory_space<semaphore_mem>>)
      %dma_wait3A_60 = arith.constant 0 : i32
      %dma_wait3A_61 = tpu.memref_slice %arg9[%add3A_12, %dma_wait3A_60] : memref<10240x128xf32, #tpu.memory_space<vmem_shared>> -> memref<128x128xf32, #tpu.memory_space<vmem_shared>>
      %dma_wait3A_62 = arith.constant 0 : i32
      %dma_wait3A_63 = tpu.memref_slice %arg9[%add3A_12, %dma_wait3A_62] : memref<10240x128xf32, #tpu.memory_space<vmem_shared>> -> memref<128x128xf32, #tpu.memory_space<vmem_shared>>
      tpu.wait_dma2 semaphore(%run_scoped3A : memref<!tpu.dma_semaphore, #tpu.memory_space<semaphore_mem>>) src(%arg7 : memref<128x128xf32, #tpu.memory_space<vmem>>) dst(%dma_wait3A_63 : memref<128x128xf32, #tpu.memory_space<vmem_shared>>)
      tpu.yield
    }) : () -> ()
    %add3A_13 = arith.constant 128 : i32
    %add3A_14 = arith.addi %mul3A_2, %add3A_13 : i32
    "tpu.region"() ({
      %run_scoped3A = tpu.sem_alloc : memref<!tpu.dma_semaphore, #tpu.memory_space<semaphore_mem>>
      %dma_start3A_56 = arith.constant 0 : i32
      %dma_start3A_57 = tpu.memref_slice %arg9[%add3A_14, %dma_start3A_56] : memref<10240x128xf32, #tpu.memory_space<vmem_shared>> -> memref<128x128xf32, #tpu.memory_space<vmem_shared>>
      %dma_start3A_58 = arith.constant 0 : i32
      %dma_start3A_59 = tpu.memref_slice %arg9[%add3A_14, %dma_start3A_58] : memref<10240x128xf32, #tpu.memory_space<vmem_shared>> -> memref<128x128xf32, #tpu.memory_space<vmem_shared>>
      tpu.enqueue_dma source(%arg7 : memref<128x128xf32, #tpu.memory_space<vmem>>) target(%dma_start3A_59 : memref<128x128xf32, #tpu.memory_space<vmem_shared>>) target_semaphore(%run_scoped3A : memref<!tpu.dma_semaphore, #tpu.memory_space<semaphore_mem>>)
      %dma_wait3A_60 = arith.constant 0 : i32
      %dma_wait3A_61 = tpu.memref_slice %arg9[%add3A_14, %dma_wait3A_60] : memref<10240x128xf32, #tpu.memory_space<vmem_shared>> -> memref<128x128xf32, #tpu.memory_space<vmem_shared>>
      %dma_wait3A_62 = arith.constant 0 : i32
      %dma_wait3A_63 = tpu.memref_slice %arg9[%add3A_14, %dma_wait3A_62] : memref<10240x128xf32, #tpu.memory_space<vmem_shared>> -> memref<128x128xf32, #tpu.memory_space<vmem_shared>>
      tpu.wait_dma2 semaphore(%run_scoped3A : memref<!tpu.dma_semaphore, #tpu.memory_space<semaphore_mem>>) src(%arg7 : memref<128x128xf32, #tpu.memory_space<vmem>>) dst(%dma_wait3A_63 : memref<128x128xf32, #tpu.memory_space<vmem_shared>>)
      tpu.yield
    }) : () -> ()
    %add3A_15 = arith.constant 256 : i32
    %add3A_16 = arith.addi %mul3A_2, %add3A_15 : i32
    "tpu.region"() ({
      %run_scoped3A = tpu.sem_alloc : memref<!tpu.dma_semaphore, #tpu.memory_space<semaphore_mem>>
      %dma_start3A_56 = arith.constant 0 : i32
      %dma_start3A_57 = tpu.memref_slice %arg9[%add3A_16, %dma_start3A_56] : memref<10240x128xf32, #tpu.memory_space<vmem_shared>> -> memref<128x128xf32, #tpu.memory_space<vmem_shared>>
      %dma_start3A_58 = arith.constant 0 : i32
      %dma_start3A_59 = tpu.memref_slice %arg9[%add3A_16, %dma_start3A_58] : memref<10240x128xf32, #tpu.memory_space<vmem_shared>> -> memref<128x128xf32, #tpu.memory_space<vmem_shared>>
      tpu.enqueue_dma source(%arg7 : memref<128x128xf32, #tpu.memory_space<vmem>>) target(%dma_start3A_59 : memref<128x128xf32, #tpu.memory_space<vmem_shared>>) target_semaphore(%run_scoped3A : memref<!tpu.dma_semaphore, #tpu.memory_space<semaphore_mem>>)
      %dma_wait3A_60 = arith.constant 0 : i32
      %dma_wait3A_61 = tpu.memref_slice %arg9[%add3A_16, %dma_wait3A_60] : memref<10240x128xf32, #tpu.memory_space<vmem_shared>> -> memref<128x128xf32, #tpu.memory_space<vmem_shared>>
      %dma_wait3A_62 = arith.constant 0 : i32
      %dma_wait3A_63 = tpu.memref_slice %arg9[%add3A_16, %dma_wait3A_62] : memref<10240x128xf32, #tpu.memory_space<vmem_shared>> -> memref<128x128xf32, #tpu.memory_space<vmem_shared>>
      tpu.wait_dma2 semaphore(%run_scoped3A : memref<!tpu.dma_semaphore, #tpu.memory_space<semaphore_mem>>) src(%arg7 : memref<128x128xf32, #tpu.memory_space<vmem>>) dst(%dma_wait3A_63 : memref<128x128xf32, #tpu.memory_space<vmem_shared>>)
      tpu.yield
    }) : () -> ()
    %add3A_17 = arith.constant 384 : i32
    %add3A_18 = arith.addi %mul3A_2, %add3A_17 : i32
    "tpu.region"() ({
      %run_scoped3A = tpu.sem_alloc : memref<!tpu.dma_semaphore, #tpu.memory_space<semaphore_mem>>
      %dma_start3A_56 = arith.constant 0 : i32
      %dma_start3A_57 = tpu.memref_slice %arg9[%add3A_18, %dma_start3A_56] : memref<10240x128xf32, #tpu.memory_space<vmem_shared>> -> memref<128x128xf32, #tpu.memory_space<vmem_shared>>
      %dma_start3A_58 = arith.constant 0 : i32
      %dma_start3A_59 = tpu.memref_slice %arg9[%add3A_18, %dma_start3A_58] : memref<10240x128xf32, #tpu.memory_space<vmem_shared>> -> memref<128x128xf32, #tpu.memory_space<vmem_shared>>
      tpu.enqueue_dma source(%arg7 : memref<128x128xf32, #tpu.memory_space<vmem>>) target(%dma_start3A_59 : memref<128x128xf32, #tpu.memory_space<vmem_shared>>) target_semaphore(%run_scoped3A : memref<!tpu.dma_semaphore, #tpu.memory_space<semaphore_mem>>)
      %dma_wait3A_60 = arith.constant 0 : i32
      %dma_wait3A_61 = tpu.memref_slice %arg9[%add3A_18, %dma_wait3A_60] : memref<10240x128xf32, #tpu.memory_space<vmem_shared>> -> memref<128x128xf32, #tpu.memory_space<vmem_shared>>
      %dma_wait3A_62 = arith.constant 0 : i32
      %dma_wait3A_63 = tpu.memref_slice %arg9[%add3A_18, %dma_wait3A_62] : memref<10240x128xf32, #tpu.memory_space<vmem_shared>> -> memref<128x128xf32, #tpu.memory_space<vmem_shared>>
      tpu.wait_dma2 semaphore(%run_scoped3A : memref<!tpu.dma_semaphore, #tpu.memory_space<semaphore_mem>>) src(%arg7 : memref<128x128xf32, #tpu.memory_space<vmem>>) dst(%dma_wait3A_63 : memref<128x128xf32, #tpu.memory_space<vmem_shared>>)
      tpu.yield
    }) : () -> ()
    %add3A_19 = arith.constant 512 : i32
    %add3A_20 = arith.addi %mul3A_2, %add3A_19 : i32
    "tpu.region"() ({
      %run_scoped3A = tpu.sem_alloc : memref<!tpu.dma_semaphore, #tpu.memory_space<semaphore_mem>>
      %dma_start3A_56 = arith.constant 0 : i32
      %dma_start3A_57 = tpu.memref_slice %arg9[%add3A_20, %dma_start3A_56] : memref<10240x128xf32, #tpu.memory_space<vmem_shared>> -> memref<128x128xf32, #tpu.memory_space<vmem_shared>>
      %dma_start3A_58 = arith.constant 0 : i32
      %dma_start3A_59 = tpu.memref_slice %arg9[%add3A_20, %dma_start3A_58] : memref<10240x128xf32, #tpu.memory_space<vmem_shared>> -> memref<128x128xf32, #tpu.memory_space<vmem_shared>>
      tpu.enqueue_dma source(%arg7 : memref<128x128xf32, #tpu.memory_space<vmem>>) target(%dma_start3A_59 : memref<128x128xf32, #tpu.memory_space<vmem_shared>>) target_semaphore(%run_scoped3A : memref<!tpu.dma_semaphore, #tpu.memory_space<semaphore_mem>>)
      %dma_wait3A_60 = arith.constant 0 : i32
      %dma_wait3A_61 = tpu.memref_slice %arg9[%add3A_20, %dma_wait3A_60] : memref<10240x128xf32, #tpu.memory_space<vmem_shared>> -> memref<128x128xf32, #tpu.memory_space<vmem_shared>>
      %dma_wait3A_62 = arith.constant 0 : i32
      %dma_wait3A_63 = tpu.memref_slice %arg9[%add3A_20, %dma_wait3A_62] : memref<10240x128xf32, #tpu.memory_space<vmem_shared>> -> memref<128x128xf32, #tpu.memory_space<vmem_shared>>
      tpu.wait_dma2 semaphore(%run_scoped3A : memref<!tpu.dma_semaphore, #tpu.memory_space<semaphore_mem>>) src(%arg7 : memref<128x128xf32, #tpu.memory_space<vmem>>) dst(%dma_wait3A_63 : memref<128x128xf32, #tpu.memory_space<vmem_shared>>)
      tpu.yield
    }) : () -> ()
    "tpu.region"() ({
      %run_scoped3A = tpu.sem_alloc : memref<!tpu.dma_semaphore, #tpu.memory_space<semaphore_mem>>
      %dma_start3A_56 = arith.constant 0 : i32
      %dma_start3A_57 = arith.constant 0 : i32
      %dma_start3A_58 = tpu.memref_slice %arg3[%mul3A_4, %dma_start3A_56, %dma_start3A_57] : memref<2562x2x128xi32, #tpu.memory_space<hbm>> -> memref<1x2x128xi32, #tpu.memory_space<hbm>>
      %dma_start3A_59 = tpu.memref_squeeze %dma_start3A_58 : memref<1x2x128xi32, #tpu.memory_space<hbm>> -> memref<2x128xi32, #tpu.memory_space<hbm>>
      %dma_start3A_60 = arith.constant 0 : i32
      %dma_start3A_61 = arith.constant 0 : i32
      %dma_start3A_62 = tpu.memref_slice %arg3[%mul3A_4, %dma_start3A_60, %dma_start3A_61] : memref<2562x2x128xi32, #tpu.memory_space<hbm>> -> memref<1x2x128xi32, #tpu.memory_space<hbm>>
      %dma_start3A_63 = tpu.memref_squeeze %dma_start3A_62 : memref<1x2x128xi32, #tpu.memory_space<hbm>> -> memref<2x128xi32, #tpu.memory_space<hbm>>
      tpu.enqueue_dma source(%dma_start3A_63 : memref<2x128xi32, #tpu.memory_space<hbm>>) target(%arg5 : memref<2x128xi32, #tpu.memory_space<vmem>>) target_semaphore(%run_scoped3A : memref<!tpu.dma_semaphore, #tpu.memory_space<semaphore_mem>>)
      %dma_wait3A_64 = arith.constant 0 : i32
      %dma_wait3A_65 = arith.constant 0 : i32
      %dma_wait3A_66 = tpu.memref_slice %arg3[%mul3A_4, %dma_wait3A_64, %dma_wait3A_65] : memref<2562x2x128xi32, #tpu.memory_space<hbm>> -> memref<1x2x128xi32, #tpu.memory_space<hbm>>
      %dma_wait3A_67 = tpu.memref_squeeze %dma_wait3A_66 : memref<1x2x128xi32, #tpu.memory_space<hbm>> -> memref<2x128xi32, #tpu.memory_space<hbm>>
      %dma_wait3A_68 = arith.constant 0 : i32
      %dma_wait3A_69 = arith.constant 0 : i32
      %dma_wait3A_70 = tpu.memref_slice %arg3[%mul3A_4, %dma_wait3A_68, %dma_wait3A_69] : memref<2562x2x128xi32, #tpu.memory_space<hbm>> -> memref<1x2x128xi32, #tpu.memory_space<hbm>>
      %dma_wait3A_71 = tpu.memref_squeeze %dma_wait3A_70 : memref<1x2x128xi32, #tpu.memory_space<hbm>> -> memref<2x128xi32, #tpu.memory_space<hbm>>
      tpu.wait_dma2 semaphore(%run_scoped3A : memref<!tpu.dma_semaphore, #tpu.memory_space<semaphore_mem>>) src(%dma_wait3A_71 : memref<2x128xi32, #tpu.memory_space<hbm>>) dst(%arg5 : memref<2x128xi32, #tpu.memory_space<vmem>>)
      tpu.yield
    }) : () -> ()
    %add3A_21 = arith.constant 1 : i32
    %add3A_22 = arith.addi %mul3A_4, %add3A_21 : i32
    "tpu.region"() ({
      %run_scoped3A = tpu.sem_alloc : memref<!tpu.dma_semaphore, #tpu.memory_space<semaphore_mem>>
      %dma_start3A_56 = arith.constant 0 : i32
      %dma_start3A_57 = arith.constant 0 : i32
      %dma_start3A_58 = tpu.memref_slice %arg3[%add3A_22, %dma_start3A_56, %dma_start3A_57] : memref<2562x2x128xi32, #tpu.memory_space<hbm>> -> memref<1x2x128xi32, #tpu.memory_space<hbm>>
      %dma_start3A_59 = tpu.memref_squeeze %dma_start3A_58 : memref<1x2x128xi32, #tpu.memory_space<hbm>> -> memref<2x128xi32, #tpu.memory_space<hbm>>
      %dma_start3A_60 = arith.constant 0 : i32
      %dma_start3A_61 = arith.constant 0 : i32
      %dma_start3A_62 = tpu.memref_slice %arg3[%add3A_22, %dma_start3A_60, %dma_start3A_61] : memref<2562x2x128xi32, #tpu.memory_space<hbm>> -> memref<1x2x128xi32, #tpu.memory_space<hbm>>
      %dma_start3A_63 = tpu.memref_squeeze %dma_start3A_62 : memref<1x2x128xi32, #tpu.memory_space<hbm>> -> memref<2x128xi32, #tpu.memory_space<hbm>>
      tpu.enqueue_dma source(%dma_start3A_63 : memref<2x128xi32, #tpu.memory_space<hbm>>) target(%arg6 : memref<2x128xi32, #tpu.memory_space<vmem>>) target_semaphore(%run_scoped3A : memref<!tpu.dma_semaphore, #tpu.memory_space<semaphore_mem>>)
      %dma_wait3A_64 = arith.constant 0 : i32
      %dma_wait3A_65 = arith.constant 0 : i32
      %dma_wait3A_66 = tpu.memref_slice %arg3[%add3A_22, %dma_wait3A_64, %dma_wait3A_65] : memref<2562x2x128xi32, #tpu.memory_space<hbm>> -> memref<1x2x128xi32, #tpu.memory_space<hbm>>
      %dma_wait3A_67 = tpu.memref_squeeze %dma_wait3A_66 : memref<1x2x128xi32, #tpu.memory_space<hbm>> -> memref<2x128xi32, #tpu.memory_space<hbm>>
      %dma_wait3A_68 = arith.constant 0 : i32
      %dma_wait3A_69 = arith.constant 0 : i32
      %dma_wait3A_70 = tpu.memref_slice %arg3[%add3A_22, %dma_wait3A_68, %dma_wait3A_69] : memref<2562x2x128xi32, #tpu.memory_space<hbm>> -> memref<1x2x128xi32, #tpu.memory_space<hbm>>
      %dma_wait3A_71 = tpu.memref_squeeze %dma_wait3A_70 : memref<1x2x128xi32, #tpu.memory_space<hbm>> -> memref<2x128xi32, #tpu.memory_space<hbm>>
      tpu.wait_dma2 semaphore(%run_scoped3A : memref<!tpu.dma_semaphore, #tpu.memory_space<semaphore_mem>>) src(%dma_wait3A_71 : memref<2x128xi32, #tpu.memory_space<hbm>>) dst(%arg6 : memref<2x128xi32, #tpu.memory_space<vmem>>)
      tpu.yield
    }) : () -> ()
    %dma_start3A = arith.constant 0 : i32
    %dma_start3A_23 = arith.constant 0 : i32
    %dma_start3A_24 = tpu.memref_slice %arg5[%dma_start3A, %dma_start3A_23] : memref<2x128xi32, #tpu.memory_space<vmem>> -> memref<1x128xi32, #tpu.memory_space<vmem>>
    %dma_start3A_25 = tpu.memref_squeeze %dma_start3A_24 : memref<1x128xi32, #tpu.memory_space<vmem>> -> memref<128xi32, #tpu.memory_space<vmem>>
    %dma_start3A_26 = arith.constant 0 : i32
    %dma_start3A_27 = arith.constant 0 : i32
    %dma_start3A_28 = tpu.memref_slice %arg2[%dma_start3A_26, %dma_start3A_27] : memref<10240x128xf32, #tpu.memory_space<hbm>> -> memref<10240x128xf32, #tpu.memory_space<hbm>>
    tpu.enqueue_indirect_dma source(%dma_start3A_28 : memref<10240x128xf32, #tpu.memory_space<hbm>>) target(%arg7 : memref<128x128xf32, #tpu.memory_space<vmem>>) offsets(%dma_start3A_25 : memref<128xi32, #tpu.memory_space<vmem>>) semaphore(%arg10 : memref<!tpu.dma_semaphore, #tpu.memory_space<semaphore_mem>>)
    %dma_start3A_29 = arith.constant 0 : i32
    %dma_start3A_30 = arith.constant 0 : i32
    %dma_start3A_31 = tpu.memref_slice %arg6[%dma_start3A_29, %dma_start3A_30] : memref<2x128xi32, #tpu.memory_space<vmem>> -> memref<1x128xi32, #tpu.memory_space<vmem>>
    %dma_start3A_32 = tpu.memref_squeeze %dma_start3A_31 : memref<1x128xi32, #tpu.memory_space<vmem>> -> memref<128xi32, #tpu.memory_space<vmem>>
    %dma_start3A_33 = arith.constant 0 : i32
    %dma_start3A_34 = arith.constant 0 : i32
    %dma_start3A_35 = tpu.memref_slice %arg2[%dma_start3A_33, %dma_start3A_34] : memref<10240x128xf32, #tpu.memory_space<hbm>> -> memref<10240x128xf32, #tpu.memory_space<hbm>>
    tpu.enqueue_indirect_dma source(%dma_start3A_35 : memref<10240x128xf32, #tpu.memory_space<hbm>>) target(%arg8 : memref<128x128xf32, #tpu.memory_space<vmem>>) offsets(%dma_start3A_32 : memref<128xi32, #tpu.memory_space<vmem>>) semaphore(%arg11 : memref<!tpu.dma_semaphore, #tpu.memory_space<semaphore_mem>>)
    %barrier3A = arith.constant 0 : index
    tpu.barrier barrier_id(%barrier3A)
    %scan3A_36 = arith.constant 0 : i32
    %scan3A_37 = arith.constant 0 : i32
    %scan3A_38 = arith.constant 40 : i32
    %scan3A_39 = arith.addi %scan3A_37, %scan3A_38 : i32
    %scan3A_40 = arith.constant 1 : i32
    scf.for %scan3A_56 = %scan3A_37 to %scan3A_39 step %scan3A_40  : i32 {
      %mul3A_57 = arith.constant 2 : i32
      %mul3A_58 = arith.muli %mul3A_57, %scan3A_56 : i32
      %add3A_59 = arith.addi %mul3A_4, %mul3A_58 : i32
      %add3A_60 = arith.constant 2 : i32
      %add3A_61 = arith.addi %add3A_59, %add3A_60 : i32
      %dma_wait3A_62 = arith.constant 0 : i32
      %dma_wait3A_63 = arith.constant 0 : i32
      %dma_wait3A_64 = tpu.memref_slice %arg5[%dma_wait3A_62, %dma_wait3A_63] : memref<2x128xi32, #tpu.memory_space<vmem>> -> memref<1x128xi32, #tpu.memory_space<vmem>>
      %dma_wait3A_65 = tpu.memref_squeeze %dma_wait3A_64 : memref<1x128xi32, #tpu.memory_space<vmem>> -> memref<128xi32, #tpu.memory_space<vmem>>
      %dma_wait3A_66 = arith.constant 0 : i32
      %dma_wait3A_67 = arith.constant 0 : i32
      %dma_wait3A_68 = tpu.memref_slice %arg2[%dma_wait3A_66, %dma_wait3A_67] : memref<10240x128xf32, #tpu.memory_space<hbm>> -> memref<10240x128xf32, #tpu.memory_space<hbm>>
      tpu.wait_indirect_dma semaphore(%arg10 : memref<!tpu.dma_semaphore, #tpu.memory_space<semaphore_mem>>) src(%dma_wait3A_68 : memref<10240x128xf32, #tpu.memory_space<hbm>>) dst(%arg7 : memref<128x128xf32, #tpu.memory_space<vmem>>)
      %dma_start3A_69 = arith.constant 1 : i32
      %dma_start3A_70 = arith.constant 0 : i32
      %dma_start3A_71 = tpu.memref_slice %arg5[%dma_start3A_69, %dma_start3A_70] : memref<2x128xi32, #tpu.memory_space<vmem>> -> memref<1x128xi32, #tpu.memory_space<vmem>>
      %dma_start3A_72 = tpu.memref_squeeze %dma_start3A_71 : memref<1x128xi32, #tpu.memory_space<vmem>> -> memref<128xi32, #tpu.memory_space<vmem>>
      %dma_start3A_73 = arith.constant 0 : i32
      %dma_start3A_74 = arith.constant 0 : i32
      %dma_start3A_75 = tpu.memref_slice %arg9[%dma_start3A_73, %dma_start3A_74] : memref<10240x128xf32, #tpu.memory_space<vmem_shared>> -> memref<10240x128xf32, #tpu.memory_space<vmem_shared>>
      tpu.enqueue_indirect_dma source(%arg7 : memref<128x128xf32, #tpu.memory_space<vmem>>) target(%dma_start3A_75 : memref<10240x128xf32, #tpu.memory_space<vmem_shared>>) offsets(%dma_start3A_72 : memref<128xi32, #tpu.memory_space<vmem>>) semaphore(%arg12 : memref<!tpu.dma_semaphore, #tpu.memory_space<semaphore_mem>>) {add = true}
      %dma_wait3A_76 = arith.constant 0 : i32
      %dma_wait3A_77 = arith.constant 0 : i32
      %dma_wait3A_78 = tpu.memref_slice %arg6[%dma_wait3A_76, %dma_wait3A_77] : memref<2x128xi32, #tpu.memory_space<vmem>> -> memref<1x128xi32, #tpu.memory_space<vmem>>
      %dma_wait3A_79 = tpu.memref_squeeze %dma_wait3A_78 : memref<1x128xi32, #tpu.memory_space<vmem>> -> memref<128xi32, #tpu.memory_space<vmem>>
      %dma_wait3A_80 = arith.constant 0 : i32
      %dma_wait3A_81 = arith.constant 0 : i32
      %dma_wait3A_82 = tpu.memref_slice %arg2[%dma_wait3A_80, %dma_wait3A_81] : memref<10240x128xf32, #tpu.memory_space<hbm>> -> memref<10240x128xf32, #tpu.memory_space<hbm>>
      tpu.wait_indirect_dma semaphore(%arg11 : memref<!tpu.dma_semaphore, #tpu.memory_space<semaphore_mem>>) src(%dma_wait3A_82 : memref<10240x128xf32, #tpu.memory_space<hbm>>) dst(%arg8 : memref<128x128xf32, #tpu.memory_space<vmem>>)
      %dma_wait3A_83 = arith.constant 1 : i32
      %dma_wait3A_84 = arith.constant 0 : i32
      %dma_wait3A_85 = tpu.memref_slice %arg5[%dma_wait3A_83, %dma_wait3A_84] : memref<2x128xi32, #tpu.memory_space<vmem>> -> memref<1x128xi32, #tpu.memory_space<vmem>>
      %dma_wait3A_86 = tpu.memref_squeeze %dma_wait3A_85 : memref<1x128xi32, #tpu.memory_space<vmem>> -> memref<128xi32, #tpu.memory_space<vmem>>
      %dma_wait3A_87 = arith.constant 0 : i32
      %dma_wait3A_88 = arith.constant 0 : i32
      %dma_wait3A_89 = tpu.memref_slice %arg9[%dma_wait3A_87, %dma_wait3A_88] : memref<10240x128xf32, #tpu.memory_space<vmem_shared>> -> memref<10240x128xf32, #tpu.memory_space<vmem_shared>>
      tpu.wait_indirect_dma semaphore(%arg12 : memref<!tpu.dma_semaphore, #tpu.memory_space<semaphore_mem>>) src(%arg7 : memref<128x128xf32, #tpu.memory_space<vmem>>) dst(%dma_wait3A_89 : memref<10240x128xf32, #tpu.memory_space<vmem_shared>>)
      %dma_start3A_90 = arith.constant 0 : i32
      %dma_start3A_91 = arith.constant 0 : i32
      %dma_start3A_92 = tpu.memref_slice %arg3[%add3A_61, %dma_start3A_90, %dma_start3A_91] : memref<2562x2x128xi32, #tpu.memory_space<hbm>> -> memref<1x2x128xi32, #tpu.memory_space<hbm>>
      %dma_start3A_93 = tpu.memref_squeeze %dma_start3A_92 : memref<1x2x128xi32, #tpu.memory_space<hbm>> -> memref<2x128xi32, #tpu.memory_space<hbm>>
      %dma_start3A_94 = arith.constant 0 : i32
      %dma_start3A_95 = arith.constant 0 : i32
      %dma_start3A_96 = tpu.memref_slice %arg3[%add3A_61, %dma_start3A_94, %dma_start3A_95] : memref<2562x2x128xi32, #tpu.memory_space<hbm>> -> memref<1x2x128xi32, #tpu.memory_space<hbm>>
      %dma_start3A_97 = tpu.memref_squeeze %dma_start3A_96 : memref<1x2x128xi32, #tpu.memory_space<hbm>> -> memref<2x128xi32, #tpu.memory_space<hbm>>
      tpu.enqueue_dma source(%dma_start3A_97 : memref<2x128xi32, #tpu.memory_space<hbm>>) target(%arg5 : memref<2x128xi32, #tpu.memory_space<vmem>>) target_semaphore(%arg14 : memref<!tpu.dma_semaphore, #tpu.memory_space<semaphore_mem>>)
      %dma_start3A_98 = arith.constant 1 : i32
      %dma_start3A_99 = arith.constant 0 : i32
      %dma_start3A_100 = tpu.memref_slice %arg6[%dma_start3A_98, %dma_start3A_99] : memref<2x128xi32, #tpu.memory_space<vmem>> -> memref<1x128xi32, #tpu.memory_space<vmem>>
      %dma_start3A_101 = tpu.memref_squeeze %dma_start3A_100 : memref<1x128xi32, #tpu.memory_space<vmem>> -> memref<128xi32, #tpu.memory_space<vmem>>
      %dma_start3A_102 = arith.constant 0 : i32
      %dma_start3A_103 = arith.constant 0 : i32
      %dma_start3A_104 = tpu.memref_slice %arg9[%dma_start3A_102, %dma_start3A_103] : memref<10240x128xf32, #tpu.memory_space<vmem_shared>> -> memref<10240x128xf32, #tpu.memory_space<vmem_shared>>
      tpu.enqueue_indirect_dma source(%arg8 : memref<128x128xf32, #tpu.memory_space<vmem>>) target(%dma_start3A_104 : memref<10240x128xf32, #tpu.memory_space<vmem_shared>>) offsets(%dma_start3A_101 : memref<128xi32, #tpu.memory_space<vmem>>) semaphore(%arg13 : memref<!tpu.dma_semaphore, #tpu.memory_space<semaphore_mem>>) {add = true}
      %dma_wait3A_105 = arith.constant 0 : i32
      %dma_wait3A_106 = arith.constant 0 : i32
      %dma_wait3A_107 = tpu.memref_slice %arg3[%add3A_61, %dma_wait3A_105, %dma_wait3A_106] : memref<2562x2x128xi32, #tpu.memory_space<hbm>> -> memref<1x2x128xi32, #tpu.memory_space<hbm>>
      %dma_wait3A_108 = tpu.memref_squeeze %dma_wait3A_107 : memref<1x2x128xi32, #tpu.memory_space<hbm>> -> memref<2x128xi32, #tpu.memory_space<hbm>>
      %dma_wait3A_109 = arith.constant 0 : i32
      %dma_wait3A_110 = arith.constant 0 : i32
      %dma_wait3A_111 = tpu.memref_slice %arg3[%add3A_61, %dma_wait3A_109, %dma_wait3A_110] : memref<2562x2x128xi32, #tpu.memory_space<hbm>> -> memref<1x2x128xi32, #tpu.memory_space<hbm>>
      %dma_wait3A_112 = tpu.memref_squeeze %dma_wait3A_111 : memref<1x2x128xi32, #tpu.memory_space<hbm>> -> memref<2x128xi32, #tpu.memory_space<hbm>>
      tpu.wait_dma2 semaphore(%arg14 : memref<!tpu.dma_semaphore, #tpu.memory_space<semaphore_mem>>) src(%dma_wait3A_112 : memref<2x128xi32, #tpu.memory_space<hbm>>) dst(%arg5 : memref<2x128xi32, #tpu.memory_space<vmem>>)
      %dma_start3A_113 = arith.constant 0 : i32
      %dma_start3A_114 = arith.constant 0 : i32
      %dma_start3A_115 = tpu.memref_slice %arg5[%dma_start3A_113, %dma_start3A_114] : memref<2x128xi32, #tpu.memory_space<vmem>> -> memref<1x128xi32, #tpu.memory_space<vmem>>
      %dma_start3A_116 = tpu.memref_squeeze %dma_start3A_115 : memref<1x128xi32, #tpu.memory_space<vmem>> -> memref<128xi32, #tpu.memory_space<vmem>>
      %dma_start3A_117 = arith.constant 0 : i32
      %dma_start3A_118 = arith.constant 0 : i32
      %dma_start3A_119 = tpu.memref_slice %arg2[%dma_start3A_117, %dma_start3A_118] : memref<10240x128xf32, #tpu.memory_space<hbm>> -> memref<10240x128xf32, #tpu.memory_space<hbm>>
      tpu.enqueue_indirect_dma source(%dma_start3A_119 : memref<10240x128xf32, #tpu.memory_space<hbm>>) target(%arg7 : memref<128x128xf32, #tpu.memory_space<vmem>>) offsets(%dma_start3A_116 : memref<128xi32, #tpu.memory_space<vmem>>) semaphore(%arg10 : memref<!tpu.dma_semaphore, #tpu.memory_space<semaphore_mem>>)
      %dma_wait3A_120 = arith.constant 1 : i32
      %dma_wait3A_121 = arith.constant 0 : i32
      %dma_wait3A_122 = tpu.memref_slice %arg6[%dma_wait3A_120, %dma_wait3A_121] : memref<2x128xi32, #tpu.memory_space<vmem>> -> memref<1x128xi32, #tpu.memory_space<vmem>>
      %dma_wait3A_123 = tpu.memref_squeeze %dma_wait3A_122 : memref<1x128xi32, #tpu.memory_space<vmem>> -> memref<128xi32, #tpu.memory_space<vmem>>
      %dma_wait3A_124 = arith.constant 0 : i32
      %dma_wait3A_125 = arith.constant 0 : i32
      %dma_wait3A_126 = tpu.memref_slice %arg9[%dma_wait3A_124, %dma_wait3A_125] : memref<10240x128xf32, #tpu.memory_space<vmem_shared>> -> memref<10240x128xf32, #tpu.memory_space<vmem_shared>>
      tpu.wait_indirect_dma semaphore(%arg13 : memref<!tpu.dma_semaphore, #tpu.memory_space<semaphore_mem>>) src(%arg8 : memref<128x128xf32, #tpu.memory_space<vmem>>) dst(%dma_wait3A_126 : memref<10240x128xf32, #tpu.memory_space<vmem_shared>>)
      %add3A_127 = arith.constant 1 : i32
      %add3A_128 = arith.addi %add3A_61, %add3A_127 : i32
      %dma_start3A_129 = arith.constant 0 : i32
      %dma_start3A_130 = arith.constant 0 : i32
      %dma_start3A_131 = tpu.memref_slice %arg3[%add3A_128, %dma_start3A_129, %dma_start3A_130] : memref<2562x2x128xi32, #tpu.memory_space<hbm>> -> memref<1x2x128xi32, #tpu.memory_space<hbm>>
      %dma_start3A_132 = tpu.memref_squeeze %dma_start3A_131 : memref<1x2x128xi32, #tpu.memory_space<hbm>> -> memref<2x128xi32, #tpu.memory_space<hbm>>
      %dma_start3A_133 = arith.constant 0 : i32
      %dma_start3A_134 = arith.constant 0 : i32
      %dma_start3A_135 = tpu.memref_slice %arg3[%add3A_128, %dma_start3A_133, %dma_start3A_134] : memref<2562x2x128xi32, #tpu.memory_space<hbm>> -> memref<1x2x128xi32, #tpu.memory_space<hbm>>
      %dma_start3A_136 = tpu.memref_squeeze %dma_start3A_135 : memref<1x2x128xi32, #tpu.memory_space<hbm>> -> memref<2x128xi32, #tpu.memory_space<hbm>>
      tpu.enqueue_dma source(%dma_start3A_136 : memref<2x128xi32, #tpu.memory_space<hbm>>) target(%arg6 : memref<2x128xi32, #tpu.memory_space<vmem>>) target_semaphore(%arg15 : memref<!tpu.dma_semaphore, #tpu.memory_space<semaphore_mem>>)
      %dma_wait3A_137 = arith.constant 0 : i32
      %dma_wait3A_138 = arith.constant 0 : i32
      %dma_wait3A_139 = tpu.memref_slice %arg3[%add3A_128, %dma_wait3A_137, %dma_wait3A_138] : memref<2562x2x128xi32, #tpu.memory_space<hbm>> -> memref<1x2x128xi32, #tpu.memory_space<hbm>>
      %dma_wait3A_140 = tpu.memref_squeeze %dma_wait3A_139 : memref<1x2x128xi32, #tpu.memory_space<hbm>> -> memref<2x128xi32, #tpu.memory_space<hbm>>
      %dma_wait3A_141 = arith.constant 0 : i32
      %dma_wait3A_142 = arith.constant 0 : i32
      %dma_wait3A_143 = tpu.memref_slice %arg3[%add3A_128, %dma_wait3A_141, %dma_wait3A_142] : memref<2562x2x128xi32, #tpu.memory_space<hbm>> -> memref<1x2x128xi32, #tpu.memory_space<hbm>>
      %dma_wait3A_144 = tpu.memref_squeeze %dma_wait3A_143 : memref<1x2x128xi32, #tpu.memory_space<hbm>> -> memref<2x128xi32, #tpu.memory_space<hbm>>
      tpu.wait_dma2 semaphore(%arg15 : memref<!tpu.dma_semaphore, #tpu.memory_space<semaphore_mem>>) src(%dma_wait3A_144 : memref<2x128xi32, #tpu.memory_space<hbm>>) dst(%arg6 : memref<2x128xi32, #tpu.memory_space<vmem>>)
      %dma_start3A_145 = arith.constant 0 : i32
      %dma_start3A_146 = arith.constant 0 : i32
      %dma_start3A_147 = tpu.memref_slice %arg6[%dma_start3A_145, %dma_start3A_146] : memref<2x128xi32, #tpu.memory_space<vmem>> -> memref<1x128xi32, #tpu.memory_space<vmem>>
      %dma_start3A_148 = tpu.memref_squeeze %dma_start3A_147 : memref<1x128xi32, #tpu.memory_space<vmem>> -> memref<128xi32, #tpu.memory_space<vmem>>
      %dma_start3A_149 = arith.constant 0 : i32
      %dma_start3A_150 = arith.constant 0 : i32
      %dma_start3A_151 = tpu.memref_slice %arg2[%dma_start3A_149, %dma_start3A_150] : memref<10240x128xf32, #tpu.memory_space<hbm>> -> memref<10240x128xf32, #tpu.memory_space<hbm>>
      tpu.enqueue_indirect_dma source(%dma_start3A_151 : memref<10240x128xf32, #tpu.memory_space<hbm>>) target(%arg8 : memref<128x128xf32, #tpu.memory_space<vmem>>) offsets(%dma_start3A_148 : memref<128xi32, #tpu.memory_space<vmem>>) semaphore(%arg11 : memref<!tpu.dma_semaphore, #tpu.memory_space<semaphore_mem>>)
    }
    %scan3A_41 = arith.constant 40 : i32
    %dma_wait3A = arith.constant 0 : i32
    %dma_wait3A_42 = arith.constant 0 : i32
    %dma_wait3A_43 = tpu.memref_slice %arg5[%dma_wait3A, %dma_wait3A_42] : memref<2x128xi32, #tpu.memory_space<vmem>> -> memref<1x128xi32, #tpu.memory_space<vmem>>
    %dma_wait3A_44 = tpu.memref_squeeze %dma_wait3A_43 : memref<1x128xi32, #tpu.memory_space<vmem>> -> memref<128xi32, #tpu.memory_space<vmem>>
    %dma_wait3A_45 = arith.constant 0 : i32
    %dma_wait3A_46 = arith.constant 0 : i32
    %dma_wait3A_47 = tpu.memref_slice %arg2[%dma_wait3A_45, %dma_wait3A_46] : memref<10240x128xf32, #tpu.memory_space<hbm>> -> memref<10240x128xf32, #tpu.memory_space<hbm>>
    tpu.wait_indirect_dma semaphore(%arg10 : memref<!tpu.dma_semaphore, #tpu.memory_space<semaphore_mem>>) src(%dma_wait3A_47 : memref<10240x128xf32, #tpu.memory_space<hbm>>) dst(%arg7 : memref<128x128xf32, #tpu.memory_space<vmem>>)
    %dma_wait3A_48 = arith.constant 0 : i32
    %dma_wait3A_49 = arith.constant 0 : i32
    %dma_wait3A_50 = tpu.memref_slice %arg6[%dma_wait3A_48, %dma_wait3A_49] : memref<2x128xi32, #tpu.memory_space<vmem>> -> memref<1x128xi32, #tpu.memory_space<vmem>>
    %dma_wait3A_51 = tpu.memref_squeeze %dma_wait3A_50 : memref<1x128xi32, #tpu.memory_space<vmem>> -> memref<128xi32, #tpu.memory_space<vmem>>
    %dma_wait3A_52 = arith.constant 0 : i32
    %dma_wait3A_53 = arith.constant 0 : i32
    %dma_wait3A_54 = tpu.memref_slice %arg2[%dma_wait3A_52, %dma_wait3A_53] : memref<10240x128xf32, #tpu.memory_space<hbm>> -> memref<10240x128xf32, #tpu.memory_space<hbm>>
    tpu.wait_indirect_dma semaphore(%arg11 : memref<!tpu.dma_semaphore, #tpu.memory_space<semaphore_mem>>) src(%dma_wait3A_54 : memref<10240x128xf32, #tpu.memory_space<hbm>>) dst(%arg8 : memref<128x128xf32, #tpu.memory_space<vmem>>)
    %barrier3A_55 = arith.constant 0 : index
    tpu.barrier barrier_id(%barrier3A_55)
    "tpu.region"() ({
      %run_scoped3A = tpu.sem_alloc : memref<!tpu.dma_semaphore, #tpu.memory_space<semaphore_mem>>
      %dma_start3A_56 = arith.constant 0 : i32
      %dma_start3A_57 = tpu.memref_slice %arg4[%arg0, %mul3A_2, %dma_start3A_56] : memref<2x10240x128xf32, #tpu.memory_space<hbm>> -> memref<1x640x128xf32, #tpu.memory_space<hbm>>
      %dma_start3A_58 = tpu.memref_squeeze %dma_start3A_57 : memref<1x640x128xf32, #tpu.memory_space<hbm>> -> memref<640x128xf32, #tpu.memory_space<hbm>>
      %dma_start3A_59 = arith.constant 0 : i32
      %dma_start3A_60 = tpu.memref_slice %arg9[%mul3A_2, %dma_start3A_59] : memref<10240x128xf32, #tpu.memory_space<vmem_shared>> -> memref<640x128xf32, #tpu.memory_space<vmem_shared>>
      tpu.enqueue_dma source(%dma_start3A_60 : memref<640x128xf32, #tpu.memory_space<vmem_shared>>) target(%dma_start3A_58 : memref<640x128xf32, #tpu.memory_space<hbm>>) target_semaphore(%run_scoped3A : memref<!tpu.dma_semaphore, #tpu.memory_space<semaphore_mem>>)
      %dma_wait3A_61 = arith.constant 0 : i32
      %dma_wait3A_62 = tpu.memref_slice %arg4[%arg0, %mul3A_2, %dma_wait3A_61] : memref<2x10240x128xf32, #tpu.memory_space<hbm>> -> memref<1x640x128xf32, #tpu.memory_space<hbm>>
      %dma_wait3A_63 = tpu.memref_squeeze %dma_wait3A_62 : memref<1x640x128xf32, #tpu.memory_space<hbm>> -> memref<640x128xf32, #tpu.memory_space<hbm>>
      %dma_wait3A_64 = arith.constant 0 : i32
      %dma_wait3A_65 = tpu.memref_slice %arg9[%mul3A_2, %dma_wait3A_64] : memref<10240x128xf32, #tpu.memory_space<vmem_shared>> -> memref<640x128xf32, #tpu.memory_space<vmem_shared>>
      tpu.wait_dma2 semaphore(%run_scoped3A : memref<!tpu.dma_semaphore, #tpu.memory_space<semaphore_mem>>) src(%dma_wait3A_65 : memref<640x128xf32, #tpu.memory_space<vmem_shared>>) dst(%dma_wait3A_63 : memref<640x128xf32, #tpu.memory_space<hbm>>)
      tpu.yield
    }) : () -> ()
    return
  }
}

#map = affine_map<(d0, d1) -> (0, 0)>
#map1 = affine_map<(d0, d1) -> (0, 0, 0)>
module attributes {stable_mosaic.version = 14 : i64} {
  func.func @sc_mp128(%arg0: i32, %arg1: i32, %arg2: memref<10240x128xf32, #tpu.memory_space<hbm>>, %arg3: memref<2562x2x128xi32, #tpu.memory_space<hbm>>, %arg4: memref<2x10240x128xf32, #tpu.memory_space<hbm>>, %arg5: memref<2x128xi32, #tpu.memory_space<vmem>>, %arg6: memref<2x128xi32, #tpu.memory_space<vmem>>, %arg7: memref<128x128xf32, #tpu.memory_space<vmem>>, %arg8: memref<128x128xf32, #tpu.memory_space<vmem>>, %arg9: memref<10240x128xf32, #tpu.memory_space<vmem_shared>>, %arg10: memref<!tpu.dma_semaphore, #tpu.memory_space<semaphore_mem>>, %arg11: memref<!tpu.dma_semaphore, #tpu.memory_space<semaphore_mem>>, %arg12: memref<!tpu.dma_semaphore, #tpu.memory_space<semaphore_mem>>, %arg13: memref<!tpu.dma_semaphore, #tpu.memory_space<semaphore_mem>>, %arg14: memref<!tpu.dma_semaphore, #tpu.memory_space<semaphore_mem>>, %arg15: memref<!tpu.dma_semaphore, #tpu.memory_space<semaphore_mem>>) attributes {dimension_semantics = [#tpu.dimension_semantics<core_parallel>, #tpu.dimension_semantics<subcore_parallel>], iteration_bounds = array<i64: 2, 16>, scalar_prefetch = 0 : i64, scratch_operands = 11 : i64, tpu.core_type = #tpu.core_type<sc_vector_subcore>, window_params = [{transform_indices = #map}, {transform_indices = #map1}, {transform_indices = #map1}]} {
    %mul3A = arith.constant 2 : i32
    %mul3A_0 = arith.muli %arg1, %mul3A : i32
    %add3A = arith.addi %mul3A_0, %arg0 : i32
    %mul3A_1 = arith.constant 640 : i32
    %mul3A_2 = arith.muli %arg1, %mul3A_1 : i32
    %mul3A_3 = arith.constant 80 : i32
    %mul3A_4 = arith.muli %add3A, %mul3A_3 : i32
    %broadcast_in_dim3A = arith.constant 0.000000e+00 : f32
    %broadcast_in_dim3A_5 = vector.broadcast %broadcast_in_dim3A : f32 to vector<16xf32>
    %scan3A = arith.constant 0 : i32
    %scan3A_6 = arith.constant 0 : i32
    %scan3A_7 = arith.constant 128 : i32
    %scan3A_8 = arith.addi %scan3A_6, %scan3A_7 : i32
    %scan3A_9 = arith.constant 1 : i32
    scf.for %scan3A_56 = %scan3A_6 to %scan3A_8 step %scan3A_9  : i32 {
      %swap3A = arith.index_cast %scan3A_56 : i32 to index
      %swap3A_57 = arith.constant 0 : index
      %swap3A_58 = tpu.vector_load %arg7[%swap3A, %swap3A_57] {strides = array<i32>} : memref<128x128xf32, #tpu.memory_space<vmem>>, vector<1x16xf32>,
      %swap3A_59 = vector.shape_cast %swap3A_58 : vector<1x16xf32> to vector<16xf32>
      %swap3A_60 = vector.shape_cast %broadcast_in_dim3A_5 : vector<16xf32> to vector<1x16xf32>
      tpu.vector_store %arg7[%swap3A, %swap3A_57], %swap3A_60 {strides = array<i32>} : memref<128x128xf32, #tpu.memory_space<vmem>>, vector<1x16xf32>,
      %swap3A_61 = arith.index_cast %scan3A_56 : i32 to index
      %swap3A_62 = arith.constant 16 : index
      %swap3A_63 = tpu.vector_load %arg7[%swap3A_61, %swap3A_62] {strides = array<i32>} : memref<128x128xf32, #tpu.memory_space<vmem>>, vector<1x16xf32>,
      %swap3A_64 = vector.shape_cast %swap3A_63 : vector<1x16xf32> to vector<16xf32>
      %swap3A_65 = vector.shape_cast %broadcast_in_dim3A_5 : vector<16xf32> to vector<1x16xf32>
      tpu.vector_store %arg7[%swap3A_61, %swap3A_62], %swap3A_65 {strides = array<i32>} : memref<128x128xf32, #tpu.memory_space<vmem>>, vector<1x16xf32>,
      %swap3A_66 = arith.index_cast %scan3A_56 : i32 to index
      %swap3A_67 = arith.constant 32 : index
      %swap3A_68 = tpu.vector_load %arg7[%swap3A_66, %swap3A_67] {strides = array<i32>} : memref<128x128xf32, #tpu.memory_space<vmem>>, vector<1x16xf32>,
      %swap3A_69 = vector.shape_cast %swap3A_68 : vector<1x16xf32> to vector<16xf32>
      %swap3A_70 = vector.shape_cast %broadcast_in_dim3A_5 : vector<16xf32> to vector<1x16xf32>
      tpu.vector_store %arg7[%swap3A_66, %swap3A_67], %swap3A_70 {strides = array<i32>} : memref<128x128xf32, #tpu.memory_space<vmem>>, vector<1x16xf32>,
      %swap3A_71 = arith.index_cast %scan3A_56 : i32 to index
      %swap3A_72 = arith.constant 48 : index
      %swap3A_73 = tpu.vector_load %arg7[%swap3A_71, %swap3A_72] {strides = array<i32>} : memref<128x128xf32, #tpu.memory_space<vmem>>, vector<1x16xf32>,
      %swap3A_74 = vector.shape_cast %swap3A_73 : vector<1x16xf32> to vector<16xf32>
      %swap3A_75 = vector.shape_cast %broadcast_in_dim3A_5 : vector<16xf32> to vector<1x16xf32>
      tpu.vector_store %arg7[%swap3A_71, %swap3A_72], %swap3A_75 {strides = array<i32>} : memref<128x128xf32, #tpu.memory_space<vmem>>, vector<1x16xf32>,
      %swap3A_76 = arith.index_cast %scan3A_56 : i32 to index
      %swap3A_77 = arith.constant 64 : index
      %swap3A_78 = tpu.vector_load %arg7[%swap3A_76, %swap3A_77] {strides = array<i32>} : memref<128x128xf32, #tpu.memory_space<vmem>>, vector<1x16xf32>,
      %swap3A_79 = vector.shape_cast %swap3A_78 : vector<1x16xf32> to vector<16xf32>
      %swap3A_80 = vector.shape_cast %broadcast_in_dim3A_5 : vector<16xf32> to vector<1x16xf32>
      tpu.vector_store %arg7[%swap3A_76, %swap3A_77], %swap3A_80 {strides = array<i32>} : memref<128x128xf32, #tpu.memory_space<vmem>>, vector<1x16xf32>,
      %swap3A_81 = arith.index_cast %scan3A_56 : i32 to index
      %swap3A_82 = arith.constant 80 : index
      %swap3A_83 = tpu.vector_load %arg7[%swap3A_81, %swap3A_82] {strides = array<i32>} : memref<128x128xf32, #tpu.memory_space<vmem>>, vector<1x16xf32>,
      %swap3A_84 = vector.shape_cast %swap3A_83 : vector<1x16xf32> to vector<16xf32>
      %swap3A_85 = vector.shape_cast %broadcast_in_dim3A_5 : vector<16xf32> to vector<1x16xf32>
      tpu.vector_store %arg7[%swap3A_81, %swap3A_82], %swap3A_85 {strides = array<i32>} : memref<128x128xf32, #tpu.memory_space<vmem>>, vector<1x16xf32>,
      %swap3A_86 = arith.index_cast %scan3A_56 : i32 to index
      %swap3A_87 = arith.constant 96 : index
      %swap3A_88 = tpu.vector_load %arg7[%swap3A_86, %swap3A_87] {strides = array<i32>} : memref<128x128xf32, #tpu.memory_space<vmem>>, vector<1x16xf32>,
      %swap3A_89 = vector.shape_cast %swap3A_88 : vector<1x16xf32> to vector<16xf32>
      %swap3A_90 = vector.shape_cast %broadcast_in_dim3A_5 : vector<16xf32> to vector<1x16xf32>
      tpu.vector_store %arg7[%swap3A_86, %swap3A_87], %swap3A_90 {strides = array<i32>} : memref<128x128xf32, #tpu.memory_space<vmem>>, vector<1x16xf32>,
      %swap3A_91 = arith.index_cast %scan3A_56 : i32 to index
      %swap3A_92 = arith.constant 112 : index
      %swap3A_93 = tpu.vector_load %arg7[%swap3A_91, %swap3A_92] {strides = array<i32>} : memref<128x128xf32, #tpu.memory_space<vmem>>, vector<1x16xf32>,
      %swap3A_94 = vector.shape_cast %swap3A_93 : vector<1x16xf32> to vector<16xf32>
      %swap3A_95 = vector.shape_cast %broadcast_in_dim3A_5 : vector<16xf32> to vector<1x16xf32>
      tpu.vector_store %arg7[%swap3A_91, %swap3A_92], %swap3A_95 {strides = array<i32>} : memref<128x128xf32, #tpu.memory_space<vmem>>, vector<1x16xf32>,
    }
    %scan3A_10 = arith.constant 128 : i32
    %add3A_11 = arith.constant 0 : i32
    %add3A_12 = arith.addi %mul3A_2, %add3A_11 : i32
    "tpu.region"() ({
      %run_scoped3A = tpu.sem_alloc : memref<!tpu.dma_semaphore, #tpu.memory_space<semaphore_mem>>
      %dma_start3A_56 = arith.constant 0 : i32
      %dma_start3A_57 = tpu.memref_slice %arg9[%add3A_12, %dma_start3A_56] : memref<10240x128xf32, #tpu.memory_space<vmem_shared>> -> memref<128x128xf32, #tpu.memory_space<vmem_shared>>
      %dma_start3A_58 = arith.constant 0 : i32
      %dma_start3A_59 = tpu.memref_slice %arg9[%add3A_12, %dma_start3A_58] : memref<10240x128xf32, #tpu.memory_space<vmem_shared>> -> memref<128x128xf32, #tpu.memory_space<vmem_shared>>
      tpu.enqueue_dma source(%arg7 : memref<128x128xf32, #tpu.memory_space<vmem>>) target(%dma_start3A_59 : memref<128x128xf32, #tpu.memory_space<vmem_shared>>) target_semaphore(%run_scoped3A : memref<!tpu.dma_semaphore, #tpu.memory_space<semaphore_mem>>)
      %dma_wait3A_60 = arith.constant 0 : i32
      %dma_wait3A_61 = tpu.memref_slice %arg9[%add3A_12, %dma_wait3A_60] : memref<10240x128xf32, #tpu.memory_space<vmem_shared>> -> memref<128x128xf32, #tpu.memory_space<vmem_shared>>
      %dma_wait3A_62 = arith.constant 0 : i32
      %dma_wait3A_63 = tpu.memref_slice %arg9[%add3A_12, %dma_wait3A_62] : memref<10240x128xf32, #tpu.memory_space<vmem_shared>> -> memref<128x128xf32, #tpu.memory_space<vmem_shared>>
      tpu.wait_dma2 semaphore(%run_scoped3A : memref<!tpu.dma_semaphore, #tpu.memory_space<semaphore_mem>>) src(%arg7 : memref<128x128xf32, #tpu.memory_space<vmem>>) dst(%dma_wait3A_63 : memref<128x128xf32, #tpu.memory_space<vmem_shared>>)
      tpu.yield
    }) : () -> ()
    %add3A_13 = arith.constant 128 : i32
    %add3A_14 = arith.addi %mul3A_2, %add3A_13 : i32
    "tpu.region"() ({
      %run_scoped3A = tpu.sem_alloc : memref<!tpu.dma_semaphore, #tpu.memory_space<semaphore_mem>>
      %dma_start3A_56 = arith.constant 0 : i32
      %dma_start3A_57 = tpu.memref_slice %arg9[%add3A_14, %dma_start3A_56] : memref<10240x128xf32, #tpu.memory_space<vmem_shared>> -> memref<128x128xf32, #tpu.memory_space<vmem_shared>>
      %dma_start3A_58 = arith.constant 0 : i32
      %dma_start3A_59 = tpu.memref_slice %arg9[%add3A_14, %dma_start3A_58] : memref<10240x128xf32, #tpu.memory_space<vmem_shared>> -> memref<128x128xf32, #tpu.memory_space<vmem_shared>>
      tpu.enqueue_dma source(%arg7 : memref<128x128xf32, #tpu.memory_space<vmem>>) target(%dma_start3A_59 : memref<128x128xf32, #tpu.memory_space<vmem_shared>>) target_semaphore(%run_scoped3A : memref<!tpu.dma_semaphore, #tpu.memory_space<semaphore_mem>>)
      %dma_wait3A_60 = arith.constant 0 : i32
      %dma_wait3A_61 = tpu.memref_slice %arg9[%add3A_14, %dma_wait3A_60] : memref<10240x128xf32, #tpu.memory_space<vmem_shared>> -> memref<128x128xf32, #tpu.memory_space<vmem_shared>>
      %dma_wait3A_62 = arith.constant 0 : i32
      %dma_wait3A_63 = tpu.memref_slice %arg9[%add3A_14, %dma_wait3A_62] : memref<10240x128xf32, #tpu.memory_space<vmem_shared>> -> memref<128x128xf32, #tpu.memory_space<vmem_shared>>
      tpu.wait_dma2 semaphore(%run_scoped3A : memref<!tpu.dma_semaphore, #tpu.memory_space<semaphore_mem>>) src(%arg7 : memref<128x128xf32, #tpu.memory_space<vmem>>) dst(%dma_wait3A_63 : memref<128x128xf32, #tpu.memory_space<vmem_shared>>)
      tpu.yield
    }) : () -> ()
    %add3A_15 = arith.constant 256 : i32
    %add3A_16 = arith.addi %mul3A_2, %add3A_15 : i32
    "tpu.region"() ({
      %run_scoped3A = tpu.sem_alloc : memref<!tpu.dma_semaphore, #tpu.memory_space<semaphore_mem>>
      %dma_start3A_56 = arith.constant 0 : i32
      %dma_start3A_57 = tpu.memref_slice %arg9[%add3A_16, %dma_start3A_56] : memref<10240x128xf32, #tpu.memory_space<vmem_shared>> -> memref<128x128xf32, #tpu.memory_space<vmem_shared>>
      %dma_start3A_58 = arith.constant 0 : i32
      %dma_start3A_59 = tpu.memref_slice %arg9[%add3A_16, %dma_start3A_58] : memref<10240x128xf32, #tpu.memory_space<vmem_shared>> -> memref<128x128xf32, #tpu.memory_space<vmem_shared>>
      tpu.enqueue_dma source(%arg7 : memref<128x128xf32, #tpu.memory_space<vmem>>) target(%dma_start3A_59 : memref<128x128xf32, #tpu.memory_space<vmem_shared>>) target_semaphore(%run_scoped3A : memref<!tpu.dma_semaphore, #tpu.memory_space<semaphore_mem>>)
      %dma_wait3A_60 = arith.constant 0 : i32
      %dma_wait3A_61 = tpu.memref_slice %arg9[%add3A_16, %dma_wait3A_60] : memref<10240x128xf32, #tpu.memory_space<vmem_shared>> -> memref<128x128xf32, #tpu.memory_space<vmem_shared>>
      %dma_wait3A_62 = arith.constant 0 : i32
      %dma_wait3A_63 = tpu.memref_slice %arg9[%add3A_16, %dma_wait3A_62] : memref<10240x128xf32, #tpu.memory_space<vmem_shared>> -> memref<128x128xf32, #tpu.memory_space<vmem_shared>>
      tpu.wait_dma2 semaphore(%run_scoped3A : memref<!tpu.dma_semaphore, #tpu.memory_space<semaphore_mem>>) src(%arg7 : memref<128x128xf32, #tpu.memory_space<vmem>>) dst(%dma_wait3A_63 : memref<128x128xf32, #tpu.memory_space<vmem_shared>>)
      tpu.yield
    }) : () -> ()
    %add3A_17 = arith.constant 384 : i32
    %add3A_18 = arith.addi %mul3A_2, %add3A_17 : i32
    "tpu.region"() ({
      %run_scoped3A = tpu.sem_alloc : memref<!tpu.dma_semaphore, #tpu.memory_space<semaphore_mem>>
      %dma_start3A_56 = arith.constant 0 : i32
      %dma_start3A_57 = tpu.memref_slice %arg9[%add3A_18, %dma_start3A_56] : memref<10240x128xf32, #tpu.memory_space<vmem_shared>> -> memref<128x128xf32, #tpu.memory_space<vmem_shared>>
      %dma_start3A_58 = arith.constant 0 : i32
      %dma_start3A_59 = tpu.memref_slice %arg9[%add3A_18, %dma_start3A_58] : memref<10240x128xf32, #tpu.memory_space<vmem_shared>> -> memref<128x128xf32, #tpu.memory_space<vmem_shared>>
      tpu.enqueue_dma source(%arg7 : memref<128x128xf32, #tpu.memory_space<vmem>>) target(%dma_start3A_59 : memref<128x128xf32, #tpu.memory_space<vmem_shared>>) target_semaphore(%run_scoped3A : memref<!tpu.dma_semaphore, #tpu.memory_space<semaphore_mem>>)
      %dma_wait3A_60 = arith.constant 0 : i32
      %dma_wait3A_61 = tpu.memref_slice %arg9[%add3A_18, %dma_wait3A_60] : memref<10240x128xf32, #tpu.memory_space<vmem_shared>> -> memref<128x128xf32, #tpu.memory_space<vmem_shared>>
      %dma_wait3A_62 = arith.constant 0 : i32
      %dma_wait3A_63 = tpu.memref_slice %arg9[%add3A_18, %dma_wait3A_62] : memref<10240x128xf32, #tpu.memory_space<vmem_shared>> -> memref<128x128xf32, #tpu.memory_space<vmem_shared>>
      tpu.wait_dma2 semaphore(%run_scoped3A : memref<!tpu.dma_semaphore, #tpu.memory_space<semaphore_mem>>) src(%arg7 : memref<128x128xf32, #tpu.memory_space<vmem>>) dst(%dma_wait3A_63 : memref<128x128xf32, #tpu.memory_space<vmem_shared>>)
      tpu.yield
    }) : () -> ()
    %add3A_19 = arith.constant 512 : i32
    %add3A_20 = arith.addi %mul3A_2, %add3A_19 : i32
    "tpu.region"() ({
      %run_scoped3A = tpu.sem_alloc : memref<!tpu.dma_semaphore, #tpu.memory_space<semaphore_mem>>
      %dma_start3A_56 = arith.constant 0 : i32
      %dma_start3A_57 = tpu.memref_slice %arg9[%add3A_20, %dma_start3A_56] : memref<10240x128xf32, #tpu.memory_space<vmem_shared>> -> memref<128x128xf32, #tpu.memory_space<vmem_shared>>
      %dma_start3A_58 = arith.constant 0 : i32
      %dma_start3A_59 = tpu.memref_slice %arg9[%add3A_20, %dma_start3A_58] : memref<10240x128xf32, #tpu.memory_space<vmem_shared>> -> memref<128x128xf32, #tpu.memory_space<vmem_shared>>
      tpu.enqueue_dma source(%arg7 : memref<128x128xf32, #tpu.memory_space<vmem>>) target(%dma_start3A_59 : memref<128x128xf32, #tpu.memory_space<vmem_shared>>) target_semaphore(%run_scoped3A : memref<!tpu.dma_semaphore, #tpu.memory_space<semaphore_mem>>)
      %dma_wait3A_60 = arith.constant 0 : i32
      %dma_wait3A_61 = tpu.memref_slice %arg9[%add3A_20, %dma_wait3A_60] : memref<10240x128xf32, #tpu.memory_space<vmem_shared>> -> memref<128x128xf32, #tpu.memory_space<vmem_shared>>
      %dma_wait3A_62 = arith.constant 0 : i32
      %dma_wait3A_63 = tpu.memref_slice %arg9[%add3A_20, %dma_wait3A_62] : memref<10240x128xf32, #tpu.memory_space<vmem_shared>> -> memref<128x128xf32, #tpu.memory_space<vmem_shared>>
      tpu.wait_dma2 semaphore(%run_scoped3A : memref<!tpu.dma_semaphore, #tpu.memory_space<semaphore_mem>>) src(%arg7 : memref<128x128xf32, #tpu.memory_space<vmem>>) dst(%dma_wait3A_63 : memref<128x128xf32, #tpu.memory_space<vmem_shared>>)
      tpu.yield
    }) : () -> ()
    "tpu.region"() ({
      %run_scoped3A = tpu.sem_alloc : memref<!tpu.dma_semaphore, #tpu.memory_space<semaphore_mem>>
      %dma_start3A_56 = arith.constant 0 : i32
      %dma_start3A_57 = arith.constant 0 : i32
      %dma_start3A_58 = tpu.memref_slice %arg3[%mul3A_4, %dma_start3A_56, %dma_start3A_57] : memref<2562x2x128xi32, #tpu.memory_space<hbm>> -> memref<1x2x128xi32, #tpu.memory_space<hbm>>
      %dma_start3A_59 = tpu.memref_squeeze %dma_start3A_58 : memref<1x2x128xi32, #tpu.memory_space<hbm>> -> memref<2x128xi32, #tpu.memory_space<hbm>>
      %dma_start3A_60 = arith.constant 0 : i32
      %dma_start3A_61 = arith.constant 0 : i32
      %dma_start3A_62 = tpu.memref_slice %arg3[%mul3A_4, %dma_start3A_60, %dma_start3A_61] : memref<2562x2x128xi32, #tpu.memory_space<hbm>> -> memref<1x2x128xi32, #tpu.memory_space<hbm>>
      %dma_start3A_63 = tpu.memref_squeeze %dma_start3A_62 : memref<1x2x128xi32, #tpu.memory_space<hbm>> -> memref<2x128xi32, #tpu.memory_space<hbm>>
      tpu.enqueue_dma source(%dma_start3A_63 : memref<2x128xi32, #tpu.memory_space<hbm>>) target(%arg5 : memref<2x128xi32, #tpu.memory_space<vmem>>) target_semaphore(%run_scoped3A : memref<!tpu.dma_semaphore, #tpu.memory_space<semaphore_mem>>)
      %dma_wait3A_64 = arith.constant 0 : i32
      %dma_wait3A_65 = arith.constant 0 : i32
      %dma_wait3A_66 = tpu.memref_slice %arg3[%mul3A_4, %dma_wait3A_64, %dma_wait3A_65] : memref<2562x2x128xi32, #tpu.memory_space<hbm>> -> memref<1x2x128xi32, #tpu.memory_space<hbm>>
      %dma_wait3A_67 = tpu.memref_squeeze %dma_wait3A_66 : memref<1x2x128xi32, #tpu.memory_space<hbm>> -> memref<2x128xi32, #tpu.memory_space<hbm>>
      %dma_wait3A_68 = arith.constant 0 : i32
      %dma_wait3A_69 = arith.constant 0 : i32
      %dma_wait3A_70 = tpu.memref_slice %arg3[%mul3A_4, %dma_wait3A_68, %dma_wait3A_69] : memref<2562x2x128xi32, #tpu.memory_space<hbm>> -> memref<1x2x128xi32, #tpu.memory_space<hbm>>
      %dma_wait3A_71 = tpu.memref_squeeze %dma_wait3A_70 : memref<1x2x128xi32, #tpu.memory_space<hbm>> -> memref<2x128xi32, #tpu.memory_space<hbm>>
      tpu.wait_dma2 semaphore(%run_scoped3A : memref<!tpu.dma_semaphore, #tpu.memory_space<semaphore_mem>>) src(%dma_wait3A_71 : memref<2x128xi32, #tpu.memory_space<hbm>>) dst(%arg5 : memref<2x128xi32, #tpu.memory_space<vmem>>)
      tpu.yield
    }) : () -> ()
    %add3A_21 = arith.constant 1 : i32
    %add3A_22 = arith.addi %mul3A_4, %add3A_21 : i32
    "tpu.region"() ({
      %run_scoped3A = tpu.sem_alloc : memref<!tpu.dma_semaphore, #tpu.memory_space<semaphore_mem>>
      %dma_start3A_56 = arith.constant 0 : i32
      %dma_start3A_57 = arith.constant 0 : i32
      %dma_start3A_58 = tpu.memref_slice %arg3[%add3A_22, %dma_start3A_56, %dma_start3A_57] : memref<2562x2x128xi32, #tpu.memory_space<hbm>> -> memref<1x2x128xi32, #tpu.memory_space<hbm>>
      %dma_start3A_59 = tpu.memref_squeeze %dma_start3A_58 : memref<1x2x128xi32, #tpu.memory_space<hbm>> -> memref<2x128xi32, #tpu.memory_space<hbm>>
      %dma_start3A_60 = arith.constant 0 : i32
      %dma_start3A_61 = arith.constant 0 : i32
      %dma_start3A_62 = tpu.memref_slice %arg3[%add3A_22, %dma_start3A_60, %dma_start3A_61] : memref<2562x2x128xi32, #tpu.memory_space<hbm>> -> memref<1x2x128xi32, #tpu.memory_space<hbm>>
      %dma_start3A_63 = tpu.memref_squeeze %dma_start3A_62 : memref<1x2x128xi32, #tpu.memory_space<hbm>> -> memref<2x128xi32, #tpu.memory_space<hbm>>
      tpu.enqueue_dma source(%dma_start3A_63 : memref<2x128xi32, #tpu.memory_space<hbm>>) target(%arg6 : memref<2x128xi32, #tpu.memory_space<vmem>>) target_semaphore(%run_scoped3A : memref<!tpu.dma_semaphore, #tpu.memory_space<semaphore_mem>>)
      %dma_wait3A_64 = arith.constant 0 : i32
      %dma_wait3A_65 = arith.constant 0 : i32
      %dma_wait3A_66 = tpu.memref_slice %arg3[%add3A_22, %dma_wait3A_64, %dma_wait3A_65] : memref<2562x2x128xi32, #tpu.memory_space<hbm>> -> memref<1x2x128xi32, #tpu.memory_space<hbm>>
      %dma_wait3A_67 = tpu.memref_squeeze %dma_wait3A_66 : memref<1x2x128xi32, #tpu.memory_space<hbm>> -> memref<2x128xi32, #tpu.memory_space<hbm>>
      %dma_wait3A_68 = arith.constant 0 : i32
      %dma_wait3A_69 = arith.constant 0 : i32
      %dma_wait3A_70 = tpu.memref_slice %arg3[%add3A_22, %dma_wait3A_68, %dma_wait3A_69] : memref<2562x2x128xi32, #tpu.memory_space<hbm>> -> memref<1x2x128xi32, #tpu.memory_space<hbm>>
      %dma_wait3A_71 = tpu.memref_squeeze %dma_wait3A_70 : memref<1x2x128xi32, #tpu.memory_space<hbm>> -> memref<2x128xi32, #tpu.memory_space<hbm>>
      tpu.wait_dma2 semaphore(%run_scoped3A : memref<!tpu.dma_semaphore, #tpu.memory_space<semaphore_mem>>) src(%dma_wait3A_71 : memref<2x128xi32, #tpu.memory_space<hbm>>) dst(%arg6 : memref<2x128xi32, #tpu.memory_space<vmem>>)
      tpu.yield
    }) : () -> ()
    %dma_start3A = arith.constant 0 : i32
    %dma_start3A_23 = arith.constant 0 : i32
    %dma_start3A_24 = tpu.memref_slice %arg5[%dma_start3A, %dma_start3A_23] : memref<2x128xi32, #tpu.memory_space<vmem>> -> memref<1x128xi32, #tpu.memory_space<vmem>>
    %dma_start3A_25 = tpu.memref_squeeze %dma_start3A_24 : memref<1x128xi32, #tpu.memory_space<vmem>> -> memref<128xi32, #tpu.memory_space<vmem>>
    %dma_start3A_26 = arith.constant 0 : i32
    %dma_start3A_27 = arith.constant 0 : i32
    %dma_start3A_28 = tpu.memref_slice %arg2[%dma_start3A_26, %dma_start3A_27] : memref<10240x128xf32, #tpu.memory_space<hbm>> -> memref<10240x128xf32, #tpu.memory_space<hbm>>
    tpu.enqueue_indirect_dma source(%dma_start3A_28 : memref<10240x128xf32, #tpu.memory_space<hbm>>) target(%arg7 : memref<128x128xf32, #tpu.memory_space<vmem>>) offsets(%dma_start3A_25 : memref<128xi32, #tpu.memory_space<vmem>>) semaphore(%arg10 : memref<!tpu.dma_semaphore, #tpu.memory_space<semaphore_mem>>)
    %dma_start3A_29 = arith.constant 0 : i32
    %dma_start3A_30 = arith.constant 0 : i32
    %dma_start3A_31 = tpu.memref_slice %arg6[%dma_start3A_29, %dma_start3A_30] : memref<2x128xi32, #tpu.memory_space<vmem>> -> memref<1x128xi32, #tpu.memory_space<vmem>>
    %dma_start3A_32 = tpu.memref_squeeze %dma_start3A_31 : memref<1x128xi32, #tpu.memory_space<vmem>> -> memref<128xi32, #tpu.memory_space<vmem>>
    %dma_start3A_33 = arith.constant 0 : i32
    %dma_start3A_34 = arith.constant 0 : i32
    %dma_start3A_35 = tpu.memref_slice %arg2[%dma_start3A_33, %dma_start3A_34] : memref<10240x128xf32, #tpu.memory_space<hbm>> -> memref<10240x128xf32, #tpu.memory_space<hbm>>
    tpu.enqueue_indirect_dma source(%dma_start3A_35 : memref<10240x128xf32, #tpu.memory_space<hbm>>) target(%arg8 : memref<128x128xf32, #tpu.memory_space<vmem>>) offsets(%dma_start3A_32 : memref<128xi32, #tpu.memory_space<vmem>>) semaphore(%arg11 : memref<!tpu.dma_semaphore, #tpu.memory_space<semaphore_mem>>)
    %barrier3A = arith.constant 0 : index
    tpu.barrier barrier_id(%barrier3A)
    %scan3A_36 = arith.constant 0 : i32
    %scan3A_37 = arith.constant 0 : i32
    %scan3A_38 = arith.constant 40 : i32
    %scan3A_39 = arith.addi %scan3A_37, %scan3A_38 : i32
    %scan3A_40 = arith.constant 1 : i32
    scf.for %scan3A_56 = %scan3A_37 to %scan3A_39 step %scan3A_40  : i32 {
      %mul3A_57 = arith.constant 2 : i32
      %mul3A_58 = arith.muli %mul3A_57, %scan3A_56 : i32
      %add3A_59 = arith.addi %mul3A_4, %mul3A_58 : i32
      %add3A_60 = arith.constant 2 : i32
      %add3A_61 = arith.addi %add3A_59, %add3A_60 : i32
      %dma_wait3A_62 = arith.constant 0 : i32
      %dma_wait3A_63 = arith.constant 0 : i32
      %dma_wait3A_64 = tpu.memref_slice %arg5[%dma_wait3A_62, %dma_wait3A_63] : memref<2x128xi32, #tpu.memory_space<vmem>> -> memref<1x128xi32, #tpu.memory_space<vmem>>
      %dma_wait3A_65 = tpu.memref_squeeze %dma_wait3A_64 : memref<1x128xi32, #tpu.memory_space<vmem>> -> memref<128xi32, #tpu.memory_space<vmem>>
      %dma_wait3A_66 = arith.constant 0 : i32
      %dma_wait3A_67 = arith.constant 0 : i32
      %dma_wait3A_68 = tpu.memref_slice %arg2[%dma_wait3A_66, %dma_wait3A_67] : memref<10240x128xf32, #tpu.memory_space<hbm>> -> memref<10240x128xf32, #tpu.memory_space<hbm>>
      tpu.wait_indirect_dma semaphore(%arg10 : memref<!tpu.dma_semaphore, #tpu.memory_space<semaphore_mem>>) src(%dma_wait3A_68 : memref<10240x128xf32, #tpu.memory_space<hbm>>) dst(%arg7 : memref<128x128xf32, #tpu.memory_space<vmem>>)
      %dma_start3A_69 = arith.constant 1 : i32
      %dma_start3A_70 = arith.constant 0 : i32
      %dma_start3A_71 = tpu.memref_slice %arg5[%dma_start3A_69, %dma_start3A_70] : memref<2x128xi32, #tpu.memory_space<vmem>> -> memref<1x128xi32, #tpu.memory_space<vmem>>
      %dma_start3A_72 = tpu.memref_squeeze %dma_start3A_71 : memref<1x128xi32, #tpu.memory_space<vmem>> -> memref<128xi32, #tpu.memory_space<vmem>>
      %dma_start3A_73 = arith.constant 0 : i32
      %dma_start3A_74 = arith.constant 0 : i32
      %dma_start3A_75 = tpu.memref_slice %arg9[%dma_start3A_73, %dma_start3A_74] : memref<10240x128xf32, #tpu.memory_space<vmem_shared>> -> memref<10240x128xf32, #tpu.memory_space<vmem_shared>>
      tpu.enqueue_indirect_dma source(%arg7 : memref<128x128xf32, #tpu.memory_space<vmem>>) target(%dma_start3A_75 : memref<10240x128xf32, #tpu.memory_space<vmem_shared>>) offsets(%dma_start3A_72 : memref<128xi32, #tpu.memory_space<vmem>>) semaphore(%arg12 : memref<!tpu.dma_semaphore, #tpu.memory_space<semaphore_mem>>) {add = true}
      %dma_wait3A_76 = arith.constant 0 : i32
      %dma_wait3A_77 = arith.constant 0 : i32
      %dma_wait3A_78 = tpu.memref_slice %arg6[%dma_wait3A_76, %dma_wait3A_77] : memref<2x128xi32, #tpu.memory_space<vmem>> -> memref<1x128xi32, #tpu.memory_space<vmem>>
      %dma_wait3A_79 = tpu.memref_squeeze %dma_wait3A_78 : memref<1x128xi32, #tpu.memory_space<vmem>> -> memref<128xi32, #tpu.memory_space<vmem>>
      %dma_wait3A_80 = arith.constant 0 : i32
      %dma_wait3A_81 = arith.constant 0 : i32
      %dma_wait3A_82 = tpu.memref_slice %arg2[%dma_wait3A_80, %dma_wait3A_81] : memref<10240x128xf32, #tpu.memory_space<hbm>> -> memref<10240x128xf32, #tpu.memory_space<hbm>>
      tpu.wait_indirect_dma semaphore(%arg11 : memref<!tpu.dma_semaphore, #tpu.memory_space<semaphore_mem>>) src(%dma_wait3A_82 : memref<10240x128xf32, #tpu.memory_space<hbm>>) dst(%arg8 : memref<128x128xf32, #tpu.memory_space<vmem>>)
      %dma_wait3A_83 = arith.constant 1 : i32
      %dma_wait3A_84 = arith.constant 0 : i32
      %dma_wait3A_85 = tpu.memref_slice %arg5[%dma_wait3A_83, %dma_wait3A_84] : memref<2x128xi32, #tpu.memory_space<vmem>> -> memref<1x128xi32, #tpu.memory_space<vmem>>
      %dma_wait3A_86 = tpu.memref_squeeze %dma_wait3A_85 : memref<1x128xi32, #tpu.memory_space<vmem>> -> memref<128xi32, #tpu.memory_space<vmem>>
      %dma_wait3A_87 = arith.constant 0 : i32
      %dma_wait3A_88 = arith.constant 0 : i32
      %dma_wait3A_89 = tpu.memref_slice %arg9[%dma_wait3A_87, %dma_wait3A_88] : memref<10240x128xf32, #tpu.memory_space<vmem_shared>> -> memref<10240x128xf32, #tpu.memory_space<vmem_shared>>
      tpu.wait_indirect_dma semaphore(%arg12 : memref<!tpu.dma_semaphore, #tpu.memory_space<semaphore_mem>>) src(%arg7 : memref<128x128xf32, #tpu.memory_space<vmem>>) dst(%dma_wait3A_89 : memref<10240x128xf32, #tpu.memory_space<vmem_shared>>)
      %dma_start3A_90 = arith.constant 0 : i32
      %dma_start3A_91 = arith.constant 0 : i32
      %dma_start3A_92 = tpu.memref_slice %arg3[%add3A_61, %dma_start3A_90, %dma_start3A_91] : memref<2562x2x128xi32, #tpu.memory_space<hbm>> -> memref<1x2x128xi32, #tpu.memory_space<hbm>>
      %dma_start3A_93 = tpu.memref_squeeze %dma_start3A_92 : memref<1x2x128xi32, #tpu.memory_space<hbm>> -> memref<2x128xi32, #tpu.memory_space<hbm>>
      %dma_start3A_94 = arith.constant 0 : i32
      %dma_start3A_95 = arith.constant 0 : i32
      %dma_start3A_96 = tpu.memref_slice %arg3[%add3A_61, %dma_start3A_94, %dma_start3A_95] : memref<2562x2x128xi32, #tpu.memory_space<hbm>> -> memref<1x2x128xi32, #tpu.memory_space<hbm>>
      %dma_start3A_97 = tpu.memref_squeeze %dma_start3A_96 : memref<1x2x128xi32, #tpu.memory_space<hbm>> -> memref<2x128xi32, #tpu.memory_space<hbm>>
      tpu.enqueue_dma source(%dma_start3A_97 : memref<2x128xi32, #tpu.memory_space<hbm>>) target(%arg5 : memref<2x128xi32, #tpu.memory_space<vmem>>) target_semaphore(%arg14 : memref<!tpu.dma_semaphore, #tpu.memory_space<semaphore_mem>>)
      %dma_start3A_98 = arith.constant 1 : i32
      %dma_start3A_99 = arith.constant 0 : i32
      %dma_start3A_100 = tpu.memref_slice %arg6[%dma_start3A_98, %dma_start3A_99] : memref<2x128xi32, #tpu.memory_space<vmem>> -> memref<1x128xi32, #tpu.memory_space<vmem>>
      %dma_start3A_101 = tpu.memref_squeeze %dma_start3A_100 : memref<1x128xi32, #tpu.memory_space<vmem>> -> memref<128xi32, #tpu.memory_space<vmem>>
      %dma_start3A_102 = arith.constant 0 : i32
      %dma_start3A_103 = arith.constant 0 : i32
      %dma_start3A_104 = tpu.memref_slice %arg9[%dma_start3A_102, %dma_start3A_103] : memref<10240x128xf32, #tpu.memory_space<vmem_shared>> -> memref<10240x128xf32, #tpu.memory_space<vmem_shared>>
      tpu.enqueue_indirect_dma source(%arg8 : memref<128x128xf32, #tpu.memory_space<vmem>>) target(%dma_start3A_104 : memref<10240x128xf32, #tpu.memory_space<vmem_shared>>) offsets(%dma_start3A_101 : memref<128xi32, #tpu.memory_space<vmem>>) semaphore(%arg13 : memref<!tpu.dma_semaphore, #tpu.memory_space<semaphore_mem>>) {add = true}
      %dma_wait3A_105 = arith.constant 0 : i32
      %dma_wait3A_106 = arith.constant 0 : i32
      %dma_wait3A_107 = tpu.memref_slice %arg3[%add3A_61, %dma_wait3A_105, %dma_wait3A_106] : memref<2562x2x128xi32, #tpu.memory_space<hbm>> -> memref<1x2x128xi32, #tpu.memory_space<hbm>>
      %dma_wait3A_108 = tpu.memref_squeeze %dma_wait3A_107 : memref<1x2x128xi32, #tpu.memory_space<hbm>> -> memref<2x128xi32, #tpu.memory_space<hbm>>
      %dma_wait3A_109 = arith.constant 0 : i32
      %dma_wait3A_110 = arith.constant 0 : i32
      %dma_wait3A_111 = tpu.memref_slice %arg3[%add3A_61, %dma_wait3A_109, %dma_wait3A_110] : memref<2562x2x128xi32, #tpu.memory_space<hbm>> -> memref<1x2x128xi32, #tpu.memory_space<hbm>>
      %dma_wait3A_112 = tpu.memref_squeeze %dma_wait3A_111 : memref<1x2x128xi32, #tpu.memory_space<hbm>> -> memref<2x128xi32, #tpu.memory_space<hbm>>
      tpu.wait_dma2 semaphore(%arg14 : memref<!tpu.dma_semaphore, #tpu.memory_space<semaphore_mem>>) src(%dma_wait3A_112 : memref<2x128xi32, #tpu.memory_space<hbm>>) dst(%arg5 : memref<2x128xi32, #tpu.memory_space<vmem>>)
      %dma_start3A_113 = arith.constant 0 : i32
      %dma_start3A_114 = arith.constant 0 : i32
      %dma_start3A_115 = tpu.memref_slice %arg5[%dma_start3A_113, %dma_start3A_114] : memref<2x128xi32, #tpu.memory_space<vmem>> -> memref<1x128xi32, #tpu.memory_space<vmem>>
      %dma_start3A_116 = tpu.memref_squeeze %dma_start3A_115 : memref<1x128xi32, #tpu.memory_space<vmem>> -> memref<128xi32, #tpu.memory_space<vmem>>
      %dma_start3A_117 = arith.constant 0 : i32
      %dma_start3A_118 = arith.constant 0 : i32
      %dma_start3A_119 = tpu.memref_slice %arg2[%dma_start3A_117, %dma_start3A_118] : memref<10240x128xf32, #tpu.memory_space<hbm>> -> memref<10240x128xf32, #tpu.memory_space<hbm>>
      tpu.enqueue_indirect_dma source(%dma_start3A_119 : memref<10240x128xf32, #tpu.memory_space<hbm>>) target(%arg7 : memref<128x128xf32, #tpu.memory_space<vmem>>) offsets(%dma_start3A_116 : memref<128xi32, #tpu.memory_space<vmem>>) semaphore(%arg10 : memref<!tpu.dma_semaphore, #tpu.memory_space<semaphore_mem>>)
      %dma_wait3A_120 = arith.constant 1 : i32
      %dma_wait3A_121 = arith.constant 0 : i32
      %dma_wait3A_122 = tpu.memref_slice %arg6[%dma_wait3A_120, %dma_wait3A_121] : memref<2x128xi32, #tpu.memory_space<vmem>> -> memref<1x128xi32, #tpu.memory_space<vmem>>
      %dma_wait3A_123 = tpu.memref_squeeze %dma_wait3A_122 : memref<1x128xi32, #tpu.memory_space<vmem>> -> memref<128xi32, #tpu.memory_space<vmem>>
      %dma_wait3A_124 = arith.constant 0 : i32
      %dma_wait3A_125 = arith.constant 0 : i32
      %dma_wait3A_126 = tpu.memref_slice %arg9[%dma_wait3A_124, %dma_wait3A_125] : memref<10240x128xf32, #tpu.memory_space<vmem_shared>> -> memref<10240x128xf32, #tpu.memory_space<vmem_shared>>
      tpu.wait_indirect_dma semaphore(%arg13 : memref<!tpu.dma_semaphore, #tpu.memory_space<semaphore_mem>>) src(%arg8 : memref<128x128xf32, #tpu.memory_space<vmem>>) dst(%dma_wait3A_126 : memref<10240x128xf32, #tpu.memory_space<vmem_shared>>)
      %add3A_127 = arith.constant 1 : i32
      %add3A_128 = arith.addi %add3A_61, %add3A_127 : i32
      %dma_start3A_129 = arith.constant 0 : i32
      %dma_start3A_130 = arith.constant 0 : i32
      %dma_start3A_131 = tpu.memref_slice %arg3[%add3A_128, %dma_start3A_129, %dma_start3A_130] : memref<2562x2x128xi32, #tpu.memory_space<hbm>> -> memref<1x2x128xi32, #tpu.memory_space<hbm>>
      %dma_start3A_132 = tpu.memref_squeeze %dma_start3A_131 : memref<1x2x128xi32, #tpu.memory_space<hbm>> -> memref<2x128xi32, #tpu.memory_space<hbm>>
      %dma_start3A_133 = arith.constant 0 : i32
      %dma_start3A_134 = arith.constant 0 : i32
      %dma_start3A_135 = tpu.memref_slice %arg3[%add3A_128, %dma_start3A_133, %dma_start3A_134] : memref<2562x2x128xi32, #tpu.memory_space<hbm>> -> memref<1x2x128xi32, #tpu.memory_space<hbm>>
      %dma_start3A_136 = tpu.memref_squeeze %dma_start3A_135 : memref<1x2x128xi32, #tpu.memory_space<hbm>> -> memref<2x128xi32, #tpu.memory_space<hbm>>
      tpu.enqueue_dma source(%dma_start3A_136 : memref<2x128xi32, #tpu.memory_space<hbm>>) target(%arg6 : memref<2x128xi32, #tpu.memory_space<vmem>>) target_semaphore(%arg15 : memref<!tpu.dma_semaphore, #tpu.memory_space<semaphore_mem>>)
      %dma_wait3A_137 = arith.constant 0 : i32
      %dma_wait3A_138 = arith.constant 0 : i32
      %dma_wait3A_139 = tpu.memref_slice %arg3[%add3A_128, %dma_wait3A_137, %dma_wait3A_138] : memref<2562x2x128xi32, #tpu.memory_space<hbm>> -> memref<1x2x128xi32, #tpu.memory_space<hbm>>
      %dma_wait3A_140 = tpu.memref_squeeze %dma_wait3A_139 : memref<1x2x128xi32, #tpu.memory_space<hbm>> -> memref<2x128xi32, #tpu.memory_space<hbm>>
      %dma_wait3A_141 = arith.constant 0 : i32
      %dma_wait3A_142 = arith.constant 0 : i32
      %dma_wait3A_143 = tpu.memref_slice %arg3[%add3A_128, %dma_wait3A_141, %dma_wait3A_142] : memref<2562x2x128xi32, #tpu.memory_space<hbm>> -> memref<1x2x128xi32, #tpu.memory_space<hbm>>
      %dma_wait3A_144 = tpu.memref_squeeze %dma_wait3A_143 : memref<1x2x128xi32, #tpu.memory_space<hbm>> -> memref<2x128xi32, #tpu.memory_space<hbm>>
      tpu.wait_dma2 semaphore(%arg15 : memref<!tpu.dma_semaphore, #tpu.memory_space<semaphore_mem>>) src(%dma_wait3A_144 : memref<2x128xi32, #tpu.memory_space<hbm>>) dst(%arg6 : memref<2x128xi32, #tpu.memory_space<vmem>>)
      %dma_start3A_145 = arith.constant 0 : i32
      %dma_start3A_146 = arith.constant 0 : i32
      %dma_start3A_147 = tpu.memref_slice %arg6[%dma_start3A_145, %dma_start3A_146] : memref<2x128xi32, #tpu.memory_space<vmem>> -> memref<1x128xi32, #tpu.memory_space<vmem>>
      %dma_start3A_148 = tpu.memref_squeeze %dma_start3A_147 : memref<1x128xi32, #tpu.memory_space<vmem>> -> memref<128xi32, #tpu.memory_space<vmem>>
      %dma_start3A_149 = arith.constant 0 : i32
      %dma_start3A_150 = arith.constant 0 : i32
      %dma_start3A_151 = tpu.memref_slice %arg2[%dma_start3A_149, %dma_start3A_150] : memref<10240x128xf32, #tpu.memory_space<hbm>> -> memref<10240x128xf32, #tpu.memory_space<hbm>>
      tpu.enqueue_indirect_dma source(%dma_start3A_151 : memref<10240x128xf32, #tpu.memory_space<hbm>>) target(%arg8 : memref<128x128xf32, #tpu.memory_space<vmem>>) offsets(%dma_start3A_148 : memref<128xi32, #tpu.memory_space<vmem>>) semaphore(%arg11 : memref<!tpu.dma_semaphore, #tpu.memory_space<semaphore_mem>>)
    }
    %scan3A_41 = arith.constant 40 : i32
    %dma_wait3A = arith.constant 0 : i32
    %dma_wait3A_42 = arith.constant 0 : i32
    %dma_wait3A_43 = tpu.memref_slice %arg5[%dma_wait3A, %dma_wait3A_42] : memref<2x128xi32, #tpu.memory_space<vmem>> -> memref<1x128xi32, #tpu.memory_space<vmem>>
    %dma_wait3A_44 = tpu.memref_squeeze %dma_wait3A_43 : memref<1x128xi32, #tpu.memory_space<vmem>> -> memref<128xi32, #tpu.memory_space<vmem>>
    %dma_wait3A_45 = arith.constant 0 : i32
    %dma_wait3A_46 = arith.constant 0 : i32
    %dma_wait3A_47 = tpu.memref_slice %arg2[%dma_wait3A_45, %dma_wait3A_46] : memref<10240x128xf32, #tpu.memory_space<hbm>> -> memref<10240x128xf32, #tpu.memory_space<hbm>>
    tpu.wait_indirect_dma semaphore(%arg10 : memref<!tpu.dma_semaphore, #tpu.memory_space<semaphore_mem>>) src(%dma_wait3A_47 : memref<10240x128xf32, #tpu.memory_space<hbm>>) dst(%arg7 : memref<128x128xf32, #tpu.memory_space<vmem>>)
    %dma_wait3A_48 = arith.constant 0 : i32
    %dma_wait3A_49 = arith.constant 0 : i32
    %dma_wait3A_50 = tpu.memref_slice %arg6[%dma_wait3A_48, %dma_wait3A_49] : memref<2x128xi32, #tpu.memory_space<vmem>> -> memref<1x128xi32, #tpu.memory_space<vmem>>
    %dma_wait3A_51 = tpu.memref_squeeze %dma_wait3A_50 : memref<1x128xi32, #tpu.memory_space<vmem>> -> memref<128xi32, #tpu.memory_space<vmem>>
    %dma_wait3A_52 = arith.constant 0 : i32
    %dma_wait3A_53 = arith.constant 0 : i32
    %dma_wait3A_54 = tpu.memref_slice %arg2[%dma_wait3A_52, %dma_wait3A_53] : memref<10240x128xf32, #tpu.memory_space<hbm>> -> memref<10240x128xf32, #tpu.memory_space<hbm>>
    tpu.wait_indirect_dma semaphore(%arg11 : memref<!tpu.dma_semaphore, #tpu.memory_space<semaphore_mem>>) src(%dma_wait3A_54 : memref<10240x128xf32, #tpu.memory_space<hbm>>) dst(%arg8 : memref<128x128xf32, #tpu.memory_space<vmem>>)
    %barrier3A_55 = arith.constant 0 : index
    tpu.barrier barrier_id(%barrier3A_55)
    "tpu.region"() ({
      %run_scoped3A = tpu.sem_alloc : memref<!tpu.dma_semaphore, #tpu.memory_space<semaphore_mem>>
      %dma_start3A_56 = arith.constant 0 : i32
      %dma_start3A_57 = tpu.memref_slice %arg4[%arg0, %mul3A_2, %dma_start3A_56] : memref<2x10240x128xf32, #tpu.memory_space<hbm>> -> memref<1x640x128xf32, #tpu.memory_space<hbm>>
      %dma_start3A_58 = tpu.memref_squeeze %dma_start3A_57 : memref<1x640x128xf32, #tpu.memory_space<hbm>> -> memref<640x128xf32, #tpu.memory_space<hbm>>
      %dma_start3A_59 = arith.constant 0 : i32
      %dma_start3A_60 = tpu.memref_slice %arg9[%mul3A_2, %dma_start3A_59] : memref<10240x128xf32, #tpu.memory_space<vmem_shared>> -> memref<640x128xf32, #tpu.memory_space<vmem_shared>>
      tpu.enqueue_dma source(%dma_start3A_60 : memref<640x128xf32, #tpu.memory_space<vmem_shared>>) target(%dma_start3A_58 : memref<640x128xf32, #tpu.memory_space<hbm>>) target_semaphore(%run_scoped3A : memref<!tpu.dma_semaphore, #tpu.memory_space<semaphore_mem>>)
      %dma_wait3A_61 = arith.constant 0 : i32
      %dma_wait3A_62 = tpu.memref_slice %arg4[%arg0, %mul3A_2, %dma_wait3A_61] : memref<2x10240x128xf32, #tpu.memory_space<hbm>> -> memref<1x640x128xf32, #tpu.memory_space<hbm>>
      %dma_wait3A_63 = tpu.memref_squeeze %dma_wait3A_62 : memref<1x640x128xf32, #tpu.memory_space<hbm>> -> memref<640x128xf32, #tpu.memory_space<hbm>>
      %dma_wait3A_64 = arith.constant 0 : i32
      %dma_wait3A_65 = tpu.memref_slice %arg9[%mul3A_2, %dma_wait3A_64] : memref<10240x128xf32, #tpu.memory_space<vmem_shared>> -> memref<640x128xf32, #tpu.memory_space<vmem_shared>>
      tpu.wait_dma2 semaphore(%run_scoped3A : memref<!tpu.dma_semaphore, #tpu.memory_space<semaphore_mem>>) src(%dma_wait3A_65 : memref<640x128xf32, #tpu.memory_space<vmem_shared>>) dst(%dma_wait3A_63 : memref<640x128xf32, #tpu.memory_space<hbm>>)
      tpu.yield
    }) : () -> ()
    return
  }
}

#map = affine_map<(d0, d1) -> (0, 0)>
#map1 = affine_map<(d0, d1) -> (0, 0, 0)>
module attributes {stable_mosaic.version = 14 : i64} {
  func.func @sc_mp128(%arg0: i32, %arg1: i32, %arg2: memref<10240x128xf32, #tpu.memory_space<hbm>>, %arg3: memref<2562x2x128xi32, #tpu.memory_space<hbm>>, %arg4: memref<2x10240x128xf32, #tpu.memory_space<hbm>>, %arg5: memref<2x128xi32, #tpu.memory_space<vmem>>, %arg6: memref<2x128xi32, #tpu.memory_space<vmem>>, %arg7: memref<128x128xf32, #tpu.memory_space<vmem>>, %arg8: memref<128x128xf32, #tpu.memory_space<vmem>>, %arg9: memref<10240x128xf32, #tpu.memory_space<vmem_shared>>, %arg10: memref<!tpu.dma_semaphore, #tpu.memory_space<semaphore_mem>>, %arg11: memref<!tpu.dma_semaphore, #tpu.memory_space<semaphore_mem>>, %arg12: memref<!tpu.dma_semaphore, #tpu.memory_space<semaphore_mem>>, %arg13: memref<!tpu.dma_semaphore, #tpu.memory_space<semaphore_mem>>, %arg14: memref<!tpu.dma_semaphore, #tpu.memory_space<semaphore_mem>>, %arg15: memref<!tpu.dma_semaphore, #tpu.memory_space<semaphore_mem>>) attributes {dimension_semantics = [#tpu.dimension_semantics<core_parallel>, #tpu.dimension_semantics<subcore_parallel>], iteration_bounds = array<i64: 2, 16>, scalar_prefetch = 0 : i64, scratch_operands = 11 : i64, tpu.core_type = #tpu.core_type<sc_vector_subcore>, window_params = [{transform_indices = #map}, {transform_indices = #map1}, {transform_indices = #map1}]} {
    %mul3A = arith.constant 2 : i32
    %mul3A_0 = arith.muli %arg1, %mul3A : i32
    %add3A = arith.addi %mul3A_0, %arg0 : i32
    %mul3A_1 = arith.constant 640 : i32
    %mul3A_2 = arith.muli %arg1, %mul3A_1 : i32
    %mul3A_3 = arith.constant 80 : i32
    %mul3A_4 = arith.muli %add3A, %mul3A_3 : i32
    %broadcast_in_dim3A = arith.constant 0.000000e+00 : f32
    %broadcast_in_dim3A_5 = vector.broadcast %broadcast_in_dim3A : f32 to vector<16xf32>
    %scan3A = arith.constant 0 : i32
    %scan3A_6 = arith.constant 0 : i32
    %scan3A_7 = arith.constant 128 : i32
    %scan3A_8 = arith.addi %scan3A_6, %scan3A_7 : i32
    %scan3A_9 = arith.constant 1 : i32
    scf.for %scan3A_56 = %scan3A_6 to %scan3A_8 step %scan3A_9  : i32 {
      %swap3A = arith.index_cast %scan3A_56 : i32 to index
      %swap3A_57 = arith.constant 0 : index
      %swap3A_58 = tpu.vector_load %arg7[%swap3A, %swap3A_57] {strides = array<i32>} : memref<128x128xf32, #tpu.memory_space<vmem>>, vector<1x16xf32>,
      %swap3A_59 = vector.shape_cast %swap3A_58 : vector<1x16xf32> to vector<16xf32>
      %swap3A_60 = vector.shape_cast %broadcast_in_dim3A_5 : vector<16xf32> to vector<1x16xf32>
      tpu.vector_store %arg7[%swap3A, %swap3A_57], %swap3A_60 {strides = array<i32>} : memref<128x128xf32, #tpu.memory_space<vmem>>, vector<1x16xf32>,
      %swap3A_61 = arith.index_cast %scan3A_56 : i32 to index
      %swap3A_62 = arith.constant 16 : index
      %swap3A_63 = tpu.vector_load %arg7[%swap3A_61, %swap3A_62] {strides = array<i32>} : memref<128x128xf32, #tpu.memory_space<vmem>>, vector<1x16xf32>,
      %swap3A_64 = vector.shape_cast %swap3A_63 : vector<1x16xf32> to vector<16xf32>
      %swap3A_65 = vector.shape_cast %broadcast_in_dim3A_5 : vector<16xf32> to vector<1x16xf32>
      tpu.vector_store %arg7[%swap3A_61, %swap3A_62], %swap3A_65 {strides = array<i32>} : memref<128x128xf32, #tpu.memory_space<vmem>>, vector<1x16xf32>,
      %swap3A_66 = arith.index_cast %scan3A_56 : i32 to index
      %swap3A_67 = arith.constant 32 : index
      %swap3A_68 = tpu.vector_load %arg7[%swap3A_66, %swap3A_67] {strides = array<i32>} : memref<128x128xf32, #tpu.memory_space<vmem>>, vector<1x16xf32>,
      %swap3A_69 = vector.shape_cast %swap3A_68 : vector<1x16xf32> to vector<16xf32>
      %swap3A_70 = vector.shape_cast %broadcast_in_dim3A_5 : vector<16xf32> to vector<1x16xf32>
      tpu.vector_store %arg7[%swap3A_66, %swap3A_67], %swap3A_70 {strides = array<i32>} : memref<128x128xf32, #tpu.memory_space<vmem>>, vector<1x16xf32>,
      %swap3A_71 = arith.index_cast %scan3A_56 : i32 to index
      %swap3A_72 = arith.constant 48 : index
      %swap3A_73 = tpu.vector_load %arg7[%swap3A_71, %swap3A_72] {strides = array<i32>} : memref<128x128xf32, #tpu.memory_space<vmem>>, vector<1x16xf32>,
      %swap3A_74 = vector.shape_cast %swap3A_73 : vector<1x16xf32> to vector<16xf32>
      %swap3A_75 = vector.shape_cast %broadcast_in_dim3A_5 : vector<16xf32> to vector<1x16xf32>
      tpu.vector_store %arg7[%swap3A_71, %swap3A_72], %swap3A_75 {strides = array<i32>} : memref<128x128xf32, #tpu.memory_space<vmem>>, vector<1x16xf32>,
      %swap3A_76 = arith.index_cast %scan3A_56 : i32 to index
      %swap3A_77 = arith.constant 64 : index
      %swap3A_78 = tpu.vector_load %arg7[%swap3A_76, %swap3A_77] {strides = array<i32>} : memref<128x128xf32, #tpu.memory_space<vmem>>, vector<1x16xf32>,
      %swap3A_79 = vector.shape_cast %swap3A_78 : vector<1x16xf32> to vector<16xf32>
      %swap3A_80 = vector.shape_cast %broadcast_in_dim3A_5 : vector<16xf32> to vector<1x16xf32>
      tpu.vector_store %arg7[%swap3A_76, %swap3A_77], %swap3A_80 {strides = array<i32>} : memref<128x128xf32, #tpu.memory_space<vmem>>, vector<1x16xf32>,
      %swap3A_81 = arith.index_cast %scan3A_56 : i32 to index
      %swap3A_82 = arith.constant 80 : index
      %swap3A_83 = tpu.vector_load %arg7[%swap3A_81, %swap3A_82] {strides = array<i32>} : memref<128x128xf32, #tpu.memory_space<vmem>>, vector<1x16xf32>,
      %swap3A_84 = vector.shape_cast %swap3A_83 : vector<1x16xf32> to vector<16xf32>
      %swap3A_85 = vector.shape_cast %broadcast_in_dim3A_5 : vector<16xf32> to vector<1x16xf32>
      tpu.vector_store %arg7[%swap3A_81, %swap3A_82], %swap3A_85 {strides = array<i32>} : memref<128x128xf32, #tpu.memory_space<vmem>>, vector<1x16xf32>,
      %swap3A_86 = arith.index_cast %scan3A_56 : i32 to index
      %swap3A_87 = arith.constant 96 : index
      %swap3A_88 = tpu.vector_load %arg7[%swap3A_86, %swap3A_87] {strides = array<i32>} : memref<128x128xf32, #tpu.memory_space<vmem>>, vector<1x16xf32>,
      %swap3A_89 = vector.shape_cast %swap3A_88 : vector<1x16xf32> to vector<16xf32>
      %swap3A_90 = vector.shape_cast %broadcast_in_dim3A_5 : vector<16xf32> to vector<1x16xf32>
      tpu.vector_store %arg7[%swap3A_86, %swap3A_87], %swap3A_90 {strides = array<i32>} : memref<128x128xf32, #tpu.memory_space<vmem>>, vector<1x16xf32>,
      %swap3A_91 = arith.index_cast %scan3A_56 : i32 to index
      %swap3A_92 = arith.constant 112 : index
      %swap3A_93 = tpu.vector_load %arg7[%swap3A_91, %swap3A_92] {strides = array<i32>} : memref<128x128xf32, #tpu.memory_space<vmem>>, vector<1x16xf32>,
      %swap3A_94 = vector.shape_cast %swap3A_93 : vector<1x16xf32> to vector<16xf32>
      %swap3A_95 = vector.shape_cast %broadcast_in_dim3A_5 : vector<16xf32> to vector<1x16xf32>
      tpu.vector_store %arg7[%swap3A_91, %swap3A_92], %swap3A_95 {strides = array<i32>} : memref<128x128xf32, #tpu.memory_space<vmem>>, vector<1x16xf32>,
    }
    %scan3A_10 = arith.constant 128 : i32
    %add3A_11 = arith.constant 0 : i32
    %add3A_12 = arith.addi %mul3A_2, %add3A_11 : i32
    "tpu.region"() ({
      %run_scoped3A = tpu.sem_alloc : memref<!tpu.dma_semaphore, #tpu.memory_space<semaphore_mem>>
      %dma_start3A_56 = arith.constant 0 : i32
      %dma_start3A_57 = tpu.memref_slice %arg9[%add3A_12, %dma_start3A_56] : memref<10240x128xf32, #tpu.memory_space<vmem_shared>> -> memref<128x128xf32, #tpu.memory_space<vmem_shared>>
      %dma_start3A_58 = arith.constant 0 : i32
      %dma_start3A_59 = tpu.memref_slice %arg9[%add3A_12, %dma_start3A_58] : memref<10240x128xf32, #tpu.memory_space<vmem_shared>> -> memref<128x128xf32, #tpu.memory_space<vmem_shared>>
      tpu.enqueue_dma source(%arg7 : memref<128x128xf32, #tpu.memory_space<vmem>>) target(%dma_start3A_59 : memref<128x128xf32, #tpu.memory_space<vmem_shared>>) target_semaphore(%run_scoped3A : memref<!tpu.dma_semaphore, #tpu.memory_space<semaphore_mem>>)
      %dma_wait3A_60 = arith.constant 0 : i32
      %dma_wait3A_61 = tpu.memref_slice %arg9[%add3A_12, %dma_wait3A_60] : memref<10240x128xf32, #tpu.memory_space<vmem_shared>> -> memref<128x128xf32, #tpu.memory_space<vmem_shared>>
      %dma_wait3A_62 = arith.constant 0 : i32
      %dma_wait3A_63 = tpu.memref_slice %arg9[%add3A_12, %dma_wait3A_62] : memref<10240x128xf32, #tpu.memory_space<vmem_shared>> -> memref<128x128xf32, #tpu.memory_space<vmem_shared>>
      tpu.wait_dma2 semaphore(%run_scoped3A : memref<!tpu.dma_semaphore, #tpu.memory_space<semaphore_mem>>) src(%arg7 : memref<128x128xf32, #tpu.memory_space<vmem>>) dst(%dma_wait3A_63 : memref<128x128xf32, #tpu.memory_space<vmem_shared>>)
      tpu.yield
    }) : () -> ()
    %add3A_13 = arith.constant 128 : i32
    %add3A_14 = arith.addi %mul3A_2, %add3A_13 : i32
    "tpu.region"() ({
      %run_scoped3A = tpu.sem_alloc : memref<!tpu.dma_semaphore, #tpu.memory_space<semaphore_mem>>
      %dma_start3A_56 = arith.constant 0 : i32
      %dma_start3A_57 = tpu.memref_slice %arg9[%add3A_14, %dma_start3A_56] : memref<10240x128xf32, #tpu.memory_space<vmem_shared>> -> memref<128x128xf32, #tpu.memory_space<vmem_shared>>
      %dma_start3A_58 = arith.constant 0 : i32
      %dma_start3A_59 = tpu.memref_slice %arg9[%add3A_14, %dma_start3A_58] : memref<10240x128xf32, #tpu.memory_space<vmem_shared>> -> memref<128x128xf32, #tpu.memory_space<vmem_shared>>
      tpu.enqueue_dma source(%arg7 : memref<128x128xf32, #tpu.memory_space<vmem>>) target(%dma_start3A_59 : memref<128x128xf32, #tpu.memory_space<vmem_shared>>) target_semaphore(%run_scoped3A : memref<!tpu.dma_semaphore, #tpu.memory_space<semaphore_mem>>)
      %dma_wait3A_60 = arith.constant 0 : i32
      %dma_wait3A_61 = tpu.memref_slice %arg9[%add3A_14, %dma_wait3A_60] : memref<10240x128xf32, #tpu.memory_space<vmem_shared>> -> memref<128x128xf32, #tpu.memory_space<vmem_shared>>
      %dma_wait3A_62 = arith.constant 0 : i32
      %dma_wait3A_63 = tpu.memref_slice %arg9[%add3A_14, %dma_wait3A_62] : memref<10240x128xf32, #tpu.memory_space<vmem_shared>> -> memref<128x128xf32, #tpu.memory_space<vmem_shared>>
      tpu.wait_dma2 semaphore(%run_scoped3A : memref<!tpu.dma_semaphore, #tpu.memory_space<semaphore_mem>>) src(%arg7 : memref<128x128xf32, #tpu.memory_space<vmem>>) dst(%dma_wait3A_63 : memref<128x128xf32, #tpu.memory_space<vmem_shared>>)
      tpu.yield
    }) : () -> ()
    %add3A_15 = arith.constant 256 : i32
    %add3A_16 = arith.addi %mul3A_2, %add3A_15 : i32
    "tpu.region"() ({
      %run_scoped3A = tpu.sem_alloc : memref<!tpu.dma_semaphore, #tpu.memory_space<semaphore_mem>>
      %dma_start3A_56 = arith.constant 0 : i32
      %dma_start3A_57 = tpu.memref_slice %arg9[%add3A_16, %dma_start3A_56] : memref<10240x128xf32, #tpu.memory_space<vmem_shared>> -> memref<128x128xf32, #tpu.memory_space<vmem_shared>>
      %dma_start3A_58 = arith.constant 0 : i32
      %dma_start3A_59 = tpu.memref_slice %arg9[%add3A_16, %dma_start3A_58] : memref<10240x128xf32, #tpu.memory_space<vmem_shared>> -> memref<128x128xf32, #tpu.memory_space<vmem_shared>>
      tpu.enqueue_dma source(%arg7 : memref<128x128xf32, #tpu.memory_space<vmem>>) target(%dma_start3A_59 : memref<128x128xf32, #tpu.memory_space<vmem_shared>>) target_semaphore(%run_scoped3A : memref<!tpu.dma_semaphore, #tpu.memory_space<semaphore_mem>>)
      %dma_wait3A_60 = arith.constant 0 : i32
      %dma_wait3A_61 = tpu.memref_slice %arg9[%add3A_16, %dma_wait3A_60] : memref<10240x128xf32, #tpu.memory_space<vmem_shared>> -> memref<128x128xf32, #tpu.memory_space<vmem_shared>>
      %dma_wait3A_62 = arith.constant 0 : i32
      %dma_wait3A_63 = tpu.memref_slice %arg9[%add3A_16, %dma_wait3A_62] : memref<10240x128xf32, #tpu.memory_space<vmem_shared>> -> memref<128x128xf32, #tpu.memory_space<vmem_shared>>
      tpu.wait_dma2 semaphore(%run_scoped3A : memref<!tpu.dma_semaphore, #tpu.memory_space<semaphore_mem>>) src(%arg7 : memref<128x128xf32, #tpu.memory_space<vmem>>) dst(%dma_wait3A_63 : memref<128x128xf32, #tpu.memory_space<vmem_shared>>)
      tpu.yield
    }) : () -> ()
    %add3A_17 = arith.constant 384 : i32
    %add3A_18 = arith.addi %mul3A_2, %add3A_17 : i32
    "tpu.region"() ({
      %run_scoped3A = tpu.sem_alloc : memref<!tpu.dma_semaphore, #tpu.memory_space<semaphore_mem>>
      %dma_start3A_56 = arith.constant 0 : i32
      %dma_start3A_57 = tpu.memref_slice %arg9[%add3A_18, %dma_start3A_56] : memref<10240x128xf32, #tpu.memory_space<vmem_shared>> -> memref<128x128xf32, #tpu.memory_space<vmem_shared>>
      %dma_start3A_58 = arith.constant 0 : i32
      %dma_start3A_59 = tpu.memref_slice %arg9[%add3A_18, %dma_start3A_58] : memref<10240x128xf32, #tpu.memory_space<vmem_shared>> -> memref<128x128xf32, #tpu.memory_space<vmem_shared>>
      tpu.enqueue_dma source(%arg7 : memref<128x128xf32, #tpu.memory_space<vmem>>) target(%dma_start3A_59 : memref<128x128xf32, #tpu.memory_space<vmem_shared>>) target_semaphore(%run_scoped3A : memref<!tpu.dma_semaphore, #tpu.memory_space<semaphore_mem>>)
      %dma_wait3A_60 = arith.constant 0 : i32
      %dma_wait3A_61 = tpu.memref_slice %arg9[%add3A_18, %dma_wait3A_60] : memref<10240x128xf32, #tpu.memory_space<vmem_shared>> -> memref<128x128xf32, #tpu.memory_space<vmem_shared>>
      %dma_wait3A_62 = arith.constant 0 : i32
      %dma_wait3A_63 = tpu.memref_slice %arg9[%add3A_18, %dma_wait3A_62] : memref<10240x128xf32, #tpu.memory_space<vmem_shared>> -> memref<128x128xf32, #tpu.memory_space<vmem_shared>>
      tpu.wait_dma2 semaphore(%run_scoped3A : memref<!tpu.dma_semaphore, #tpu.memory_space<semaphore_mem>>) src(%arg7 : memref<128x128xf32, #tpu.memory_space<vmem>>) dst(%dma_wait3A_63 : memref<128x128xf32, #tpu.memory_space<vmem_shared>>)
      tpu.yield
    }) : () -> ()
    %add3A_19 = arith.constant 512 : i32
    %add3A_20 = arith.addi %mul3A_2, %add3A_19 : i32
    "tpu.region"() ({
      %run_scoped3A = tpu.sem_alloc : memref<!tpu.dma_semaphore, #tpu.memory_space<semaphore_mem>>
      %dma_start3A_56 = arith.constant 0 : i32
      %dma_start3A_57 = tpu.memref_slice %arg9[%add3A_20, %dma_start3A_56] : memref<10240x128xf32, #tpu.memory_space<vmem_shared>> -> memref<128x128xf32, #tpu.memory_space<vmem_shared>>
      %dma_start3A_58 = arith.constant 0 : i32
      %dma_start3A_59 = tpu.memref_slice %arg9[%add3A_20, %dma_start3A_58] : memref<10240x128xf32, #tpu.memory_space<vmem_shared>> -> memref<128x128xf32, #tpu.memory_space<vmem_shared>>
      tpu.enqueue_dma source(%arg7 : memref<128x128xf32, #tpu.memory_space<vmem>>) target(%dma_start3A_59 : memref<128x128xf32, #tpu.memory_space<vmem_shared>>) target_semaphore(%run_scoped3A : memref<!tpu.dma_semaphore, #tpu.memory_space<semaphore_mem>>)
      %dma_wait3A_60 = arith.constant 0 : i32
      %dma_wait3A_61 = tpu.memref_slice %arg9[%add3A_20, %dma_wait3A_60] : memref<10240x128xf32, #tpu.memory_space<vmem_shared>> -> memref<128x128xf32, #tpu.memory_space<vmem_shared>>
      %dma_wait3A_62 = arith.constant 0 : i32
      %dma_wait3A_63 = tpu.memref_slice %arg9[%add3A_20, %dma_wait3A_62] : memref<10240x128xf32, #tpu.memory_space<vmem_shared>> -> memref<128x128xf32, #tpu.memory_space<vmem_shared>>
      tpu.wait_dma2 semaphore(%run_scoped3A : memref<!tpu.dma_semaphore, #tpu.memory_space<semaphore_mem>>) src(%arg7 : memref<128x128xf32, #tpu.memory_space<vmem>>) dst(%dma_wait3A_63 : memref<128x128xf32, #tpu.memory_space<vmem_shared>>)
      tpu.yield
    }) : () -> ()
    "tpu.region"() ({
      %run_scoped3A = tpu.sem_alloc : memref<!tpu.dma_semaphore, #tpu.memory_space<semaphore_mem>>
      %dma_start3A_56 = arith.constant 0 : i32
      %dma_start3A_57 = arith.constant 0 : i32
      %dma_start3A_58 = tpu.memref_slice %arg3[%mul3A_4, %dma_start3A_56, %dma_start3A_57] : memref<2562x2x128xi32, #tpu.memory_space<hbm>> -> memref<1x2x128xi32, #tpu.memory_space<hbm>>
      %dma_start3A_59 = tpu.memref_squeeze %dma_start3A_58 : memref<1x2x128xi32, #tpu.memory_space<hbm>> -> memref<2x128xi32, #tpu.memory_space<hbm>>
      %dma_start3A_60 = arith.constant 0 : i32
      %dma_start3A_61 = arith.constant 0 : i32
      %dma_start3A_62 = tpu.memref_slice %arg3[%mul3A_4, %dma_start3A_60, %dma_start3A_61] : memref<2562x2x128xi32, #tpu.memory_space<hbm>> -> memref<1x2x128xi32, #tpu.memory_space<hbm>>
      %dma_start3A_63 = tpu.memref_squeeze %dma_start3A_62 : memref<1x2x128xi32, #tpu.memory_space<hbm>> -> memref<2x128xi32, #tpu.memory_space<hbm>>
      tpu.enqueue_dma source(%dma_start3A_63 : memref<2x128xi32, #tpu.memory_space<hbm>>) target(%arg5 : memref<2x128xi32, #tpu.memory_space<vmem>>) target_semaphore(%run_scoped3A : memref<!tpu.dma_semaphore, #tpu.memory_space<semaphore_mem>>)
      %dma_wait3A_64 = arith.constant 0 : i32
      %dma_wait3A_65 = arith.constant 0 : i32
      %dma_wait3A_66 = tpu.memref_slice %arg3[%mul3A_4, %dma_wait3A_64, %dma_wait3A_65] : memref<2562x2x128xi32, #tpu.memory_space<hbm>> -> memref<1x2x128xi32, #tpu.memory_space<hbm>>
      %dma_wait3A_67 = tpu.memref_squeeze %dma_wait3A_66 : memref<1x2x128xi32, #tpu.memory_space<hbm>> -> memref<2x128xi32, #tpu.memory_space<hbm>>
      %dma_wait3A_68 = arith.constant 0 : i32
      %dma_wait3A_69 = arith.constant 0 : i32
      %dma_wait3A_70 = tpu.memref_slice %arg3[%mul3A_4, %dma_wait3A_68, %dma_wait3A_69] : memref<2562x2x128xi32, #tpu.memory_space<hbm>> -> memref<1x2x128xi32, #tpu.memory_space<hbm>>
      %dma_wait3A_71 = tpu.memref_squeeze %dma_wait3A_70 : memref<1x2x128xi32, #tpu.memory_space<hbm>> -> memref<2x128xi32, #tpu.memory_space<hbm>>
      tpu.wait_dma2 semaphore(%run_scoped3A : memref<!tpu.dma_semaphore, #tpu.memory_space<semaphore_mem>>) src(%dma_wait3A_71 : memref<2x128xi32, #tpu.memory_space<hbm>>) dst(%arg5 : memref<2x128xi32, #tpu.memory_space<vmem>>)
      tpu.yield
    }) : () -> ()
    %add3A_21 = arith.constant 1 : i32
    %add3A_22 = arith.addi %mul3A_4, %add3A_21 : i32
    "tpu.region"() ({
      %run_scoped3A = tpu.sem_alloc : memref<!tpu.dma_semaphore, #tpu.memory_space<semaphore_mem>>
      %dma_start3A_56 = arith.constant 0 : i32
      %dma_start3A_57 = arith.constant 0 : i32
      %dma_start3A_58 = tpu.memref_slice %arg3[%add3A_22, %dma_start3A_56, %dma_start3A_57] : memref<2562x2x128xi32, #tpu.memory_space<hbm>> -> memref<1x2x128xi32, #tpu.memory_space<hbm>>
      %dma_start3A_59 = tpu.memref_squeeze %dma_start3A_58 : memref<1x2x128xi32, #tpu.memory_space<hbm>> -> memref<2x128xi32, #tpu.memory_space<hbm>>
      %dma_start3A_60 = arith.constant 0 : i32
      %dma_start3A_61 = arith.constant 0 : i32
      %dma_start3A_62 = tpu.memref_slice %arg3[%add3A_22, %dma_start3A_60, %dma_start3A_61] : memref<2562x2x128xi32, #tpu.memory_space<hbm>> -> memref<1x2x128xi32, #tpu.memory_space<hbm>>
      %dma_start3A_63 = tpu.memref_squeeze %dma_start3A_62 : memref<1x2x128xi32, #tpu.memory_space<hbm>> -> memref<2x128xi32, #tpu.memory_space<hbm>>
      tpu.enqueue_dma source(%dma_start3A_63 : memref<2x128xi32, #tpu.memory_space<hbm>>) target(%arg6 : memref<2x128xi32, #tpu.memory_space<vmem>>) target_semaphore(%run_scoped3A : memref<!tpu.dma_semaphore, #tpu.memory_space<semaphore_mem>>)
      %dma_wait3A_64 = arith.constant 0 : i32
      %dma_wait3A_65 = arith.constant 0 : i32
      %dma_wait3A_66 = tpu.memref_slice %arg3[%add3A_22, %dma_wait3A_64, %dma_wait3A_65] : memref<2562x2x128xi32, #tpu.memory_space<hbm>> -> memref<1x2x128xi32, #tpu.memory_space<hbm>>
      %dma_wait3A_67 = tpu.memref_squeeze %dma_wait3A_66 : memref<1x2x128xi32, #tpu.memory_space<hbm>> -> memref<2x128xi32, #tpu.memory_space<hbm>>
      %dma_wait3A_68 = arith.constant 0 : i32
      %dma_wait3A_69 = arith.constant 0 : i32
      %dma_wait3A_70 = tpu.memref_slice %arg3[%add3A_22, %dma_wait3A_68, %dma_wait3A_69] : memref<2562x2x128xi32, #tpu.memory_space<hbm>> -> memref<1x2x128xi32, #tpu.memory_space<hbm>>
      %dma_wait3A_71 = tpu.memref_squeeze %dma_wait3A_70 : memref<1x2x128xi32, #tpu.memory_space<hbm>> -> memref<2x128xi32, #tpu.memory_space<hbm>>
      tpu.wait_dma2 semaphore(%run_scoped3A : memref<!tpu.dma_semaphore, #tpu.memory_space<semaphore_mem>>) src(%dma_wait3A_71 : memref<2x128xi32, #tpu.memory_space<hbm>>) dst(%arg6 : memref<2x128xi32, #tpu.memory_space<vmem>>)
      tpu.yield
    }) : () -> ()
    %dma_start3A = arith.constant 0 : i32
    %dma_start3A_23 = arith.constant 0 : i32
    %dma_start3A_24 = tpu.memref_slice %arg5[%dma_start3A, %dma_start3A_23] : memref<2x128xi32, #tpu.memory_space<vmem>> -> memref<1x128xi32, #tpu.memory_space<vmem>>
    %dma_start3A_25 = tpu.memref_squeeze %dma_start3A_24 : memref<1x128xi32, #tpu.memory_space<vmem>> -> memref<128xi32, #tpu.memory_space<vmem>>
    %dma_start3A_26 = arith.constant 0 : i32
    %dma_start3A_27 = arith.constant 0 : i32
    %dma_start3A_28 = tpu.memref_slice %arg2[%dma_start3A_26, %dma_start3A_27] : memref<10240x128xf32, #tpu.memory_space<hbm>> -> memref<10240x128xf32, #tpu.memory_space<hbm>>
    tpu.enqueue_indirect_dma source(%dma_start3A_28 : memref<10240x128xf32, #tpu.memory_space<hbm>>) target(%arg7 : memref<128x128xf32, #tpu.memory_space<vmem>>) offsets(%dma_start3A_25 : memref<128xi32, #tpu.memory_space<vmem>>) semaphore(%arg10 : memref<!tpu.dma_semaphore, #tpu.memory_space<semaphore_mem>>)
    %dma_start3A_29 = arith.constant 0 : i32
    %dma_start3A_30 = arith.constant 0 : i32
    %dma_start3A_31 = tpu.memref_slice %arg6[%dma_start3A_29, %dma_start3A_30] : memref<2x128xi32, #tpu.memory_space<vmem>> -> memref<1x128xi32, #tpu.memory_space<vmem>>
    %dma_start3A_32 = tpu.memref_squeeze %dma_start3A_31 : memref<1x128xi32, #tpu.memory_space<vmem>> -> memref<128xi32, #tpu.memory_space<vmem>>
    %dma_start3A_33 = arith.constant 0 : i32
    %dma_start3A_34 = arith.constant 0 : i32
    %dma_start3A_35 = tpu.memref_slice %arg2[%dma_start3A_33, %dma_start3A_34] : memref<10240x128xf32, #tpu.memory_space<hbm>> -> memref<10240x128xf32, #tpu.memory_space<hbm>>
    tpu.enqueue_indirect_dma source(%dma_start3A_35 : memref<10240x128xf32, #tpu.memory_space<hbm>>) target(%arg8 : memref<128x128xf32, #tpu.memory_space<vmem>>) offsets(%dma_start3A_32 : memref<128xi32, #tpu.memory_space<vmem>>) semaphore(%arg11 : memref<!tpu.dma_semaphore, #tpu.memory_space<semaphore_mem>>)
    %barrier3A = arith.constant 0 : index
    tpu.barrier barrier_id(%barrier3A)
    %scan3A_36 = arith.constant 0 : i32
    %scan3A_37 = arith.constant 0 : i32
    %scan3A_38 = arith.constant 40 : i32
    %scan3A_39 = arith.addi %scan3A_37, %scan3A_38 : i32
    %scan3A_40 = arith.constant 1 : i32
    scf.for %scan3A_56 = %scan3A_37 to %scan3A_39 step %scan3A_40  : i32 {
      %mul3A_57 = arith.constant 2 : i32
      %mul3A_58 = arith.muli %mul3A_57, %scan3A_56 : i32
      %add3A_59 = arith.addi %mul3A_4, %mul3A_58 : i32
      %add3A_60 = arith.constant 2 : i32
      %add3A_61 = arith.addi %add3A_59, %add3A_60 : i32
      %dma_wait3A_62 = arith.constant 0 : i32
      %dma_wait3A_63 = arith.constant 0 : i32
      %dma_wait3A_64 = tpu.memref_slice %arg5[%dma_wait3A_62, %dma_wait3A_63] : memref<2x128xi32, #tpu.memory_space<vmem>> -> memref<1x128xi32, #tpu.memory_space<vmem>>
      %dma_wait3A_65 = tpu.memref_squeeze %dma_wait3A_64 : memref<1x128xi32, #tpu.memory_space<vmem>> -> memref<128xi32, #tpu.memory_space<vmem>>
      %dma_wait3A_66 = arith.constant 0 : i32
      %dma_wait3A_67 = arith.constant 0 : i32
      %dma_wait3A_68 = tpu.memref_slice %arg2[%dma_wait3A_66, %dma_wait3A_67] : memref<10240x128xf32, #tpu.memory_space<hbm>> -> memref<10240x128xf32, #tpu.memory_space<hbm>>
      tpu.wait_indirect_dma semaphore(%arg10 : memref<!tpu.dma_semaphore, #tpu.memory_space<semaphore_mem>>) src(%dma_wait3A_68 : memref<10240x128xf32, #tpu.memory_space<hbm>>) dst(%arg7 : memref<128x128xf32, #tpu.memory_space<vmem>>)
      %dma_start3A_69 = arith.constant 1 : i32
      %dma_start3A_70 = arith.constant 0 : i32
      %dma_start3A_71 = tpu.memref_slice %arg5[%dma_start3A_69, %dma_start3A_70] : memref<2x128xi32, #tpu.memory_space<vmem>> -> memref<1x128xi32, #tpu.memory_space<vmem>>
      %dma_start3A_72 = tpu.memref_squeeze %dma_start3A_71 : memref<1x128xi32, #tpu.memory_space<vmem>> -> memref<128xi32, #tpu.memory_space<vmem>>
      %dma_start3A_73 = arith.constant 0 : i32
      %dma_start3A_74 = arith.constant 0 : i32
      %dma_start3A_75 = tpu.memref_slice %arg9[%dma_start3A_73, %dma_start3A_74] : memref<10240x128xf32, #tpu.memory_space<vmem_shared>> -> memref<10240x128xf32, #tpu.memory_space<vmem_shared>>
      tpu.enqueue_indirect_dma source(%arg7 : memref<128x128xf32, #tpu.memory_space<vmem>>) target(%dma_start3A_75 : memref<10240x128xf32, #tpu.memory_space<vmem_shared>>) offsets(%dma_start3A_72 : memref<128xi32, #tpu.memory_space<vmem>>) semaphore(%arg12 : memref<!tpu.dma_semaphore, #tpu.memory_space<semaphore_mem>>) {add = true}
      %dma_wait3A_76 = arith.constant 0 : i32
      %dma_wait3A_77 = arith.constant 0 : i32
      %dma_wait3A_78 = tpu.memref_slice %arg6[%dma_wait3A_76, %dma_wait3A_77] : memref<2x128xi32, #tpu.memory_space<vmem>> -> memref<1x128xi32, #tpu.memory_space<vmem>>
      %dma_wait3A_79 = tpu.memref_squeeze %dma_wait3A_78 : memref<1x128xi32, #tpu.memory_space<vmem>> -> memref<128xi32, #tpu.memory_space<vmem>>
      %dma_wait3A_80 = arith.constant 0 : i32
      %dma_wait3A_81 = arith.constant 0 : i32
      %dma_wait3A_82 = tpu.memref_slice %arg2[%dma_wait3A_80, %dma_wait3A_81] : memref<10240x128xf32, #tpu.memory_space<hbm>> -> memref<10240x128xf32, #tpu.memory_space<hbm>>
      tpu.wait_indirect_dma semaphore(%arg11 : memref<!tpu.dma_semaphore, #tpu.memory_space<semaphore_mem>>) src(%dma_wait3A_82 : memref<10240x128xf32, #tpu.memory_space<hbm>>) dst(%arg8 : memref<128x128xf32, #tpu.memory_space<vmem>>)
      %dma_wait3A_83 = arith.constant 1 : i32
      %dma_wait3A_84 = arith.constant 0 : i32
      %dma_wait3A_85 = tpu.memref_slice %arg5[%dma_wait3A_83, %dma_wait3A_84] : memref<2x128xi32, #tpu.memory_space<vmem>> -> memref<1x128xi32, #tpu.memory_space<vmem>>
      %dma_wait3A_86 = tpu.memref_squeeze %dma_wait3A_85 : memref<1x128xi32, #tpu.memory_space<vmem>> -> memref<128xi32, #tpu.memory_space<vmem>>
      %dma_wait3A_87 = arith.constant 0 : i32
      %dma_wait3A_88 = arith.constant 0 : i32
      %dma_wait3A_89 = tpu.memref_slice %arg9[%dma_wait3A_87, %dma_wait3A_88] : memref<10240x128xf32, #tpu.memory_space<vmem_shared>> -> memref<10240x128xf32, #tpu.memory_space<vmem_shared>>
      tpu.wait_indirect_dma semaphore(%arg12 : memref<!tpu.dma_semaphore, #tpu.memory_space<semaphore_mem>>) src(%arg7 : memref<128x128xf32, #tpu.memory_space<vmem>>) dst(%dma_wait3A_89 : memref<10240x128xf32, #tpu.memory_space<vmem_shared>>)
      %dma_start3A_90 = arith.constant 0 : i32
      %dma_start3A_91 = arith.constant 0 : i32
      %dma_start3A_92 = tpu.memref_slice %arg3[%add3A_61, %dma_start3A_90, %dma_start3A_91] : memref<2562x2x128xi32, #tpu.memory_space<hbm>> -> memref<1x2x128xi32, #tpu.memory_space<hbm>>
      %dma_start3A_93 = tpu.memref_squeeze %dma_start3A_92 : memref<1x2x128xi32, #tpu.memory_space<hbm>> -> memref<2x128xi32, #tpu.memory_space<hbm>>
      %dma_start3A_94 = arith.constant 0 : i32
      %dma_start3A_95 = arith.constant 0 : i32
      %dma_start3A_96 = tpu.memref_slice %arg3[%add3A_61, %dma_start3A_94, %dma_start3A_95] : memref<2562x2x128xi32, #tpu.memory_space<hbm>> -> memref<1x2x128xi32, #tpu.memory_space<hbm>>
      %dma_start3A_97 = tpu.memref_squeeze %dma_start3A_96 : memref<1x2x128xi32, #tpu.memory_space<hbm>> -> memref<2x128xi32, #tpu.memory_space<hbm>>
      tpu.enqueue_dma source(%dma_start3A_97 : memref<2x128xi32, #tpu.memory_space<hbm>>) target(%arg5 : memref<2x128xi32, #tpu.memory_space<vmem>>) target_semaphore(%arg14 : memref<!tpu.dma_semaphore, #tpu.memory_space<semaphore_mem>>)
      %dma_start3A_98 = arith.constant 1 : i32
      %dma_start3A_99 = arith.constant 0 : i32
      %dma_start3A_100 = tpu.memref_slice %arg6[%dma_start3A_98, %dma_start3A_99] : memref<2x128xi32, #tpu.memory_space<vmem>> -> memref<1x128xi32, #tpu.memory_space<vmem>>
      %dma_start3A_101 = tpu.memref_squeeze %dma_start3A_100 : memref<1x128xi32, #tpu.memory_space<vmem>> -> memref<128xi32, #tpu.memory_space<vmem>>
      %dma_start3A_102 = arith.constant 0 : i32
      %dma_start3A_103 = arith.constant 0 : i32
      %dma_start3A_104 = tpu.memref_slice %arg9[%dma_start3A_102, %dma_start3A_103] : memref<10240x128xf32, #tpu.memory_space<vmem_shared>> -> memref<10240x128xf32, #tpu.memory_space<vmem_shared>>
      tpu.enqueue_indirect_dma source(%arg8 : memref<128x128xf32, #tpu.memory_space<vmem>>) target(%dma_start3A_104 : memref<10240x128xf32, #tpu.memory_space<vmem_shared>>) offsets(%dma_start3A_101 : memref<128xi32, #tpu.memory_space<vmem>>) semaphore(%arg13 : memref<!tpu.dma_semaphore, #tpu.memory_space<semaphore_mem>>) {add = true}
      %dma_wait3A_105 = arith.constant 0 : i32
      %dma_wait3A_106 = arith.constant 0 : i32
      %dma_wait3A_107 = tpu.memref_slice %arg3[%add3A_61, %dma_wait3A_105, %dma_wait3A_106] : memref<2562x2x128xi32, #tpu.memory_space<hbm>> -> memref<1x2x128xi32, #tpu.memory_space<hbm>>
      %dma_wait3A_108 = tpu.memref_squeeze %dma_wait3A_107 : memref<1x2x128xi32, #tpu.memory_space<hbm>> -> memref<2x128xi32, #tpu.memory_space<hbm>>
      %dma_wait3A_109 = arith.constant 0 : i32
      %dma_wait3A_110 = arith.constant 0 : i32
      %dma_wait3A_111 = tpu.memref_slice %arg3[%add3A_61, %dma_wait3A_109, %dma_wait3A_110] : memref<2562x2x128xi32, #tpu.memory_space<hbm>> -> memref<1x2x128xi32, #tpu.memory_space<hbm>>
      %dma_wait3A_112 = tpu.memref_squeeze %dma_wait3A_111 : memref<1x2x128xi32, #tpu.memory_space<hbm>> -> memref<2x128xi32, #tpu.memory_space<hbm>>
      tpu.wait_dma2 semaphore(%arg14 : memref<!tpu.dma_semaphore, #tpu.memory_space<semaphore_mem>>) src(%dma_wait3A_112 : memref<2x128xi32, #tpu.memory_space<hbm>>) dst(%arg5 : memref<2x128xi32, #tpu.memory_space<vmem>>)
      %dma_start3A_113 = arith.constant 0 : i32
      %dma_start3A_114 = arith.constant 0 : i32
      %dma_start3A_115 = tpu.memref_slice %arg5[%dma_start3A_113, %dma_start3A_114] : memref<2x128xi32, #tpu.memory_space<vmem>> -> memref<1x128xi32, #tpu.memory_space<vmem>>
      %dma_start3A_116 = tpu.memref_squeeze %dma_start3A_115 : memref<1x128xi32, #tpu.memory_space<vmem>> -> memref<128xi32, #tpu.memory_space<vmem>>
      %dma_start3A_117 = arith.constant 0 : i32
      %dma_start3A_118 = arith.constant 0 : i32
      %dma_start3A_119 = tpu.memref_slice %arg2[%dma_start3A_117, %dma_start3A_118] : memref<10240x128xf32, #tpu.memory_space<hbm>> -> memref<10240x128xf32, #tpu.memory_space<hbm>>
      tpu.enqueue_indirect_dma source(%dma_start3A_119 : memref<10240x128xf32, #tpu.memory_space<hbm>>) target(%arg7 : memref<128x128xf32, #tpu.memory_space<vmem>>) offsets(%dma_start3A_116 : memref<128xi32, #tpu.memory_space<vmem>>) semaphore(%arg10 : memref<!tpu.dma_semaphore, #tpu.memory_space<semaphore_mem>>)
      %dma_wait3A_120 = arith.constant 1 : i32
      %dma_wait3A_121 = arith.constant 0 : i32
      %dma_wait3A_122 = tpu.memref_slice %arg6[%dma_wait3A_120, %dma_wait3A_121] : memref<2x128xi32, #tpu.memory_space<vmem>> -> memref<1x128xi32, #tpu.memory_space<vmem>>
      %dma_wait3A_123 = tpu.memref_squeeze %dma_wait3A_122 : memref<1x128xi32, #tpu.memory_space<vmem>> -> memref<128xi32, #tpu.memory_space<vmem>>
      %dma_wait3A_124 = arith.constant 0 : i32
      %dma_wait3A_125 = arith.constant 0 : i32
      %dma_wait3A_126 = tpu.memref_slice %arg9[%dma_wait3A_124, %dma_wait3A_125] : memref<10240x128xf32, #tpu.memory_space<vmem_shared>> -> memref<10240x128xf32, #tpu.memory_space<vmem_shared>>
      tpu.wait_indirect_dma semaphore(%arg13 : memref<!tpu.dma_semaphore, #tpu.memory_space<semaphore_mem>>) src(%arg8 : memref<128x128xf32, #tpu.memory_space<vmem>>) dst(%dma_wait3A_126 : memref<10240x128xf32, #tpu.memory_space<vmem_shared>>)
      %add3A_127 = arith.constant 1 : i32
      %add3A_128 = arith.addi %add3A_61, %add3A_127 : i32
      %dma_start3A_129 = arith.constant 0 : i32
      %dma_start3A_130 = arith.constant 0 : i32
      %dma_start3A_131 = tpu.memref_slice %arg3[%add3A_128, %dma_start3A_129, %dma_start3A_130] : memref<2562x2x128xi32, #tpu.memory_space<hbm>> -> memref<1x2x128xi32, #tpu.memory_space<hbm>>
      %dma_start3A_132 = tpu.memref_squeeze %dma_start3A_131 : memref<1x2x128xi32, #tpu.memory_space<hbm>> -> memref<2x128xi32, #tpu.memory_space<hbm>>
      %dma_start3A_133 = arith.constant 0 : i32
      %dma_start3A_134 = arith.constant 0 : i32
      %dma_start3A_135 = tpu.memref_slice %arg3[%add3A_128, %dma_start3A_133, %dma_start3A_134] : memref<2562x2x128xi32, #tpu.memory_space<hbm>> -> memref<1x2x128xi32, #tpu.memory_space<hbm>>
      %dma_start3A_136 = tpu.memref_squeeze %dma_start3A_135 : memref<1x2x128xi32, #tpu.memory_space<hbm>> -> memref<2x128xi32, #tpu.memory_space<hbm>>
      tpu.enqueue_dma source(%dma_start3A_136 : memref<2x128xi32, #tpu.memory_space<hbm>>) target(%arg6 : memref<2x128xi32, #tpu.memory_space<vmem>>) target_semaphore(%arg15 : memref<!tpu.dma_semaphore, #tpu.memory_space<semaphore_mem>>)
      %dma_wait3A_137 = arith.constant 0 : i32
      %dma_wait3A_138 = arith.constant 0 : i32
      %dma_wait3A_139 = tpu.memref_slice %arg3[%add3A_128, %dma_wait3A_137, %dma_wait3A_138] : memref<2562x2x128xi32, #tpu.memory_space<hbm>> -> memref<1x2x128xi32, #tpu.memory_space<hbm>>
      %dma_wait3A_140 = tpu.memref_squeeze %dma_wait3A_139 : memref<1x2x128xi32, #tpu.memory_space<hbm>> -> memref<2x128xi32, #tpu.memory_space<hbm>>
      %dma_wait3A_141 = arith.constant 0 : i32
      %dma_wait3A_142 = arith.constant 0 : i32
      %dma_wait3A_143 = tpu.memref_slice %arg3[%add3A_128, %dma_wait3A_141, %dma_wait3A_142] : memref<2562x2x128xi32, #tpu.memory_space<hbm>> -> memref<1x2x128xi32, #tpu.memory_space<hbm>>
      %dma_wait3A_144 = tpu.memref_squeeze %dma_wait3A_143 : memref<1x2x128xi32, #tpu.memory_space<hbm>> -> memref<2x128xi32, #tpu.memory_space<hbm>>
      tpu.wait_dma2 semaphore(%arg15 : memref<!tpu.dma_semaphore, #tpu.memory_space<semaphore_mem>>) src(%dma_wait3A_144 : memref<2x128xi32, #tpu.memory_space<hbm>>) dst(%arg6 : memref<2x128xi32, #tpu.memory_space<vmem>>)
      %dma_start3A_145 = arith.constant 0 : i32
      %dma_start3A_146 = arith.constant 0 : i32
      %dma_start3A_147 = tpu.memref_slice %arg6[%dma_start3A_145, %dma_start3A_146] : memref<2x128xi32, #tpu.memory_space<vmem>> -> memref<1x128xi32, #tpu.memory_space<vmem>>
      %dma_start3A_148 = tpu.memref_squeeze %dma_start3A_147 : memref<1x128xi32, #tpu.memory_space<vmem>> -> memref<128xi32, #tpu.memory_space<vmem>>
      %dma_start3A_149 = arith.constant 0 : i32
      %dma_start3A_150 = arith.constant 0 : i32
      %dma_start3A_151 = tpu.memref_slice %arg2[%dma_start3A_149, %dma_start3A_150] : memref<10240x128xf32, #tpu.memory_space<hbm>> -> memref<10240x128xf32, #tpu.memory_space<hbm>>
      tpu.enqueue_indirect_dma source(%dma_start3A_151 : memref<10240x128xf32, #tpu.memory_space<hbm>>) target(%arg8 : memref<128x128xf32, #tpu.memory_space<vmem>>) offsets(%dma_start3A_148 : memref<128xi32, #tpu.memory_space<vmem>>) semaphore(%arg11 : memref<!tpu.dma_semaphore, #tpu.memory_space<semaphore_mem>>)
    }
    %scan3A_41 = arith.constant 40 : i32
    %dma_wait3A = arith.constant 0 : i32
    %dma_wait3A_42 = arith.constant 0 : i32
    %dma_wait3A_43 = tpu.memref_slice %arg5[%dma_wait3A, %dma_wait3A_42] : memref<2x128xi32, #tpu.memory_space<vmem>> -> memref<1x128xi32, #tpu.memory_space<vmem>>
    %dma_wait3A_44 = tpu.memref_squeeze %dma_wait3A_43 : memref<1x128xi32, #tpu.memory_space<vmem>> -> memref<128xi32, #tpu.memory_space<vmem>>
    %dma_wait3A_45 = arith.constant 0 : i32
    %dma_wait3A_46 = arith.constant 0 : i32
    %dma_wait3A_47 = tpu.memref_slice %arg2[%dma_wait3A_45, %dma_wait3A_46] : memref<10240x128xf32, #tpu.memory_space<hbm>> -> memref<10240x128xf32, #tpu.memory_space<hbm>>
    tpu.wait_indirect_dma semaphore(%arg10 : memref<!tpu.dma_semaphore, #tpu.memory_space<semaphore_mem>>) src(%dma_wait3A_47 : memref<10240x128xf32, #tpu.memory_space<hbm>>) dst(%arg7 : memref<128x128xf32, #tpu.memory_space<vmem>>)
    %dma_wait3A_48 = arith.constant 0 : i32
    %dma_wait3A_49 = arith.constant 0 : i32
    %dma_wait3A_50 = tpu.memref_slice %arg6[%dma_wait3A_48, %dma_wait3A_49] : memref<2x128xi32, #tpu.memory_space<vmem>> -> memref<1x128xi32, #tpu.memory_space<vmem>>
    %dma_wait3A_51 = tpu.memref_squeeze %dma_wait3A_50 : memref<1x128xi32, #tpu.memory_space<vmem>> -> memref<128xi32, #tpu.memory_space<vmem>>
    %dma_wait3A_52 = arith.constant 0 : i32
    %dma_wait3A_53 = arith.constant 0 : i32
    %dma_wait3A_54 = tpu.memref_slice %arg2[%dma_wait3A_52, %dma_wait3A_53] : memref<10240x128xf32, #tpu.memory_space<hbm>> -> memref<10240x128xf32, #tpu.memory_space<hbm>>
    tpu.wait_indirect_dma semaphore(%arg11 : memref<!tpu.dma_semaphore, #tpu.memory_space<semaphore_mem>>) src(%dma_wait3A_54 : memref<10240x128xf32, #tpu.memory_space<hbm>>) dst(%arg8 : memref<128x128xf32, #tpu.memory_space<vmem>>)
    %barrier3A_55 = arith.constant 0 : index
    tpu.barrier barrier_id(%barrier3A_55)
    "tpu.region"() ({
      %run_scoped3A = tpu.sem_alloc : memref<!tpu.dma_semaphore, #tpu.memory_space<semaphore_mem>>
      %dma_start3A_56 = arith.constant 0 : i32
      %dma_start3A_57 = tpu.memref_slice %arg4[%arg0, %mul3A_2, %dma_start3A_56] : memref<2x10240x128xf32, #tpu.memory_space<hbm>> -> memref<1x640x128xf32, #tpu.memory_space<hbm>>
      %dma_start3A_58 = tpu.memref_squeeze %dma_start3A_57 : memref<1x640x128xf32, #tpu.memory_space<hbm>> -> memref<640x128xf32, #tpu.memory_space<hbm>>
      %dma_start3A_59 = arith.constant 0 : i32
      %dma_start3A_60 = tpu.memref_slice %arg9[%mul3A_2, %dma_start3A_59] : memref<10240x128xf32, #tpu.memory_space<vmem_shared>> -> memref<640x128xf32, #tpu.memory_space<vmem_shared>>
      tpu.enqueue_dma source(%dma_start3A_60 : memref<640x128xf32, #tpu.memory_space<vmem_shared>>) target(%dma_start3A_58 : memref<640x128xf32, #tpu.memory_space<hbm>>) target_semaphore(%run_scoped3A : memref<!tpu.dma_semaphore, #tpu.memory_space<semaphore_mem>>)
      %dma_wait3A_61 = arith.constant 0 : i32
      %dma_wait3A_62 = tpu.memref_slice %arg4[%arg0, %mul3A_2, %dma_wait3A_61] : memref<2x10240x128xf32, #tpu.memory_space<hbm>> -> memref<1x640x128xf32, #tpu.memory_space<hbm>>
      %dma_wait3A_63 = tpu.memref_squeeze %dma_wait3A_62 : memref<1x640x128xf32, #tpu.memory_space<hbm>> -> memref<640x128xf32, #tpu.memory_space<hbm>>
      %dma_wait3A_64 = arith.constant 0 : i32
      %dma_wait3A_65 = tpu.memref_slice %arg9[%mul3A_2, %dma_wait3A_64] : memref<10240x128xf32, #tpu.memory_space<vmem_shared>> -> memref<640x128xf32, #tpu.memory_space<vmem_shared>>
      tpu.wait_dma2 semaphore(%run_scoped3A : memref<!tpu.dma_semaphore, #tpu.memory_space<semaphore_mem>>) src(%dma_wait3A_65 : memref<640x128xf32, #tpu.memory_space<vmem_shared>>) dst(%dma_wait3A_63 : memref<640x128xf32, #tpu.memory_space<hbm>>)
      tpu.yield
    }) : () -> ()
    return
  }
}

#map = affine_map<(d0, d1) -> (0, 0)>
#map1 = affine_map<(d0, d1) -> (0, 0, 0)>
module attributes {stable_mosaic.version = 14 : i64} {
  func.func @sc_mp128(%arg0: i32, %arg1: i32, %arg2: memref<10240x128xf32, #tpu.memory_space<hbm>>, %arg3: memref<2562x2x128xi32, #tpu.memory_space<hbm>>, %arg4: memref<2x10240x128xf32, #tpu.memory_space<hbm>>, %arg5: memref<2x128xi32, #tpu.memory_space<vmem>>, %arg6: memref<2x128xi32, #tpu.memory_space<vmem>>, %arg7: memref<128x128xf32, #tpu.memory_space<vmem>>, %arg8: memref<128x128xf32, #tpu.memory_space<vmem>>, %arg9: memref<10240x128xf32, #tpu.memory_space<vmem_shared>>, %arg10: memref<!tpu.dma_semaphore, #tpu.memory_space<semaphore_mem>>, %arg11: memref<!tpu.dma_semaphore, #tpu.memory_space<semaphore_mem>>, %arg12: memref<!tpu.dma_semaphore, #tpu.memory_space<semaphore_mem>>, %arg13: memref<!tpu.dma_semaphore, #tpu.memory_space<semaphore_mem>>, %arg14: memref<!tpu.dma_semaphore, #tpu.memory_space<semaphore_mem>>, %arg15: memref<!tpu.dma_semaphore, #tpu.memory_space<semaphore_mem>>) attributes {dimension_semantics = [#tpu.dimension_semantics<core_parallel>, #tpu.dimension_semantics<subcore_parallel>], iteration_bounds = array<i64: 2, 16>, scalar_prefetch = 0 : i64, scratch_operands = 11 : i64, tpu.core_type = #tpu.core_type<sc_vector_subcore>, window_params = [{transform_indices = #map}, {transform_indices = #map1}, {transform_indices = #map1}]} {
    %mul3A = arith.constant 2 : i32
    %mul3A_0 = arith.muli %arg1, %mul3A : i32
    %add3A = arith.addi %mul3A_0, %arg0 : i32
    %mul3A_1 = arith.constant 640 : i32
    %mul3A_2 = arith.muli %arg1, %mul3A_1 : i32
    %mul3A_3 = arith.constant 80 : i32
    %mul3A_4 = arith.muli %add3A, %mul3A_3 : i32
    %broadcast_in_dim3A = arith.constant 0.000000e+00 : f32
    %broadcast_in_dim3A_5 = vector.broadcast %broadcast_in_dim3A : f32 to vector<16xf32>
    %scan3A = arith.constant 0 : i32
    %scan3A_6 = arith.constant 0 : i32
    %scan3A_7 = arith.constant 128 : i32
    %scan3A_8 = arith.addi %scan3A_6, %scan3A_7 : i32
    %scan3A_9 = arith.constant 1 : i32
    scf.for %scan3A_56 = %scan3A_6 to %scan3A_8 step %scan3A_9  : i32 {
      %swap3A = arith.index_cast %scan3A_56 : i32 to index
      %swap3A_57 = arith.constant 0 : index
      %swap3A_58 = tpu.vector_load %arg7[%swap3A, %swap3A_57] {strides = array<i32>} : memref<128x128xf32, #tpu.memory_space<vmem>>, vector<1x16xf32>,
      %swap3A_59 = vector.shape_cast %swap3A_58 : vector<1x16xf32> to vector<16xf32>
      %swap3A_60 = vector.shape_cast %broadcast_in_dim3A_5 : vector<16xf32> to vector<1x16xf32>
      tpu.vector_store %arg7[%swap3A, %swap3A_57], %swap3A_60 {strides = array<i32>} : memref<128x128xf32, #tpu.memory_space<vmem>>, vector<1x16xf32>,
      %swap3A_61 = arith.index_cast %scan3A_56 : i32 to index
      %swap3A_62 = arith.constant 16 : index
      %swap3A_63 = tpu.vector_load %arg7[%swap3A_61, %swap3A_62] {strides = array<i32>} : memref<128x128xf32, #tpu.memory_space<vmem>>, vector<1x16xf32>,
      %swap3A_64 = vector.shape_cast %swap3A_63 : vector<1x16xf32> to vector<16xf32>
      %swap3A_65 = vector.shape_cast %broadcast_in_dim3A_5 : vector<16xf32> to vector<1x16xf32>
      tpu.vector_store %arg7[%swap3A_61, %swap3A_62], %swap3A_65 {strides = array<i32>} : memref<128x128xf32, #tpu.memory_space<vmem>>, vector<1x16xf32>,
      %swap3A_66 = arith.index_cast %scan3A_56 : i32 to index
      %swap3A_67 = arith.constant 32 : index
      %swap3A_68 = tpu.vector_load %arg7[%swap3A_66, %swap3A_67] {strides = array<i32>} : memref<128x128xf32, #tpu.memory_space<vmem>>, vector<1x16xf32>,
      %swap3A_69 = vector.shape_cast %swap3A_68 : vector<1x16xf32> to vector<16xf32>
      %swap3A_70 = vector.shape_cast %broadcast_in_dim3A_5 : vector<16xf32> to vector<1x16xf32>
      tpu.vector_store %arg7[%swap3A_66, %swap3A_67], %swap3A_70 {strides = array<i32>} : memref<128x128xf32, #tpu.memory_space<vmem>>, vector<1x16xf32>,
      %swap3A_71 = arith.index_cast %scan3A_56 : i32 to index
      %swap3A_72 = arith.constant 48 : index
      %swap3A_73 = tpu.vector_load %arg7[%swap3A_71, %swap3A_72] {strides = array<i32>} : memref<128x128xf32, #tpu.memory_space<vmem>>, vector<1x16xf32>,
      %swap3A_74 = vector.shape_cast %swap3A_73 : vector<1x16xf32> to vector<16xf32>
      %swap3A_75 = vector.shape_cast %broadcast_in_dim3A_5 : vector<16xf32> to vector<1x16xf32>
      tpu.vector_store %arg7[%swap3A_71, %swap3A_72], %swap3A_75 {strides = array<i32>} : memref<128x128xf32, #tpu.memory_space<vmem>>, vector<1x16xf32>,
      %swap3A_76 = arith.index_cast %scan3A_56 : i32 to index
      %swap3A_77 = arith.constant 64 : index
      %swap3A_78 = tpu.vector_load %arg7[%swap3A_76, %swap3A_77] {strides = array<i32>} : memref<128x128xf32, #tpu.memory_space<vmem>>, vector<1x16xf32>,
      %swap3A_79 = vector.shape_cast %swap3A_78 : vector<1x16xf32> to vector<16xf32>
      %swap3A_80 = vector.shape_cast %broadcast_in_dim3A_5 : vector<16xf32> to vector<1x16xf32>
      tpu.vector_store %arg7[%swap3A_76, %swap3A_77], %swap3A_80 {strides = array<i32>} : memref<128x128xf32, #tpu.memory_space<vmem>>, vector<1x16xf32>,
      %swap3A_81 = arith.index_cast %scan3A_56 : i32 to index
      %swap3A_82 = arith.constant 80 : index
      %swap3A_83 = tpu.vector_load %arg7[%swap3A_81, %swap3A_82] {strides = array<i32>} : memref<128x128xf32, #tpu.memory_space<vmem>>, vector<1x16xf32>,
      %swap3A_84 = vector.shape_cast %swap3A_83 : vector<1x16xf32> to vector<16xf32>
      %swap3A_85 = vector.shape_cast %broadcast_in_dim3A_5 : vector<16xf32> to vector<1x16xf32>
      tpu.vector_store %arg7[%swap3A_81, %swap3A_82], %swap3A_85 {strides = array<i32>} : memref<128x128xf32, #tpu.memory_space<vmem>>, vector<1x16xf32>,
      %swap3A_86 = arith.index_cast %scan3A_56 : i32 to index
      %swap3A_87 = arith.constant 96 : index
      %swap3A_88 = tpu.vector_load %arg7[%swap3A_86, %swap3A_87] {strides = array<i32>} : memref<128x128xf32, #tpu.memory_space<vmem>>, vector<1x16xf32>,
      %swap3A_89 = vector.shape_cast %swap3A_88 : vector<1x16xf32> to vector<16xf32>
      %swap3A_90 = vector.shape_cast %broadcast_in_dim3A_5 : vector<16xf32> to vector<1x16xf32>
      tpu.vector_store %arg7[%swap3A_86, %swap3A_87], %swap3A_90 {strides = array<i32>} : memref<128x128xf32, #tpu.memory_space<vmem>>, vector<1x16xf32>,
      %swap3A_91 = arith.index_cast %scan3A_56 : i32 to index
      %swap3A_92 = arith.constant 112 : index
      %swap3A_93 = tpu.vector_load %arg7[%swap3A_91, %swap3A_92] {strides = array<i32>} : memref<128x128xf32, #tpu.memory_space<vmem>>, vector<1x16xf32>,
      %swap3A_94 = vector.shape_cast %swap3A_93 : vector<1x16xf32> to vector<16xf32>
      %swap3A_95 = vector.shape_cast %broadcast_in_dim3A_5 : vector<16xf32> to vector<1x16xf32>
      tpu.vector_store %arg7[%swap3A_91, %swap3A_92], %swap3A_95 {strides = array<i32>} : memref<128x128xf32, #tpu.memory_space<vmem>>, vector<1x16xf32>,
    }
    %scan3A_10 = arith.constant 128 : i32
    %add3A_11 = arith.constant 0 : i32
    %add3A_12 = arith.addi %mul3A_2, %add3A_11 : i32
    "tpu.region"() ({
      %run_scoped3A = tpu.sem_alloc : memref<!tpu.dma_semaphore, #tpu.memory_space<semaphore_mem>>
      %dma_start3A_56 = arith.constant 0 : i32
      %dma_start3A_57 = tpu.memref_slice %arg9[%add3A_12, %dma_start3A_56] : memref<10240x128xf32, #tpu.memory_space<vmem_shared>> -> memref<128x128xf32, #tpu.memory_space<vmem_shared>>
      %dma_start3A_58 = arith.constant 0 : i32
      %dma_start3A_59 = tpu.memref_slice %arg9[%add3A_12, %dma_start3A_58] : memref<10240x128xf32, #tpu.memory_space<vmem_shared>> -> memref<128x128xf32, #tpu.memory_space<vmem_shared>>
      tpu.enqueue_dma source(%arg7 : memref<128x128xf32, #tpu.memory_space<vmem>>) target(%dma_start3A_59 : memref<128x128xf32, #tpu.memory_space<vmem_shared>>) target_semaphore(%run_scoped3A : memref<!tpu.dma_semaphore, #tpu.memory_space<semaphore_mem>>)
      %dma_wait3A_60 = arith.constant 0 : i32
      %dma_wait3A_61 = tpu.memref_slice %arg9[%add3A_12, %dma_wait3A_60] : memref<10240x128xf32, #tpu.memory_space<vmem_shared>> -> memref<128x128xf32, #tpu.memory_space<vmem_shared>>
      %dma_wait3A_62 = arith.constant 0 : i32
      %dma_wait3A_63 = tpu.memref_slice %arg9[%add3A_12, %dma_wait3A_62] : memref<10240x128xf32, #tpu.memory_space<vmem_shared>> -> memref<128x128xf32, #tpu.memory_space<vmem_shared>>
      tpu.wait_dma2 semaphore(%run_scoped3A : memref<!tpu.dma_semaphore, #tpu.memory_space<semaphore_mem>>) src(%arg7 : memref<128x128xf32, #tpu.memory_space<vmem>>) dst(%dma_wait3A_63 : memref<128x128xf32, #tpu.memory_space<vmem_shared>>)
      tpu.yield
    }) : () -> ()
    %add3A_13 = arith.constant 128 : i32
    %add3A_14 = arith.addi %mul3A_2, %add3A_13 : i32
    "tpu.region"() ({
      %run_scoped3A = tpu.sem_alloc : memref<!tpu.dma_semaphore, #tpu.memory_space<semaphore_mem>>
      %dma_start3A_56 = arith.constant 0 : i32
      %dma_start3A_57 = tpu.memref_slice %arg9[%add3A_14, %dma_start3A_56] : memref<10240x128xf32, #tpu.memory_space<vmem_shared>> -> memref<128x128xf32, #tpu.memory_space<vmem_shared>>
      %dma_start3A_58 = arith.constant 0 : i32
      %dma_start3A_59 = tpu.memref_slice %arg9[%add3A_14, %dma_start3A_58] : memref<10240x128xf32, #tpu.memory_space<vmem_shared>> -> memref<128x128xf32, #tpu.memory_space<vmem_shared>>
      tpu.enqueue_dma source(%arg7 : memref<128x128xf32, #tpu.memory_space<vmem>>) target(%dma_start3A_59 : memref<128x128xf32, #tpu.memory_space<vmem_shared>>) target_semaphore(%run_scoped3A : memref<!tpu.dma_semaphore, #tpu.memory_space<semaphore_mem>>)
      %dma_wait3A_60 = arith.constant 0 : i32
      %dma_wait3A_61 = tpu.memref_slice %arg9[%add3A_14, %dma_wait3A_60] : memref<10240x128xf32, #tpu.memory_space<vmem_shared>> -> memref<128x128xf32, #tpu.memory_space<vmem_shared>>
      %dma_wait3A_62 = arith.constant 0 : i32
      %dma_wait3A_63 = tpu.memref_slice %arg9[%add3A_14, %dma_wait3A_62] : memref<10240x128xf32, #tpu.memory_space<vmem_shared>> -> memref<128x128xf32, #tpu.memory_space<vmem_shared>>
      tpu.wait_dma2 semaphore(%run_scoped3A : memref<!tpu.dma_semaphore, #tpu.memory_space<semaphore_mem>>) src(%arg7 : memref<128x128xf32, #tpu.memory_space<vmem>>) dst(%dma_wait3A_63 : memref<128x128xf32, #tpu.memory_space<vmem_shared>>)
      tpu.yield
    }) : () -> ()
    %add3A_15 = arith.constant 256 : i32
    %add3A_16 = arith.addi %mul3A_2, %add3A_15 : i32
    "tpu.region"() ({
      %run_scoped3A = tpu.sem_alloc : memref<!tpu.dma_semaphore, #tpu.memory_space<semaphore_mem>>
      %dma_start3A_56 = arith.constant 0 : i32
      %dma_start3A_57 = tpu.memref_slice %arg9[%add3A_16, %dma_start3A_56] : memref<10240x128xf32, #tpu.memory_space<vmem_shared>> -> memref<128x128xf32, #tpu.memory_space<vmem_shared>>
      %dma_start3A_58 = arith.constant 0 : i32
      %dma_start3A_59 = tpu.memref_slice %arg9[%add3A_16, %dma_start3A_58] : memref<10240x128xf32, #tpu.memory_space<vmem_shared>> -> memref<128x128xf32, #tpu.memory_space<vmem_shared>>
      tpu.enqueue_dma source(%arg7 : memref<128x128xf32, #tpu.memory_space<vmem>>) target(%dma_start3A_59 : memref<128x128xf32, #tpu.memory_space<vmem_shared>>) target_semaphore(%run_scoped3A : memref<!tpu.dma_semaphore, #tpu.memory_space<semaphore_mem>>)
      %dma_wait3A_60 = arith.constant 0 : i32
      %dma_wait3A_61 = tpu.memref_slice %arg9[%add3A_16, %dma_wait3A_60] : memref<10240x128xf32, #tpu.memory_space<vmem_shared>> -> memref<128x128xf32, #tpu.memory_space<vmem_shared>>
      %dma_wait3A_62 = arith.constant 0 : i32
      %dma_wait3A_63 = tpu.memref_slice %arg9[%add3A_16, %dma_wait3A_62] : memref<10240x128xf32, #tpu.memory_space<vmem_shared>> -> memref<128x128xf32, #tpu.memory_space<vmem_shared>>
      tpu.wait_dma2 semaphore(%run_scoped3A : memref<!tpu.dma_semaphore, #tpu.memory_space<semaphore_mem>>) src(%arg7 : memref<128x128xf32, #tpu.memory_space<vmem>>) dst(%dma_wait3A_63 : memref<128x128xf32, #tpu.memory_space<vmem_shared>>)
      tpu.yield
    }) : () -> ()
    %add3A_17 = arith.constant 384 : i32
    %add3A_18 = arith.addi %mul3A_2, %add3A_17 : i32
    "tpu.region"() ({
      %run_scoped3A = tpu.sem_alloc : memref<!tpu.dma_semaphore, #tpu.memory_space<semaphore_mem>>
      %dma_start3A_56 = arith.constant 0 : i32
      %dma_start3A_57 = tpu.memref_slice %arg9[%add3A_18, %dma_start3A_56] : memref<10240x128xf32, #tpu.memory_space<vmem_shared>> -> memref<128x128xf32, #tpu.memory_space<vmem_shared>>
      %dma_start3A_58 = arith.constant 0 : i32
      %dma_start3A_59 = tpu.memref_slice %arg9[%add3A_18, %dma_start3A_58] : memref<10240x128xf32, #tpu.memory_space<vmem_shared>> -> memref<128x128xf32, #tpu.memory_space<vmem_shared>>
      tpu.enqueue_dma source(%arg7 : memref<128x128xf32, #tpu.memory_space<vmem>>) target(%dma_start3A_59 : memref<128x128xf32, #tpu.memory_space<vmem_shared>>) target_semaphore(%run_scoped3A : memref<!tpu.dma_semaphore, #tpu.memory_space<semaphore_mem>>)
      %dma_wait3A_60 = arith.constant 0 : i32
      %dma_wait3A_61 = tpu.memref_slice %arg9[%add3A_18, %dma_wait3A_60] : memref<10240x128xf32, #tpu.memory_space<vmem_shared>> -> memref<128x128xf32, #tpu.memory_space<vmem_shared>>
      %dma_wait3A_62 = arith.constant 0 : i32
      %dma_wait3A_63 = tpu.memref_slice %arg9[%add3A_18, %dma_wait3A_62] : memref<10240x128xf32, #tpu.memory_space<vmem_shared>> -> memref<128x128xf32, #tpu.memory_space<vmem_shared>>
      tpu.wait_dma2 semaphore(%run_scoped3A : memref<!tpu.dma_semaphore, #tpu.memory_space<semaphore_mem>>) src(%arg7 : memref<128x128xf32, #tpu.memory_space<vmem>>) dst(%dma_wait3A_63 : memref<128x128xf32, #tpu.memory_space<vmem_shared>>)
      tpu.yield
    }) : () -> ()
    %add3A_19 = arith.constant 512 : i32
    %add3A_20 = arith.addi %mul3A_2, %add3A_19 : i32
    "tpu.region"() ({
      %run_scoped3A = tpu.sem_alloc : memref<!tpu.dma_semaphore, #tpu.memory_space<semaphore_mem>>
      %dma_start3A_56 = arith.constant 0 : i32
      %dma_start3A_57 = tpu.memref_slice %arg9[%add3A_20, %dma_start3A_56] : memref<10240x128xf32, #tpu.memory_space<vmem_shared>> -> memref<128x128xf32, #tpu.memory_space<vmem_shared>>
      %dma_start3A_58 = arith.constant 0 : i32
      %dma_start3A_59 = tpu.memref_slice %arg9[%add3A_20, %dma_start3A_58] : memref<10240x128xf32, #tpu.memory_space<vmem_shared>> -> memref<128x128xf32, #tpu.memory_space<vmem_shared>>
      tpu.enqueue_dma source(%arg7 : memref<128x128xf32, #tpu.memory_space<vmem>>) target(%dma_start3A_59 : memref<128x128xf32, #tpu.memory_space<vmem_shared>>) target_semaphore(%run_scoped3A : memref<!tpu.dma_semaphore, #tpu.memory_space<semaphore_mem>>)
      %dma_wait3A_60 = arith.constant 0 : i32
      %dma_wait3A_61 = tpu.memref_slice %arg9[%add3A_20, %dma_wait3A_60] : memref<10240x128xf32, #tpu.memory_space<vmem_shared>> -> memref<128x128xf32, #tpu.memory_space<vmem_shared>>
      %dma_wait3A_62 = arith.constant 0 : i32
      %dma_wait3A_63 = tpu.memref_slice %arg9[%add3A_20, %dma_wait3A_62] : memref<10240x128xf32, #tpu.memory_space<vmem_shared>> -> memref<128x128xf32, #tpu.memory_space<vmem_shared>>
      tpu.wait_dma2 semaphore(%run_scoped3A : memref<!tpu.dma_semaphore, #tpu.memory_space<semaphore_mem>>) src(%arg7 : memref<128x128xf32, #tpu.memory_space<vmem>>) dst(%dma_wait3A_63 : memref<128x128xf32, #tpu.memory_space<vmem_shared>>)
      tpu.yield
    }) : () -> ()
    "tpu.region"() ({
      %run_scoped3A = tpu.sem_alloc : memref<!tpu.dma_semaphore, #tpu.memory_space<semaphore_mem>>
      %dma_start3A_56 = arith.constant 0 : i32
      %dma_start3A_57 = arith.constant 0 : i32
      %dma_start3A_58 = tpu.memref_slice %arg3[%mul3A_4, %dma_start3A_56, %dma_start3A_57] : memref<2562x2x128xi32, #tpu.memory_space<hbm>> -> memref<1x2x128xi32, #tpu.memory_space<hbm>>
      %dma_start3A_59 = tpu.memref_squeeze %dma_start3A_58 : memref<1x2x128xi32, #tpu.memory_space<hbm>> -> memref<2x128xi32, #tpu.memory_space<hbm>>
      %dma_start3A_60 = arith.constant 0 : i32
      %dma_start3A_61 = arith.constant 0 : i32
      %dma_start3A_62 = tpu.memref_slice %arg3[%mul3A_4, %dma_start3A_60, %dma_start3A_61] : memref<2562x2x128xi32, #tpu.memory_space<hbm>> -> memref<1x2x128xi32, #tpu.memory_space<hbm>>
      %dma_start3A_63 = tpu.memref_squeeze %dma_start3A_62 : memref<1x2x128xi32, #tpu.memory_space<hbm>> -> memref<2x128xi32, #tpu.memory_space<hbm>>
      tpu.enqueue_dma source(%dma_start3A_63 : memref<2x128xi32, #tpu.memory_space<hbm>>) target(%arg5 : memref<2x128xi32, #tpu.memory_space<vmem>>) target_semaphore(%run_scoped3A : memref<!tpu.dma_semaphore, #tpu.memory_space<semaphore_mem>>)
      %dma_wait3A_64 = arith.constant 0 : i32
      %dma_wait3A_65 = arith.constant 0 : i32
      %dma_wait3A_66 = tpu.memref_slice %arg3[%mul3A_4, %dma_wait3A_64, %dma_wait3A_65] : memref<2562x2x128xi32, #tpu.memory_space<hbm>> -> memref<1x2x128xi32, #tpu.memory_space<hbm>>
      %dma_wait3A_67 = tpu.memref_squeeze %dma_wait3A_66 : memref<1x2x128xi32, #tpu.memory_space<hbm>> -> memref<2x128xi32, #tpu.memory_space<hbm>>
      %dma_wait3A_68 = arith.constant 0 : i32
      %dma_wait3A_69 = arith.constant 0 : i32
      %dma_wait3A_70 = tpu.memref_slice %arg3[%mul3A_4, %dma_wait3A_68, %dma_wait3A_69] : memref<2562x2x128xi32, #tpu.memory_space<hbm>> -> memref<1x2x128xi32, #tpu.memory_space<hbm>>
      %dma_wait3A_71 = tpu.memref_squeeze %dma_wait3A_70 : memref<1x2x128xi32, #tpu.memory_space<hbm>> -> memref<2x128xi32, #tpu.memory_space<hbm>>
      tpu.wait_dma2 semaphore(%run_scoped3A : memref<!tpu.dma_semaphore, #tpu.memory_space<semaphore_mem>>) src(%dma_wait3A_71 : memref<2x128xi32, #tpu.memory_space<hbm>>) dst(%arg5 : memref<2x128xi32, #tpu.memory_space<vmem>>)
      tpu.yield
    }) : () -> ()
    %add3A_21 = arith.constant 1 : i32
    %add3A_22 = arith.addi %mul3A_4, %add3A_21 : i32
    "tpu.region"() ({
      %run_scoped3A = tpu.sem_alloc : memref<!tpu.dma_semaphore, #tpu.memory_space<semaphore_mem>>
      %dma_start3A_56 = arith.constant 0 : i32
      %dma_start3A_57 = arith.constant 0 : i32
      %dma_start3A_58 = tpu.memref_slice %arg3[%add3A_22, %dma_start3A_56, %dma_start3A_57] : memref<2562x2x128xi32, #tpu.memory_space<hbm>> -> memref<1x2x128xi32, #tpu.memory_space<hbm>>
      %dma_start3A_59 = tpu.memref_squeeze %dma_start3A_58 : memref<1x2x128xi32, #tpu.memory_space<hbm>> -> memref<2x128xi32, #tpu.memory_space<hbm>>
      %dma_start3A_60 = arith.constant 0 : i32
      %dma_start3A_61 = arith.constant 0 : i32
      %dma_start3A_62 = tpu.memref_slice %arg3[%add3A_22, %dma_start3A_60, %dma_start3A_61] : memref<2562x2x128xi32, #tpu.memory_space<hbm>> -> memref<1x2x128xi32, #tpu.memory_space<hbm>>
      %dma_start3A_63 = tpu.memref_squeeze %dma_start3A_62 : memref<1x2x128xi32, #tpu.memory_space<hbm>> -> memref<2x128xi32, #tpu.memory_space<hbm>>
      tpu.enqueue_dma source(%dma_start3A_63 : memref<2x128xi32, #tpu.memory_space<hbm>>) target(%arg6 : memref<2x128xi32, #tpu.memory_space<vmem>>) target_semaphore(%run_scoped3A : memref<!tpu.dma_semaphore, #tpu.memory_space<semaphore_mem>>)
      %dma_wait3A_64 = arith.constant 0 : i32
      %dma_wait3A_65 = arith.constant 0 : i32
      %dma_wait3A_66 = tpu.memref_slice %arg3[%add3A_22, %dma_wait3A_64, %dma_wait3A_65] : memref<2562x2x128xi32, #tpu.memory_space<hbm>> -> memref<1x2x128xi32, #tpu.memory_space<hbm>>
      %dma_wait3A_67 = tpu.memref_squeeze %dma_wait3A_66 : memref<1x2x128xi32, #tpu.memory_space<hbm>> -> memref<2x128xi32, #tpu.memory_space<hbm>>
      %dma_wait3A_68 = arith.constant 0 : i32
      %dma_wait3A_69 = arith.constant 0 : i32
      %dma_wait3A_70 = tpu.memref_slice %arg3[%add3A_22, %dma_wait3A_68, %dma_wait3A_69] : memref<2562x2x128xi32, #tpu.memory_space<hbm>> -> memref<1x2x128xi32, #tpu.memory_space<hbm>>
      %dma_wait3A_71 = tpu.memref_squeeze %dma_wait3A_70 : memref<1x2x128xi32, #tpu.memory_space<hbm>> -> memref<2x128xi32, #tpu.memory_space<hbm>>
      tpu.wait_dma2 semaphore(%run_scoped3A : memref<!tpu.dma_semaphore, #tpu.memory_space<semaphore_mem>>) src(%dma_wait3A_71 : memref<2x128xi32, #tpu.memory_space<hbm>>) dst(%arg6 : memref<2x128xi32, #tpu.memory_space<vmem>>)
      tpu.yield
    }) : () -> ()
    %dma_start3A = arith.constant 0 : i32
    %dma_start3A_23 = arith.constant 0 : i32
    %dma_start3A_24 = tpu.memref_slice %arg5[%dma_start3A, %dma_start3A_23] : memref<2x128xi32, #tpu.memory_space<vmem>> -> memref<1x128xi32, #tpu.memory_space<vmem>>
    %dma_start3A_25 = tpu.memref_squeeze %dma_start3A_24 : memref<1x128xi32, #tpu.memory_space<vmem>> -> memref<128xi32, #tpu.memory_space<vmem>>
    %dma_start3A_26 = arith.constant 0 : i32
    %dma_start3A_27 = arith.constant 0 : i32
    %dma_start3A_28 = tpu.memref_slice %arg2[%dma_start3A_26, %dma_start3A_27] : memref<10240x128xf32, #tpu.memory_space<hbm>> -> memref<10240x128xf32, #tpu.memory_space<hbm>>
    tpu.enqueue_indirect_dma source(%dma_start3A_28 : memref<10240x128xf32, #tpu.memory_space<hbm>>) target(%arg7 : memref<128x128xf32, #tpu.memory_space<vmem>>) offsets(%dma_start3A_25 : memref<128xi32, #tpu.memory_space<vmem>>) semaphore(%arg10 : memref<!tpu.dma_semaphore, #tpu.memory_space<semaphore_mem>>)
    %dma_start3A_29 = arith.constant 0 : i32
    %dma_start3A_30 = arith.constant 0 : i32
    %dma_start3A_31 = tpu.memref_slice %arg6[%dma_start3A_29, %dma_start3A_30] : memref<2x128xi32, #tpu.memory_space<vmem>> -> memref<1x128xi32, #tpu.memory_space<vmem>>
    %dma_start3A_32 = tpu.memref_squeeze %dma_start3A_31 : memref<1x128xi32, #tpu.memory_space<vmem>> -> memref<128xi32, #tpu.memory_space<vmem>>
    %dma_start3A_33 = arith.constant 0 : i32
    %dma_start3A_34 = arith.constant 0 : i32
    %dma_start3A_35 = tpu.memref_slice %arg2[%dma_start3A_33, %dma_start3A_34] : memref<10240x128xf32, #tpu.memory_space<hbm>> -> memref<10240x128xf32, #tpu.memory_space<hbm>>
    tpu.enqueue_indirect_dma source(%dma_start3A_35 : memref<10240x128xf32, #tpu.memory_space<hbm>>) target(%arg8 : memref<128x128xf32, #tpu.memory_space<vmem>>) offsets(%dma_start3A_32 : memref<128xi32, #tpu.memory_space<vmem>>) semaphore(%arg11 : memref<!tpu.dma_semaphore, #tpu.memory_space<semaphore_mem>>)
    %barrier3A = arith.constant 0 : index
    tpu.barrier barrier_id(%barrier3A)
    %scan3A_36 = arith.constant 0 : i32
    %scan3A_37 = arith.constant 0 : i32
    %scan3A_38 = arith.constant 40 : i32
    %scan3A_39 = arith.addi %scan3A_37, %scan3A_38 : i32
    %scan3A_40 = arith.constant 1 : i32
    scf.for %scan3A_56 = %scan3A_37 to %scan3A_39 step %scan3A_40  : i32 {
      %mul3A_57 = arith.constant 2 : i32
      %mul3A_58 = arith.muli %mul3A_57, %scan3A_56 : i32
      %add3A_59 = arith.addi %mul3A_4, %mul3A_58 : i32
      %add3A_60 = arith.constant 2 : i32
      %add3A_61 = arith.addi %add3A_59, %add3A_60 : i32
      %dma_wait3A_62 = arith.constant 0 : i32
      %dma_wait3A_63 = arith.constant 0 : i32
      %dma_wait3A_64 = tpu.memref_slice %arg5[%dma_wait3A_62, %dma_wait3A_63] : memref<2x128xi32, #tpu.memory_space<vmem>> -> memref<1x128xi32, #tpu.memory_space<vmem>>
      %dma_wait3A_65 = tpu.memref_squeeze %dma_wait3A_64 : memref<1x128xi32, #tpu.memory_space<vmem>> -> memref<128xi32, #tpu.memory_space<vmem>>
      %dma_wait3A_66 = arith.constant 0 : i32
      %dma_wait3A_67 = arith.constant 0 : i32
      %dma_wait3A_68 = tpu.memref_slice %arg2[%dma_wait3A_66, %dma_wait3A_67] : memref<10240x128xf32, #tpu.memory_space<hbm>> -> memref<10240x128xf32, #tpu.memory_space<hbm>>
      tpu.wait_indirect_dma semaphore(%arg10 : memref<!tpu.dma_semaphore, #tpu.memory_space<semaphore_mem>>) src(%dma_wait3A_68 : memref<10240x128xf32, #tpu.memory_space<hbm>>) dst(%arg7 : memref<128x128xf32, #tpu.memory_space<vmem>>)
      %dma_start3A_69 = arith.constant 1 : i32
      %dma_start3A_70 = arith.constant 0 : i32
      %dma_start3A_71 = tpu.memref_slice %arg5[%dma_start3A_69, %dma_start3A_70] : memref<2x128xi32, #tpu.memory_space<vmem>> -> memref<1x128xi32, #tpu.memory_space<vmem>>
      %dma_start3A_72 = tpu.memref_squeeze %dma_start3A_71 : memref<1x128xi32, #tpu.memory_space<vmem>> -> memref<128xi32, #tpu.memory_space<vmem>>
      %dma_start3A_73 = arith.constant 0 : i32
      %dma_start3A_74 = arith.constant 0 : i32
      %dma_start3A_75 = tpu.memref_slice %arg9[%dma_start3A_73, %dma_start3A_74] : memref<10240x128xf32, #tpu.memory_space<vmem_shared>> -> memref<10240x128xf32, #tpu.memory_space<vmem_shared>>
      tpu.enqueue_indirect_dma source(%arg7 : memref<128x128xf32, #tpu.memory_space<vmem>>) target(%dma_start3A_75 : memref<10240x128xf32, #tpu.memory_space<vmem_shared>>) offsets(%dma_start3A_72 : memref<128xi32, #tpu.memory_space<vmem>>) semaphore(%arg12 : memref<!tpu.dma_semaphore, #tpu.memory_space<semaphore_mem>>) {add = true}
      %dma_wait3A_76 = arith.constant 0 : i32
      %dma_wait3A_77 = arith.constant 0 : i32
      %dma_wait3A_78 = tpu.memref_slice %arg6[%dma_wait3A_76, %dma_wait3A_77] : memref<2x128xi32, #tpu.memory_space<vmem>> -> memref<1x128xi32, #tpu.memory_space<vmem>>
      %dma_wait3A_79 = tpu.memref_squeeze %dma_wait3A_78 : memref<1x128xi32, #tpu.memory_space<vmem>> -> memref<128xi32, #tpu.memory_space<vmem>>
      %dma_wait3A_80 = arith.constant 0 : i32
      %dma_wait3A_81 = arith.constant 0 : i32
      %dma_wait3A_82 = tpu.memref_slice %arg2[%dma_wait3A_80, %dma_wait3A_81] : memref<10240x128xf32, #tpu.memory_space<hbm>> -> memref<10240x128xf32, #tpu.memory_space<hbm>>
      tpu.wait_indirect_dma semaphore(%arg11 : memref<!tpu.dma_semaphore, #tpu.memory_space<semaphore_mem>>) src(%dma_wait3A_82 : memref<10240x128xf32, #tpu.memory_space<hbm>>) dst(%arg8 : memref<128x128xf32, #tpu.memory_space<vmem>>)
      %dma_wait3A_83 = arith.constant 1 : i32
      %dma_wait3A_84 = arith.constant 0 : i32
      %dma_wait3A_85 = tpu.memref_slice %arg5[%dma_wait3A_83, %dma_wait3A_84] : memref<2x128xi32, #tpu.memory_space<vmem>> -> memref<1x128xi32, #tpu.memory_space<vmem>>
      %dma_wait3A_86 = tpu.memref_squeeze %dma_wait3A_85 : memref<1x128xi32, #tpu.memory_space<vmem>> -> memref<128xi32, #tpu.memory_space<vmem>>
      %dma_wait3A_87 = arith.constant 0 : i32
      %dma_wait3A_88 = arith.constant 0 : i32
      %dma_wait3A_89 = tpu.memref_slice %arg9[%dma_wait3A_87, %dma_wait3A_88] : memref<10240x128xf32, #tpu.memory_space<vmem_shared>> -> memref<10240x128xf32, #tpu.memory_space<vmem_shared>>
      tpu.wait_indirect_dma semaphore(%arg12 : memref<!tpu.dma_semaphore, #tpu.memory_space<semaphore_mem>>) src(%arg7 : memref<128x128xf32, #tpu.memory_space<vmem>>) dst(%dma_wait3A_89 : memref<10240x128xf32, #tpu.memory_space<vmem_shared>>)
      %dma_start3A_90 = arith.constant 0 : i32
      %dma_start3A_91 = arith.constant 0 : i32
      %dma_start3A_92 = tpu.memref_slice %arg3[%add3A_61, %dma_start3A_90, %dma_start3A_91] : memref<2562x2x128xi32, #tpu.memory_space<hbm>> -> memref<1x2x128xi32, #tpu.memory_space<hbm>>
      %dma_start3A_93 = tpu.memref_squeeze %dma_start3A_92 : memref<1x2x128xi32, #tpu.memory_space<hbm>> -> memref<2x128xi32, #tpu.memory_space<hbm>>
      %dma_start3A_94 = arith.constant 0 : i32
      %dma_start3A_95 = arith.constant 0 : i32
      %dma_start3A_96 = tpu.memref_slice %arg3[%add3A_61, %dma_start3A_94, %dma_start3A_95] : memref<2562x2x128xi32, #tpu.memory_space<hbm>> -> memref<1x2x128xi32, #tpu.memory_space<hbm>>
      %dma_start3A_97 = tpu.memref_squeeze %dma_start3A_96 : memref<1x2x128xi32, #tpu.memory_space<hbm>> -> memref<2x128xi32, #tpu.memory_space<hbm>>
      tpu.enqueue_dma source(%dma_start3A_97 : memref<2x128xi32, #tpu.memory_space<hbm>>) target(%arg5 : memref<2x128xi32, #tpu.memory_space<vmem>>) target_semaphore(%arg14 : memref<!tpu.dma_semaphore, #tpu.memory_space<semaphore_mem>>)
      %dma_start3A_98 = arith.constant 1 : i32
      %dma_start3A_99 = arith.constant 0 : i32
      %dma_start3A_100 = tpu.memref_slice %arg6[%dma_start3A_98, %dma_start3A_99] : memref<2x128xi32, #tpu.memory_space<vmem>> -> memref<1x128xi32, #tpu.memory_space<vmem>>
      %dma_start3A_101 = tpu.memref_squeeze %dma_start3A_100 : memref<1x128xi32, #tpu.memory_space<vmem>> -> memref<128xi32, #tpu.memory_space<vmem>>
      %dma_start3A_102 = arith.constant 0 : i32
      %dma_start3A_103 = arith.constant 0 : i32
      %dma_start3A_104 = tpu.memref_slice %arg9[%dma_start3A_102, %dma_start3A_103] : memref<10240x128xf32, #tpu.memory_space<vmem_shared>> -> memref<10240x128xf32, #tpu.memory_space<vmem_shared>>
      tpu.enqueue_indirect_dma source(%arg8 : memref<128x128xf32, #tpu.memory_space<vmem>>) target(%dma_start3A_104 : memref<10240x128xf32, #tpu.memory_space<vmem_shared>>) offsets(%dma_start3A_101 : memref<128xi32, #tpu.memory_space<vmem>>) semaphore(%arg13 : memref<!tpu.dma_semaphore, #tpu.memory_space<semaphore_mem>>) {add = true}
      %dma_wait3A_105 = arith.constant 0 : i32
      %dma_wait3A_106 = arith.constant 0 : i32
      %dma_wait3A_107 = tpu.memref_slice %arg3[%add3A_61, %dma_wait3A_105, %dma_wait3A_106] : memref<2562x2x128xi32, #tpu.memory_space<hbm>> -> memref<1x2x128xi32, #tpu.memory_space<hbm>>
      %dma_wait3A_108 = tpu.memref_squeeze %dma_wait3A_107 : memref<1x2x128xi32, #tpu.memory_space<hbm>> -> memref<2x128xi32, #tpu.memory_space<hbm>>
      %dma_wait3A_109 = arith.constant 0 : i32
      %dma_wait3A_110 = arith.constant 0 : i32
      %dma_wait3A_111 = tpu.memref_slice %arg3[%add3A_61, %dma_wait3A_109, %dma_wait3A_110] : memref<2562x2x128xi32, #tpu.memory_space<hbm>> -> memref<1x2x128xi32, #tpu.memory_space<hbm>>
      %dma_wait3A_112 = tpu.memref_squeeze %dma_wait3A_111 : memref<1x2x128xi32, #tpu.memory_space<hbm>> -> memref<2x128xi32, #tpu.memory_space<hbm>>
      tpu.wait_dma2 semaphore(%arg14 : memref<!tpu.dma_semaphore, #tpu.memory_space<semaphore_mem>>) src(%dma_wait3A_112 : memref<2x128xi32, #tpu.memory_space<hbm>>) dst(%arg5 : memref<2x128xi32, #tpu.memory_space<vmem>>)
      %dma_start3A_113 = arith.constant 0 : i32
      %dma_start3A_114 = arith.constant 0 : i32
      %dma_start3A_115 = tpu.memref_slice %arg5[%dma_start3A_113, %dma_start3A_114] : memref<2x128xi32, #tpu.memory_space<vmem>> -> memref<1x128xi32, #tpu.memory_space<vmem>>
      %dma_start3A_116 = tpu.memref_squeeze %dma_start3A_115 : memref<1x128xi32, #tpu.memory_space<vmem>> -> memref<128xi32, #tpu.memory_space<vmem>>
      %dma_start3A_117 = arith.constant 0 : i32
      %dma_start3A_118 = arith.constant 0 : i32
      %dma_start3A_119 = tpu.memref_slice %arg2[%dma_start3A_117, %dma_start3A_118] : memref<10240x128xf32, #tpu.memory_space<hbm>> -> memref<10240x128xf32, #tpu.memory_space<hbm>>
      tpu.enqueue_indirect_dma source(%dma_start3A_119 : memref<10240x128xf32, #tpu.memory_space<hbm>>) target(%arg7 : memref<128x128xf32, #tpu.memory_space<vmem>>) offsets(%dma_start3A_116 : memref<128xi32, #tpu.memory_space<vmem>>) semaphore(%arg10 : memref<!tpu.dma_semaphore, #tpu.memory_space<semaphore_mem>>)
      %dma_wait3A_120 = arith.constant 1 : i32
      %dma_wait3A_121 = arith.constant 0 : i32
      %dma_wait3A_122 = tpu.memref_slice %arg6[%dma_wait3A_120, %dma_wait3A_121] : memref<2x128xi32, #tpu.memory_space<vmem>> -> memref<1x128xi32, #tpu.memory_space<vmem>>
      %dma_wait3A_123 = tpu.memref_squeeze %dma_wait3A_122 : memref<1x128xi32, #tpu.memory_space<vmem>> -> memref<128xi32, #tpu.memory_space<vmem>>
      %dma_wait3A_124 = arith.constant 0 : i32
      %dma_wait3A_125 = arith.constant 0 : i32
      %dma_wait3A_126 = tpu.memref_slice %arg9[%dma_wait3A_124, %dma_wait3A_125] : memref<10240x128xf32, #tpu.memory_space<vmem_shared>> -> memref<10240x128xf32, #tpu.memory_space<vmem_shared>>
      tpu.wait_indirect_dma semaphore(%arg13 : memref<!tpu.dma_semaphore, #tpu.memory_space<semaphore_mem>>) src(%arg8 : memref<128x128xf32, #tpu.memory_space<vmem>>) dst(%dma_wait3A_126 : memref<10240x128xf32, #tpu.memory_space<vmem_shared>>)
      %add3A_127 = arith.constant 1 : i32
      %add3A_128 = arith.addi %add3A_61, %add3A_127 : i32
      %dma_start3A_129 = arith.constant 0 : i32
      %dma_start3A_130 = arith.constant 0 : i32
      %dma_start3A_131 = tpu.memref_slice %arg3[%add3A_128, %dma_start3A_129, %dma_start3A_130] : memref<2562x2x128xi32, #tpu.memory_space<hbm>> -> memref<1x2x128xi32, #tpu.memory_space<hbm>>
      %dma_start3A_132 = tpu.memref_squeeze %dma_start3A_131 : memref<1x2x128xi32, #tpu.memory_space<hbm>> -> memref<2x128xi32, #tpu.memory_space<hbm>>
      %dma_start3A_133 = arith.constant 0 : i32
      %dma_start3A_134 = arith.constant 0 : i32
      %dma_start3A_135 = tpu.memref_slice %arg3[%add3A_128, %dma_start3A_133, %dma_start3A_134] : memref<2562x2x128xi32, #tpu.memory_space<hbm>> -> memref<1x2x128xi32, #tpu.memory_space<hbm>>
      %dma_start3A_136 = tpu.memref_squeeze %dma_start3A_135 : memref<1x2x128xi32, #tpu.memory_space<hbm>> -> memref<2x128xi32, #tpu.memory_space<hbm>>
      tpu.enqueue_dma source(%dma_start3A_136 : memref<2x128xi32, #tpu.memory_space<hbm>>) target(%arg6 : memref<2x128xi32, #tpu.memory_space<vmem>>) target_semaphore(%arg15 : memref<!tpu.dma_semaphore, #tpu.memory_space<semaphore_mem>>)
      %dma_wait3A_137 = arith.constant 0 : i32
      %dma_wait3A_138 = arith.constant 0 : i32
      %dma_wait3A_139 = tpu.memref_slice %arg3[%add3A_128, %dma_wait3A_137, %dma_wait3A_138] : memref<2562x2x128xi32, #tpu.memory_space<hbm>> -> memref<1x2x128xi32, #tpu.memory_space<hbm>>
      %dma_wait3A_140 = tpu.memref_squeeze %dma_wait3A_139 : memref<1x2x128xi32, #tpu.memory_space<hbm>> -> memref<2x128xi32, #tpu.memory_space<hbm>>
      %dma_wait3A_141 = arith.constant 0 : i32
      %dma_wait3A_142 = arith.constant 0 : i32
      %dma_wait3A_143 = tpu.memref_slice %arg3[%add3A_128, %dma_wait3A_141, %dma_wait3A_142] : memref<2562x2x128xi32, #tpu.memory_space<hbm>> -> memref<1x2x128xi32, #tpu.memory_space<hbm>>
      %dma_wait3A_144 = tpu.memref_squeeze %dma_wait3A_143 : memref<1x2x128xi32, #tpu.memory_space<hbm>> -> memref<2x128xi32, #tpu.memory_space<hbm>>
      tpu.wait_dma2 semaphore(%arg15 : memref<!tpu.dma_semaphore, #tpu.memory_space<semaphore_mem>>) src(%dma_wait3A_144 : memref<2x128xi32, #tpu.memory_space<hbm>>) dst(%arg6 : memref<2x128xi32, #tpu.memory_space<vmem>>)
      %dma_start3A_145 = arith.constant 0 : i32
      %dma_start3A_146 = arith.constant 0 : i32
      %dma_start3A_147 = tpu.memref_slice %arg6[%dma_start3A_145, %dma_start3A_146] : memref<2x128xi32, #tpu.memory_space<vmem>> -> memref<1x128xi32, #tpu.memory_space<vmem>>
      %dma_start3A_148 = tpu.memref_squeeze %dma_start3A_147 : memref<1x128xi32, #tpu.memory_space<vmem>> -> memref<128xi32, #tpu.memory_space<vmem>>
      %dma_start3A_149 = arith.constant 0 : i32
      %dma_start3A_150 = arith.constant 0 : i32
      %dma_start3A_151 = tpu.memref_slice %arg2[%dma_start3A_149, %dma_start3A_150] : memref<10240x128xf32, #tpu.memory_space<hbm>> -> memref<10240x128xf32, #tpu.memory_space<hbm>>
      tpu.enqueue_indirect_dma source(%dma_start3A_151 : memref<10240x128xf32, #tpu.memory_space<hbm>>) target(%arg8 : memref<128x128xf32, #tpu.memory_space<vmem>>) offsets(%dma_start3A_148 : memref<128xi32, #tpu.memory_space<vmem>>) semaphore(%arg11 : memref<!tpu.dma_semaphore, #tpu.memory_space<semaphore_mem>>)
    }
    %scan3A_41 = arith.constant 40 : i32
    %dma_wait3A = arith.constant 0 : i32
    %dma_wait3A_42 = arith.constant 0 : i32
    %dma_wait3A_43 = tpu.memref_slice %arg5[%dma_wait3A, %dma_wait3A_42] : memref<2x128xi32, #tpu.memory_space<vmem>> -> memref<1x128xi32, #tpu.memory_space<vmem>>
    %dma_wait3A_44 = tpu.memref_squeeze %dma_wait3A_43 : memref<1x128xi32, #tpu.memory_space<vmem>> -> memref<128xi32, #tpu.memory_space<vmem>>
    %dma_wait3A_45 = arith.constant 0 : i32
    %dma_wait3A_46 = arith.constant 0 : i32
    %dma_wait3A_47 = tpu.memref_slice %arg2[%dma_wait3A_45, %dma_wait3A_46] : memref<10240x128xf32, #tpu.memory_space<hbm>> -> memref<10240x128xf32, #tpu.memory_space<hbm>>
    tpu.wait_indirect_dma semaphore(%arg10 : memref<!tpu.dma_semaphore, #tpu.memory_space<semaphore_mem>>) src(%dma_wait3A_47 : memref<10240x128xf32, #tpu.memory_space<hbm>>) dst(%arg7 : memref<128x128xf32, #tpu.memory_space<vmem>>)
    %dma_wait3A_48 = arith.constant 0 : i32
    %dma_wait3A_49 = arith.constant 0 : i32
    %dma_wait3A_50 = tpu.memref_slice %arg6[%dma_wait3A_48, %dma_wait3A_49] : memref<2x128xi32, #tpu.memory_space<vmem>> -> memref<1x128xi32, #tpu.memory_space<vmem>>
    %dma_wait3A_51 = tpu.memref_squeeze %dma_wait3A_50 : memref<1x128xi32, #tpu.memory_space<vmem>> -> memref<128xi32, #tpu.memory_space<vmem>>
    %dma_wait3A_52 = arith.constant 0 : i32
    %dma_wait3A_53 = arith.constant 0 : i32
    %dma_wait3A_54 = tpu.memref_slice %arg2[%dma_wait3A_52, %dma_wait3A_53] : memref<10240x128xf32, #tpu.memory_space<hbm>> -> memref<10240x128xf32, #tpu.memory_space<hbm>>
    tpu.wait_indirect_dma semaphore(%arg11 : memref<!tpu.dma_semaphore, #tpu.memory_space<semaphore_mem>>) src(%dma_wait3A_54 : memref<10240x128xf32, #tpu.memory_space<hbm>>) dst(%arg8 : memref<128x128xf32, #tpu.memory_space<vmem>>)
    %barrier3A_55 = arith.constant 0 : index
    tpu.barrier barrier_id(%barrier3A_55)
    "tpu.region"() ({
      %run_scoped3A = tpu.sem_alloc : memref<!tpu.dma_semaphore, #tpu.memory_space<semaphore_mem>>
      %dma_start3A_56 = arith.constant 0 : i32
      %dma_start3A_57 = tpu.memref_slice %arg4[%arg0, %mul3A_2, %dma_start3A_56] : memref<2x10240x128xf32, #tpu.memory_space<hbm>> -> memref<1x640x128xf32, #tpu.memory_space<hbm>>
      %dma_start3A_58 = tpu.memref_squeeze %dma_start3A_57 : memref<1x640x128xf32, #tpu.memory_space<hbm>> -> memref<640x128xf32, #tpu.memory_space<hbm>>
      %dma_start3A_59 = arith.constant 0 : i32
      %dma_start3A_60 = tpu.memref_slice %arg9[%mul3A_2, %dma_start3A_59] : memref<10240x128xf32, #tpu.memory_space<vmem_shared>> -> memref<640x128xf32, #tpu.memory_space<vmem_shared>>
      tpu.enqueue_dma source(%dma_start3A_60 : memref<640x128xf32, #tpu.memory_space<vmem_shared>>) target(%dma_start3A_58 : memref<640x128xf32, #tpu.memory_space<hbm>>) target_semaphore(%run_scoped3A : memref<!tpu.dma_semaphore, #tpu.memory_space<semaphore_mem>>)
      %dma_wait3A_61 = arith.constant 0 : i32
      %dma_wait3A_62 = tpu.memref_slice %arg4[%arg0, %mul3A_2, %dma_wait3A_61] : memref<2x10240x128xf32, #tpu.memory_space<hbm>> -> memref<1x640x128xf32, #tpu.memory_space<hbm>>
      %dma_wait3A_63 = tpu.memref_squeeze %dma_wait3A_62 : memref<1x640x128xf32, #tpu.memory_space<hbm>> -> memref<640x128xf32, #tpu.memory_space<hbm>>
      %dma_wait3A_64 = arith.constant 0 : i32
      %dma_wait3A_65 = tpu.memref_slice %arg9[%mul3A_2, %dma_wait3A_64] : memref<10240x128xf32, #tpu.memory_space<vmem_shared>> -> memref<640x128xf32, #tpu.memory_space<vmem_shared>>
      tpu.wait_dma2 semaphore(%run_scoped3A : memref<!tpu.dma_semaphore, #tpu.memory_space<semaphore_mem>>) src(%dma_wait3A_65 : memref<640x128xf32, #tpu.memory_space<vmem_shared>>) dst(%dma_wait3A_63 : memref<640x128xf32, #tpu.memory_space<hbm>>)
      tpu.yield
    }) : () -> ()
    return
  }
}

module attributes {stable_mosaic.version = 14 : i64} {
  func.func @_combine0_body(%arg0: i32, %arg1: memref<512x32xf32, #tpu.memory_space<vmem>>, %arg2: memref<2x512x128xf32, #tpu.memory_space<vmem>>, %arg3: memref<32x128xf32, #tpu.memory_space<vmem>>, %arg4: memref<1x128xf32, #tpu.memory_space<vmem>>, %arg5: memref<128x128xf32, #tpu.memory_space<vmem>>, %arg6: memref<128x128xf32, #tpu.memory_space<vmem>>, %arg7: memref<128x128xf32, #tpu.memory_space<vmem>>, %arg8: memref<1x128xf32, #tpu.memory_space<vmem>>, %arg9: memref<512x128xf32, #tpu.memory_space<vmem>>, %arg10: memref<512x128xf32, #tpu.memory_space<vmem>>, %arg11: memref<512x8xf32, #tpu.memory_space<vmem>>) attributes {dimension_semantics = [#tpu.dimension_semantics<arbitrary>], iteration_bounds = array<i64: 20>, scalar_prefetch = 0 : i64, scratch_operands = 0 : i64, tpu.core_type = #tpu.core_type<tc>, window_params = [{transform_indices = @transform_0, window_bounds = array<i64: 512, 32>}, {transform_indices = @transform_1, window_bounds = array<i64: 2, 512, 128>}, {pipeline_mode = #tpu.pipeline_mode<synchronous>, transform_indices = @transform_2, window_bounds = array<i64: 32, 128>}, {pipeline_mode = #tpu.pipeline_mode<synchronous>, transform_indices = @transform_3, window_bounds = array<i64: 1, 128>}, {pipeline_mode = #tpu.pipeline_mode<synchronous>, transform_indices = @transform_4, window_bounds = array<i64: 128, 128>}, {pipeline_mode = #tpu.pipeline_mode<synchronous>, transform_indices = @transform_5, window_bounds = array<i64: 128, 128>}, {pipeline_mode = #tpu.pipeline_mode<synchronous>, transform_indices = @transform_6, window_bounds = array<i64: 128, 128>}, {pipeline_mode = #tpu.pipeline_mode<synchronous>, transform_indices = @transform_7, window_bounds = array<i64: 1, 128>}, {transform_indices = @transform_8, window_bounds = array<i64: 512, 128>}, {transform_indices = @transform_9, window_bounds = array<i64: 512, 128>}, {transform_indices = @transform_10, window_bounds = array<i64: 512, 8>}]} {
    %get3A = arith.constant 0 : index
    %get3A_0 = arith.constant 0 : index
    %get3A_1 = vector.load %arg1[%get3A, %get3A_0] : memref<512x32xf32, #tpu.memory_space<vmem>>, vector<512x32xf32>
    %get3A_2 = arith.constant 0 : index
    %get3A_3 = arith.constant 0 : index
    %get3A_4 = vector.load %arg3[%get3A_2, %get3A_3] : memref<32x128xf32, #tpu.memory_space<vmem>>, vector<32x128xf32>
    %dot_general3A = arith.constant dense<0.000000e+00> : vector<512x128xf32>
    %dot_general3A_5 = tpu.matmul %get3A_1, %get3A_4, %dot_general3A {dimension_numbers = #tpu.dot_dimension_numbers<[1], [0], [0], [1], [0, 0, 1, 1], [], []>, transpose_lhs_hint = false} : vector<512x32xf32>, vector<32x128xf32>, vector<512x128xf32> -> vector<512x128xf32>
    %get3A_6 = arith.constant 0 : index
    %get3A_7 = arith.constant 0 : index
    %get3A_8 = vector.load %arg4[%get3A_6, %get3A_7] : memref<1x128xf32, #tpu.memory_space<vmem>>, vector<1x128xf32>
    %add3A = vector.broadcast %get3A_8 : vector<1x128xf32> to vector<512x128xf32>
    %add3A_9 = arith.addf %dot_general3A_5, %add3A : vector<512x128xf32>
    %get3A_10 = arith.constant 0 : index
    %get3A_11 = arith.constant 0 : index
    %get3A_12 = arith.constant 0 : index
    %get3A_13 = vector.load %arg2[%get3A_10, %get3A_11, %get3A_12] : memref<2x512x128xf32, #tpu.memory_space<vmem>>, vector<1x512x128xf32>
    %get3A_14 = vector.shape_cast %get3A_13 : vector<1x512x128xf32> to vector<512x128xf32>
    %get3A_15 = arith.constant 1 : index
    %get3A_16 = arith.constant 0 : index
    %get3A_17 = arith.constant 0 : index
    %get3A_18 = vector.load %arg2[%get3A_15, %get3A_16, %get3A_17] : memref<2x512x128xf32, #tpu.memory_space<vmem>>, vector<1x512x128xf32>
    %get3A_19 = vector.shape_cast %get3A_18 : vector<1x512x128xf32> to vector<512x128xf32>
    %add3A_20 = arith.addf %get3A_14, %get3A_19 : vector<512x128xf32>
    %slice3A = vector.extract_strided_slice %add3A_20 {offsets = [0, 31], sizes = [512, 1], strides = [1, 1]} : vector<512x128xf32> to vector<512x1xf32>
    %jit3A = arith.constant 1.000000e+00 : f32
    %max3A = vector.broadcast %jit3A : f32 to vector<512x1xf32>
    %max3A_21 = arith.maximumf %max3A, %slice3A : vector<512x1xf32>
    %div3A = arith.constant 1.000000e+00 : f32
    %div3A_22 = vector.broadcast %div3A : f32 to vector<512x1xf32>
    %div3A_23 = arith.divf %div3A_22, %max3A_21 : vector<512x1xf32>
    %get3A_24 = arith.constant 0 : index
    %get3A_25 = arith.constant 0 : index
    %get3A_26 = vector.load %arg5[%get3A_24, %get3A_25] : memref<128x128xf32, #tpu.memory_space<vmem>>, vector<128x128xf32>
    %dot_general3A_27 = arith.constant dense<0.000000e+00> : vector<512x128xf32>
    %dot_general3A_28 = tpu.matmul %add3A_20, %get3A_26, %dot_general3A_27 {dimension_numbers = #tpu.dot_dimension_numbers<[1], [0], [0], [1], [0, 0, 1, 1], [], []>, transpose_lhs_hint = false} : vector<512x128xf32>, vector<128x128xf32>, vector<512x128xf32> -> vector<512x128xf32>
    %mul3A = vector.broadcast %div3A_23 : vector<512x1xf32> to vector<512x128xf32>
    %mul3A_29 = arith.mulf %dot_general3A_28, %mul3A : vector<512x128xf32>
    %add3A_30 = arith.addf %add3A_9, %mul3A_29 : vector<512x128xf32>
    %max3A_31 = arith.constant 0.000000e+00 : f32
    %max3A_32 = vector.broadcast %max3A_31 : f32 to vector<512x128xf32>
    %max3A_33 = arith.maximumf %add3A_30, %max3A_32 : vector<512x128xf32>
    %get3A_34 = arith.constant 0 : index
    %get3A_35 = arith.constant 0 : index
    %get3A_36 = vector.load %arg6[%get3A_34, %get3A_35] : memref<128x128xf32, #tpu.memory_space<vmem>>, vector<128x128xf32>
    %dot_general3A_37 = arith.constant dense<0.000000e+00> : vector<512x128xf32>
    %dot_general3A_38 = tpu.matmul %max3A_33, %get3A_36, %dot_general3A_37 {dimension_numbers = #tpu.dot_dimension_numbers<[1], [0], [0], [1], [0, 0, 1, 1], [], []>, transpose_lhs_hint = false} : vector<512x128xf32>, vector<128x128xf32>, vector<512x128xf32> -> vector<512x128xf32>
    %swap3A = arith.constant 0 : index
    %swap3A_39 = arith.constant 0 : index
    %swap3A_40 = vector.load %arg9[%swap3A, %swap3A_39] : memref<512x128xf32, #tpu.memory_space<vmem>>, vector<512x128xf32>
    tpu.vector_store %arg9[%swap3A, %swap3A_39], %dot_general3A_38 {strides = array<i32>} : memref<512x128xf32, #tpu.memory_space<vmem>>, vector<512x128xf32>,
    %get3A_41 = arith.constant 0 : index
    %get3A_42 = arith.constant 0 : index
    %get3A_43 = vector.load %arg7[%get3A_41, %get3A_42] : memref<128x128xf32, #tpu.memory_space<vmem>>, vector<128x128xf32>
    %dot_general3A_44 = arith.constant dense<0.000000e+00> : vector<512x128xf32>
    %dot_general3A_45 = tpu.matmul %max3A_33, %get3A_43, %dot_general3A_44 {dimension_numbers = #tpu.dot_dimension_numbers<[1], [0], [0], [1], [0, 0, 1, 1], [], []>, transpose_lhs_hint = false} : vector<512x128xf32>, vector<128x128xf32>, vector<512x128xf32> -> vector<512x128xf32>
    %get3A_46 = arith.constant 0 : index
    %get3A_47 = arith.constant 0 : index
    %get3A_48 = vector.load %arg8[%get3A_46, %get3A_47] : memref<1x128xf32, #tpu.memory_space<vmem>>, vector<1x128xf32>
    %add3A_49 = vector.broadcast %get3A_48 : vector<1x128xf32> to vector<512x128xf32>
    %add3A_50 = arith.addf %dot_general3A_45, %add3A_49 : vector<512x128xf32>
    %swap3A_51 = arith.constant 0 : index
    %swap3A_52 = arith.constant 0 : index
    %swap3A_53 = vector.load %arg10[%swap3A_51, %swap3A_52] : memref<512x128xf32, #tpu.memory_space<vmem>>, vector<512x128xf32>
    tpu.vector_store %arg10[%swap3A_51, %swap3A_52], %add3A_50 {strides = array<i32>} : memref<512x128xf32, #tpu.memory_space<vmem>>, vector<512x128xf32>,
    %broadcast_in_dim3A = vector.shape_cast %div3A_23 : vector<512x1xf32> to vector<512x1xf32>
    %broadcast_in_dim3A_54 = vector.broadcast %broadcast_in_dim3A : vector<512x1xf32> to vector<512x8xf32>
    %swap3A_55 = arith.constant 0 : index
    %swap3A_56 = arith.constant 0 : index
    %swap3A_57 = vector.load %arg11[%swap3A_55, %swap3A_56] : memref<512x8xf32, #tpu.memory_space<vmem>>, vector<512x8xf32>
    tpu.vector_store %arg11[%swap3A_55, %swap3A_56], %broadcast_in_dim3A_54 {strides = array<i32>} : memref<512x8xf32, #tpu.memory_space<vmem>>, vector<512x8xf32>,
    return
  }
  func.func @transform_0(%arg0: i32) -> (i32, i32) {
    %c0_i32 = arith.constant 0 : i32
    %c0_i32_0 = arith.constant 0 : i32
    return %arg0, %c0_i32 : i32, i32
  }
  func.func @transform_1(%arg0: i32) -> (i32, i32, i32) {
    %c0_i32 = arith.constant 0 : i32
    %c0_i32_0 = arith.constant 0 : i32
    %c0_i32_1 = arith.constant 0 : i32
    return %c0_i32, %arg0, %c0_i32_0 : i32, i32, i32
  }
  func.func @transform_2(%arg0: i32) -> (i32, i32) {
    %c0_i32 = arith.constant 0 : i32
    %c0_i32_0 = arith.constant 0 : i32
    %c0_i32_1 = arith.constant 0 : i32
    return %c0_i32, %c0_i32_0 : i32, i32
  }
  func.func @transform_3(%arg0: i32) -> (i32, i32) {
    %c0_i32 = arith.constant 0 : i32
    %c0_i32_0 = arith.constant 0 : i32
    %c0_i32_1 = arith.constant 0 : i32
    return %c0_i32, %c0_i32_0 : i32, i32
  }
  func.func @transform_4(%arg0: i32) -> (i32, i32) {
    %c0_i32 = arith.constant 0 : i32
    %c0_i32_0 = arith.constant 0 : i32
    %c0_i32_1 = arith.constant 0 : i32
    return %c0_i32, %c0_i32_0 : i32, i32
  }
  func.func @transform_5(%arg0: i32) -> (i32, i32) {
    %c0_i32 = arith.constant 0 : i32
    %c0_i32_0 = arith.constant 0 : i32
    %c0_i32_1 = arith.constant 0 : i32
    return %c0_i32, %c0_i32_0 : i32, i32
  }
  func.func @transform_6(%arg0: i32) -> (i32, i32) {
    %c0_i32 = arith.constant 0 : i32
    %c0_i32_0 = arith.constant 0 : i32
    %c0_i32_1 = arith.constant 0 : i32
    return %c0_i32, %c0_i32_0 : i32, i32
  }
  func.func @transform_7(%arg0: i32) -> (i32, i32) {
    %c0_i32 = arith.constant 0 : i32
    %c0_i32_0 = arith.constant 0 : i32
    %c0_i32_1 = arith.constant 0 : i32
    return %c0_i32, %c0_i32_0 : i32, i32
  }
  func.func @transform_8(%arg0: i32) -> (i32, i32) {
    %c0_i32 = arith.constant 0 : i32
    %c0_i32_0 = arith.constant 0 : i32
    return %arg0, %c0_i32 : i32, i32
  }
  func.func @transform_9(%arg0: i32) -> (i32, i32) {
    %c0_i32 = arith.constant 0 : i32
    %c0_i32_0 = arith.constant 0 : i32
    return %arg0, %c0_i32 : i32, i32
  }
  func.func @transform_10(%arg0: i32) -> (i32, i32) {
    %c0_i32 = arith.constant 0 : i32
    %c0_i32_0 = arith.constant 0 : i32
    return %arg0, %c0_i32 : i32, i32
  }
}

module attributes {stable_mosaic.version = 14 : i64} {
  func.func @_combine_body(%arg0: i32, %arg1: memref<512x128xf32, #tpu.memory_space<vmem>>, %arg2: memref<2x512x128xf32, #tpu.memory_space<vmem>>, %arg3: memref<512x8xf32, #tpu.memory_space<vmem>>, %arg4: memref<128x128xf32, #tpu.memory_space<vmem>>, %arg5: memref<128x128xf32, #tpu.memory_space<vmem>>, %arg6: memref<1x128xf32, #tpu.memory_space<vmem>>, %arg7: memref<512x128xf32, #tpu.memory_space<vmem>>, %arg8: memref<512x128xf32, #tpu.memory_space<vmem>>) attributes {dimension_semantics = [#tpu.dimension_semantics<arbitrary>], iteration_bounds = array<i64: 20>, scalar_prefetch = 0 : i64, scratch_operands = 0 : i64, tpu.core_type = #tpu.core_type<tc>, window_params = [{transform_indices = @transform_0, window_bounds = array<i64: 512, 128>}, {transform_indices = @transform_1, window_bounds = array<i64: 2, 512, 128>}, {transform_indices = @transform_2, window_bounds = array<i64: 512, 8>}, {pipeline_mode = #tpu.pipeline_mode<synchronous>, transform_indices = @transform_3, window_bounds = array<i64: 128, 128>}, {pipeline_mode = #tpu.pipeline_mode<synchronous>, transform_indices = @transform_4, window_bounds = array<i64: 128, 128>}, {pipeline_mode = #tpu.pipeline_mode<synchronous>, transform_indices = @transform_5, window_bounds = array<i64: 1, 128>}, {transform_indices = @transform_6, window_bounds = array<i64: 512, 128>}, {transform_indices = @transform_7, window_bounds = array<i64: 512, 128>}]} {
    %get3A = arith.constant 0 : index
    %get3A_0 = arith.constant 0 : index
    %get3A_1 = arith.constant 0 : index
    %get3A_2 = vector.load %arg2[%get3A, %get3A_0, %get3A_1] : memref<2x512x128xf32, #tpu.memory_space<vmem>>, vector<1x512x128xf32>
    %get3A_3 = vector.shape_cast %get3A_2 : vector<1x512x128xf32> to vector<512x128xf32>
    %get3A_4 = arith.constant 1 : index
    %get3A_5 = arith.constant 0 : index
    %get3A_6 = arith.constant 0 : index
    %get3A_7 = vector.load %arg2[%get3A_4, %get3A_5, %get3A_6] : memref<2x512x128xf32, #tpu.memory_space<vmem>>, vector<1x512x128xf32>
    %get3A_8 = vector.shape_cast %get3A_7 : vector<1x512x128xf32> to vector<512x128xf32>
    %add3A = arith.addf %get3A_3, %get3A_8 : vector<512x128xf32>
    %get3A_9 = arith.constant 0 : index
    %get3A_10 = arith.constant 0 : index
    %get3A_11 = vector.load %arg3[%get3A_9, %get3A_10] : memref<512x8xf32, #tpu.memory_space<vmem>>, vector<512x1xf32>
    %mul3A = vector.broadcast %get3A_11 : vector<512x1xf32> to vector<512x128xf32>
    %mul3A_12 = arith.mulf %add3A, %mul3A : vector<512x128xf32>
    %get3A_13 = arith.constant 0 : index
    %get3A_14 = arith.constant 0 : index
    %get3A_15 = vector.load %arg1[%get3A_13, %get3A_14] : memref<512x128xf32, #tpu.memory_space<vmem>>, vector<512x128xf32>
    %add3A_16 = arith.addf %get3A_15, %mul3A_12 : vector<512x128xf32>
    %max3A = arith.constant 0.000000e+00 : f32
    %max3A_17 = vector.broadcast %max3A : f32 to vector<512x128xf32>
    %max3A_18 = arith.maximumf %add3A_16, %max3A_17 : vector<512x128xf32>
    %get3A_19 = arith.constant 0 : index
    %get3A_20 = arith.constant 0 : index
    %get3A_21 = vector.load %arg4[%get3A_19, %get3A_20] : memref<128x128xf32, #tpu.memory_space<vmem>>, vector<128x128xf32>
    %dot_general3A = arith.constant dense<0.000000e+00> : vector<512x128xf32>
    %dot_general3A_22 = tpu.matmul %max3A_18, %get3A_21, %dot_general3A {dimension_numbers = #tpu.dot_dimension_numbers<[1], [0], [0], [1], [0, 0, 1, 1], [], []>, transpose_lhs_hint = false} : vector<512x128xf32>, vector<128x128xf32>, vector<512x128xf32> -> vector<512x128xf32>
    %swap3A = arith.constant 0 : index
    %swap3A_23 = arith.constant 0 : index
    %swap3A_24 = vector.load %arg7[%swap3A, %swap3A_23] : memref<512x128xf32, #tpu.memory_space<vmem>>, vector<512x128xf32>
    tpu.vector_store %arg7[%swap3A, %swap3A_23], %dot_general3A_22 {strides = array<i32>} : memref<512x128xf32, #tpu.memory_space<vmem>>, vector<512x128xf32>,
    %get3A_25 = arith.constant 0 : index
    %get3A_26 = arith.constant 0 : index
    %get3A_27 = vector.load %arg5[%get3A_25, %get3A_26] : memref<128x128xf32, #tpu.memory_space<vmem>>, vector<128x128xf32>
    %dot_general3A_28 = arith.constant dense<0.000000e+00> : vector<512x128xf32>
    %dot_general3A_29 = tpu.matmul %max3A_18, %get3A_27, %dot_general3A_28 {dimension_numbers = #tpu.dot_dimension_numbers<[1], [0], [0], [1], [0, 0, 1, 1], [], []>, transpose_lhs_hint = false} : vector<512x128xf32>, vector<128x128xf32>, vector<512x128xf32> -> vector<512x128xf32>
    %get3A_30 = arith.constant 0 : index
    %get3A_31 = arith.constant 0 : index
    %get3A_32 = vector.load %arg6[%get3A_30, %get3A_31] : memref<1x128xf32, #tpu.memory_space<vmem>>, vector<1x128xf32>
    %add3A_33 = vector.broadcast %get3A_32 : vector<1x128xf32> to vector<512x128xf32>
    %add3A_34 = arith.addf %dot_general3A_29, %add3A_33 : vector<512x128xf32>
    %swap3A_35 = arith.constant 0 : index
    %swap3A_36 = arith.constant 0 : index
    %swap3A_37 = vector.load %arg8[%swap3A_35, %swap3A_36] : memref<512x128xf32, #tpu.memory_space<vmem>>, vector<512x128xf32>
    tpu.vector_store %arg8[%swap3A_35, %swap3A_36], %add3A_34 {strides = array<i32>} : memref<512x128xf32, #tpu.memory_space<vmem>>, vector<512x128xf32>,
    return
  }
  func.func @transform_0(%arg0: i32) -> (i32, i32) {
    %c0_i32 = arith.constant 0 : i32
    %c0_i32_0 = arith.constant 0 : i32
    return %arg0, %c0_i32 : i32, i32
  }
  func.func @transform_1(%arg0: i32) -> (i32, i32, i32) {
    %c0_i32 = arith.constant 0 : i32
    %c0_i32_0 = arith.constant 0 : i32
    %c0_i32_1 = arith.constant 0 : i32
    return %c0_i32, %arg0, %c0_i32_0 : i32, i32, i32
  }
  func.func @transform_2(%arg0: i32) -> (i32, i32) {
    %c0_i32 = arith.constant 0 : i32
    %c0_i32_0 = arith.constant 0 : i32
    return %arg0, %c0_i32 : i32, i32
  }
  func.func @transform_3(%arg0: i32) -> (i32, i32) {
    %c0_i32 = arith.constant 0 : i32
    %c0_i32_0 = arith.constant 0 : i32
    %c0_i32_1 = arith.constant 0 : i32
    return %c0_i32, %c0_i32_0 : i32, i32
  }
  func.func @transform_4(%arg0: i32) -> (i32, i32) {
    %c0_i32 = arith.constant 0 : i32
    %c0_i32_0 = arith.constant 0 : i32
    %c0_i32_1 = arith.constant 0 : i32
    return %c0_i32, %c0_i32_0 : i32, i32
  }
  func.func @transform_5(%arg0: i32) -> (i32, i32) {
    %c0_i32 = arith.constant 0 : i32
    %c0_i32_0 = arith.constant 0 : i32
    %c0_i32_1 = arith.constant 0 : i32
    return %c0_i32, %c0_i32_0 : i32, i32
  }
  func.func @transform_6(%arg0: i32) -> (i32, i32) {
    %c0_i32 = arith.constant 0 : i32
    %c0_i32_0 = arith.constant 0 : i32
    return %arg0, %c0_i32 : i32, i32
  }
  func.func @transform_7(%arg0: i32) -> (i32, i32) {
    %c0_i32 = arith.constant 0 : i32
    %c0_i32_0 = arith.constant 0 : i32
    return %arg0, %c0_i32 : i32, i32
  }
}

module attributes {stable_mosaic.version = 14 : i64} {
  func.func @_heads_body(%arg0: i32, %arg1: memref<512x128xf32, #tpu.memory_space<vmem>>, %arg2: memref<2x512x128xf32, #tpu.memory_space<vmem>>, %arg3: memref<512x8xf32, #tpu.memory_space<vmem>>, %arg4: memref<128x128xf32, #tpu.memory_space<vmem>>, %arg5: memref<1x128xf32, #tpu.memory_space<vmem>>, %arg6: memref<128x8xf32, #tpu.memory_space<vmem>>, %arg7: memref<1x8xf32, #tpu.memory_space<vmem>>, %arg8: memref<128x256xf32, #tpu.memory_space<vmem>>, %arg9: memref<1x256xf32, #tpu.memory_space<vmem>>, %arg10: memref<256x2048xf32, #tpu.memory_space<vmem>>, %arg11: memref<1x2048xf32, #tpu.memory_space<vmem>>, %arg12: memref<512x8xf32, #tpu.memory_space<vmem>>, %arg13: memref<512x2048xf32, #tpu.memory_space<vmem>>) attributes {dimension_semantics = [#tpu.dimension_semantics<arbitrary>], iteration_bounds = array<i64: 20>, scalar_prefetch = 0 : i64, scratch_operands = 0 : i64, tpu.core_type = #tpu.core_type<tc>, window_params = [{transform_indices = @transform_0, window_bounds = array<i64: 512, 128>}, {transform_indices = @transform_1, window_bounds = array<i64: 2, 512, 128>}, {transform_indices = @transform_2, window_bounds = array<i64: 512, 8>}, {pipeline_mode = #tpu.pipeline_mode<synchronous>, transform_indices = @transform_3, window_bounds = array<i64: 128, 128>}, {pipeline_mode = #tpu.pipeline_mode<synchronous>, transform_indices = @transform_4, window_bounds = array<i64: 1, 128>}, {pipeline_mode = #tpu.pipeline_mode<synchronous>, transform_indices = @transform_5, window_bounds = array<i64: 128, 8>}, {pipeline_mode = #tpu.pipeline_mode<synchronous>, transform_indices = @transform_6, window_bounds = array<i64: 1, 8>}, {pipeline_mode = #tpu.pipeline_mode<synchronous>, transform_indices = @transform_7, window_bounds = array<i64: 128, 256>}, {pipeline_mode = #tpu.pipeline_mode<synchronous>, transform_indices = @transform_8, window_bounds = array<i64: 1, 256>}, {pipeline_mode = #tpu.pipeline_mode<synchronous>, transform_indices = @transform_9, window_bounds = array<i64: 256, 2048>}, {pipeline_mode = #tpu.pipeline_mode<synchronous>, transform_indices = @transform_10, window_bounds = array<i64: 1, 2048>}, {transform_indices = @transform_11, window_bounds = array<i64: 512, 8>}, {transform_indices = @transform_12, window_bounds = array<i64: 512, 2048>}]} {
    %get3A = arith.constant 0 : index
    %get3A_0 = arith.constant 0 : index
    %get3A_1 = arith.constant 0 : index
    %get3A_2 = vector.load %arg2[%get3A, %get3A_0, %get3A_1] : memref<2x512x128xf32, #tpu.memory_space<vmem>>, vector<1x512x128xf32>
    %get3A_3 = vector.shape_cast %get3A_2 : vector<1x512x128xf32> to vector<512x128xf32>
    %get3A_4 = arith.constant 1 : index
    %get3A_5 = arith.constant 0 : index
    %get3A_6 = arith.constant 0 : index
    %get3A_7 = vector.load %arg2[%get3A_4, %get3A_5, %get3A_6] : memref<2x512x128xf32, #tpu.memory_space<vmem>>, vector<1x512x128xf32>
    %get3A_8 = vector.shape_cast %get3A_7 : vector<1x512x128xf32> to vector<512x128xf32>
    %add3A = arith.addf %get3A_3, %get3A_8 : vector<512x128xf32>
    %get3A_9 = arith.constant 0 : index
    %get3A_10 = arith.constant 0 : index
    %get3A_11 = vector.load %arg3[%get3A_9, %get3A_10] : memref<512x8xf32, #tpu.memory_space<vmem>>, vector<512x1xf32>
    %mul3A = vector.broadcast %get3A_11 : vector<512x1xf32> to vector<512x128xf32>
    %mul3A_12 = arith.mulf %add3A, %mul3A : vector<512x128xf32>
    %get3A_13 = arith.constant 0 : index
    %get3A_14 = arith.constant 0 : index
    %get3A_15 = vector.load %arg1[%get3A_13, %get3A_14] : memref<512x128xf32, #tpu.memory_space<vmem>>, vector<512x128xf32>
    %add3A_16 = arith.addf %get3A_15, %mul3A_12 : vector<512x128xf32>
    %max3A = arith.constant 0.000000e+00 : f32
    %max3A_17 = vector.broadcast %max3A : f32 to vector<512x128xf32>
    %max3A_18 = arith.maximumf %add3A_16, %max3A_17 : vector<512x128xf32>
    %get3A_19 = arith.constant 0 : index
    %get3A_20 = arith.constant 0 : index
    %get3A_21 = vector.load %arg4[%get3A_19, %get3A_20] : memref<128x128xf32, #tpu.memory_space<vmem>>, vector<128x128xf32>
    %dot_general3A = arith.constant dense<0.000000e+00> : vector<512x128xf32>
    %dot_general3A_22 = tpu.matmul %max3A_18, %get3A_21, %dot_general3A {dimension_numbers = #tpu.dot_dimension_numbers<[1], [0], [0], [1], [0, 0, 1, 1], [], []>, transpose_lhs_hint = false} : vector<512x128xf32>, vector<128x128xf32>, vector<512x128xf32> -> vector<512x128xf32>
    %get3A_23 = arith.constant 0 : index
    %get3A_24 = arith.constant 0 : index
    %get3A_25 = vector.load %arg5[%get3A_23, %get3A_24] : memref<1x128xf32, #tpu.memory_space<vmem>>, vector<1x128xf32>
    %add3A_26 = vector.broadcast %get3A_25 : vector<1x128xf32> to vector<512x128xf32>
    %add3A_27 = arith.addf %dot_general3A_22, %add3A_26 : vector<512x128xf32>
    %max3A_28 = arith.constant 0.000000e+00 : f32
    %max3A_29 = vector.broadcast %max3A_28 : f32 to vector<512x128xf32>
    %max3A_30 = arith.maximumf %add3A_27, %max3A_29 : vector<512x128xf32>
    %get3A_31 = arith.constant 0 : index
    %get3A_32 = arith.constant 0 : index
    %get3A_33 = vector.load %arg6[%get3A_31, %get3A_32] : memref<128x8xf32, #tpu.memory_space<vmem>>, vector<128x8xf32>
    %dot_general3A_34 = arith.constant dense<0.000000e+00> : vector<512x8xf32>
    %dot_general3A_35 = tpu.matmul %max3A_30, %get3A_33, %dot_general3A_34 {dimension_numbers = #tpu.dot_dimension_numbers<[1], [0], [0], [1], [0, 0, 1, 1], [], []>, transpose_lhs_hint = false} : vector<512x128xf32>, vector<128x8xf32>, vector<512x8xf32> -> vector<512x8xf32>
    %get3A_36 = arith.constant 0 : index
    %get3A_37 = arith.constant 0 : index
    %get3A_38 = vector.load %arg7[%get3A_36, %get3A_37] : memref<1x8xf32, #tpu.memory_space<vmem>>, vector<1x8xf32>
    %add3A_39 = vector.broadcast %get3A_38 : vector<1x8xf32> to vector<512x8xf32>
    %add3A_40 = arith.addf %dot_general3A_35, %add3A_39 : vector<512x8xf32>
    %iota3A = tpu.iota {dimensions = array<i32: 0>} : vector<512x8xi32>
    %mul3A_41 = arith.constant 512 : i32
    %mul3A_42 = arith.muli %arg0, %mul3A_41 : i32
    %add3A_43 = vector.broadcast %mul3A_42 : i32 to vector<512x8xi32>
    %add3A_44 = arith.addi %iota3A, %add3A_43 : vector<512x8xi32>
    %lt3A = arith.constant 10000 : i32
    %lt3A_45 = vector.broadcast %lt3A : i32 to vector<512x8xi32>
    %lt3A_46 = arith.cmpi slt, %add3A_44, %lt3A_45 : vector<512x8xi32>
    %jit3A = arith.constant -1.000000e+30 : f32
    %broadcast_in_dim3A = vector.broadcast %jit3A : f32 to vector<512x8xf32>
    %select_n3A = arith.select %lt3A_46, %add3A_40, %broadcast_in_dim3A : vector<512x8xi1>, vector<512x8xf32>
    %swap3A = arith.constant 0 : index
    %swap3A_47 = arith.constant 0 : index
    %swap3A_48 = vector.load %arg12[%swap3A, %swap3A_47] : memref<512x8xf32, #tpu.memory_space<vmem>>, vector<512x8xf32>
    tpu.vector_store %arg12[%swap3A, %swap3A_47], %select_n3A {strides = array<i32>} : memref<512x8xf32, #tpu.memory_space<vmem>>, vector<512x8xf32>,
    %get3A_49 = arith.constant 0 : index
    %get3A_50 = arith.constant 0 : index
    %get3A_51 = vector.load %arg8[%get3A_49, %get3A_50] : memref<128x256xf32, #tpu.memory_space<vmem>>, vector<128x256xf32>
    %dot_general3A_52 = arith.constant dense<0.000000e+00> : vector<512x256xf32>
    %dot_general3A_53 = tpu.matmul %max3A_18, %get3A_51, %dot_general3A_52 {dimension_numbers = #tpu.dot_dimension_numbers<[1], [0], [0], [1], [0, 0, 1, 1], [], []>, transpose_lhs_hint = false} : vector<512x128xf32>, vector<128x256xf32>, vector<512x256xf32> -> vector<512x256xf32>
    %get3A_54 = arith.constant 0 : index
    %get3A_55 = arith.constant 0 : index
    %get3A_56 = vector.load %arg9[%get3A_54, %get3A_55] : memref<1x256xf32, #tpu.memory_space<vmem>>, vector<1x256xf32>
    %add3A_57 = vector.broadcast %get3A_56 : vector<1x256xf32> to vector<512x256xf32>
    %add3A_58 = arith.addf %dot_general3A_53, %add3A_57 : vector<512x256xf32>
    %max3A_59 = arith.constant 0.000000e+00 : f32
    %max3A_60 = vector.broadcast %max3A_59 : f32 to vector<512x256xf32>
    %max3A_61 = arith.maximumf %add3A_58, %max3A_60 : vector<512x256xf32>
    %get3A_62 = arith.constant 0 : index
    %get3A_63 = arith.constant 0 : index
    %get3A_64 = vector.load %arg10[%get3A_62, %get3A_63] : memref<256x2048xf32, #tpu.memory_space<vmem>>, vector<256x2048xf32>
    %dot_general3A_65 = arith.constant dense<0.000000e+00> : vector<512x2048xf32>
    %dot_general3A_66 = tpu.matmul %max3A_61, %get3A_64, %dot_general3A_65 {dimension_numbers = #tpu.dot_dimension_numbers<[1], [0], [0], [1], [0, 0, 1, 1], [], []>, transpose_lhs_hint = false} : vector<512x256xf32>, vector<256x2048xf32>, vector<512x2048xf32> -> vector<512x2048xf32>
    %get3A_67 = arith.constant 0 : index
    %get3A_68 = arith.constant 0 : index
    %get3A_69 = vector.load %arg11[%get3A_67, %get3A_68] : memref<1x2048xf32, #tpu.memory_space<vmem>>, vector<1x2048xf32>
    %add3A_70 = vector.broadcast %get3A_69 : vector<1x2048xf32> to vector<512x2048xf32>
    %add3A_71 = arith.addf %dot_general3A_66, %add3A_70 : vector<512x2048xf32>
    %swap3A_72 = arith.constant 0 : index
    %swap3A_73 = arith.constant 0 : index
    %swap3A_74 = vector.load %arg13[%swap3A_72, %swap3A_73] : memref<512x2048xf32, #tpu.memory_space<vmem>>, vector<512x2048xf32>
    tpu.vector_store %arg13[%swap3A_72, %swap3A_73], %add3A_71 {strides = array<i32>} : memref<512x2048xf32, #tpu.memory_space<vmem>>, vector<512x2048xf32>,
    return
  }
  func.func @transform_0(%arg0: i32) -> (i32, i32) {
    %c0_i32 = arith.constant 0 : i32
    %c0_i32_0 = arith.constant 0 : i32
    return %arg0, %c0_i32 : i32, i32
  }
  func.func @transform_1(%arg0: i32) -> (i32, i32, i32) {
    %c0_i32 = arith.constant 0 : i32
    %c0_i32_0 = arith.constant 0 : i32
    %c0_i32_1 = arith.constant 0 : i32
    return %c0_i32, %arg0, %c0_i32_0 : i32, i32, i32
  }
  func.func @transform_2(%arg0: i32) -> (i32, i32) {
    %c0_i32 = arith.constant 0 : i32
    %c0_i32_0 = arith.constant 0 : i32
    return %arg0, %c0_i32 : i32, i32
  }
  func.func @transform_3(%arg0: i32) -> (i32, i32) {
    %c0_i32 = arith.constant 0 : i32
    %c0_i32_0 = arith.constant 0 : i32
    %c0_i32_1 = arith.constant 0 : i32
    return %c0_i32, %c0_i32_0 : i32, i32
  }
  func.func @transform_4(%arg0: i32) -> (i32, i32) {
    %c0_i32 = arith.constant 0 : i32
    %c0_i32_0 = arith.constant 0 : i32
    %c0_i32_1 = arith.constant 0 : i32
    return %c0_i32, %c0_i32_0 : i32, i32
  }
  func.func @transform_5(%arg0: i32) -> (i32, i32) {
    %c0_i32 = arith.constant 0 : i32
    %c0_i32_0 = arith.constant 0 : i32
    %c0_i32_1 = arith.constant 0 : i32
    return %c0_i32, %c0_i32_0 : i32, i32
  }
  func.func @transform_6(%arg0: i32) -> (i32, i32) {
    %c0_i32 = arith.constant 0 : i32
    %c0_i32_0 = arith.constant 0 : i32
    %c0_i32_1 = arith.constant 0 : i32
    return %c0_i32, %c0_i32_0 : i32, i32
  }
  func.func @transform_7(%arg0: i32) -> (i32, i32) {
    %c0_i32 = arith.constant 0 : i32
    %c0_i32_0 = arith.constant 0 : i32
    %c0_i32_1 = arith.constant 0 : i32
    return %c0_i32, %c0_i32_0 : i32, i32
  }
  func.func @transform_8(%arg0: i32) -> (i32, i32) {
    %c0_i32 = arith.constant 0 : i32
    %c0_i32_0 = arith.constant 0 : i32
    %c0_i32_1 = arith.constant 0 : i32
    return %c0_i32, %c0_i32_0 : i32, i32
  }
  func.func @transform_9(%arg0: i32) -> (i32, i32) {
    %c0_i32 = arith.constant 0 : i32
    %c0_i32_0 = arith.constant 0 : i32
    %c0_i32_1 = arith.constant 0 : i32
    return %c0_i32, %c0_i32_0 : i32, i32
  }
  func.func @transform_10(%arg0: i32) -> (i32, i32) {
    %c0_i32 = arith.constant 0 : i32
    %c0_i32_0 = arith.constant 0 : i32
    %c0_i32_1 = arith.constant 0 : i32
    return %c0_i32, %c0_i32_0 : i32, i32
  }
  func.func @transform_11(%arg0: i32) -> (i32, i32) {
    %c0_i32 = arith.constant 0 : i32
    %c0_i32_0 = arith.constant 0 : i32
    return %arg0, %c0_i32 : i32, i32
  }
  func.func @transform_12(%arg0: i32) -> (i32, i32) {
    %c0_i32 = arith.constant 0 : i32
    %c0_i32_0 = arith.constant 0 : i32
    return %arg0, %c0_i32 : i32, i32
  }
}

module attributes {stable_mosaic.version = 14 : i64} {
  func.func @_softmax_body(%arg0: memref<10240x8xf32, #tpu.memory_space<vmem>>, %arg1: memref<10240x8xf32, #tpu.memory_space<vmem>>) attributes {dimension_semantics = [], scalar_prefetch = 0 : i64, scratch_operands = 0 : i64, tpu.core_type = #tpu.core_type<tc>} {
    %get3A = arith.constant 0 : index
    %get3A_0 = arith.constant 0 : index
    %get3A_1 = vector.load %arg0[%get3A, %get3A_0] : memref<10240x8xf32, #tpu.memory_space<vmem>>, vector<10240x1xf32>
    %reduce_max3A = vector.shape_cast %get3A_1 : vector<10240x1xf32> to vector<1x10240x1xf32>
    %reduce_max3A_2 = arith.constant dense<0xFF800000> : vector<1xf32>
    %reduce_max3A_3 = vector.multi_reduction <maximumf>, %reduce_max3A, %reduce_max3A_2 [1, 2] : vector<1x10240x1xf32> to vector<1xf32>
    %reduce_max3A_4 = vector.shape_cast %reduce_max3A_3 : vector<1xf32> to vector<1x1x1xf32>
    %reduce_max3A_5 = vector.extract %reduce_max3A_4[0, 0, 0] : f32 from vector<1x1x1xf32>
    %get3A_6 = arith.constant 0 : index
    %get3A_7 = arith.constant 0 : index
    %get3A_8 = vector.load %arg0[%get3A_6, %get3A_7] : memref<10240x8xf32, #tpu.memory_space<vmem>>, vector<10240x8xf32>
    %sub3A = vector.broadcast %reduce_max3A_5 : f32 to vector<10240x8xf32>
    %sub3A_9 = arith.subf %get3A_8, %sub3A : vector<10240x8xf32>
    %exp3A = math.exp %sub3A_9 : vector<10240x8xf32>
    %slice3A = vector.extract_strided_slice %exp3A {offsets = [0, 0], sizes = [10240, 1], strides = [1, 1]} : vector<10240x8xf32> to vector<10240x1xf32>
    %reduce_sum3A = vector.shape_cast %slice3A : vector<10240x1xf32> to vector<1x10240x1xf32>
    %reduce_sum3A_10 = arith.constant dense<0.000000e+00> : vector<1xf32>
    %reduce_sum3A_11 = vector.multi_reduction <add>, %reduce_sum3A, %reduce_sum3A_10 [1, 2] : vector<1x10240x1xf32> to vector<1xf32>
    %reduce_sum3A_12 = vector.shape_cast %reduce_sum3A_11 : vector<1xf32> to vector<1x1x1xf32>
    %reduce_sum3A_13 = vector.extract %reduce_sum3A_12[0, 0, 0] : f32 from vector<1x1x1xf32>
    %div3A = vector.broadcast %reduce_sum3A_13 : f32 to vector<10240x8xf32>
    %div3A_14 = arith.divf %exp3A, %div3A : vector<10240x8xf32>
    %swap3A = arith.constant 0 : index
    %swap3A_15 = arith.constant 0 : index
    %swap3A_16 = vector.load %arg1[%swap3A, %swap3A_15] : memref<10240x8xf32, #tpu.memory_space<vmem>>, vector<10240x8xf32>
    tpu.vector_store %arg1[%swap3A, %swap3A_15], %div3A_14 {strides = array<i32>} : memref<10240x8xf32, #tpu.memory_space<vmem>>, vector<10240x8xf32>,
    return
  }
}

</mosaic_0001>

<sc_bundles>
// kernel: sc_mp128.11.cloned.1.call-start
scs
__scs_entry_jumppad:
0x0: {  	(pc) =	sbr.rel $0x88, $3  }
0x1: {  	(tag) =	ssettag $0x0;
	lr =	simm.s32 $0x1  }
0x2: {  	[smem:$0x3F85] =	sst lr;
	_ =	strace $0xD0000000  }
0x3: {  	_ = 	snop  }
0x4: {  	_ = 	snop  }
0x5: {  	_ = 	snop  }
0x6: {  	_ = 	snop  }
0x7: {  	_ = 	snop  }
__scs_overlays_trampoline_lowered:
0x8: {  	[smem:$0x3F94] =	sst s0  }
0x9: {  	[smem:$0x3F95] =	sst s1  }
0xa: {  	[smem:$0x3F96] =	sst s2  }
0xb: {  	[smem:$0x3F97] =	sst s3  }
0xc: {  	[smem:$0x3F98] =	sst s4  }
0xd: {  	[smem:$0x3F99] =	sst s5  }
0xe: {  	[smem:$0x3F9A] =	sst s6  }
0xf: {  	[smem:$0x3F9B] =	sst s7  }
0x10: {  	[smem:$0x3F9C] =	sst s8  }
0x11: {  	[smem:$0x3F9D] =	sst s9;
	s0 =	simm.s32 @!p0 $0x0  }
0x12: {  	s1 =	sld [smem:$0x3F83];
	s0 =	simm.s32 @p0 $0x1  }
0x13: {  	[smem:$0x3F9E] =	sst s0;
	s0 =	simm.s32 @!p1 $0x0  }
0x14: {  	s2 =	sld [smem:$0x3F82];
	s0 =	simm.s32 @p1 $0x1  }
0x15: {  	[smem:$0x3F9F] =	sst s0;
	s0 =	simm.s32 @!p2 $0x0  }
0x16: {  	s3 =	sld [smem:$0x3FDB];
	s0 =	simm.s32 @p2 $0x1  }
0x17: {  	s4 =	simm.s32 $0x1BF5;
	[smem:$0x3FA1] =	sst s0  }
0x18: {  	s0 =	sld [smem:$0x3F84];
	_ =	swait.ge [sflag:s4], $0x0  }
0x19: {  	s7 =	sld [smem:$0x3F85]  }
0x1a: {  	s8 =	sadd.s32 $0xFFFFE003, lr  }
0x1b: {  	s9 =	sadd.s32 $0xFFFFFEF7, lr;
	s5 =	simm.s32 $0xFFFFFFFF;
	p2 =	slt.u32 s8, $0xFFFFF086  }
0x1c: {  	p1 =	slt.u32 s9, $0xF7A;
	s5 =	simm.s32 @!p2 $0x0  }
0x1d: {  	s5 =	simm.s32 @p1 $0x1;
	p0 =	seq.s32 s7, s2  }
0x1e: {  	s7 =	smul.u32 @!p0 $0xF7A, s2;
	p2 =	seq.s32 @!p0 s5, $0x0  }
0x1f: {  	s9 =	smul.u32 $0xF7A, s1;
	s8 =	simm.s32 @!p0 $0x1BF5;
	p2 =	por !p2, p0  }
0x20: {  	[sflag:s8] =	ssyncset.s32 @!p0 $0xFFFFF086;
	s6 =	sadd.s32 @!p0 s3, s7;
	s7 =	simm.s32 @!p0 $0x108  }
0x21: {  	s3 =	sadd.s32 s3, s9;
	s6 =	sadd.s32 @!p0 $0x88, s6;
	s7 =	simm.s32 @p2 $0x1082  }
0x22: {  	[simem:s7], [sflag:s8] =	dma.local @!p0 [hbm:s6], $0xF7A  }
0x23: {  	s9 =	sor.u32 $0xD0000000, s2;
	s6 =	simm.s32 $0x108;
	_ =	swait.ge @!p0 [sflag:s8], $0x0  }
0x24: {  	s3 =	sadd.s32 $0x88, s3;
	s6 =	simm.s32 @!p1 $0x1082;
	[sflag:s4] =	ssyncset.s32 $0xFFFFF086  }
0x25: {  	[simem:s6], [sflag:s4] =	dma.local [hbm:s3], $0xF7A  }
0x26: {  	[smem:$0x3F85] =	sst s1;
	(tag) =	ssettag s2;
	_ =	strace s9  }
0x27: {  	s1 =	sld [smem:$0x3F95]  }
0x28: {  	s2 =	sld [smem:$0x3F96]  }
0x29: {  	s4 =	sld [smem:$0x3F98]  }
0x2a: {  	p0 =	seq.s32 s5, $0x0;
	s5 =	sld [smem:$0x3F99]  }
0x2b: {  	s6 =	sld [smem:$0x3F9A]  }
0x2c: {  	s7 =	sld [smem:$0x3F9B]  }
0x2d: {  	s3 =	simm.s32 $0x108;
	s8 =	sld [smem:$0x3F9C]  }
0x2e: {  	s3 =	simm.s32 @!p0 $0x1082;
	s9 =	sld [smem:$0x3F9D]  }
0x2f: {  	lr =	sadd.s32 s0, s3;
	s0 =	sld [smem:$0x3F94]  }
0x30: {  	s3 =	sld [smem:$0x3F97]  }
0x31: {  	[smem:$0x3FA0] =	sst s10  }
0x32: {  	s10 =	sld [smem:$0x3F9E];
	_ =	sdelay $0x3  }
0x33: {  	p0 =	seq.s32 s10, $0x1;
	s10 =	sld [smem:$0x3FA0];
	_ =	sdelay $0x3  }
0x34: {  	[smem:$0x3FA0] =	sst s10  }
0x35: {  	s10 =	sld [smem:$0x3F9F];
	_ =	sdelay $0x3  }
0x36: {  	p1 =	seq.s32 s10, $0x1;
	s10 =	sld [smem:$0x3FA0];
	_ =	sdelay $0x3  }
0x37: {  	[smem:$0x3FA0] =	sst s10  }
0x38: {  	s10 =	sld [smem:$0x3FA1]  }
0x39: {  	_ = 	snop;
	(pc) =	sbr.ind lr, $3  }
0x3a: {  	_ = 	snop  }
0x3b: {  	_ = 	snop  }
0x3c: {  	p2 =	seq.s32 s10, $0x1;
	s10 =	sld [smem:$0x3FA0]  }
0x3d: {  	_ =	shalt  }
0x3e: {  	_ =	shalt  }
0x3f: {  	_ =	shalt  }
0x40: {  	_ =	shalt  }
0x41: {  	_ =	shalt  }
0x42: {  	_ =	shalt  }
0x43: {  	_ =	shalt  }
0x44: {  	_ =	shalt  }
0x45: {  	_ =	shalt  }
0x46: {  	_ =	shalt  }
0x47: {  	_ =	shalt  }
0x48: {  	_ =	shalt  }
0x49: {  	_ =	shalt  }
0x4a: {  	_ =	shalt  }
0x4b: {  	_ =	shalt  }
0x4c: {  	_ =	shalt  }
0x4d: {  	_ =	shalt  }
0x4e: {  	_ =	shalt  }
0x4f: {  	_ =	shalt  }
0x50: {  	_ =	shalt  }
0x51: {  	_ =	shalt  }
0x52: {  	_ =	shalt  }
0x53: {  	_ =	shalt  }
0x54: {  	_ =	shalt  }
0x55: {  	_ =	shalt  }
0x56: {  	_ =	shalt  }
0x57: {  	_ =	shalt  }
0x58: {  	_ =	shalt  }
0x59: {  	_ =	shalt  }
0x5a: {  	_ =	shalt  }
0x5b: {  	_ =	shalt  }
0x5c: {  	_ =	shalt  }
0x5d: {  	_ =	shalt  }
0x5e: {  	_ =	shalt  }
0x5f: {  	_ =	shalt  }
0x60: {  	_ =	shalt  }
0x61: {  	_ =	shalt  }
0x62: {  	_ =	shalt  }
0x63: {  	_ =	shalt  }
0x64: {  	_ =	shalt  }
0x65: {  	_ =	shalt  }
0x66: {  	_ =	shalt  }
0x67: {  	_ =	shalt  }
0x68: {  	_ =	shalt  }
0x69: {  	_ =	shalt  }
0x6a: {  	_ =	shalt  }
0x6b: {  	_ =	shalt  }
0x6c: {  	_ =	shalt  }
0x6d: {  	_ =	shalt  }
0x6e: {  	_ =	shalt  }
0x6f: {  	_ =	shalt  }
0x70: {  	_ =	shalt  }
0x71: {  	_ =	shalt  }
0x72: {  	_ =	shalt  }
0x73: {  	_ =	shalt  }
0x74: {  	_ =	shalt  }
0x75: {  	_ =	shalt  }
0x76: {  	_ =	shalt  }
0x77: {  	_ =	shalt  }
0x78: {  	_ =	shalt  }
0x79: {  	_ =	shalt  }
0x7a: {  	_ =	shalt  }
0x7b: {  	_ =	shalt  }
0x7c: {  	_ =	shalt  }
0x7d: {  	_ =	shalt  }
0x7e: {  	_ =	shalt  }
0x7f: {  	_ =	shalt  }
0x80: {  	_ =	shalt  }
0x81: {  	_ =	shalt  }
0x82: {  	_ =	shalt  }
0x83: {  	_ =	shalt  }
0x84: {  	_ =	shalt  }
0x85: {  	_ =	shalt  }
0x86: {  	_ =	shalt  }
0x87: {  	_ =	shalt  }
.Lfunc_end0:
.L_simem_size_0:
called_computation.1_lowered:
.L_overlay_start_0:
0x88: {  	s2 =	sld [smem:$0x3FD9]  }
0x89: {  	s3 =	sld [smem:$0x3FFE];
	_ =	sdelay $0x1  }
0x8a: {  	s1 =	srdreg.scid  }
0x8b: {  	s0 =	sand.u32 $0x1, s1  }
0x8c: {  	s14 =	sshll.u32 s0, $0xA;
	s2 =	sadd.s32 s3, s2  }
0x8d: {  	s2 =	sadd.s32 s2, s14  }
0x8e: {  	[smem:$0x3FAC] =	sst s2  }
0x8f: {  	_ = 	snop  }
0x90: {  	s2 =	sld [smem:$0x3FD0];
	_ =	sdelay $0x2  }
0x91: {  	s15 =	simm.s32 $0xA;
	s4 =	simm.s32 $0x10  }
0x92: {  	[smem:s4], [sflag:s15] =	dma.local [hbm:s2], $0x1  }
0x93: {  	_ =	swait.eq [sflag:s15], $0x1  }
0x94: {  	[sflag:s15] =	ssyncset.done $0x0  }
0x95: {  	[sflag:s15] =	ssyncadd.s32 $0xFFFFFFFF  }
0x96: {  	s16 =	sld [smem:$0x12];
	(tm) =	ssettm $0x1  }
0x97: {  	s17 =	sld [smem:$0x3FFB];
	_ =	sdelay $0x3  }
0x98: {  	_ =	strace s17  }
0x99: {  	s3 =	sld [smem:$0x3FFC];
	_ =	sdelay $0x3  }
0x9a: {  	_ =	strace s3  }
0x9b: {  	s3 =	sld [smem:$0x3FFD];
	_ =	sdelay $0x3  }
0x9c: {  	_ =	strace s3  }
0x9d: {  	_ =	strace $0x8FFFFFFF  }
0x9e: {  	s18 =	sld [smem:$0x3FDB];
	_ =	sdelay $0x1  }
0x9f: {  	s19 =	simm.s32 $_scs_section_size  }
0xa0: {  	s5 =	simm.s32 $_size__tile_overlayer_lowered;
	s6 =	simm.s32 $_tile_overlayer_lowered  }
0xa1: {  	s22 =	simm.s32 $0x1BFF;
	s21 =	sshll.u32 s6, $0x1;
	s3 =	sadd.s32 s19, s18  }
0xa2: {  	s7 =	simm.s32 $0x0;
	s20 =	sshll.u32 s5, $0x1;
	s5 =	sadd.s32 s21, s3  }
0xa3: {  	[timem:s7], [sflag:s22] =	dma.local [hbm:s5], s20  }
0xa4: {  	_ =	swait.ge [sflag:s22], s20  }
0xa5: {  	s4 =	ssub.s32 $0x0, s20;
	[sflag:s22] =	ssyncset.done $0x0  }
0xa6: {  	[sflag:s22] =	ssyncadd.s32 s4;
	_ =	sdelay $0x1  }
0xa7: {  	s23 =	simm.s32 $0x1B8B  }
0xa8: {  	_ =	swait.ge [sflag:s23], $0x1  }
0xa9: {  	[sflag:s23] =	ssyncset.done $0x0  }
0xaa: {  	s25 =	simm.s32 $0x1B8E;
	s24 =	sld [smem:$0x3FFE];
	[sflag:s23] =	ssyncadd.s32 $0xFFFFFFFF  }
0xab: {  	s26 =	simm.s32 $execute0_lowered;
	[smem:$0x3FD2] =	sst s25  }
0xac: {  	s5 =	sshll.u32 s26, $0x1;
	_ =	strace $0x80000049;
	[dreg:$0x1] =	wrdreg $0xFFFFFFFF  }
0xad: {  	s28 =	simm.s32 $_size_execute0_lowered;
	s3 =	sadd.s32 s3, s5;
	[dreg:$0x0] =	wrdreg $0x0  }
0xae: {  	s5 =	sshll.u32 s28, $0x1;
	[dreg:$0x2] =	wrdreg s3  }
0xaf: {  	[dreg:$0x3] =	wrdreg s5  }
0xb0: {  	[dreg:$0x4] =	wrdreg $0xC0  }
0xb1: {  	_ =	task [dreg:s7], $0x5FFFF  }
0xb2: {  	[dreg:$0x1] =	wrdreg $0xFFFFFFFF  }
0xb3: {  	[dreg:$0x0] =	wrdreg $0x60  }
0xb4: {  	[dreg:$0x2] =	wrdreg s24  }
0xb5: {  	[dreg:$0x3] =	wrdreg s16  }
0xb6: {  	[dreg:$0x4] =	wrdreg $0x82000  }
0xb7: {  	[dreg:$0x5] =	wrdreg $0x9  }
0xb8: {  	_ =	task.clear_ibuf [dreg:s7], $0x6FFFF;
	_ =	strace $0x90000049  }
0xb9: {  	s29 =	simm.s32 $0x9;
	_ =	strace $0x8000004B  }
0xba: {  	_ =	swait.ge [sflag:s29], $0x1  }
0xbb: {  	[sflag:s29] =	ssyncadd.s32 $0xFFFFFFFF  }
0xbc: {  	_ =	strace $0x9000004B  }
0xbd: {  	_ =	sfence  }
0xbe: {  	s30 =	sld [smem:$0x0];
	_ =	sdelay $0x2  }
0xbf: {  	s31 =	sshll.u32 s1, $0xD;
	s1 =	sshrl.u32 s1, $0x2  }
0xc0: {  	s3 =	sand.u32 $0x4000, s31;
	s1 =	sadd.s32 s1, s30  }
0xc1: {  	s0 =	sor.u32 s3, s0;
	s1 =	sshll.u32 s1, $0x11  }
0xc2: {  	s0 =	sor.u32 s1, s0  }
0xc3: {  	s0 =	sadd.s32 $0x8F2B, s0  }
0xc4: {  	[sflag:s0] =	ssyncadd.remote.s32 $0x1  }
0xc5: {  	_ =	sfence.sel $0xFFFF  }
0xc6: {  	[dreg:$0x0] =	wrdreg $0xFFFFFFFF;
	(pc) =	sbr.abs _section_cstart, $3  }
0xc7: {  	[dreg:$0x1] =	wrdreg $0xFFFFFFFF  }
0xc8: {  	_ =	task.clear_ibuf [dreg:s7], $0x2FFFF;
	_ =	strace $0x9FFFFFFF  }
0xc9: {  	(tm) =	ssettm $0x7FFFFFFF  }
tec
execute0_lowered:
.L_overlay_start_1:
0x0: {  	(tag) =	ssettag $0x1  }
0x1: {  	s5 =	rddreg [dreg:$0x0]  }
0x2: {  	s12 =	rddreg [dreg:$0x1]  }
0x3: {  	s2 =	rddreg [dreg:$0x2]  }
0x4: {  	s0 =	rddreg [dreg:$0x3];
	s4 =	srdreg.scid  }
0x5: {  	s3 =	simm.s32 $0x0;
	s1 =	stileid.u32;
	s18 =	simm.s32 $0x80  }
0x6: {  	s19 =	simm.s32 $0x4200;
	s20 =	simm.s32 $0x1;
	s21 =	simm.s32 $0x2  }
0x7: {  	s22 =	simm.s32 $0x3;
	s23 =	simm.s32 $0x180;
	s24 =	simm.s32 $0x5  }
0x8: {  	s25 =	simm.s32 $0x4;
	s28 =	simm.s32 $0x0;
	s7 =	smul.u32 $0x50000, s1  }
0x9: {  	s11 =	sand.u32 $0x1, s4;
	[smem:$0x7FF] =	sst s3;
	s15 =	smul.u32 $0x14000, s1  }
0xa: {  	s4 =	sadd.s32 $0x5000, s5;
	s13 =	sadd.s32 $0x2D000, s5;
	s17 =	smul.u32 $0x1400, s1  }
0xb: {  	s29 =	sshll.u32 s1, $0x1;
	s6 =	ssub.s32 $0x2, s11;
	s10 =	smul.u32 $0x140000, s11  }
0xc: {  	_ =	strace $0x8000004A;
	s9 =	sor.u32 s11, s29;
	s30 =	smul.u32 $0xA00, s11  }
0xd: {  	s8 =	sshrl.u32 s6, $0x1;
	s26 =	sshrl.u32 s7, $0x2;
	s16 =	smul.u32 $0xA00, s9  }
0xe: {  	s31 =	sadd.s32 s17, s13;
	s17 =	simm.s32 $0x100;
	s14 =	ssub.s32 s6, s8  }
0xf: {  	s5 =	sadd.s32 s26, s2;
	s15 =	sadd.s32 s15, s10;
	s26 =	simm.s32 $0x6  }
0x10: {  	s6 =	sadd.s32 $0x4000, s5;
	s7 =	sadd.s32 $0x8000, s5;
	s8 =	sadd.s32 $0xC000, s5  }
0x11: {  	s9 =	sadd.s32 $0x10000, s5;
	s10 =	sadd.s32 s13, s16;
	s15 =	sshrl.u32 s15, $0x3  }
0x12: {  	s13 =	smax.u32 s14, $0x1;
	s14 =	sadd.s32 s30, s31;
	s16 =	simm.s32 $0x7  }
0x13: {  	v0 =	vimm.f32 $0.0e+00;
	s11 =	sadd.s32 $0x20, s10;
	s12 =	sadd.s32 s12, s15;
	s15 =	simm.s32 $0x200  }
.LBB2_1:
0x14: {  	s29 =	simm.s32 $0x0;
	s30 =	simm.s32 $0x200  }
.LBB2_2:
0x15: {  	p0 =	sne.s32 s30, $0xFE00;
	[tilespmem:s29+$0x270] =	vst v0  }
0x16: {  	[tilespmem:s29+$0x200] =	vst v0  }
0x17: {  	[tilespmem:s29+$0x210] =	vst v0  }
.Ltmp0:
0x18: {  	[tilespmem:s29+$0x220] =	vst v0;
	(pc) =	sbr.rel @p0 .LBB2_2-.Ltmp0, $4  }
0x19: {  	[tilespmem:s29+$0x230] =	vst v0  }
0x1a: {  	[tilespmem:s29+$0x240] =	vst v0  }
0x1b: {  	[tilespmem:s29+$0x250] =	vst v0  }
0x1c: {  	[tilespmem:s29+$0x260] =	vst v0;
	s29 =	sshra.s32 s30, $0x2;
	s30 =	sadd.s32 $0x200, s30  }
0x1d: {  	[tilespmem:s29+$0x270] =	vst v0  }
0x1e: {  	[tilespmem:s29+$0x200] =	vst v0  }
0x1f: {  	[tilespmem:s29+$0x210] =	vst v0  }
0x20: {  	[tilespmem:s29+$0x220] =	vst v0  }
0x21: {  	[tilespmem:s29+$0x230] =	vst v0  }
0x22: {  	[tilespmem:s29+$0x240] =	vst v0  }
0x23: {  	[tilespmem:s29+$0x250] =	vst v0  }
0x24: {  	[tilespmem:s29+$0x260] =	vst v0  }
0x25: {  	[spmem:s5] =	stream.linear.scatter [tilespmem:s15], [sflag:$0x7], $0x4000, $0x38;
	[tilespmem:$0x1C200] =	vst v63  }
0x26: {  	_ =	swait.ge [sflag:s16], $0x4000  }
0x27: {  	[sflag:s16] =	ssyncset.done $0x0  }
0x28: {  	[sflag:s16] =	ssyncadd.s32 $0xFFFFC000  }
0x29: {  	[spmem:s6] =	stream.linear.scatter [tilespmem:s15], [sflag:$0x7], $0x4000, $0x38;
	[tilespmem:$0x1C200] =	vst v63  }
0x2a: {  	_ =	swait.ge [sflag:s16], $0x4000  }
0x2b: {  	[sflag:s16] =	ssyncset.done $0x0  }
0x2c: {  	[sflag:s16] =	ssyncadd.s32 $0xFFFFC000  }
0x2d: {  	[spmem:s7] =	stream.linear.scatter [tilespmem:s15], [sflag:$0x7], $0x4000, $0x38;
	[tilespmem:$0x1C200] =	vst v63  }
0x2e: {  	_ =	swait.ge [sflag:s16], $0x4000  }
0x2f: {  	[sflag:s16] =	ssyncset.done $0x0  }
0x30: {  	[sflag:s16] =	ssyncadd.s32 $0xFFFFC000  }
0x31: {  	[spmem:s8] =	stream.linear.scatter [tilespmem:s15], [sflag:$0x7], $0x4000, $0x38;
	[tilespmem:$0x1C200] =	vst v63  }
0x32: {  	_ =	swait.ge [sflag:s16], $0x4000  }
0x33: {  	[sflag:s16] =	ssyncset.done $0x0  }
0x34: {  	[sflag:s16] =	ssyncadd.s32 $0xFFFFC000  }
0x35: {  	[spmem:s9] =	stream.linear.scatter [tilespmem:s15], [sflag:$0x7], $0x4000, $0x38;
	[tilespmem:$0x1C200] =	vst v63  }
0x36: {  	_ =	swait.ge [sflag:s16], $0x4000  }
0x37: {  	[sflag:s16] =	ssyncset.done $0x0  }
0x38: {  	[sflag:s16] =	ssyncadd.s32 $0xFFFFC000  }
0x39: {  	[tilespmem:s3], [sflag:$0x7] =	stream.linear.gather [hbm4b:s10+s3], $0x100, $0x38;
	[tilespmem:$0x1C200] =	vst v63  }
0x3a: {  	_ =	swait.ge [sflag:s16], $0x100  }
0x3b: {  	[sflag:s16] =	ssyncset.done $0x0  }
0x3c: {  	[sflag:s16] =	ssyncadd.s32 $0xFFFFFF00  }
0x3d: {  	[tilespmem:s17], [sflag:$0x7] =	stream.linear.gather [hbm4b:s11+s3], $0x100, $0x38;
	[tilespmem:$0x1C200] =	vst v63  }
0x3e: {  	_ =	swait.ge [sflag:s16], $0x100  }
0x3f: {  	[sflag:s16] =	ssyncset.done $0x0  }
0x40: {  	[sflag:s16] =	ssyncadd.s32 $0xFFFFFF00  }
0x41: {  	[tilespmem:s15], [sflag:$0x1] =	stream.indirect.gather [hbm4b:s4+s18], $0x80, s3, s18, $0xb8;
	[tilespmem:$0x1C200] =	vst v63  }
0x42: {  	_ = 	snop  }
0x43: {  	[tilespmem:s19], [sflag:$0x2] =	stream.indirect.gather [hbm4b:s4+s18], $0x80, s17, s18, $0xb8;
	[tilespmem:$0x1C200] =	vst v63  }
0x44: {  	[bflag:$0x0] =	sbarrier.arrive $0xFFFF  }
0x45: {  	_ =	swait.ge [sflag:s20], $0x4000  }
0x46: {  	[sflag:s20] =	ssyncset.done $0x0  }
0x47: {  	[sflag:s20] =	ssyncadd.s32 $0xFFFFC000  }
0x48: {  	[spmem:s2] =	stream.indirect.scatter.add.f32 [tilespmem:s15], [sflag:$0x3], $0x80, s18, s18, $0xb8;
	[tilespmem:$0x1C200] =	vst v63  }
0x49: {  	_ =	swait.ge [sflag:s21], $0x4000  }
0x4a: {  	[sflag:s21] =	ssyncset.done $0x0  }
0x4b: {  	[sflag:s21] =	ssyncadd.s32 $0xFFFFC000  }
0x4c: {  	_ =	swait.ge [sflag:s22], $0x4000  }
0x4d: {  	s29 =	sadd.s32 $0xFFFFF600, s14;
	[sflag:s22] =	ssyncset.done $0x0  }
0x4e: {  	s30 =	sadd.s32 $0xA40, s29;
	[sflag:s22] =	ssyncadd.s32 $0xFFFFC000  }
0x4f: {  	[tilespmem:s3], [sflag:$0x5] =	stream.linear.gather [hbm4b:s30+s3], $0x100, $0x38;
	[tilespmem:$0x1C200] =	vst v63  }
0x50: {  	_ = 	snop  }
0x51: {  	[spmem:s2] =	stream.indirect.scatter.add.f32 [tilespmem:s19], [sflag:$0x4], $0x80, s23, s18, $0xb8;
	[tilespmem:$0x1C200] =	vst v63  }
0x52: {  	_ =	swait.ge [sflag:s24], $0x100  }
0x53: {  	[sflag:s24] =	ssyncset.done $0x0  }
0x54: {  	[sflag:s24] =	ssyncadd.s32 $0xFFFFFF00  }
0x55: {  	[tilespmem:s15], [sflag:$0x1] =	stream.indirect.gather [hbm4b:s4+s18], $0x80, s3, s18, $0xb8;
	[tilespmem:$0x1C200] =	vst v63  }
0x56: {  	_ =	swait.ge [sflag:s25], $0x4000  }
0x57: {  	[sflag:s25] =	ssyncset.done $0x0  }
0x58: {  	s29 =	sadd.s32 $0xA60, s29;
	[sflag:s25] =	ssyncadd.s32 $0xFFFFC000  }
0x59: {  	[tilespmem:s17], [sflag:$0x6] =	stream.linear.gather [hbm4b:s29+s3], $0x100, $0x38;
	[tilespmem:$0x1C200] =	vst v63  }
0x5a: {  	_ =	swait.ge [sflag:s26], $0x100  }
0x5b: {  	[sflag:s26] =	ssyncset.done $0x0  }
0x5c: {  	s29 =	simm.s32 $0xFFFFF640;
	[sflag:s26] =	ssyncadd.s32 $0xFFFFFF00  }
.LBB2_4:
0x5d: {  	[tilespmem:s19], [sflag:$0x2] =	stream.indirect.gather [hbm4b:s4+s18], $0x80, s17, s18, $0xb8;
	[tilespmem:$0x1C200] =	vst v63  }
0x5e: {  	s30 =	smov.u32 s29  }
0x5f: {  	p0 =	sne.s32 s29, $0xFFFFFFC0;
	s29 =	sadd.s32 $0x40, s29;
	_ =	swait.ge [sflag:s20], $0x4000  }
0x60: {  	[sflag:s20] =	ssyncset.done $0x0  }
0x61: {  	[sflag:s20] =	ssyncadd.s32 $0xFFFFC000  }
0x62: {  	[spmem:s2] =	stream.indirect.scatter.add.f32 [tilespmem:s15], [sflag:$0x3], $0x80, s18, s18, $0xb8;
	[tilespmem:$0x1C200] =	vst v63  }
0x63: {  	_ =	swait.ge [sflag:s21], $0x4000  }
0x64: {  	[sflag:s21] =	ssyncset.done $0x0  }
0x65: {  	[sflag:s21] =	ssyncadd.s32 $0xFFFFC000  }
0x66: {  	_ =	swait.ge [sflag:s22], $0x4000  }
0x67: {  	s30 =	sadd.s32 s30, s14;
	[sflag:s22] =	ssyncset.done $0x0  }
0x68: {  	s31 =	sadd.s32 $0xA40, s30;
	[sflag:s22] =	ssyncadd.s32 $0xFFFFC000  }
0x69: {  	[tilespmem:s3], [sflag:$0x5] =	stream.linear.gather [hbm4b:s31+s3], $0x100, $0x38;
	[tilespmem:$0x1C200] =	vst v63  }
0x6a: {  	_ = 	snop  }
0x6b: {  	[spmem:s2] =	stream.indirect.scatter.add.f32 [tilespmem:s19], [sflag:$0x4], $0x80, s23, s18, $0xb8;
	[tilespmem:$0x1C200] =	vst v63  }
0x6c: {  	_ =	swait.ge [sflag:s24], $0x100  }
0x6d: {  	[sflag:s24] =	ssyncset.done $0x0  }
0x6e: {  	[sflag:s24] =	ssyncadd.s32 $0xFFFFFF00  }
0x6f: {  	[tilespmem:s15], [sflag:$0x1] =	stream.indirect.gather [hbm4b:s4+s18], $0x80, s3, s18, $0xb8;
	[tilespmem:$0x1C200] =	vst v63  }
0x70: {  	_ =	swait.ge [sflag:s25], $0x4000  }
0x71: {  	[sflag:s25] =	ssyncset.done $0x0  }
.Ltmp1:
0x72: {  	s30 =	sadd.s32 $0xA60, s30;
	[sflag:s25] =	ssyncadd.s32 $0xFFFFC000;
	(pc) =	sbr.rel @p0 .LBB2_4-.Ltmp1, $4  }
0x73: {  	[tilespmem:s17], [sflag:$0x6] =	stream.linear.gather [hbm4b:s30+s3], $0x100, $0x38;
	[tilespmem:$0x1C200] =	vst v63  }
0x74: {  	_ =	swait.ge [sflag:s26], $0x100  }
0x75: {  	[sflag:s26] =	ssyncset.done $0x0  }
0x76: {  	[sflag:s26] =	ssyncadd.s32 $0xFFFFFF00  }
0x77: {  	[tilespmem:s19], [sflag:$0x2] =	stream.indirect.gather [hbm4b:s4+s18], $0x80, s17, s18, $0xb8;
	[tilespmem:$0x1C200] =	vst v63  }
0x78: {  	_ =	swait.ge [sflag:s20], $0x4000  }
0x79: {  	[sflag:s20] =	ssyncset.done $0x0  }
0x7a: {  	[sflag:s20] =	ssyncadd.s32 $0xFFFFC000  }
0x7b: {  	_ =	swait.ge [sflag:s21], $0x4000  }
0x7c: {  	s29 =	sshll.u32 s1, $0x6;
	s28 =	sadd.s32 $0x1, s28;
	[sflag:s21] =	ssyncset.done $0x0  }
0x7d: {  	s30 =	sshrl.u32 s5, $0x3;
	p0 =	sne.s32 s28, s13;
	[sflag:s21] =	ssyncadd.s32 $0xFFFFC000  }
.Ltmp2:
0x7e: {  	s29 =	sor.u32 $0x1C07, s29;
	[bflag:$0x0] =	sbarrier.arrive $0xFFFF;
	(pc) =	sbr.rel @p0 .LBB2_1-.Ltmp2, $4  }
0x7f: {  	[hbm:s12], [sflag:s29] =	dma.local [spmem:s30], $0x2800  }
0x80: {  	_ =	swait.ge [sflag:s16], $0x2800  }
0x81: {  	[sflag:s16] =	ssyncset.done $0x0  }
0x82: {  	[sflag:s16] =	ssyncadd.s32 $0xFFFFD800  }
0x83: {  	_ =	sfence.sel $0x180000  }
0x84: {  	[bflag:$0x0] =	sbarrier.arrive $0xFFFF  }
0x85: {  	p0 =	sne.s32 s1, $0x0;
	_ =	strace $0x9000004A  }
0x86: {  	s0 =	sadd.s32 @!p0 $0x100000, s0;
	[bflag:$0x2] =	sbarrier.arrive $0xFFFF  }
0x87: {  	[sflag:s0] =	ssyncadd.tile.s32 @!p0 $0x1;
	_ =	shalt  }
.Lfunc_end2:
_tile_overlayer_lowered:
.L_overlay_start_2:
0x88: {  	(tag) =	ssettag $0x2  }
0x89: {  	s0 =	rddreg [dreg:$0x0];
	s2 =	stileid.u32  }
0x8a: {  	s1 =	rddreg [dreg:$0x1];
	p0 =	sne.s32 s2, $0x0  }
0x8b: {  	s3 =	rddreg [dreg:$0x2];
	[bflag:$0x3] =	sbarrier.arrive $0xFFFF;
	s2 =	simm.s32 @!p0 $0x1C07  }
0x8c: {  	[timem:s3], [sflag:s2] =	dma.local @!p0 [hbm:s0], s1  }
0x8d: {  	s0 =	simm.s32 @!p0 $0x7  }
0x8e: {  	_ =	swait.ge @!p0 [sflag:s0], s1  }
0x8f: {  	s1 =	ssub.s32 @!p0 $0x0, s1;
	[sflag:s0] =	ssyncset.done @!p0 $0x0  }
0x90: {  	[sflag:s0] =	ssyncadd.s32 @!p0 s1  }
0x91: {  	[bflag:$0x3] =	sbarrier.arrive $0xFFFF  }
0x92: {  	_ =	shalt  }

// kernel: sc_mp128.14.cloned.1.call-start
scs
__scs_entry_jumppad:
0x0: {  	(pc) =	sbr.rel $0x88, $3  }
0x1: {  	(tag) =	ssettag $0x0;
	lr =	simm.s32 $0x1  }
0x2: {  	[smem:$0x3F85] =	sst lr;
	_ =	strace $0xD0000000  }
0x3: {  	_ = 	snop  }
0x4: {  	_ = 	snop  }
0x5: {  	_ = 	snop  }
0x6: {  	_ = 	snop  }
0x7: {  	_ = 	snop  }
__scs_overlays_trampoline_lowered:
0x8: {  	[smem:$0x3F94] =	sst s0  }
0x9: {  	[smem:$0x3F95] =	sst s1  }
0xa: {  	[smem:$0x3F96] =	sst s2  }
0xb: {  	[smem:$0x3F97] =	sst s3  }
0xc: {  	[smem:$0x3F98] =	sst s4  }
0xd: {  	[smem:$0x3F99] =	sst s5  }
0xe: {  	[smem:$0x3F9A] =	sst s6  }
0xf: {  	[smem:$0x3F9B] =	sst s7  }
0x10: {  	[smem:$0x3F9C] =	sst s8  }
0x11: {  	[smem:$0x3F9D] =	sst s9;
	s0 =	simm.s32 @!p0 $0x0  }
0x12: {  	s1 =	sld [smem:$0x3F83];
	s0 =	simm.s32 @p0 $0x1  }
0x13: {  	[smem:$0x3F9E] =	sst s0;
	s0 =	simm.s32 @!p1 $0x0  }
0x14: {  	s2 =	sld [smem:$0x3F82];
	s0 =	simm.s32 @p1 $0x1  }
0x15: {  	[smem:$0x3F9F] =	sst s0;
	s0 =	simm.s32 @!p2 $0x0  }
0x16: {  	s3 =	sld [smem:$0x3FDB];
	s0 =	simm.s32 @p2 $0x1  }
0x17: {  	s4 =	simm.s32 $0x1BF5;
	[smem:$0x3FA1] =	sst s0  }
0x18: {  	s0 =	sld [smem:$0x3F84];
	_ =	swait.ge [sflag:s4], $0x0  }
0x19: {  	s7 =	sld [smem:$0x3F85]  }
0x1a: {  	s8 =	sadd.s32 $0xFFFFE003, lr  }
0x1b: {  	s9 =	sadd.s32 $0xFFFFFEF7, lr;
	s5 =	simm.s32 $0xFFFFFFFF;
	p2 =	slt.u32 s8, $0xFFFFF086  }
0x1c: {  	p1 =	slt.u32 s9, $0xF7A;
	s5 =	simm.s32 @!p2 $0x0  }
0x1d: {  	s5 =	simm.s32 @p1 $0x1;
	p0 =	seq.s32 s7, s2  }
0x1e: {  	s7 =	smul.u32 @!p0 $0xF7A, s2;
	p2 =	seq.s32 @!p0 s5, $0x0  }
0x1f: {  	s9 =	smul.u32 $0xF7A, s1;
	s8 =	simm.s32 @!p0 $0x1BF5;
	p2 =	por !p2, p0  }
0x20: {  	[sflag:s8] =	ssyncset.s32 @!p0 $0xFFFFF086;
	s6 =	sadd.s32 @!p0 s3, s7;
	s7 =	simm.s32 @!p0 $0x108  }
0x21: {  	s3 =	sadd.s32 s3, s9;
	s6 =	sadd.s32 @!p0 $0x88, s6;
	s7 =	simm.s32 @p2 $0x1082  }
0x22: {  	[simem:s7], [sflag:s8] =	dma.local @!p0 [hbm:s6], $0xF7A  }
0x23: {  	s9 =	sor.u32 $0xD0000000, s2;
	s6 =	simm.s32 $0x108;
	_ =	swait.ge @!p0 [sflag:s8], $0x0  }
0x24: {  	s3 =	sadd.s32 $0x88, s3;
	s6 =	simm.s32 @!p1 $0x1082;
	[sflag:s4] =	ssyncset.s32 $0xFFFFF086  }
0x25: {  	[simem:s6], [sflag:s4] =	dma.local [hbm:s3], $0xF7A  }
0x26: {  	[smem:$0x3F85] =	sst s1;
	(tag) =	ssettag s2;
	_ =	strace s9  }
0x27: {  	s1 =	sld [smem:$0x3F95]  }
0x28: {  	s2 =	sld [smem:$0x3F96]  }
0x29: {  	s4 =	sld [smem:$0x3F98]  }
0x2a: {  	p0 =	seq.s32 s5, $0x0;
	s5 =	sld [smem:$0x3F99]  }
0x2b: {  	s6 =	sld [smem:$0x3F9A]  }
0x2c: {  	s7 =	sld [smem:$0x3F9B]  }
0x2d: {  	s3 =	simm.s32 $0x108;
	s8 =	sld [smem:$0x3F9C]  }
0x2e: {  	s3 =	simm.s32 @!p0 $0x1082;
	s9 =	sld [smem:$0x3F9D]  }
0x2f: {  	lr =	sadd.s32 s0, s3;
	s0 =	sld [smem:$0x3F94]  }
0x30: {  	s3 =	sld [smem:$0x3F97]  }
0x31: {  	[smem:$0x3FA0] =	sst s10  }
0x32: {  	s10 =	sld [smem:$0x3F9E];
	_ =	sdelay $0x3  }
0x33: {  	p0 =	seq.s32 s10, $0x1;
	s10 =	sld [smem:$0x3FA0];
	_ =	sdelay $0x3  }
0x34: {  	[smem:$0x3FA0] =	sst s10  }
0x35: {  	s10 =	sld [smem:$0x3F9F];
	_ =	sdelay $0x3  }
0x36: {  	p1 =	seq.s32 s10, $0x1;
	s10 =	sld [smem:$0x3FA0];
	_ =	sdelay $0x3  }
0x37: {  	[smem:$0x3FA0] =	sst s10  }
0x38: {  	s10 =	sld [smem:$0x3FA1]  }
0x39: {  	_ = 	snop;
	(pc) =	sbr.ind lr, $3  }
0x3a: {  	_ = 	snop  }
0x3b: {  	_ = 	snop  }
0x3c: {  	p2 =	seq.s32 s10, $0x1;
	s10 =	sld [smem:$0x3FA0]  }
0x3d: {  	_ =	shalt  }
0x3e: {  	_ =	shalt  }
0x3f: {  	_ =	shalt  }
0x40: {  	_ =	shalt  }
0x41: {  	_ =	shalt  }
0x42: {  	_ =	shalt  }
0x43: {  	_ =	shalt  }
0x44: {  	_ =	shalt  }
0x45: {  	_ =	shalt  }
0x46: {  	_ =	shalt  }
0x47: {  	_ =	shalt  }
0x48: {  	_ =	shalt  }
0x49: {  	_ =	shalt  }
0x4a: {  	_ =	shalt  }
0x4b: {  	_ =	shalt  }
0x4c: {  	_ =	shalt  }
0x4d: {  	_ =	shalt  }
0x4e: {  	_ =	shalt  }
0x4f: {  	_ =	shalt  }
0x50: {  	_ =	shalt  }
0x51: {  	_ =	shalt  }
0x52: {  	_ =	shalt  }
0x53: {  	_ =	shalt  }
0x54: {  	_ =	shalt  }
0x55: {  	_ =	shalt  }
0x56: {  	_ =	shalt  }
0x57: {  	_ =	shalt  }
0x58: {  	_ =	shalt  }
0x59: {  	_ =	shalt  }
0x5a: {  	_ =	shalt  }
0x5b: {  	_ =	shalt  }
0x5c: {  	_ =	shalt  }
0x5d: {  	_ =	shalt  }
0x5e: {  	_ =	shalt  }
0x5f: {  	_ =	shalt  }
0x60: {  	_ =	shalt  }
0x61: {  	_ =	shalt  }
0x62: {  	_ =	shalt  }
0x63: {  	_ =	shalt  }
0x64: {  	_ =	shalt  }
0x65: {  	_ =	shalt  }
0x66: {  	_ =	shalt  }
0x67: {  	_ =	shalt  }
0x68: {  	_ =	shalt  }
0x69: {  	_ =	shalt  }
0x6a: {  	_ =	shalt  }
0x6b: {  	_ =	shalt  }
0x6c: {  	_ =	shalt  }
0x6d: {  	_ =	shalt  }
0x6e: {  	_ =	shalt  }
0x6f: {  	_ =	shalt  }
0x70: {  	_ =	shalt  }
0x71: {  	_ =	shalt  }
0x72: {  	_ =	shalt  }
0x73: {  	_ =	shalt  }
0x74: {  	_ =	shalt  }
0x75: {  	_ =	shalt  }
0x76: {  	_ =	shalt  }
0x77: {  	_ =	shalt  }
0x78: {  	_ =	shalt  }
0x79: {  	_ =	shalt  }
0x7a: {  	_ =	shalt  }
0x7b: {  	_ =	shalt  }
0x7c: {  	_ =	shalt  }
0x7d: {  	_ =	shalt  }
0x7e: {  	_ =	shalt  }
0x7f: {  	_ =	shalt  }
0x80: {  	_ =	shalt  }
0x81: {  	_ =	shalt  }
0x82: {  	_ =	shalt  }
0x83: {  	_ =	shalt  }
0x84: {  	_ =	shalt  }
0x85: {  	_ =	shalt  }
0x86: {  	_ =	shalt  }
0x87: {  	_ =	shalt  }
.Lfunc_end0:
.L_simem_size_0:
called_computation.2_lowered:
.L_overlay_start_0:
0x88: {  	s2 =	sld [smem:$0x3FD9]  }
0x89: {  	s3 =	sld [smem:$0x3FFE];
	_ =	sdelay $0x1  }
0x8a: {  	s1 =	srdreg.scid  }
0x8b: {  	s0 =	sand.u32 $0x1, s1  }
0x8c: {  	s14 =	sshll.u32 s0, $0xA;
	s2 =	sadd.s32 s3, s2  }
0x8d: {  	s2 =	sadd.s32 s2, s14  }
0x8e: {  	[smem:$0x3FAC] =	sst s2  }
0x8f: {  	_ = 	snop  }
0x90: {  	s2 =	sld [smem:$0x3FD0];
	_ =	sdelay $0x2  }
0x91: {  	s15 =	simm.s32 $0xA;
	s4 =	simm.s32 $0x10  }
0x92: {  	[smem:s4], [sflag:s15] =	dma.local [hbm:s2], $0x1  }
0x93: {  	_ =	swait.eq [sflag:s15], $0x1  }
0x94: {  	[sflag:s15] =	ssyncset.done $0x0  }
0x95: {  	[sflag:s15] =	ssyncadd.s32 $0xFFFFFFFF  }
0x96: {  	s16 =	sld [smem:$0x12];
	(tm) =	ssettm $0x1  }
0x97: {  	s17 =	sld [smem:$0x3FFB];
	_ =	sdelay $0x3  }
0x98: {  	_ =	strace s17  }
0x99: {  	s3 =	sld [smem:$0x3FFC];
	_ =	sdelay $0x3  }
0x9a: {  	_ =	strace s3  }
0x9b: {  	s3 =	sld [smem:$0x3FFD];
	_ =	sdelay $0x3  }
0x9c: {  	_ =	strace s3  }
0x9d: {  	_ =	strace $0x8FFFFFFF  }
0x9e: {  	s18 =	sld [smem:$0x3FDB];
	_ =	sdelay $0x1  }
0x9f: {  	s19 =	simm.s32 $_scs_section_size  }
0xa0: {  	s5 =	simm.s32 $_size__tile_overlayer_lowered;
	s6 =	simm.s32 $_tile_overlayer_lowered  }
0xa1: {  	s22 =	simm.s32 $0x1BFF;
	s21 =	sshll.u32 s6, $0x1;
	s3 =	sadd.s32 s19, s18  }
0xa2: {  	s7 =	simm.s32 $0x0;
	s20 =	sshll.u32 s5, $0x1;
	s5 =	sadd.s32 s21, s3  }
0xa3: {  	[timem:s7], [sflag:s22] =	dma.local [hbm:s5], s20  }
0xa4: {  	_ =	swait.ge [sflag:s22], s20  }
0xa5: {  	s4 =	ssub.s32 $0x0, s20;
	[sflag:s22] =	ssyncset.done $0x0  }
0xa6: {  	[sflag:s22] =	ssyncadd.s32 s4;
	_ =	sdelay $0x1  }
0xa7: {  	s23 =	simm.s32 $0x1B8B  }
0xa8: {  	_ =	swait.ge [sflag:s23], $0x1  }
0xa9: {  	[sflag:s23] =	ssyncset.done $0x0  }
0xaa: {  	s25 =	simm.s32 $0x1B8E;
	s24 =	sld [smem:$0x3FFE];
	[sflag:s23] =	ssyncadd.s32 $0xFFFFFFFF  }
0xab: {  	s26 =	simm.s32 $execute0_lowered;
	[smem:$0x3FD2] =	sst s25  }
0xac: {  	s5 =	sshll.u32 s26, $0x1;
	_ =	strace $0x8000004C;
	[dreg:$0x1] =	wrdreg $0xFFFFFFFF  }
0xad: {  	s28 =	simm.s32 $_size_execute0_lowered;
	s3 =	sadd.s32 s3, s5;
	[dreg:$0x0] =	wrdreg $0x0  }
0xae: {  	s5 =	sshll.u32 s28, $0x1;
	[dreg:$0x2] =	wrdreg s3  }
0xaf: {  	[dreg:$0x3] =	wrdreg s5  }
0xb0: {  	[dreg:$0x4] =	wrdreg $0xC0  }
0xb1: {  	_ =	task [dreg:s7], $0x5FFFF  }
0xb2: {  	[dreg:$0x1] =	wrdreg $0xFFFFFFFF  }
0xb3: {  	[dreg:$0x0] =	wrdreg $0x60  }
0xb4: {  	[dreg:$0x2] =	wrdreg s24  }
0xb5: {  	[dreg:$0x3] =	wrdreg s16  }
0xb6: {  	[dreg:$0x4] =	wrdreg $0x82000  }
0xb7: {  	[dreg:$0x5] =	wrdreg $0x9  }
0xb8: {  	_ =	task.clear_ibuf [dreg:s7], $0x6FFFF;
	_ =	strace $0x9000004C  }
0xb9: {  	s29 =	simm.s32 $0x9;
	_ =	strace $0x8000004E  }
0xba: {  	_ =	swait.ge [sflag:s29], $0x1  }
0xbb: {  	[sflag:s29] =	ssyncadd.s32 $0xFFFFFFFF  }
0xbc: {  	_ =	strace $0x9000004E  }
0xbd: {  	_ =	sfence  }
0xbe: {  	s30 =	sld [smem:$0x0];
	_ =	sdelay $0x2  }
0xbf: {  	s31 =	sshll.u32 s1, $0xD;
	s1 =	sshrl.u32 s1, $0x2  }
0xc0: {  	s3 =	sand.u32 $0x4000, s31;
	s1 =	sadd.s32 s1, s30  }
0xc1: {  	s0 =	sor.u32 s3, s0;
	s1 =	sshll.u32 s1, $0x11  }
0xc2: {  	s0 =	sor.u32 s1, s0  }
0xc3: {  	s0 =	sadd.s32 $0x8F2B, s0  }
0xc4: {  	[sflag:s0] =	ssyncadd.remote.s32 $0x1  }
0xc5: {  	_ =	sfence.sel $0xFFFF  }
0xc6: {  	[dreg:$0x0] =	wrdreg $0xFFFFFFFF;
	(pc) =	sbr.abs _section_cstart, $3  }
0xc7: {  	[dreg:$0x1] =	wrdreg $0xFFFFFFFF  }
0xc8: {  	_ =	task.clear_ibuf [dreg:s7], $0x2FFFF;
	_ =	strace $0x9FFFFFFF  }
0xc9: {  	(tm) =	ssettm $0x7FFFFFFF  }
tec
execute0_lowered:
.L_overlay_start_1:
0x0: {  	(tag) =	ssettag $0x1  }
0x1: {  	s5 =	rddreg [dreg:$0x0]  }
0x2: {  	s12 =	rddreg [dreg:$0x1]  }
0x3: {  	s2 =	rddreg [dreg:$0x2]  }
0x4: {  	s0 =	rddreg [dreg:$0x3];
	s4 =	srdreg.scid  }
0x5: {  	s3 =	simm.s32 $0x0;
	s1 =	stileid.u32;
	s18 =	simm.s32 $0x80  }
0x6: {  	s19 =	simm.s32 $0x4200;
	s20 =	simm.s32 $0x1;
	s21 =	simm.s32 $0x2  }
0x7: {  	s22 =	simm.s32 $0x3;
	s23 =	simm.s32 $0x180;
	s24 =	simm.s32 $0x5  }
0x8: {  	s25 =	simm.s32 $0x4;
	s28 =	simm.s32 $0x0;
	s7 =	smul.u32 $0x50000, s1  }
0x9: {  	s11 =	sand.u32 $0x1, s4;
	[smem:$0x7FF] =	sst s3;
	s15 =	smul.u32 $0x14000, s1  }
0xa: {  	s4 =	sadd.s32 $0x5000, s5;
	s13 =	sadd.s32 $0x2D000, s5;
	s17 =	smul.u32 $0x1400, s1  }
0xb: {  	s29 =	sshll.u32 s1, $0x1;
	s6 =	ssub.s32 $0x2, s11;
	s10 =	smul.u32 $0x140000, s11  }
0xc: {  	_ =	strace $0x8000004D;
	s9 =	sor.u32 s11, s29;
	s30 =	smul.u32 $0xA00, s11  }
0xd: {  	s8 =	sshrl.u32 s6, $0x1;
	s26 =	sshrl.u32 s7, $0x2;
	s16 =	smul.u32 $0xA00, s9  }
0xe: {  	s31 =	sadd.s32 s17, s13;
	s17 =	simm.s32 $0x100;
	s14 =	ssub.s32 s6, s8  }
0xf: {  	s5 =	sadd.s32 s26, s2;
	s15 =	sadd.s32 s15, s10;
	s26 =	simm.s32 $0x6  }
0x10: {  	s6 =	sadd.s32 $0x4000, s5;
	s7 =	sadd.s32 $0x8000, s5;
	s8 =	sadd.s32 $0xC000, s5  }
0x11: {  	s9 =	sadd.s32 $0x10000, s5;
	s10 =	sadd.s32 s13, s16;
	s15 =	sshrl.u32 s15, $0x3  }
0x12: {  	s13 =	smax.u32 s14, $0x1;
	s14 =	sadd.s32 s30, s31;
	s16 =	simm.s32 $0x7  }
0x13: {  	v0 =	vimm.f32 $0.0e+00;
	s11 =	sadd.s32 $0x20, s10;
	s12 =	sadd.s32 s12, s15;
	s15 =	simm.s32 $0x200  }
.LBB2_1:
0x14: {  	s29 =	simm.s32 $0x0;
	s30 =	simm.s32 $0x200  }
.LBB2_2:
0x15: {  	p0 =	sne.s32 s30, $0xFE00;
	[tilespmem:s29+$0x270] =	vst v0  }
0x16: {  	[tilespmem:s29+$0x200] =	vst v0  }
0x17: {  	[tilespmem:s29+$0x210] =	vst v0  }
.Ltmp0:
0x18: {  	[tilespmem:s29+$0x220] =	vst v0;
	(pc) =	sbr.rel @p0 .LBB2_2-.Ltmp0, $4  }
0x19: {  	[tilespmem:s29+$0x230] =	vst v0  }
0x1a: {  	[tilespmem:s29+$0x240] =	vst v0  }
0x1b: {  	[tilespmem:s29+$0x250] =	vst v0  }
0x1c: {  	[tilespmem:s29+$0x260] =	vst v0;
	s29 =	sshra.s32 s30, $0x2;
	s30 =	sadd.s32 $0x200, s30  }
0x1d: {  	[tilespmem:s29+$0x270] =	vst v0  }
0x1e: {  	[tilespmem:s29+$0x200] =	vst v0  }
0x1f: {  	[tilespmem:s29+$0x210] =	vst v0  }
0x20: {  	[tilespmem:s29+$0x220] =	vst v0  }
0x21: {  	[tilespmem:s29+$0x230] =	vst v0  }
0x22: {  	[tilespmem:s29+$0x240] =	vst v0  }
0x23: {  	[tilespmem:s29+$0x250] =	vst v0  }
0x24: {  	[tilespmem:s29+$0x260] =	vst v0  }
0x25: {  	[spmem:s5] =	stream.linear.scatter [tilespmem:s15], [sflag:$0x7], $0x4000, $0x38;
	[tilespmem:$0x1C200] =	vst v63  }
0x26: {  	_ =	swait.ge [sflag:s16], $0x4000  }
0x27: {  	[sflag:s16] =	ssyncset.done $0x0  }
0x28: {  	[sflag:s16] =	ssyncadd.s32 $0xFFFFC000  }
0x29: {  	[spmem:s6] =	stream.linear.scatter [tilespmem:s15], [sflag:$0x7], $0x4000, $0x38;
	[tilespmem:$0x1C200] =	vst v63  }
0x2a: {  	_ =	swait.ge [sflag:s16], $0x4000  }
0x2b: {  	[sflag:s16] =	ssyncset.done $0x0  }
0x2c: {  	[sflag:s16] =	ssyncadd.s32 $0xFFFFC000  }
0x2d: {  	[spmem:s7] =	stream.linear.scatter [tilespmem:s15], [sflag:$0x7], $0x4000, $0x38;
	[tilespmem:$0x1C200] =	vst v63  }
0x2e: {  	_ =	swait.ge [sflag:s16], $0x4000  }
0x2f: {  	[sflag:s16] =	ssyncset.done $0x0  }
0x30: {  	[sflag:s16] =	ssyncadd.s32 $0xFFFFC000  }
0x31: {  	[spmem:s8] =	stream.linear.scatter [tilespmem:s15], [sflag:$0x7], $0x4000, $0x38;
	[tilespmem:$0x1C200] =	vst v63  }
0x32: {  	_ =	swait.ge [sflag:s16], $0x4000  }
0x33: {  	[sflag:s16] =	ssyncset.done $0x0  }
0x34: {  	[sflag:s16] =	ssyncadd.s32 $0xFFFFC000  }
0x35: {  	[spmem:s9] =	stream.linear.scatter [tilespmem:s15], [sflag:$0x7], $0x4000, $0x38;
	[tilespmem:$0x1C200] =	vst v63  }
0x36: {  	_ =	swait.ge [sflag:s16], $0x4000  }
0x37: {  	[sflag:s16] =	ssyncset.done $0x0  }
0x38: {  	[sflag:s16] =	ssyncadd.s32 $0xFFFFC000  }
0x39: {  	[tilespmem:s3], [sflag:$0x7] =	stream.linear.gather [hbm4b:s10+s3], $0x100, $0x38;
	[tilespmem:$0x1C200] =	vst v63  }
0x3a: {  	_ =	swait.ge [sflag:s16], $0x100  }
0x3b: {  	[sflag:s16] =	ssyncset.done $0x0  }
0x3c: {  	[sflag:s16] =	ssyncadd.s32 $0xFFFFFF00  }
0x3d: {  	[tilespmem:s17], [sflag:$0x7] =	stream.linear.gather [hbm4b:s11+s3], $0x100, $0x38;
	[tilespmem:$0x1C200] =	vst v63  }
0x3e: {  	_ =	swait.ge [sflag:s16], $0x100  }
0x3f: {  	[sflag:s16] =	ssyncset.done $0x0  }
0x40: {  	[sflag:s16] =	ssyncadd.s32 $0xFFFFFF00  }
0x41: {  	[tilespmem:s15], [sflag:$0x1] =	stream.indirect.gather [hbm4b:s4+s18], $0x80, s3, s18, $0xb8;
	[tilespmem:$0x1C200] =	vst v63  }
0x42: {  	_ = 	snop  }
0x43: {  	[tilespmem:s19], [sflag:$0x2] =	stream.indirect.gather [hbm4b:s4+s18], $0x80, s17, s18, $0xb8;
	[tilespmem:$0x1C200] =	vst v63  }
0x44: {  	[bflag:$0x0] =	sbarrier.arrive $0xFFFF  }
0x45: {  	_ =	swait.ge [sflag:s20], $0x4000  }
0x46: {  	[sflag:s20] =	ssyncset.done $0x0  }
0x47: {  	[sflag:s20] =	ssyncadd.s32 $0xFFFFC000  }
0x48: {  	[spmem:s2] =	stream.indirect.scatter.add.f32 [tilespmem:s15], [sflag:$0x3], $0x80, s18, s18, $0xb8;
	[tilespmem:$0x1C200] =	vst v63  }
0x49: {  	_ =	swait.ge [sflag:s21], $0x4000  }
0x4a: {  	[sflag:s21] =	ssyncset.done $0x0  }
0x4b: {  	[sflag:s21] =	ssyncadd.s32 $0xFFFFC000  }
0x4c: {  	_ =	swait.ge [sflag:s22], $0x4000  }
0x4d: {  	s29 =	sadd.s32 $0xFFFFF600, s14;
	[sflag:s22] =	ssyncset.done $0x0  }
0x4e: {  	s30 =	sadd.s32 $0xA40, s29;
	[sflag:s22] =	ssyncadd.s32 $0xFFFFC000  }
0x4f: {  	[tilespmem:s3], [sflag:$0x5] =	stream.linear.gather [hbm4b:s30+s3], $0x100, $0x38;
	[tilespmem:$0x1C200] =	vst v63  }
0x50: {  	_ = 	snop  }
0x51: {  	[spmem:s2] =	stream.indirect.scatter.add.f32 [tilespmem:s19], [sflag:$0x4], $0x80, s23, s18, $0xb8;
	[tilespmem:$0x1C200] =	vst v63  }
0x52: {  	_ =	swait.ge [sflag:s24], $0x100  }
0x53: {  	[sflag:s24] =	ssyncset.done $0x0  }
0x54: {  	[sflag:s24] =	ssyncadd.s32 $0xFFFFFF00  }
0x55: {  	[tilespmem:s15], [sflag:$0x1] =	stream.indirect.gather [hbm4b:s4+s18], $0x80, s3, s18, $0xb8;
	[tilespmem:$0x1C200] =	vst v63  }
0x56: {  	_ =	swait.ge [sflag:s25], $0x4000  }
0x57: {  	[sflag:s25] =	ssyncset.done $0x0  }
0x58: {  	s29 =	sadd.s32 $0xA60, s29;
	[sflag:s25] =	ssyncadd.s32 $0xFFFFC000  }
0x59: {  	[tilespmem:s17], [sflag:$0x6] =	stream.linear.gather [hbm4b:s29+s3], $0x100, $0x38;
	[tilespmem:$0x1C200] =	vst v63  }
0x5a: {  	_ =	swait.ge [sflag:s26], $0x100  }
0x5b: {  	[sflag:s26] =	ssyncset.done $0x0  }
0x5c: {  	s29 =	simm.s32 $0xFFFFF640;
	[sflag:s26] =	ssyncadd.s32 $0xFFFFFF00  }
.LBB2_4:
0x5d: {  	[tilespmem:s19], [sflag:$0x2] =	stream.indirect.gather [hbm4b:s4+s18], $0x80, s17, s18, $0xb8;
	[tilespmem:$0x1C200] =	vst v63  }
0x5e: {  	s30 =	smov.u32 s29  }
0x5f: {  	p0 =	sne.s32 s29, $0xFFFFFFC0;
	s29 =	sadd.s32 $0x40, s29;
	_ =	swait.ge [sflag:s20], $0x4000  }
0x60: {  	[sflag:s20] =	ssyncset.done $0x0  }
0x61: {  	[sflag:s20] =	ssyncadd.s32 $0xFFFFC000  }
0x62: {  	[spmem:s2] =	stream.indirect.scatter.add.f32 [tilespmem:s15], [sflag:$0x3], $0x80, s18, s18, $0xb8;
	[tilespmem:$0x1C200] =	vst v63  }
0x63: {  	_ =	swait.ge [sflag:s21], $0x4000  }
0x64: {  	[sflag:s21] =	ssyncset.done $0x0  }
0x65: {  	[sflag:s21] =	ssyncadd.s32 $0xFFFFC000  }
0x66: {  	_ =	swait.ge [sflag:s22], $0x4000  }
0x67: {  	s30 =	sadd.s32 s30, s14;
	[sflag:s22] =	ssyncset.done $0x0  }
0x68: {  	s31 =	sadd.s32 $0xA40, s30;
	[sflag:s22] =	ssyncadd.s32 $0xFFFFC000  }
0x69: {  	[tilespmem:s3], [sflag:$0x5] =	stream.linear.gather [hbm4b:s31+s3], $0x100, $0x38;
	[tilespmem:$0x1C200] =	vst v63  }
0x6a: {  	_ = 	snop  }
0x6b: {  	[spmem:s2] =	stream.indirect.scatter.add.f32 [tilespmem:s19], [sflag:$0x4], $0x80, s23, s18, $0xb8;
	[tilespmem:$0x1C200] =	vst v63  }
0x6c: {  	_ =	swait.ge [sflag:s24], $0x100  }
0x6d: {  	[sflag:s24] =	ssyncset.done $0x0  }
0x6e: {  	[sflag:s24] =	ssyncadd.s32 $0xFFFFFF00  }
0x6f: {  	[tilespmem:s15], [sflag:$0x1] =	stream.indirect.gather [hbm4b:s4+s18], $0x80, s3, s18, $0xb8;
	[tilespmem:$0x1C200] =	vst v63  }
0x70: {  	_ =	swait.ge [sflag:s25], $0x4000  }
0x71: {  	[sflag:s25] =	ssyncset.done $0x0  }
.Ltmp1:
0x72: {  	s30 =	sadd.s32 $0xA60, s30;
	[sflag:s25] =	ssyncadd.s32 $0xFFFFC000;
	(pc) =	sbr.rel @p0 .LBB2_4-.Ltmp1, $4  }
0x73: {  	[tilespmem:s17], [sflag:$0x6] =	stream.linear.gather [hbm4b:s30+s3], $0x100, $0x38;
	[tilespmem:$0x1C200] =	vst v63  }
0x74: {  	_ =	swait.ge [sflag:s26], $0x100  }
0x75: {  	[sflag:s26] =	ssyncset.done $0x0  }
0x76: {  	[sflag:s26] =	ssyncadd.s32 $0xFFFFFF00  }
0x77: {  	[tilespmem:s19], [sflag:$0x2] =	stream.indirect.gather [hbm4b:s4+s18], $0x80, s17, s18, $0xb8;
	[tilespmem:$0x1C200] =	vst v63  }
0x78: {  	_ =	swait.ge [sflag:s20], $0x4000  }
0x79: {  	[sflag:s20] =	ssyncset.done $0x0  }
0x7a: {  	[sflag:s20] =	ssyncadd.s32 $0xFFFFC000  }
0x7b: {  	_ =	swait.ge [sflag:s21], $0x4000  }
0x7c: {  	s29 =	sshll.u32 s1, $0x6;
	s28 =	sadd.s32 $0x1, s28;
	[sflag:s21] =	ssyncset.done $0x0  }
0x7d: {  	s30 =	sshrl.u32 s5, $0x3;
	p0 =	sne.s32 s28, s13;
	[sflag:s21] =	ssyncadd.s32 $0xFFFFC000  }
.Ltmp2:
0x7e: {  	s29 =	sor.u32 $0x1C07, s29;
	[bflag:$0x0] =	sbarrier.arrive $0xFFFF;
	(pc) =	sbr.rel @p0 .LBB2_1-.Ltmp2, $4  }
0x7f: {  	[hbm:s12], [sflag:s29] =	dma.local [spmem:s30], $0x2800  }
0x80: {  	_ =	swait.ge [sflag:s16], $0x2800  }
0x81: {  	[sflag:s16] =	ssyncset.done $0x0  }
0x82: {  	[sflag:s16] =	ssyncadd.s32 $0xFFFFD800  }
0x83: {  	_ =	sfence.sel $0x180000  }
0x84: {  	[bflag:$0x0] =	sbarrier.arrive $0xFFFF  }
0x85: {  	p0 =	sne.s32 s1, $0x0;
	_ =	strace $0x9000004D  }
0x86: {  	s0 =	sadd.s32 @!p0 $0x100000, s0;
	[bflag:$0x2] =	sbarrier.arrive $0xFFFF  }
0x87: {  	[sflag:s0] =	ssyncadd.tile.s32 @!p0 $0x1;
	_ =	shalt  }
.Lfunc_end2:
_tile_overlayer_lowered:
.L_overlay_start_2:
0x88: {  	(tag) =	ssettag $0x2  }
0x89: {  	s0 =	rddreg [dreg:$0x0];
	s2 =	stileid.u32  }
0x8a: {  	s1 =	rddreg [dreg:$0x1];
	p0 =	sne.s32 s2, $0x0  }
0x8b: {  	s3 =	rddreg [dreg:$0x2];
	[bflag:$0x3] =	sbarrier.arrive $0xFFFF;
	s2 =	simm.s32 @!p0 $0x1C07  }
0x8c: {  	[timem:s3], [sflag:s2] =	dma.local @!p0 [hbm:s0], s1  }
0x8d: {  	s0 =	simm.s32 @!p0 $0x7  }
0x8e: {  	_ =	swait.ge @!p0 [sflag:s0], s1  }
0x8f: {  	s1 =	ssub.s32 @!p0 $0x0, s1;
	[sflag:s0] =	ssyncset.done @!p0 $0x0  }
0x90: {  	[sflag:s0] =	ssyncadd.s32 @!p0 s1  }
0x91: {  	[bflag:$0x3] =	sbarrier.arrive $0xFFFF  }
0x92: {  	_ =	shalt  }

// kernel: sc_mp128.17.cloned.1.call-start
scs
__scs_entry_jumppad:
0x0: {  	(pc) =	sbr.rel $0x88, $3  }
0x1: {  	(tag) =	ssettag $0x0;
	lr =	simm.s32 $0x1  }
0x2: {  	[smem:$0x3F85] =	sst lr;
	_ =	strace $0xD0000000  }
0x3: {  	_ = 	snop  }
0x4: {  	_ = 	snop  }
0x5: {  	_ = 	snop  }
0x6: {  	_ = 	snop  }
0x7: {  	_ = 	snop  }
__scs_overlays_trampoline_lowered:
0x8: {  	[smem:$0x3F94] =	sst s0  }
0x9: {  	[smem:$0x3F95] =	sst s1  }
0xa: {  	[smem:$0x3F96] =	sst s2  }
0xb: {  	[smem:$0x3F97] =	sst s3  }
0xc: {  	[smem:$0x3F98] =	sst s4  }
0xd: {  	[smem:$0x3F99] =	sst s5  }
0xe: {  	[smem:$0x3F9A] =	sst s6  }
0xf: {  	[smem:$0x3F9B] =	sst s7  }
0x10: {  	[smem:$0x3F9C] =	sst s8  }
0x11: {  	[smem:$0x3F9D] =	sst s9;
	s0 =	simm.s32 @!p0 $0x0  }
0x12: {  	s1 =	sld [smem:$0x3F83];
	s0 =	simm.s32 @p0 $0x1  }
0x13: {  	[smem:$0x3F9E] =	sst s0;
	s0 =	simm.s32 @!p1 $0x0  }
0x14: {  	s2 =	sld [smem:$0x3F82];
	s0 =	simm.s32 @p1 $0x1  }
0x15: {  	[smem:$0x3F9F] =	sst s0;
	s0 =	simm.s32 @!p2 $0x0  }
0x16: {  	s3 =	sld [smem:$0x3FDB];
	s0 =	simm.s32 @p2 $0x1  }
0x17: {  	s4 =	simm.s32 $0x1BF5;
	[smem:$0x3FA1] =	sst s0  }
0x18: {  	s0 =	sld [smem:$0x3F84];
	_ =	swait.ge [sflag:s4], $0x0  }
0x19: {  	s7 =	sld [smem:$0x3F85]  }
0x1a: {  	s8 =	sadd.s32 $0xFFFFE003, lr  }
0x1b: {  	s9 =	sadd.s32 $0xFFFFFEF7, lr;
	s5 =	simm.s32 $0xFFFFFFFF;
	p2 =	slt.u32 s8, $0xFFFFF086  }
0x1c: {  	p1 =	slt.u32 s9, $0xF7A;
	s5 =	simm.s32 @!p2 $0x0  }
0x1d: {  	s5 =	simm.s32 @p1 $0x1;
	p0 =	seq.s32 s7, s2  }
0x1e: {  	s7 =	smul.u32 @!p0 $0xF7A, s2;
	p2 =	seq.s32 @!p0 s5, $0x0  }
0x1f: {  	s9 =	smul.u32 $0xF7A, s1;
	s8 =	simm.s32 @!p0 $0x1BF5;
	p2 =	por !p2, p0  }
0x20: {  	[sflag:s8] =	ssyncset.s32 @!p0 $0xFFFFF086;
	s6 =	sadd.s32 @!p0 s3, s7;
	s7 =	simm.s32 @!p0 $0x108  }
0x21: {  	s3 =	sadd.s32 s3, s9;
	s6 =	sadd.s32 @!p0 $0x88, s6;
	s7 =	simm.s32 @p2 $0x1082  }
0x22: {  	[simem:s7], [sflag:s8] =	dma.local @!p0 [hbm:s6], $0xF7A  }
0x23: {  	s9 =	sor.u32 $0xD0000000, s2;
	s6 =	simm.s32 $0x108;
	_ =	swait.ge @!p0 [sflag:s8], $0x0  }
0x24: {  	s3 =	sadd.s32 $0x88, s3;
	s6 =	simm.s32 @!p1 $0x1082;
	[sflag:s4] =	ssyncset.s32 $0xFFFFF086  }
0x25: {  	[simem:s6], [sflag:s4] =	dma.local [hbm:s3], $0xF7A  }
0x26: {  	[smem:$0x3F85] =	sst s1;
	(tag) =	ssettag s2;
	_ =	strace s9  }
0x27: {  	s1 =	sld [smem:$0x3F95]  }
0x28: {  	s2 =	sld [smem:$0x3F96]  }
0x29: {  	s4 =	sld [smem:$0x3F98]  }
0x2a: {  	p0 =	seq.s32 s5, $0x0;
	s5 =	sld [smem:$0x3F99]  }
0x2b: {  	s6 =	sld [smem:$0x3F9A]  }
0x2c: {  	s7 =	sld [smem:$0x3F9B]  }
0x2d: {  	s3 =	simm.s32 $0x108;
	s8 =	sld [smem:$0x3F9C]  }
0x2e: {  	s3 =	simm.s32 @!p0 $0x1082;
	s9 =	sld [smem:$0x3F9D]  }
0x2f: {  	lr =	sadd.s32 s0, s3;
	s0 =	sld [smem:$0x3F94]  }
0x30: {  	s3 =	sld [smem:$0x3F97]  }
0x31: {  	[smem:$0x3FA0] =	sst s10  }
0x32: {  	s10 =	sld [smem:$0x3F9E];
	_ =	sdelay $0x3  }
0x33: {  	p0 =	seq.s32 s10, $0x1;
	s10 =	sld [smem:$0x3FA0];
	_ =	sdelay $0x3  }
0x34: {  	[smem:$0x3FA0] =	sst s10  }
0x35: {  	s10 =	sld [smem:$0x3F9F];
	_ =	sdelay $0x3  }
0x36: {  	p1 =	seq.s32 s10, $0x1;
	s10 =	sld [smem:$0x3FA0];
	_ =	sdelay $0x3  }
0x37: {  	[smem:$0x3FA0] =	sst s10  }
0x38: {  	s10 =	sld [smem:$0x3FA1]  }
0x39: {  	_ = 	snop;
	(pc) =	sbr.ind lr, $3  }
0x3a: {  	_ = 	snop  }
0x3b: {  	_ = 	snop  }
0x3c: {  	p2 =	seq.s32 s10, $0x1;
	s10 =	sld [smem:$0x3FA0]  }
0x3d: {  	_ =	shalt  }
0x3e: {  	_ =	shalt  }
0x3f: {  	_ =	shalt  }
0x40: {  	_ =	shalt  }
0x41: {  	_ =	shalt  }
0x42: {  	_ =	shalt  }
0x43: {  	_ =	shalt  }
0x44: {  	_ =	shalt  }
0x45: {  	_ =	shalt  }
0x46: {  	_ =	shalt  }
0x47: {  	_ =	shalt  }
0x48: {  	_ =	shalt  }
0x49: {  	_ =	shalt  }
0x4a: {  	_ =	shalt  }
0x4b: {  	_ =	shalt  }
0x4c: {  	_ =	shalt  }
0x4d: {  	_ =	shalt  }
0x4e: {  	_ =	shalt  }
0x4f: {  	_ =	shalt  }
0x50: {  	_ =	shalt  }
0x51: {  	_ =	shalt  }
0x52: {  	_ =	shalt  }
0x53: {  	_ =	shalt  }
0x54: {  	_ =	shalt  }
0x55: {  	_ =	shalt  }
0x56: {  	_ =	shalt  }
0x57: {  	_ =	shalt  }
0x58: {  	_ =	shalt  }
0x59: {  	_ =	shalt  }
0x5a: {  	_ =	shalt  }
0x5b: {  	_ =	shalt  }
0x5c: {  	_ =	shalt  }
0x5d: {  	_ =	shalt  }
0x5e: {  	_ =	shalt  }
0x5f: {  	_ =	shalt  }
0x60: {  	_ =	shalt  }
0x61: {  	_ =	shalt  }
0x62: {  	_ =	shalt  }
0x63: {  	_ =	shalt  }
0x64: {  	_ =	shalt  }
0x65: {  	_ =	shalt  }
0x66: {  	_ =	shalt  }
0x67: {  	_ =	shalt  }
0x68: {  	_ =	shalt  }
0x69: {  	_ =	shalt  }
0x6a: {  	_ =	shalt  }
0x6b: {  	_ =	shalt  }
0x6c: {  	_ =	shalt  }
0x6d: {  	_ =	shalt  }
0x6e: {  	_ =	shalt  }
0x6f: {  	_ =	shalt  }
0x70: {  	_ =	shalt  }
0x71: {  	_ =	shalt  }
0x72: {  	_ =	shalt  }
0x73: {  	_ =	shalt  }
0x74: {  	_ =	shalt  }
0x75: {  	_ =	shalt  }
0x76: {  	_ =	shalt  }
0x77: {  	_ =	shalt  }
0x78: {  	_ =	shalt  }
0x79: {  	_ =	shalt  }
0x7a: {  	_ =	shalt  }
0x7b: {  	_ =	shalt  }
0x7c: {  	_ =	shalt  }
0x7d: {  	_ =	shalt  }
0x7e: {  	_ =	shalt  }
0x7f: {  	_ =	shalt  }
0x80: {  	_ =	shalt  }
0x81: {  	_ =	shalt  }
0x82: {  	_ =	shalt  }
0x83: {  	_ =	shalt  }
0x84: {  	_ =	shalt  }
0x85: {  	_ =	shalt  }
0x86: {  	_ =	shalt  }
0x87: {  	_ =	shalt  }
.Lfunc_end0:
.L_simem_size_0:
called_computation.3_lowered:
.L_overlay_start_0:
0x88: {  	s2 =	sld [smem:$0x3FD9]  }
0x89: {  	s3 =	sld [smem:$0x3FFE];
	_ =	sdelay $0x1  }
0x8a: {  	s1 =	srdreg.scid  }
0x8b: {  	s0 =	sand.u32 $0x1, s1  }
0x8c: {  	s14 =	sshll.u32 s0, $0xA;
	s2 =	sadd.s32 s3, s2  }
0x8d: {  	s2 =	sadd.s32 s2, s14  }
0x8e: {  	[smem:$0x3FAC] =	sst s2  }
0x8f: {  	_ = 	snop  }
0x90: {  	s2 =	sld [smem:$0x3FD0];
	_ =	sdelay $0x2  }
0x91: {  	s15 =	simm.s32 $0xA;
	s4 =	simm.s32 $0x10  }
0x92: {  	[smem:s4], [sflag:s15] =	dma.local [hbm:s2], $0x1  }
0x93: {  	_ =	swait.eq [sflag:s15], $0x1  }
0x94: {  	[sflag:s15] =	ssyncset.done $0x0  }
0x95: {  	[sflag:s15] =	ssyncadd.s32 $0xFFFFFFFF  }
0x96: {  	s16 =	sld [smem:$0x12];
	(tm) =	ssettm $0x1  }
0x97: {  	s17 =	sld [smem:$0x3FFB];
	_ =	sdelay $0x3  }
0x98: {  	_ =	strace s17  }
0x99: {  	s3 =	sld [smem:$0x3FFC];
	_ =	sdelay $0x3  }
0x9a: {  	_ =	strace s3  }
0x9b: {  	s3 =	sld [smem:$0x3FFD];
	_ =	sdelay $0x3  }
0x9c: {  	_ =	strace s3  }
0x9d: {  	_ =	strace $0x8FFFFFFF  }
0x9e: {  	s18 =	sld [smem:$0x3FDB];
	_ =	sdelay $0x1  }
0x9f: {  	s19 =	simm.s32 $_scs_section_size  }
0xa0: {  	s5 =	simm.s32 $_size__tile_overlayer_lowered;
	s6 =	simm.s32 $_tile_overlayer_lowered  }
0xa1: {  	s22 =	simm.s32 $0x1BFF;
	s21 =	sshll.u32 s6, $0x1;
	s3 =	sadd.s32 s19, s18  }
0xa2: {  	s7 =	simm.s32 $0x0;
	s20 =	sshll.u32 s5, $0x1;
	s5 =	sadd.s32 s21, s3  }
0xa3: {  	[timem:s7], [sflag:s22] =	dma.local [hbm:s5], s20  }
0xa4: {  	_ =	swait.ge [sflag:s22], s20  }
0xa5: {  	s4 =	ssub.s32 $0x0, s20;
	[sflag:s22] =	ssyncset.done $0x0  }
0xa6: {  	[sflag:s22] =	ssyncadd.s32 s4;
	_ =	sdelay $0x1  }
0xa7: {  	s23 =	simm.s32 $0x1B8B  }
0xa8: {  	_ =	swait.ge [sflag:s23], $0x1  }
0xa9: {  	[sflag:s23] =	ssyncset.done $0x0  }
0xaa: {  	s25 =	simm.s32 $0x1B8E;
	s24 =	sld [smem:$0x3FFE];
	[sflag:s23] =	ssyncadd.s32 $0xFFFFFFFF  }
0xab: {  	s26 =	simm.s32 $execute0_lowered;
	[smem:$0x3FD2] =	sst s25  }
0xac: {  	s5 =	sshll.u32 s26, $0x1;
	_ =	strace $0x8000004F;
	[dreg:$0x1] =	wrdreg $0xFFFFFFFF  }
0xad: {  	s28 =	simm.s32 $_size_execute0_lowered;
	s3 =	sadd.s32 s3, s5;
	[dreg:$0x0] =	wrdreg $0x0  }
0xae: {  	s5 =	sshll.u32 s28, $0x1;
	[dreg:$0x2] =	wrdreg s3  }
0xaf: {  	[dreg:$0x3] =	wrdreg s5  }
0xb0: {  	[dreg:$0x4] =	wrdreg $0xC0  }
0xb1: {  	_ =	task [dreg:s7], $0x5FFFF  }
0xb2: {  	[dreg:$0x1] =	wrdreg $0xFFFFFFFF  }
0xb3: {  	[dreg:$0x0] =	wrdreg $0x60  }
0xb4: {  	[dreg:$0x2] =	wrdreg s24  }
0xb5: {  	[dreg:$0x3] =	wrdreg s16  }
0xb6: {  	[dreg:$0x4] =	wrdreg $0x82000  }
0xb7: {  	[dreg:$0x5] =	wrdreg $0x9  }
0xb8: {  	_ =	task.clear_ibuf [dreg:s7], $0x6FFFF;
	_ =	strace $0x9000004F  }
0xb9: {  	s29 =	simm.s32 $0x9;
	_ =	strace $0x80000051  }
0xba: {  	_ =	swait.ge [sflag:s29], $0x1  }
0xbb: {  	[sflag:s29] =	ssyncadd.s32 $0xFFFFFFFF  }
0xbc: {  	_ =	strace $0x90000051  }
0xbd: {  	_ =	sfence  }
0xbe: {  	s30 =	sld [smem:$0x0];
	_ =	sdelay $0x2  }
0xbf: {  	s31 =	sshll.u32 s1, $0xD;
	s1 =	sshrl.u32 s1, $0x2  }
0xc0: {  	s3 =	sand.u32 $0x4000, s31;
	s1 =	sadd.s32 s1, s30  }
0xc1: {  	s0 =	sor.u32 s3, s0;
	s1 =	sshll.u32 s1, $0x11  }
0xc2: {  	s0 =	sor.u32 s1, s0  }
0xc3: {  	s0 =	sadd.s32 $0x8F2B, s0  }
0xc4: {  	[sflag:s0] =	ssyncadd.remote.s32 $0x1  }
0xc5: {  	_ =	sfence.sel $0xFFFF  }
0xc6: {  	[dreg:$0x0] =	wrdreg $0xFFFFFFFF;
	(pc) =	sbr.abs _section_cstart, $3  }
0xc7: {  	[dreg:$0x1] =	wrdreg $0xFFFFFFFF  }
0xc8: {  	_ =	task.clear_ibuf [dreg:s7], $0x2FFFF;
	_ =	strace $0x9FFFFFFF  }
0xc9: {  	(tm) =	ssettm $0x7FFFFFFF  }
tec
execute0_lowered:
.L_overlay_start_1:
0x0: {  	(tag) =	ssettag $0x1  }
0x1: {  	s5 =	rddreg [dreg:$0x0]  }
0x2: {  	s12 =	rddreg [dreg:$0x1]  }
0x3: {  	s2 =	rddreg [dreg:$0x2]  }
0x4: {  	s0 =	rddreg [dreg:$0x3];
	s4 =	srdreg.scid  }
0x5: {  	s3 =	simm.s32 $0x0;
	s1 =	stileid.u32;
	s18 =	simm.s32 $0x80  }
0x6: {  	s19 =	simm.s32 $0x4200;
	s20 =	simm.s32 $0x1;
	s21 =	simm.s32 $0x2  }
0x7: {  	s22 =	simm.s32 $0x3;
	s23 =	simm.s32 $0x180;
	s24 =	simm.s32 $0x5  }
0x8: {  	s25 =	simm.s32 $0x4;
	s28 =	simm.s32 $0x0;
	s7 =	smul.u32 $0x50000, s1  }
0x9: {  	s11 =	sand.u32 $0x1, s4;
	[smem:$0x7FF] =	sst s3;
	s15 =	smul.u32 $0x14000, s1  }
0xa: {  	s4 =	sadd.s32 $0x5000, s5;
	s13 =	sadd.s32 $0x2D000, s5;
	s17 =	smul.u32 $0x1400, s1  }
0xb: {  	s29 =	sshll.u32 s1, $0x1;
	s6 =	ssub.s32 $0x2, s11;
	s10 =	smul.u32 $0x140000, s11  }
0xc: {  	_ =	strace $0x80000050;
	s9 =	sor.u32 s11, s29;
	s30 =	smul.u32 $0xA00, s11  }
0xd: {  	s8 =	sshrl.u32 s6, $0x1;
	s26 =	sshrl.u32 s7, $0x2;
	s16 =	smul.u32 $0xA00, s9  }
0xe: {  	s31 =	sadd.s32 s17, s13;
	s17 =	simm.s32 $0x100;
	s14 =	ssub.s32 s6, s8  }
0xf: {  	s5 =	sadd.s32 s26, s2;
	s15 =	sadd.s32 s15, s10;
	s26 =	simm.s32 $0x6  }
0x10: {  	s6 =	sadd.s32 $0x4000, s5;
	s7 =	sadd.s32 $0x8000, s5;
	s8 =	sadd.s32 $0xC000, s5  }
0x11: {  	s9 =	sadd.s32 $0x10000, s5;
	s10 =	sadd.s32 s13, s16;
	s15 =	sshrl.u32 s15, $0x3  }
0x12: {  	s13 =	smax.u32 s14, $0x1;
	s14 =	sadd.s32 s30, s31;
	s16 =	simm.s32 $0x7  }
0x13: {  	v0 =	vimm.f32 $0.0e+00;
	s11 =	sadd.s32 $0x20, s10;
	s12 =	sadd.s32 s12, s15;
	s15 =	simm.s32 $0x200  }
.LBB2_1:
0x14: {  	s29 =	simm.s32 $0x0;
	s30 =	simm.s32 $0x200  }
.LBB2_2:
0x15: {  	p0 =	sne.s32 s30, $0xFE00;
	[tilespmem:s29+$0x270] =	vst v0  }
0x16: {  	[tilespmem:s29+$0x200] =	vst v0  }
0x17: {  	[tilespmem:s29+$0x210] =	vst v0  }
.Ltmp0:
0x18: {  	[tilespmem:s29+$0x220] =	vst v0;
	(pc) =	sbr.rel @p0 .LBB2_2-.Ltmp0, $4  }
0x19: {  	[tilespmem:s29+$0x230] =	vst v0  }
0x1a: {  	[tilespmem:s29+$0x240] =	vst v0  }
0x1b: {  	[tilespmem:s29+$0x250] =	vst v0  }
0x1c: {  	[tilespmem:s29+$0x260] =	vst v0;
	s29 =	sshra.s32 s30, $0x2;
	s30 =	sadd.s32 $0x200, s30  }
0x1d: {  	[tilespmem:s29+$0x270] =	vst v0  }
0x1e: {  	[tilespmem:s29+$0x200] =	vst v0  }
0x1f: {  	[tilespmem:s29+$0x210] =	vst v0  }
0x20: {  	[tilespmem:s29+$0x220] =	vst v0  }
0x21: {  	[tilespmem:s29+$0x230] =	vst v0  }
0x22: {  	[tilespmem:s29+$0x240] =	vst v0  }
0x23: {  	[tilespmem:s29+$0x250] =	vst v0  }
0x24: {  	[tilespmem:s29+$0x260] =	vst v0  }
0x25: {  	[spmem:s5] =	stream.linear.scatter [tilespmem:s15], [sflag:$0x7], $0x4000, $0x38;
	[tilespmem:$0x1C200] =	vst v63  }
0x26: {  	_ =	swait.ge [sflag:s16], $0x4000  }
0x27: {  	[sflag:s16] =	ssyncset.done $0x0  }
0x28: {  	[sflag:s16] =	ssyncadd.s32 $0xFFFFC000  }
0x29: {  	[spmem:s6] =	stream.linear.scatter [tilespmem:s15], [sflag:$0x7], $0x4000, $0x38;
	[tilespmem:$0x1C200] =	vst v63  }
0x2a: {  	_ =	swait.ge [sflag:s16], $0x4000  }
0x2b: {  	[sflag:s16] =	ssyncset.done $0x0  }
0x2c: {  	[sflag:s16] =	ssyncadd.s32 $0xFFFFC000  }
0x2d: {  	[spmem:s7] =	stream.linear.scatter [tilespmem:s15], [sflag:$0x7], $0x4000, $0x38;
	[tilespmem:$0x1C200] =	vst v63  }
0x2e: {  	_ =	swait.ge [sflag:s16], $0x4000  }
0x2f: {  	[sflag:s16] =	ssyncset.done $0x0  }
0x30: {  	[sflag:s16] =	ssyncadd.s32 $0xFFFFC000  }
0x31: {  	[spmem:s8] =	stream.linear.scatter [tilespmem:s15], [sflag:$0x7], $0x4000, $0x38;
	[tilespmem:$0x1C200] =	vst v63  }
0x32: {  	_ =	swait.ge [sflag:s16], $0x4000  }
0x33: {  	[sflag:s16] =	ssyncset.done $0x0  }
0x34: {  	[sflag:s16] =	ssyncadd.s32 $0xFFFFC000  }
0x35: {  	[spmem:s9] =	stream.linear.scatter [tilespmem:s15], [sflag:$0x7], $0x4000, $0x38;
	[tilespmem:$0x1C200] =	vst v63  }
0x36: {  	_ =	swait.ge [sflag:s16], $0x4000  }
0x37: {  	[sflag:s16] =	ssyncset.done $0x0  }
0x38: {  	[sflag:s16] =	ssyncadd.s32 $0xFFFFC000  }
0x39: {  	[tilespmem:s3], [sflag:$0x7] =	stream.linear.gather [hbm4b:s10+s3], $0x100, $0x38;
	[tilespmem:$0x1C200] =	vst v63  }
0x3a: {  	_ =	swait.ge [sflag:s16], $0x100  }
0x3b: {  	[sflag:s16] =	ssyncset.done $0x0  }
0x3c: {  	[sflag:s16] =	ssyncadd.s32 $0xFFFFFF00  }
0x3d: {  	[tilespmem:s17], [sflag:$0x7] =	stream.linear.gather [hbm4b:s11+s3], $0x100, $0x38;
	[tilespmem:$0x1C200] =	vst v63  }
0x3e: {  	_ =	swait.ge [sflag:s16], $0x100  }
0x3f: {  	[sflag:s16] =	ssyncset.done $0x0  }
0x40: {  	[sflag:s16] =	ssyncadd.s32 $0xFFFFFF00  }
0x41: {  	[tilespmem:s15], [sflag:$0x1] =	stream.indirect.gather [hbm4b:s4+s18], $0x80, s3, s18, $0xb8;
	[tilespmem:$0x1C200] =	vst v63  }
0x42: {  	_ = 	snop  }
0x43: {  	[tilespmem:s19], [sflag:$0x2] =	stream.indirect.gather [hbm4b:s4+s18], $0x80, s17, s18, $0xb8;
	[tilespmem:$0x1C200] =	vst v63  }
0x44: {  	[bflag:$0x0] =	sbarrier.arrive $0xFFFF  }
0x45: {  	_ =	swait.ge [sflag:s20], $0x4000  }
0x46: {  	[sflag:s20] =	ssyncset.done $0x0  }
0x47: {  	[sflag:s20] =	ssyncadd.s32 $0xFFFFC000  }
0x48: {  	[spmem:s2] =	stream.indirect.scatter.add.f32 [tilespmem:s15], [sflag:$0x3], $0x80, s18, s18, $0xb8;
	[tilespmem:$0x1C200] =	vst v63  }
0x49: {  	_ =	swait.ge [sflag:s21], $0x4000  }
0x4a: {  	[sflag:s21] =	ssyncset.done $0x0  }
0x4b: {  	[sflag:s21] =	ssyncadd.s32 $0xFFFFC000  }
0x4c: {  	_ =	swait.ge [sflag:s22], $0x4000  }
0x4d: {  	s29 =	sadd.s32 $0xFFFFF600, s14;
	[sflag:s22] =	ssyncset.done $0x0  }
0x4e: {  	s30 =	sadd.s32 $0xA40, s29;
	[sflag:s22] =	ssyncadd.s32 $0xFFFFC000  }
0x4f: {  	[tilespmem:s3], [sflag:$0x5] =	stream.linear.gather [hbm4b:s30+s3], $0x100, $0x38;
	[tilespmem:$0x1C200] =	vst v63  }
0x50: {  	_ = 	snop  }
0x51: {  	[spmem:s2] =	stream.indirect.scatter.add.f32 [tilespmem:s19], [sflag:$0x4], $0x80, s23, s18, $0xb8;
	[tilespmem:$0x1C200] =	vst v63  }
0x52: {  	_ =	swait.ge [sflag:s24], $0x100  }
0x53: {  	[sflag:s24] =	ssyncset.done $0x0  }
0x54: {  	[sflag:s24] =	ssyncadd.s32 $0xFFFFFF00  }
0x55: {  	[tilespmem:s15], [sflag:$0x1] =	stream.indirect.gather [hbm4b:s4+s18], $0x80, s3, s18, $0xb8;
	[tilespmem:$0x1C200] =	vst v63  }
0x56: {  	_ =	swait.ge [sflag:s25], $0x4000  }
0x57: {  	[sflag:s25] =	ssyncset.done $0x0  }
0x58: {  	s29 =	sadd.s32 $0xA60, s29;
	[sflag:s25] =	ssyncadd.s32 $0xFFFFC000  }
0x59: {  	[tilespmem:s17], [sflag:$0x6] =	stream.linear.gather [hbm4b:s29+s3], $0x100, $0x38;
	[tilespmem:$0x1C200] =	vst v63  }
0x5a: {  	_ =	swait.ge [sflag:s26], $0x100  }
0x5b: {  	[sflag:s26] =	ssyncset.done $0x0  }
0x5c: {  	s29 =	simm.s32 $0xFFFFF640;
	[sflag:s26] =	ssyncadd.s32 $0xFFFFFF00  }
.LBB2_4:
0x5d: {  	[tilespmem:s19], [sflag:$0x2] =	stream.indirect.gather [hbm4b:s4+s18], $0x80, s17, s18, $0xb8;
	[tilespmem:$0x1C200] =	vst v63  }
0x5e: {  	s30 =	smov.u32 s29  }
0x5f: {  	p0 =	sne.s32 s29, $0xFFFFFFC0;
	s29 =	sadd.s32 $0x40, s29;
	_ =	swait.ge [sflag:s20], $0x4000  }
0x60: {  	[sflag:s20] =	ssyncset.done $0x0  }
0x61: {  	[sflag:s20] =	ssyncadd.s32 $0xFFFFC000  }
0x62: {  	[spmem:s2] =	stream.indirect.scatter.add.f32 [tilespmem:s15], [sflag:$0x3], $0x80, s18, s18, $0xb8;
	[tilespmem:$0x1C200] =	vst v63  }
0x63: {  	_ =	swait.ge [sflag:s21], $0x4000  }
0x64: {  	[sflag:s21] =	ssyncset.done $0x0  }
0x65: {  	[sflag:s21] =	ssyncadd.s32 $0xFFFFC000  }
0x66: {  	_ =	swait.ge [sflag:s22], $0x4000  }
0x67: {  	s30 =	sadd.s32 s30, s14;
	[sflag:s22] =	ssyncset.done $0x0  }
0x68: {  	s31 =	sadd.s32 $0xA40, s30;
	[sflag:s22] =	ssyncadd.s32 $0xFFFFC000  }
0x69: {  	[tilespmem:s3], [sflag:$0x5] =	stream.linear.gather [hbm4b:s31+s3], $0x100, $0x38;
	[tilespmem:$0x1C200] =	vst v63  }
0x6a: {  	_ = 	snop  }
0x6b: {  	[spmem:s2] =	stream.indirect.scatter.add.f32 [tilespmem:s19], [sflag:$0x4], $0x80, s23, s18, $0xb8;
	[tilespmem:$0x1C200] =	vst v63  }
0x6c: {  	_ =	swait.ge [sflag:s24], $0x100  }
0x6d: {  	[sflag:s24] =	ssyncset.done $0x0  }
0x6e: {  	[sflag:s24] =	ssyncadd.s32 $0xFFFFFF00  }
0x6f: {  	[tilespmem:s15], [sflag:$0x1] =	stream.indirect.gather [hbm4b:s4+s18], $0x80, s3, s18, $0xb8;
	[tilespmem:$0x1C200] =	vst v63  }
0x70: {  	_ =	swait.ge [sflag:s25], $0x4000  }
0x71: {  	[sflag:s25] =	ssyncset.done $0x0  }
.Ltmp1:
0x72: {  	s30 =	sadd.s32 $0xA60, s30;
	[sflag:s25] =	ssyncadd.s32 $0xFFFFC000;
	(pc) =	sbr.rel @p0 .LBB2_4-.Ltmp1, $4  }
0x73: {  	[tilespmem:s17], [sflag:$0x6] =	stream.linear.gather [hbm4b:s30+s3], $0x100, $0x38;
	[tilespmem:$0x1C200] =	vst v63  }
0x74: {  	_ =	swait.ge [sflag:s26], $0x100  }
0x75: {  	[sflag:s26] =	ssyncset.done $0x0  }
0x76: {  	[sflag:s26] =	ssyncadd.s32 $0xFFFFFF00  }
0x77: {  	[tilespmem:s19], [sflag:$0x2] =	stream.indirect.gather [hbm4b:s4+s18], $0x80, s17, s18, $0xb8;
	[tilespmem:$0x1C200] =	vst v63  }
0x78: {  	_ =	swait.ge [sflag:s20], $0x4000  }
0x79: {  	[sflag:s20] =	ssyncset.done $0x0  }
0x7a: {  	[sflag:s20] =	ssyncadd.s32 $0xFFFFC000  }
0x7b: {  	_ =	swait.ge [sflag:s21], $0x4000  }
0x7c: {  	s29 =	sshll.u32 s1, $0x6;
	s28 =	sadd.s32 $0x1, s28;
	[sflag:s21] =	ssyncset.done $0x0  }
0x7d: {  	s30 =	sshrl.u32 s5, $0x3;
	p0 =	sne.s32 s28, s13;
	[sflag:s21] =	ssyncadd.s32 $0xFFFFC000  }
.Ltmp2:
0x7e: {  	s29 =	sor.u32 $0x1C07, s29;
	[bflag:$0x0] =	sbarrier.arrive $0xFFFF;
	(pc) =	sbr.rel @p0 .LBB2_1-.Ltmp2, $4  }
0x7f: {  	[hbm:s12], [sflag:s29] =	dma.local [spmem:s30], $0x2800  }
0x80: {  	_ =	swait.ge [sflag:s16], $0x2800  }
0x81: {  	[sflag:s16] =	ssyncset.done $0x0  }
0x82: {  	[sflag:s16] =	ssyncadd.s32 $0xFFFFD800  }
0x83: {  	_ =	sfence.sel $0x180000  }
0x84: {  	[bflag:$0x0] =	sbarrier.arrive $0xFFFF  }
0x85: {  	p0 =	sne.s32 s1, $0x0;
	_ =	strace $0x90000050  }
0x86: {  	s0 =	sadd.s32 @!p0 $0x100000, s0;
	[bflag:$0x2] =	sbarrier.arrive $0xFFFF  }
0x87: {  	[sflag:s0] =	ssyncadd.tile.s32 @!p0 $0x1;
	_ =	shalt  }
.Lfunc_end2:
_tile_overlayer_lowered:
.L_overlay_start_2:
0x88: {  	(tag) =	ssettag $0x2  }
0x89: {  	s0 =	rddreg [dreg:$0x0];
	s2 =	stileid.u32  }
0x8a: {  	s1 =	rddreg [dreg:$0x1];
	p0 =	sne.s32 s2, $0x0  }
0x8b: {  	s3 =	rddreg [dreg:$0x2];
	[bflag:$0x3] =	sbarrier.arrive $0xFFFF;
	s2 =	simm.s32 @!p0 $0x1C07  }
0x8c: {  	[timem:s3], [sflag:s2] =	dma.local @!p0 [hbm:s0], s1  }
0x8d: {  	s0 =	simm.s32 @!p0 $0x7  }
0x8e: {  	_ =	swait.ge @!p0 [sflag:s0], s1  }
0x8f: {  	s1 =	ssub.s32 @!p0 $0x0, s1;
	[sflag:s0] =	ssyncset.done @!p0 $0x0  }
0x90: {  	[sflag:s0] =	ssyncadd.s32 @!p0 s1  }
0x91: {  	[bflag:$0x3] =	sbarrier.arrive $0xFFFF  }
0x92: {  	_ =	shalt  }

// kernel: sc_mp128.20.cloned.1.call-start
scs
__scs_entry_jumppad:
0x0: {  	(pc) =	sbr.rel $0x88, $3  }
0x1: {  	(tag) =	ssettag $0x0;
	lr =	simm.s32 $0x1  }
0x2: {  	[smem:$0x3F85] =	sst lr;
	_ =	strace $0xD0000000  }
0x3: {  	_ = 	snop  }
0x4: {  	_ = 	snop  }
0x5: {  	_ = 	snop  }
0x6: {  	_ = 	snop  }
0x7: {  	_ = 	snop  }
__scs_overlays_trampoline_lowered:
0x8: {  	[smem:$0x3F94] =	sst s0  }
0x9: {  	[smem:$0x3F95] =	sst s1  }
0xa: {  	[smem:$0x3F96] =	sst s2  }
0xb: {  	[smem:$0x3F97] =	sst s3  }
0xc: {  	[smem:$0x3F98] =	sst s4  }
0xd: {  	[smem:$0x3F99] =	sst s5  }
0xe: {  	[smem:$0x3F9A] =	sst s6  }
0xf: {  	[smem:$0x3F9B] =	sst s7  }
0x10: {  	[smem:$0x3F9C] =	sst s8  }
0x11: {  	[smem:$0x3F9D] =	sst s9;
	s0 =	simm.s32 @!p0 $0x0  }
0x12: {  	s1 =	sld [smem:$0x3F83];
	s0 =	simm.s32 @p0 $0x1  }
0x13: {  	[smem:$0x3F9E] =	sst s0;
	s0 =	simm.s32 @!p1 $0x0  }
0x14: {  	s2 =	sld [smem:$0x3F82];
	s0 =	simm.s32 @p1 $0x1  }
0x15: {  	[smem:$0x3F9F] =	sst s0;
	s0 =	simm.s32 @!p2 $0x0  }
0x16: {  	s3 =	sld [smem:$0x3FDB];
	s0 =	simm.s32 @p2 $0x1  }
0x17: {  	s4 =	simm.s32 $0x1BF5;
	[smem:$0x3FA1] =	sst s0  }
0x18: {  	s0 =	sld [smem:$0x3F84];
	_ =	swait.ge [sflag:s4], $0x0  }
0x19: {  	s7 =	sld [smem:$0x3F85]  }
0x1a: {  	s8 =	sadd.s32 $0xFFFFE003, lr  }
0x1b: {  	s9 =	sadd.s32 $0xFFFFFEF7, lr;
	s5 =	simm.s32 $0xFFFFFFFF;
	p2 =	slt.u32 s8, $0xFFFFF086  }
0x1c: {  	p1 =	slt.u32 s9, $0xF7A;
	s5 =	simm.s32 @!p2 $0x0  }
0x1d: {  	s5 =	simm.s32 @p1 $0x1;
	p0 =	seq.s32 s7, s2  }
0x1e: {  	s7 =	smul.u32 @!p0 $0xF7A, s2;
	p2 =	seq.s32 @!p0 s5, $0x0  }
0x1f: {  	s9 =	smul.u32 $0xF7A, s1;
	s8 =	simm.s32 @!p0 $0x1BF5;
	p2 =	por !p2, p0  }
0x20: {  	[sflag:s8] =	ssyncset.s32 @!p0 $0xFFFFF086;
	s6 =	sadd.s32 @!p0 s3, s7;
	s7 =	simm.s32 @!p0 $0x108  }
0x21: {  	s3 =	sadd.s32 s3, s9;
	s6 =	sadd.s32 @!p0 $0x88, s6;
	s7 =	simm.s32 @p2 $0x1082  }
0x22: {  	[simem:s7], [sflag:s8] =	dma.local @!p0 [hbm:s6], $0xF7A  }
0x23: {  	s9 =	sor.u32 $0xD0000000, s2;
	s6 =	simm.s32 $0x108;
	_ =	swait.ge @!p0 [sflag:s8], $0x0  }
0x24: {  	s3 =	sadd.s32 $0x88, s3;
	s6 =	simm.s32 @!p1 $0x1082;
	[sflag:s4] =	ssyncset.s32 $0xFFFFF086  }
0x25: {  	[simem:s6], [sflag:s4] =	dma.local [hbm:s3], $0xF7A  }
0x26: {  	[smem:$0x3F85] =	sst s1;
	(tag) =	ssettag s2;
	_ =	strace s9  }
0x27: {  	s1 =	sld [smem:$0x3F95]  }
0x28: {  	s2 =	sld [smem:$0x3F96]  }
0x29: {  	s4 =	sld [smem:$0x3F98]  }
0x2a: {  	p0 =	seq.s32 s5, $0x0;
	s5 =	sld [smem:$0x3F99]  }
0x2b: {  	s6 =	sld [smem:$0x3F9A]  }
0x2c: {  	s7 =	sld [smem:$0x3F9B]  }
0x2d: {  	s3 =	simm.s32 $0x108;
	s8 =	sld [smem:$0x3F9C]  }
0x2e: {  	s3 =	simm.s32 @!p0 $0x1082;
	s9 =	sld [smem:$0x3F9D]  }
0x2f: {  	lr =	sadd.s32 s0, s3;
	s0 =	sld [smem:$0x3F94]  }
0x30: {  	s3 =	sld [smem:$0x3F97]  }
0x31: {  	[smem:$0x3FA0] =	sst s10  }
0x32: {  	s10 =	sld [smem:$0x3F9E];
	_ =	sdelay $0x3  }
0x33: {  	p0 =	seq.s32 s10, $0x1;
	s10 =	sld [smem:$0x3FA0];
	_ =	sdelay $0x3  }
0x34: {  	[smem:$0x3FA0] =	sst s10  }
0x35: {  	s10 =	sld [smem:$0x3F9F];
	_ =	sdelay $0x3  }
0x36: {  	p1 =	seq.s32 s10, $0x1;
	s10 =	sld [smem:$0x3FA0];
	_ =	sdelay $0x3  }
0x37: {  	[smem:$0x3FA0] =	sst s10  }
0x38: {  	s10 =	sld [smem:$0x3FA1]  }
0x39: {  	_ = 	snop;
	(pc) =	sbr.ind lr, $3  }
0x3a: {  	_ = 	snop  }
0x3b: {  	_ = 	snop  }
0x3c: {  	p2 =	seq.s32 s10, $0x1;
	s10 =	sld [smem:$0x3FA0]  }
0x3d: {  	_ =	shalt  }
0x3e: {  	_ =	shalt  }
0x3f: {  	_ =	shalt  }
0x40: {  	_ =	shalt  }
0x41: {  	_ =	shalt  }
0x42: {  	_ =	shalt  }
0x43: {  	_ =	shalt  }
0x44: {  	_ =	shalt  }
0x45: {  	_ =	shalt  }
0x46: {  	_ =	shalt  }
0x47: {  	_ =	shalt  }
0x48: {  	_ =	shalt  }
0x49: {  	_ =	shalt  }
0x4a: {  	_ =	shalt  }
0x4b: {  	_ =	shalt  }
0x4c: {  	_ =	shalt  }
0x4d: {  	_ =	shalt  }
0x4e: {  	_ =	shalt  }
0x4f: {  	_ =	shalt  }
0x50: {  	_ =	shalt  }
0x51: {  	_ =	shalt  }
0x52: {  	_ =	shalt  }
0x53: {  	_ =	shalt  }
0x54: {  	_ =	shalt  }
0x55: {  	_ =	shalt  }
0x56: {  	_ =	shalt  }
0x57: {  	_ =	shalt  }
0x58: {  	_ =	shalt  }
0x59: {  	_ =	shalt  }
0x5a: {  	_ =	shalt  }
0x5b: {  	_ =	shalt  }
0x5c: {  	_ =	shalt  }
0x5d: {  	_ =	shalt  }
0x5e: {  	_ =	shalt  }
0x5f: {  	_ =	shalt  }
0x60: {  	_ =	shalt  }
0x61: {  	_ =	shalt  }
0x62: {  	_ =	shalt  }
0x63: {  	_ =	shalt  }
0x64: {  	_ =	shalt  }
0x65: {  	_ =	shalt  }
0x66: {  	_ =	shalt  }
0x67: {  	_ =	shalt  }
0x68: {  	_ =	shalt  }
0x69: {  	_ =	shalt  }
0x6a: {  	_ =	shalt  }
0x6b: {  	_ =	shalt  }
0x6c: {  	_ =	shalt  }
0x6d: {  	_ =	shalt  }
0x6e: {  	_ =	shalt  }
0x6f: {  	_ =	shalt  }
0x70: {  	_ =	shalt  }
0x71: {  	_ =	shalt  }
0x72: {  	_ =	shalt  }
0x73: {  	_ =	shalt  }
0x74: {  	_ =	shalt  }
0x75: {  	_ =	shalt  }
0x76: {  	_ =	shalt  }
0x77: {  	_ =	shalt  }
0x78: {  	_ =	shalt  }
0x79: {  	_ =	shalt  }
0x7a: {  	_ =	shalt  }
0x7b: {  	_ =	shalt  }
0x7c: {  	_ =	shalt  }
0x7d: {  	_ =	shalt  }
0x7e: {  	_ =	shalt  }
0x7f: {  	_ =	shalt  }
0x80: {  	_ =	shalt  }
0x81: {  	_ =	shalt  }
0x82: {  	_ =	shalt  }
0x83: {  	_ =	shalt  }
0x84: {  	_ =	shalt  }
0x85: {  	_ =	shalt  }
0x86: {  	_ =	shalt  }
0x87: {  	_ =	shalt  }
.Lfunc_end0:
.L_simem_size_0:
called_computation.4_lowered:
.L_overlay_start_0:
0x88: {  	s2 =	sld [smem:$0x3FD9]  }
0x89: {  	s3 =	sld [smem:$0x3FFE];
	_ =	sdelay $0x1  }
0x8a: {  	s1 =	srdreg.scid  }
0x8b: {  	s0 =	sand.u32 $0x1, s1  }
0x8c: {  	s14 =	sshll.u32 s0, $0xA;
	s2 =	sadd.s32 s3, s2  }
0x8d: {  	s2 =	sadd.s32 s2, s14  }
0x8e: {  	[smem:$0x3FAC] =	sst s2  }
0x8f: {  	_ = 	snop  }
0x90: {  	s2 =	sld [smem:$0x3FD0];
	_ =	sdelay $0x2  }
0x91: {  	s15 =	simm.s32 $0xA;
	s4 =	simm.s32 $0x10  }
0x92: {  	[smem:s4], [sflag:s15] =	dma.local [hbm:s2], $0x1  }
0x93: {  	_ =	swait.eq [sflag:s15], $0x1  }
0x94: {  	[sflag:s15] =	ssyncset.done $0x0  }
0x95: {  	[sflag:s15] =	ssyncadd.s32 $0xFFFFFFFF  }
0x96: {  	s16 =	sld [smem:$0x12];
	(tm) =	ssettm $0x1  }
0x97: {  	s17 =	sld [smem:$0x3FFB];
	_ =	sdelay $0x3  }
0x98: {  	_ =	strace s17  }
0x99: {  	s3 =	sld [smem:$0x3FFC];
	_ =	sdelay $0x3  }
0x9a: {  	_ =	strace s3  }
0x9b: {  	s3 =	sld [smem:$0x3FFD];
	_ =	sdelay $0x3  }
0x9c: {  	_ =	strace s3  }
0x9d: {  	_ =	strace $0x8FFFFFFF  }
0x9e: {  	s18 =	sld [smem:$0x3FDB];
	_ =	sdelay $0x1  }
0x9f: {  	s19 =	simm.s32 $_scs_section_size  }
0xa0: {  	s5 =	simm.s32 $_size__tile_overlayer_lowered;
	s6 =	simm.s32 $_tile_overlayer_lowered  }
0xa1: {  	s22 =	simm.s32 $0x1BFF;
	s21 =	sshll.u32 s6, $0x1;
	s3 =	sadd.s32 s19, s18  }
0xa2: {  	s7 =	simm.s32 $0x0;
	s20 =	sshll.u32 s5, $0x1;
	s5 =	sadd.s32 s21, s3  }
0xa3: {  	[timem:s7], [sflag:s22] =	dma.local [hbm:s5], s20  }
0xa4: {  	_ =	swait.ge [sflag:s22], s20  }
0xa5: {  	s4 =	ssub.s32 $0x0, s20;
	[sflag:s22] =	ssyncset.done $0x0  }
0xa6: {  	[sflag:s22] =	ssyncadd.s32 s4;
	_ =	sdelay $0x1  }
0xa7: {  	s23 =	simm.s32 $0x1B8B  }
0xa8: {  	_ =	swait.ge [sflag:s23], $0x1  }
0xa9: {  	[sflag:s23] =	ssyncset.done $0x0  }
0xaa: {  	s25 =	simm.s32 $0x1B8E;
	s24 =	sld [smem:$0x3FFE];
	[sflag:s23] =	ssyncadd.s32 $0xFFFFFFFF  }
0xab: {  	s26 =	simm.s32 $execute0_lowered;
	[smem:$0x3FD2] =	sst s25  }
0xac: {  	s5 =	sshll.u32 s26, $0x1;
	_ =	strace $0x80000052;
	[dreg:$0x1] =	wrdreg $0xFFFFFFFF  }
0xad: {  	s28 =	simm.s32 $_size_execute0_lowered;
	s3 =	sadd.s32 s3, s5;
	[dreg:$0x0] =	wrdreg $0x0  }
0xae: {  	s5 =	sshll.u32 s28, $0x1;
	[dreg:$0x2] =	wrdreg s3  }
0xaf: {  	[dreg:$0x3] =	wrdreg s5  }
0xb0: {  	[dreg:$0x4] =	wrdreg $0xC0  }
0xb1: {  	_ =	task [dreg:s7], $0x5FFFF  }
0xb2: {  	[dreg:$0x1] =	wrdreg $0xFFFFFFFF  }
0xb3: {  	[dreg:$0x0] =	wrdreg $0x60  }
0xb4: {  	[dreg:$0x2] =	wrdreg s24  }
0xb5: {  	[dreg:$0x3] =	wrdreg s16  }
0xb6: {  	[dreg:$0x4] =	wrdreg $0x82000  }
0xb7: {  	[dreg:$0x5] =	wrdreg $0x9  }
0xb8: {  	_ =	task.clear_ibuf [dreg:s7], $0x6FFFF;
	_ =	strace $0x90000052  }
0xb9: {  	s29 =	simm.s32 $0x9;
	_ =	strace $0x80000054  }
0xba: {  	_ =	swait.ge [sflag:s29], $0x1  }
0xbb: {  	[sflag:s29] =	ssyncadd.s32 $0xFFFFFFFF  }
0xbc: {  	_ =	strace $0x90000054  }
0xbd: {  	_ =	sfence  }
0xbe: {  	s30 =	sld [smem:$0x0];
	_ =	sdelay $0x2  }
0xbf: {  	s31 =	sshll.u32 s1, $0xD;
	s1 =	sshrl.u32 s1, $0x2  }
0xc0: {  	s3 =	sand.u32 $0x4000, s31;
	s1 =	sadd.s32 s1, s30  }
0xc1: {  	s0 =	sor.u32 s3, s0;
	s1 =	sshll.u32 s1, $0x11  }
0xc2: {  	s0 =	sor.u32 s1, s0  }
0xc3: {  	s0 =	sadd.s32 $0x8F2B, s0  }
0xc4: {  	[sflag:s0] =	ssyncadd.remote.s32 $0x1  }
0xc5: {  	_ =	sfence.sel $0xFFFF  }
0xc6: {  	[dreg:$0x0] =	wrdreg $0xFFFFFFFF;
	(pc) =	sbr.abs _section_cstart, $3  }
0xc7: {  	[dreg:$0x1] =	wrdreg $0xFFFFFFFF  }
0xc8: {  	_ =	task.clear_ibuf [dreg:s7], $0x2FFFF;
	_ =	strace $0x9FFFFFFF  }
0xc9: {  	(tm) =	ssettm $0x7FFFFFFF  }
tec
execute0_lowered:
.L_overlay_start_1:
0x0: {  	(tag) =	ssettag $0x1  }
0x1: {  	s5 =	rddreg [dreg:$0x0]  }
0x2: {  	s12 =	rddreg [dreg:$0x1]  }
0x3: {  	s2 =	rddreg [dreg:$0x2]  }
0x4: {  	s0 =	rddreg [dreg:$0x3];
	s4 =	srdreg.scid  }
0x5: {  	s3 =	simm.s32 $0x0;
	s1 =	stileid.u32;
	s18 =	simm.s32 $0x80  }
0x6: {  	s19 =	simm.s32 $0x4200;
	s20 =	simm.s32 $0x1;
	s21 =	simm.s32 $0x2  }
0x7: {  	s22 =	simm.s32 $0x3;
	s23 =	simm.s32 $0x180;
	s24 =	simm.s32 $0x5  }
0x8: {  	s25 =	simm.s32 $0x4;
	s28 =	simm.s32 $0x0;
	s7 =	smul.u32 $0x50000, s1  }
0x9: {  	s11 =	sand.u32 $0x1, s4;
	[smem:$0x7FF] =	sst s3;
	s15 =	smul.u32 $0x14000, s1  }
0xa: {  	s4 =	sadd.s32 $0x5000, s5;
	s13 =	sadd.s32 $0x2D000, s5;
	s17 =	smul.u32 $0x1400, s1  }
0xb: {  	s29 =	sshll.u32 s1, $0x1;
	s6 =	ssub.s32 $0x2, s11;
	s10 =	smul.u32 $0x140000, s11  }
0xc: {  	_ =	strace $0x80000053;
	s9 =	sor.u32 s11, s29;
	s30 =	smul.u32 $0xA00, s11  }
0xd: {  	s8 =	sshrl.u32 s6, $0x1;
	s26 =	sshrl.u32 s7, $0x2;
	s16 =	smul.u32 $0xA00, s9  }
0xe: {  	s31 =	sadd.s32 s17, s13;
	s17 =	simm.s32 $0x100;
	s14 =	ssub.s32 s6, s8  }
0xf: {  	s5 =	sadd.s32 s26, s2;
	s15 =	sadd.s32 s15, s10;
	s26 =	simm.s32 $0x6  }
0x10: {  	s6 =	sadd.s32 $0x4000, s5;
	s7 =	sadd.s32 $0x8000, s5;
	s8 =	sadd.s32 $0xC000, s5  }
0x11: {  	s9 =	sadd.s32 $0x10000, s5;
	s10 =	sadd.s32 s13, s16;
	s15 =	sshrl.u32 s15, $0x3  }
0x12: {  	s13 =	smax.u32 s14, $0x1;
	s14 =	sadd.s32 s30, s31;
	s16 =	simm.s32 $0x7  }
0x13: {  	v0 =	vimm.f32 $0.0e+00;
	s11 =	sadd.s32 $0x20, s10;
	s12 =	sadd.s32 s12, s15;
	s15 =	simm.s32 $0x200  }
.LBB2_1:
0x14: {  	s29 =	simm.s32 $0x0;
	s30 =	simm.s32 $0x200  }
.LBB2_2:
0x15: {  	p0 =	sne.s32 s30, $0xFE00;
	[tilespmem:s29+$0x270] =	vst v0  }
0x16: {  	[tilespmem:s29+$0x200] =	vst v0  }
0x17: {  	[tilespmem:s29+$0x210] =	vst v0  }
.Ltmp0:
0x18: {  	[tilespmem:s29+$0x220] =	vst v0;
	(pc) =	sbr.rel @p0 .LBB2_2-.Ltmp0, $4  }
0x19: {  	[tilespmem:s29+$0x230] =	vst v0  }
0x1a: {  	[tilespmem:s29+$0x240] =	vst v0  }
0x1b: {  	[tilespmem:s29+$0x250] =	vst v0  }
0x1c: {  	[tilespmem:s29+$0x260] =	vst v0;
	s29 =	sshra.s32 s30, $0x2;
	s30 =	sadd.s32 $0x200, s30  }
0x1d: {  	[tilespmem:s29+$0x270] =	vst v0  }
0x1e: {  	[tilespmem:s29+$0x200] =	vst v0  }
0x1f: {  	[tilespmem:s29+$0x210] =	vst v0  }
0x20: {  	[tilespmem:s29+$0x220] =	vst v0  }
0x21: {  	[tilespmem:s29+$0x230] =	vst v0  }
0x22: {  	[tilespmem:s29+$0x240] =	vst v0  }
0x23: {  	[tilespmem:s29+$0x250] =	vst v0  }
0x24: {  	[tilespmem:s29+$0x260] =	vst v0  }
0x25: {  	[spmem:s5] =	stream.linear.scatter [tilespmem:s15], [sflag:$0x7], $0x4000, $0x38;
	[tilespmem:$0x1C200] =	vst v63  }
0x26: {  	_ =	swait.ge [sflag:s16], $0x4000  }
0x27: {  	[sflag:s16] =	ssyncset.done $0x0  }
0x28: {  	[sflag:s16] =	ssyncadd.s32 $0xFFFFC000  }
0x29: {  	[spmem:s6] =	stream.linear.scatter [tilespmem:s15], [sflag:$0x7], $0x4000, $0x38;
	[tilespmem:$0x1C200] =	vst v63  }
0x2a: {  	_ =	swait.ge [sflag:s16], $0x4000  }
0x2b: {  	[sflag:s16] =	ssyncset.done $0x0  }
0x2c: {  	[sflag:s16] =	ssyncadd.s32 $0xFFFFC000  }
0x2d: {  	[spmem:s7] =	stream.linear.scatter [tilespmem:s15], [sflag:$0x7], $0x4000, $0x38;
	[tilespmem:$0x1C200] =	vst v63  }
0x2e: {  	_ =	swait.ge [sflag:s16], $0x4000  }
0x2f: {  	[sflag:s16] =	ssyncset.done $0x0  }
0x30: {  	[sflag:s16] =	ssyncadd.s32 $0xFFFFC000  }
0x31: {  	[spmem:s8] =	stream.linear.scatter [tilespmem:s15], [sflag:$0x7], $0x4000, $0x38;
	[tilespmem:$0x1C200] =	vst v63  }
0x32: {  	_ =	swait.ge [sflag:s16], $0x4000  }
0x33: {  	[sflag:s16] =	ssyncset.done $0x0  }
0x34: {  	[sflag:s16] =	ssyncadd.s32 $0xFFFFC000  }
0x35: {  	[spmem:s9] =	stream.linear.scatter [tilespmem:s15], [sflag:$0x7], $0x4000, $0x38;
	[tilespmem:$0x1C200] =	vst v63  }
0x36: {  	_ =	swait.ge [sflag:s16], $0x4000  }
0x37: {  	[sflag:s16] =	ssyncset.done $0x0  }
0x38: {  	[sflag:s16] =	ssyncadd.s32 $0xFFFFC000  }
0x39: {  	[tilespmem:s3], [sflag:$0x7] =	stream.linear.gather [hbm4b:s10+s3], $0x100, $0x38;
	[tilespmem:$0x1C200] =	vst v63  }
0x3a: {  	_ =	swait.ge [sflag:s16], $0x100  }
0x3b: {  	[sflag:s16] =	ssyncset.done $0x0  }
0x3c: {  	[sflag:s16] =	ssyncadd.s32 $0xFFFFFF00  }
0x3d: {  	[tilespmem:s17], [sflag:$0x7] =	stream.linear.gather [hbm4b:s11+s3], $0x100, $0x38;
	[tilespmem:$0x1C200] =	vst v63  }
0x3e: {  	_ =	swait.ge [sflag:s16], $0x100  }
0x3f: {  	[sflag:s16] =	ssyncset.done $0x0  }
0x40: {  	[sflag:s16] =	ssyncadd.s32 $0xFFFFFF00  }
0x41: {  	[tilespmem:s15], [sflag:$0x1] =	stream.indirect.gather [hbm4b:s4+s18], $0x80, s3, s18, $0xb8;
	[tilespmem:$0x1C200] =	vst v63  }
0x42: {  	_ = 	snop  }
0x43: {  	[tilespmem:s19], [sflag:$0x2] =	stream.indirect.gather [hbm4b:s4+s18], $0x80, s17, s18, $0xb8;
	[tilespmem:$0x1C200] =	vst v63  }
0x44: {  	[bflag:$0x0] =	sbarrier.arrive $0xFFFF  }
0x45: {  	_ =	swait.ge [sflag:s20], $0x4000  }
0x46: {  	[sflag:s20] =	ssyncset.done $0x0  }
0x47: {  	[sflag:s20] =	ssyncadd.s32 $0xFFFFC000  }
0x48: {  	[spmem:s2] =	stream.indirect.scatter.add.f32 [tilespmem:s15], [sflag:$0x3], $0x80, s18, s18, $0xb8;
	[tilespmem:$0x1C200] =	vst v63  }
0x49: {  	_ =	swait.ge [sflag:s21], $0x4000  }
0x4a: {  	[sflag:s21] =	ssyncset.done $0x0  }
0x4b: {  	[sflag:s21] =	ssyncadd.s32 $0xFFFFC000  }
0x4c: {  	_ =	swait.ge [sflag:s22], $0x4000  }
0x4d: {  	s29 =	sadd.s32 $0xFFFFF600, s14;
	[sflag:s22] =	ssyncset.done $0x0  }
0x4e: {  	s30 =	sadd.s32 $0xA40, s29;
	[sflag:s22] =	ssyncadd.s32 $0xFFFFC000  }
0x4f: {  	[tilespmem:s3], [sflag:$0x5] =	stream.linear.gather [hbm4b:s30+s3], $0x100, $0x38;
	[tilespmem:$0x1C200] =	vst v63  }
0x50: {  	_ = 	snop  }
0x51: {  	[spmem:s2] =	stream.indirect.scatter.add.f32 [tilespmem:s19], [sflag:$0x4], $0x80, s23, s18, $0xb8;
	[tilespmem:$0x1C200] =	vst v63  }
0x52: {  	_ =	swait.ge [sflag:s24], $0x100  }
0x53: {  	[sflag:s24] =	ssyncset.done $0x0  }
0x54: {  	[sflag:s24] =	ssyncadd.s32 $0xFFFFFF00  }
0x55: {  	[tilespmem:s15], [sflag:$0x1] =	stream.indirect.gather [hbm4b:s4+s18], $0x80, s3, s18, $0xb8;
	[tilespmem:$0x1C200] =	vst v63  }
0x56: {  	_ =	swait.ge [sflag:s25], $0x4000  }
0x57: {  	[sflag:s25] =	ssyncset.done $0x0  }
0x58: {  	s29 =	sadd.s32 $0xA60, s29;
	[sflag:s25] =	ssyncadd.s32 $0xFFFFC000  }
0x59: {  	[tilespmem:s17], [sflag:$0x6] =	stream.linear.gather [hbm4b:s29+s3], $0x100, $0x38;
	[tilespmem:$0x1C200] =	vst v63  }
0x5a: {  	_ =	swait.ge [sflag:s26], $0x100  }
0x5b: {  	[sflag:s26] =	ssyncset.done $0x0  }
0x5c: {  	s29 =	simm.s32 $0xFFFFF640;
	[sflag:s26] =	ssyncadd.s32 $0xFFFFFF00  }
.LBB2_4:
0x5d: {  	[tilespmem:s19], [sflag:$0x2] =	stream.indirect.gather [hbm4b:s4+s18], $0x80, s17, s18, $0xb8;
	[tilespmem:$0x1C200] =	vst v63  }
0x5e: {  	s30 =	smov.u32 s29  }
0x5f: {  	p0 =	sne.s32 s29, $0xFFFFFFC0;
	s29 =	sadd.s32 $0x40, s29;
	_ =	swait.ge [sflag:s20], $0x4000  }
0x60: {  	[sflag:s20] =	ssyncset.done $0x0  }
0x61: {  	[sflag:s20] =	ssyncadd.s32 $0xFFFFC000  }
0x62: {  	[spmem:s2] =	stream.indirect.scatter.add.f32 [tilespmem:s15], [sflag:$0x3], $0x80, s18, s18, $0xb8;
	[tilespmem:$0x1C200] =	vst v63  }
0x63: {  	_ =	swait.ge [sflag:s21], $0x4000  }
0x64: {  	[sflag:s21] =	ssyncset.done $0x0  }
0x65: {  	[sflag:s21] =	ssyncadd.s32 $0xFFFFC000  }
0x66: {  	_ =	swait.ge [sflag:s22], $0x4000  }
0x67: {  	s30 =	sadd.s32 s30, s14;
	[sflag:s22] =	ssyncset.done $0x0  }
0x68: {  	s31 =	sadd.s32 $0xA40, s30;
	[sflag:s22] =	ssyncadd.s32 $0xFFFFC000  }
0x69: {  	[tilespmem:s3], [sflag:$0x5] =	stream.linear.gather [hbm4b:s31+s3], $0x100, $0x38;
	[tilespmem:$0x1C200] =	vst v63  }
0x6a: {  	_ = 	snop  }
0x6b: {  	[spmem:s2] =	stream.indirect.scatter.add.f32 [tilespmem:s19], [sflag:$0x4], $0x80, s23, s18, $0xb8;
	[tilespmem:$0x1C200] =	vst v63  }
0x6c: {  	_ =	swait.ge [sflag:s24], $0x100  }
0x6d: {  	[sflag:s24] =	ssyncset.done $0x0  }
0x6e: {  	[sflag:s24] =	ssyncadd.s32 $0xFFFFFF00  }
0x6f: {  	[tilespmem:s15], [sflag:$0x1] =	stream.indirect.gather [hbm4b:s4+s18], $0x80, s3, s18, $0xb8;
	[tilespmem:$0x1C200] =	vst v63  }
0x70: {  	_ =	swait.ge [sflag:s25], $0x4000  }
0x71: {  	[sflag:s25] =	ssyncset.done $0x0  }
.Ltmp1:
0x72: {  	s30 =	sadd.s32 $0xA60, s30;
	[sflag:s25] =	ssyncadd.s32 $0xFFFFC000;
	(pc) =	sbr.rel @p0 .LBB2_4-.Ltmp1, $4  }
0x73: {  	[tilespmem:s17], [sflag:$0x6] =	stream.linear.gather [hbm4b:s30+s3], $0x100, $0x38;
	[tilespmem:$0x1C200] =	vst v63  }
0x74: {  	_ =	swait.ge [sflag:s26], $0x100  }
0x75: {  	[sflag:s26] =	ssyncset.done $0x0  }
0x76: {  	[sflag:s26] =	ssyncadd.s32 $0xFFFFFF00  }
0x77: {  	[tilespmem:s19], [sflag:$0x2] =	stream.indirect.gather [hbm4b:s4+s18], $0x80, s17, s18, $0xb8;
	[tilespmem:$0x1C200] =	vst v63  }
0x78: {  	_ =	swait.ge [sflag:s20], $0x4000  }
0x79: {  	[sflag:s20] =	ssyncset.done $0x0  }
0x7a: {  	[sflag:s20] =	ssyncadd.s32 $0xFFFFC000  }
0x7b: {  	_ =	swait.ge [sflag:s21], $0x4000  }
0x7c: {  	s29 =	sshll.u32 s1, $0x6;
	s28 =	sadd.s32 $0x1, s28;
	[sflag:s21] =	ssyncset.done $0x0  }
0x7d: {  	s30 =	sshrl.u32 s5, $0x3;
	p0 =	sne.s32 s28, s13;
	[sflag:s21] =	ssyncadd.s32 $0xFFFFC000  }
.Ltmp2:
0x7e: {  	s29 =	sor.u32 $0x1C07, s29;
	[bflag:$0x0] =	sbarrier.arrive $0xFFFF;
	(pc) =	sbr.rel @p0 .LBB2_1-.Ltmp2, $4  }
0x7f: {  	[hbm:s12], [sflag:s29] =	dma.local [spmem:s30], $0x2800  }
0x80: {  	_ =	swait.ge [sflag:s16], $0x2800  }
0x81: {  	[sflag:s16] =	ssyncset.done $0x0  }
0x82: {  	[sflag:s16] =	ssyncadd.s32 $0xFFFFD800  }
0x83: {  	_ =	sfence.sel $0x180000  }
0x84: {  	[bflag:$0x0] =	sbarrier.arrive $0xFFFF  }
0x85: {  	p0 =	sne.s32 s1, $0x0;
	_ =	strace $0x90000053  }
0x86: {  	s0 =	sadd.s32 @!p0 $0x100000, s0;
	[bflag:$0x2] =	sbarrier.arrive $0xFFFF  }
0x87: {  	[sflag:s0] =	ssyncadd.tile.s32 @!p0 $0x1;
	_ =	shalt  }
.Lfunc_end2:
_tile_overlayer_lowered:
.L_overlay_start_2:
0x88: {  	(tag) =	ssettag $0x2  }
0x89: {  	s0 =	rddreg [dreg:$0x0];
	s2 =	stileid.u32  }
0x8a: {  	s1 =	rddreg [dreg:$0x1];
	p0 =	sne.s32 s2, $0x0  }
0x8b: {  	s3 =	rddreg [dreg:$0x2];
	[bflag:$0x3] =	sbarrier.arrive $0xFFFF;
	s2 =	simm.s32 @!p0 $0x1C07  }
0x8c: {  	[timem:s3], [sflag:s2] =	dma.local @!p0 [hbm:s0], s1  }
0x8d: {  	s0 =	simm.s32 @!p0 $0x7  }
0x8e: {  	_ =	swait.ge @!p0 [sflag:s0], s1  }
0x8f: {  	s1 =	ssub.s32 @!p0 $0x0, s1;
	[sflag:s0] =	ssyncset.done @!p0 $0x0  }
0x90: {  	[sflag:s0] =	ssyncadd.s32 @!p0 s1  }
0x91: {  	[bflag:$0x3] =	sbarrier.arrive $0xFFFF  }
0x92: {  	_ =	shalt  }

// kernel: sc_mp128.23.cloned.1.call-start
scs
__scs_entry_jumppad:
0x0: {  	(pc) =	sbr.rel $0x88, $3  }
0x1: {  	(tag) =	ssettag $0x0;
	lr =	simm.s32 $0x1  }
0x2: {  	[smem:$0x3F85] =	sst lr;
	_ =	strace $0xD0000000  }
0x3: {  	_ = 	snop  }
0x4: {  	_ = 	snop  }
0x5: {  	_ = 	snop  }
0x6: {  	_ = 	snop  }
0x7: {  	_ = 	snop  }
__scs_overlays_trampoline_lowered:
0x8: {  	[smem:$0x3F94] =	sst s0  }
0x9: {  	[smem:$0x3F95] =	sst s1  }
0xa: {  	[smem:$0x3F96] =	sst s2  }
0xb: {  	[smem:$0x3F97] =	sst s3  }
0xc: {  	[smem:$0x3F98] =	sst s4  }
0xd: {  	[smem:$0x3F99] =	sst s5  }
0xe: {  	[smem:$0x3F9A] =	sst s6  }
0xf: {  	[smem:$0x3F9B] =	sst s7  }
0x10: {  	[smem:$0x3F9C] =	sst s8  }
0x11: {  	[smem:$0x3F9D] =	sst s9;
	s0 =	simm.s32 @!p0 $0x0  }
0x12: {  	s1 =	sld [smem:$0x3F83];
	s0 =	simm.s32 @p0 $0x1  }
0x13: {  	[smem:$0x3F9E] =	sst s0;
	s0 =	simm.s32 @!p1 $0x0  }
0x14: {  	s2 =	sld [smem:$0x3F82];
	s0 =	simm.s32 @p1 $0x1  }
0x15: {  	[smem:$0x3F9F] =	sst s0;
	s0 =	simm.s32 @!p2 $0x0  }
0x16: {  	s3 =	sld [smem:$0x3FDB];
	s0 =	simm.s32 @p2 $0x1  }
0x17: {  	s4 =	simm.s32 $0x1BF5;
	[smem:$0x3FA1] =	sst s0  }
0x18: {  	s0 =	sld [smem:$0x3F84];
	_ =	swait.ge [sflag:s4], $0x0  }
0x19: {  	s7 =	sld [smem:$0x3F85]  }
0x1a: {  	s8 =	sadd.s32 $0xFFFFE003, lr  }
0x1b: {  	s9 =	sadd.s32 $0xFFFFFEF7, lr;
	s5 =	simm.s32 $0xFFFFFFFF;
	p2 =	slt.u32 s8, $0xFFFFF086  }
0x1c: {  	p1 =	slt.u32 s9, $0xF7A;
	s5 =	simm.s32 @!p2 $0x0  }
0x1d: {  	s5 =	simm.s32 @p1 $0x1;
	p0 =	seq.s32 s7, s2  }
0x1e: {  	s7 =	smul.u32 @!p0 $0xF7A, s2;
	p2 =	seq.s32 @!p0 s5, $0x0  }
0x1f: {  	s9 =	smul.u32 $0xF7A, s1;
	s8 =	simm.s32 @!p0 $0x1BF5;
	p2 =	por !p2, p0  }
0x20: {  	[sflag:s8] =	ssyncset.s32 @!p0 $0xFFFFF086;
	s6 =	sadd.s32 @!p0 s3, s7;
	s7 =	simm.s32 @!p0 $0x108  }
0x21: {  	s3 =	sadd.s32 s3, s9;
	s6 =	sadd.s32 @!p0 $0x88, s6;
	s7 =	simm.s32 @p2 $0x1082  }
0x22: {  	[simem:s7], [sflag:s8] =	dma.local @!p0 [hbm:s6], $0xF7A  }
0x23: {  	s9 =	sor.u32 $0xD0000000, s2;
	s6 =	simm.s32 $0x108;
	_ =	swait.ge @!p0 [sflag:s8], $0x0  }
0x24: {  	s3 =	sadd.s32 $0x88, s3;
	s6 =	simm.s32 @!p1 $0x1082;
	[sflag:s4] =	ssyncset.s32 $0xFFFFF086  }
0x25: {  	[simem:s6], [sflag:s4] =	dma.local [hbm:s3], $0xF7A  }
0x26: {  	[smem:$0x3F85] =	sst s1;
	(tag) =	ssettag s2;
	_ =	strace s9  }
0x27: {  	s1 =	sld [smem:$0x3F95]  }
0x28: {  	s2 =	sld [smem:$0x3F96]  }
0x29: {  	s4 =	sld [smem:$0x3F98]  }
0x2a: {  	p0 =	seq.s32 s5, $0x0;
	s5 =	sld [smem:$0x3F99]  }
0x2b: {  	s6 =	sld [smem:$0x3F9A]  }
0x2c: {  	s7 =	sld [smem:$0x3F9B]  }
0x2d: {  	s3 =	simm.s32 $0x108;
	s8 =	sld [smem:$0x3F9C]  }
0x2e: {  	s3 =	simm.s32 @!p0 $0x1082;
	s9 =	sld [smem:$0x3F9D]  }
0x2f: {  	lr =	sadd.s32 s0, s3;
	s0 =	sld [smem:$0x3F94]  }
0x30: {  	s3 =	sld [smem:$0x3F97]  }
0x31: {  	[smem:$0x3FA0] =	sst s10  }
0x32: {  	s10 =	sld [smem:$0x3F9E];
	_ =	sdelay $0x3  }
0x33: {  	p0 =	seq.s32 s10, $0x1;
	s10 =	sld [smem:$0x3FA0];
	_ =	sdelay $0x3  }
0x34: {  	[smem:$0x3FA0] =	sst s10  }
0x35: {  	s10 =	sld [smem:$0x3F9F];
	_ =	sdelay $0x3  }
0x36: {  	p1 =	seq.s32 s10, $0x1;
	s10 =	sld [smem:$0x3FA0];
	_ =	sdelay $0x3  }
0x37: {  	[smem:$0x3FA0] =	sst s10  }
0x38: {  	s10 =	sld [smem:$0x3FA1]  }
0x39: {  	_ = 	snop;
	(pc) =	sbr.ind lr, $3  }
0x3a: {  	_ = 	snop  }
0x3b: {  	_ = 	snop  }
0x3c: {  	p2 =	seq.s32 s10, $0x1;
	s10 =	sld [smem:$0x3FA0]  }
0x3d: {  	_ =	shalt  }
0x3e: {  	_ =	shalt  }
0x3f: {  	_ =	shalt  }
0x40: {  	_ =	shalt  }
0x41: {  	_ =	shalt  }
0x42: {  	_ =	shalt  }
0x43: {  	_ =	shalt  }
0x44: {  	_ =	shalt  }
0x45: {  	_ =	shalt  }
0x46: {  	_ =	shalt  }
0x47: {  	_ =	shalt  }
0x48: {  	_ =	shalt  }
0x49: {  	_ =	shalt  }
0x4a: {  	_ =	shalt  }
0x4b: {  	_ =	shalt  }
0x4c: {  	_ =	shalt  }
0x4d: {  	_ =	shalt  }
0x4e: {  	_ =	shalt  }
0x4f: {  	_ =	shalt  }
0x50: {  	_ =	shalt  }
0x51: {  	_ =	shalt  }
0x52: {  	_ =	shalt  }
0x53: {  	_ =	shalt  }
0x54: {  	_ =	shalt  }
0x55: {  	_ =	shalt  }
0x56: {  	_ =	shalt  }
0x57: {  	_ =	shalt  }
0x58: {  	_ =	shalt  }
0x59: {  	_ =	shalt  }
0x5a: {  	_ =	shalt  }
0x5b: {  	_ =	shalt  }
0x5c: {  	_ =	shalt  }
0x5d: {  	_ =	shalt  }
0x5e: {  	_ =	shalt  }
0x5f: {  	_ =	shalt  }
0x60: {  	_ =	shalt  }
0x61: {  	_ =	shalt  }
0x62: {  	_ =	shalt  }
0x63: {  	_ =	shalt  }
0x64: {  	_ =	shalt  }
0x65: {  	_ =	shalt  }
0x66: {  	_ =	shalt  }
0x67: {  	_ =	shalt  }
0x68: {  	_ =	shalt  }
0x69: {  	_ =	shalt  }
0x6a: {  	_ =	shalt  }
0x6b: {  	_ =	shalt  }
0x6c: {  	_ =	shalt  }
0x6d: {  	_ =	shalt  }
0x6e: {  	_ =	shalt  }
0x6f: {  	_ =	shalt  }
0x70: {  	_ =	shalt  }
0x71: {  	_ =	shalt  }
0x72: {  	_ =	shalt  }
0x73: {  	_ =	shalt  }
0x74: {  	_ =	shalt  }
0x75: {  	_ =	shalt  }
0x76: {  	_ =	shalt  }
0x77: {  	_ =	shalt  }
0x78: {  	_ =	shalt  }
0x79: {  	_ =	shalt  }
0x7a: {  	_ =	shalt  }
0x7b: {  	_ =	shalt  }
0x7c: {  	_ =	shalt  }
0x7d: {  	_ =	shalt  }
0x7e: {  	_ =	shalt  }
0x7f: {  	_ =	shalt  }
0x80: {  	_ =	shalt  }
0x81: {  	_ =	shalt  }
0x82: {  	_ =	shalt  }
0x83: {  	_ =	shalt  }
0x84: {  	_ =	shalt  }
0x85: {  	_ =	shalt  }
0x86: {  	_ =	shalt  }
0x87: {  	_ =	shalt  }
.Lfunc_end0:
.L_simem_size_0:
called_computation.5_lowered:
.L_overlay_start_0:
0x88: {  	s2 =	sld [smem:$0x3FD9]  }
0x89: {  	s3 =	sld [smem:$0x3FFE];
	_ =	sdelay $0x1  }
0x8a: {  	s1 =	srdreg.scid  }
0x8b: {  	s0 =	sand.u32 $0x1, s1  }
0x8c: {  	s14 =	sshll.u32 s0, $0xA;
	s2 =	sadd.s32 s3, s2  }
0x8d: {  	s2 =	sadd.s32 s2, s14  }
0x8e: {  	[smem:$0x3FAC] =	sst s2  }
0x8f: {  	_ = 	snop  }
0x90: {  	s2 =	sld [smem:$0x3FD0];
	_ =	sdelay $0x2  }
0x91: {  	s15 =	simm.s32 $0xA;
	s4 =	simm.s32 $0x10  }
0x92: {  	[smem:s4], [sflag:s15] =	dma.local [hbm:s2], $0x1  }
0x93: {  	_ =	swait.eq [sflag:s15], $0x1  }
0x94: {  	[sflag:s15] =	ssyncset.done $0x0  }
0x95: {  	[sflag:s15] =	ssyncadd.s32 $0xFFFFFFFF  }
0x96: {  	s16 =	sld [smem:$0x12];
	(tm) =	ssettm $0x1  }
0x97: {  	s17 =	sld [smem:$0x3FFB];
	_ =	sdelay $0x3  }
0x98: {  	_ =	strace s17  }
0x99: {  	s3 =	sld [smem:$0x3FFC];
	_ =	sdelay $0x3  }
0x9a: {  	_ =	strace s3  }
0x9b: {  	s3 =	sld [smem:$0x3FFD];
	_ =	sdelay $0x3  }
0x9c: {  	_ =	strace s3  }
0x9d: {  	_ =	strace $0x8FFFFFFF  }
0x9e: {  	s18 =	sld [smem:$0x3FDB];
	_ =	sdelay $0x1  }
0x9f: {  	s19 =	simm.s32 $_scs_section_size  }
0xa0: {  	s5 =	simm.s32 $_size__tile_overlayer_lowered;
	s6 =	simm.s32 $_tile_overlayer_lowered  }
0xa1: {  	s22 =	simm.s32 $0x1BFF;
	s21 =	sshll.u32 s6, $0x1;
	s3 =	sadd.s32 s19, s18  }
0xa2: {  	s7 =	simm.s32 $0x0;
	s20 =	sshll.u32 s5, $0x1;
	s5 =	sadd.s32 s21, s3  }
0xa3: {  	[timem:s7], [sflag:s22] =	dma.local [hbm:s5], s20  }
0xa4: {  	_ =	swait.ge [sflag:s22], s20  }
0xa5: {  	s4 =	ssub.s32 $0x0, s20;
	[sflag:s22] =	ssyncset.done $0x0  }
0xa6: {  	[sflag:s22] =	ssyncadd.s32 s4;
	_ =	sdelay $0x1  }
0xa7: {  	s23 =	simm.s32 $0x1B8B  }
0xa8: {  	_ =	swait.ge [sflag:s23], $0x1  }
0xa9: {  	[sflag:s23] =	ssyncset.done $0x0  }
0xaa: {  	s25 =	simm.s32 $0x1B8E;
	s24 =	sld [smem:$0x3FFE];
	[sflag:s23] =	ssyncadd.s32 $0xFFFFFFFF  }
0xab: {  	s26 =	simm.s32 $execute0_lowered;
	[smem:$0x3FD2] =	sst s25  }
0xac: {  	s5 =	sshll.u32 s26, $0x1;
	_ =	strace $0x80000055;
	[dreg:$0x1] =	wrdreg $0xFFFFFFFF  }
0xad: {  	s28 =	simm.s32 $_size_execute0_lowered;
	s3 =	sadd.s32 s3, s5;
	[dreg:$0x0] =	wrdreg $0x0  }
0xae: {  	s5 =	sshll.u32 s28, $0x1;
	[dreg:$0x2] =	wrdreg s3  }
0xaf: {  	[dreg:$0x3] =	wrdreg s5  }
0xb0: {  	[dreg:$0x4] =	wrdreg $0xC0  }
0xb1: {  	_ =	task [dreg:s7], $0x5FFFF  }
0xb2: {  	[dreg:$0x1] =	wrdreg $0xFFFFFFFF  }
0xb3: {  	[dreg:$0x0] =	wrdreg $0x60  }
0xb4: {  	[dreg:$0x2] =	wrdreg s16  }
0xb5: {  	[dreg:$0x3] =	wrdreg s24  }
0xb6: {  	[dreg:$0x4] =	wrdreg $0x82000  }
0xb7: {  	[dreg:$0x5] =	wrdreg $0x9  }
0xb8: {  	_ =	task.clear_ibuf [dreg:s7], $0x6FFFF;
	_ =	strace $0x90000055  }
0xb9: {  	s29 =	simm.s32 $0x9;
	_ =	strace $0x80000057  }
0xba: {  	_ =	swait.ge [sflag:s29], $0x1  }
0xbb: {  	[sflag:s29] =	ssyncadd.s32 $0xFFFFFFFF  }
0xbc: {  	_ =	strace $0x90000057  }
0xbd: {  	_ =	sfence  }
0xbe: {  	s30 =	sld [smem:$0x0];
	_ =	sdelay $0x2  }
0xbf: {  	s31 =	sshll.u32 s1, $0xD;
	s1 =	sshrl.u32 s1, $0x2  }
0xc0: {  	s3 =	sand.u32 $0x4000, s31;
	s1 =	sadd.s32 s1, s30  }
0xc1: {  	s0 =	sor.u32 s3, s0;
	s1 =	sshll.u32 s1, $0x11  }
0xc2: {  	s0 =	sor.u32 s1, s0  }
0xc3: {  	s0 =	sadd.s32 $0x8F2B, s0  }
0xc4: {  	[sflag:s0] =	ssyncadd.remote.s32 $0x1  }
0xc5: {  	_ =	sfence.sel $0xFFFF  }
0xc6: {  	[dreg:$0x0] =	wrdreg $0xFFFFFFFF;
	(pc) =	sbr.abs _section_cstart, $3  }
0xc7: {  	[dreg:$0x1] =	wrdreg $0xFFFFFFFF  }
0xc8: {  	_ =	task.clear_ibuf [dreg:s7], $0x2FFFF;
	_ =	strace $0x9FFFFFFF  }
0xc9: {  	(tm) =	ssettm $0x7FFFFFFF  }
tec
execute0_lowered:
.L_overlay_start_1:
0x0: {  	(tag) =	ssettag $0x1  }
0x1: {  	s1 =	rddreg [dreg:$0x0]  }
0x2: {  	s6 =	rddreg [dreg:$0x1]  }
0x3: {  	s3 =	rddreg [dreg:$0x2]  }
0x4: {  	s0 =	srdreg.scid;
	s2 =	rddreg [dreg:$0x3]  }
0x5: {  	s4 =	simm.s32 $0x0;
	s17 =	simm.s32 $0x100;
	s18 =	simm.s32 $0x80  }
0x6: {  	s19 =	simm.s32 $0x4200;
	s20 =	simm.s32 $0x1;
	s21 =	simm.s32 $0x2  }
0x7: {  	s22 =	simm.s32 $0x3;
	s23 =	simm.s32 $0x180;
	s11 =	sand.u32 $0x1, s0  }
0x8: {  	s24 =	simm.s32 $0x5;
	s0 =	stileid.u32;
	s5 =	smul.u32 $0x140000, s11  }
0x9: {  	s25 =	simm.s32 $0x4;
	s26 =	simm.s32 $0x6;
	s7 =	smul.u32 $0x14000, s0  }
0xa: {  	s28 =	simm.s32 $0x0;
	[smem:$0x7FF] =	sst s4;
	s29 =	smul.u32 $0x50000, s0  }
0xb: {  	s13 =	sadd.s32 $0x2D000, s6;
	_ =	strace $0x80000056;
	s15 =	smul.u32 $0x1400, s0  }
0xc: {  	s30 =	ssub.s32 $0x2, s11;
	s31 =	sshll.u32 s0, $0x1;
	s16 =	smul.u32 $0xA00, s11  }
0xd: {  	s8 =	sshrl.u32 s30, $0x1;
	s9 =	sor.u32 s11, s31;
	s5 =	sadd.s32 s7, s5  }
0xe: {  	s7 =	sshrl.u32 s29, $0x2;
	s10 =	smul.u32 $0xA00, s9;
	s5 =	sshrl.u32 s5, $0x3  }
0xf: {  	s14 =	ssub.s32 s30, s8;
	s15 =	sadd.s32 s15, s13;
	s12 =	sadd.s32 s5, s6  }
0x10: {  	s5 =	sadd.s32 s7, s3;
	s10 =	sadd.s32 s13, s10;
	s13 =	smax.u32 s14, $0x1  }
0x11: {  	s14 =	sadd.s32 s16, s15;
	s15 =	simm.s32 $0x200;
	s16 =	simm.s32 $0x7  }
0x12: {  	s6 =	sadd.s32 $0x4000, s5;
	s7 =	sadd.s32 $0x8000, s5;
	s8 =	sadd.s32 $0xC000, s5  }
0x13: {  	v0 =	vimm.f32 $0.0e+00;
	s9 =	sadd.s32 $0x10000, s5;
	s11 =	sadd.s32 $0x20, s10;
	s12 =	sadd.s32 $0x41200, s12  }
.LBB2_1:
0x14: {  	s29 =	simm.s32 $0x0;
	s30 =	simm.s32 $0x200  }
.LBB2_2:
0x15: {  	p0 =	sne.s32 s30, $0xFE00;
	[tilespmem:s29+$0x270] =	vst v0  }
0x16: {  	[tilespmem:s29+$0x200] =	vst v0  }
0x17: {  	[tilespmem:s29+$0x210] =	vst v0  }
.Ltmp0:
0x18: {  	[tilespmem:s29+$0x220] =	vst v0;
	(pc) =	sbr.rel @p0 .LBB2_2-.Ltmp0, $4  }
0x19: {  	[tilespmem:s29+$0x230] =	vst v0  }
0x1a: {  	[tilespmem:s29+$0x240] =	vst v0  }
0x1b: {  	[tilespmem:s29+$0x250] =	vst v0  }
0x1c: {  	[tilespmem:s29+$0x260] =	vst v0;
	s29 =	sshra.s32 s30, $0x2;
	s30 =	sadd.s32 $0x200, s30  }
0x1d: {  	[tilespmem:s29+$0x270] =	vst v0  }
0x1e: {  	[tilespmem:s29+$0x200] =	vst v0  }
0x1f: {  	[tilespmem:s29+$0x210] =	vst v0  }
0x20: {  	[tilespmem:s29+$0x220] =	vst v0  }
0x21: {  	[tilespmem:s29+$0x230] =	vst v0  }
0x22: {  	[tilespmem:s29+$0x240] =	vst v0  }
0x23: {  	[tilespmem:s29+$0x250] =	vst v0  }
0x24: {  	[tilespmem:s29+$0x260] =	vst v0  }
0x25: {  	[spmem:s5] =	stream.linear.scatter [tilespmem:s15], [sflag:$0x7], $0x4000, $0x38;
	[tilespmem:$0x1C200] =	vst v63  }
0x26: {  	_ =	swait.ge [sflag:s16], $0x4000  }
0x27: {  	[sflag:s16] =	ssyncset.done $0x0  }
0x28: {  	[sflag:s16] =	ssyncadd.s32 $0xFFFFC000  }
0x29: {  	[spmem:s6] =	stream.linear.scatter [tilespmem:s15], [sflag:$0x7], $0x4000, $0x38;
	[tilespmem:$0x1C200] =	vst v63  }
0x2a: {  	_ =	swait.ge [sflag:s16], $0x4000  }
0x2b: {  	[sflag:s16] =	ssyncset.done $0x0  }
0x2c: {  	[sflag:s16] =	ssyncadd.s32 $0xFFFFC000  }
0x2d: {  	[spmem:s7] =	stream.linear.scatter [tilespmem:s15], [sflag:$0x7], $0x4000, $0x38;
	[tilespmem:$0x1C200] =	vst v63  }
0x2e: {  	_ =	swait.ge [sflag:s16], $0x4000  }
0x2f: {  	[sflag:s16] =	ssyncset.done $0x0  }
0x30: {  	[sflag:s16] =	ssyncadd.s32 $0xFFFFC000  }
0x31: {  	[spmem:s8] =	stream.linear.scatter [tilespmem:s15], [sflag:$0x7], $0x4000, $0x38;
	[tilespmem:$0x1C200] =	vst v63  }
0x32: {  	_ =	swait.ge [sflag:s16], $0x4000  }
0x33: {  	[sflag:s16] =	ssyncset.done $0x0  }
0x34: {  	[sflag:s16] =	ssyncadd.s32 $0xFFFFC000  }
0x35: {  	[spmem:s9] =	stream.linear.scatter [tilespmem:s15], [sflag:$0x7], $0x4000, $0x38;
	[tilespmem:$0x1C200] =	vst v63  }
0x36: {  	_ =	swait.ge [sflag:s16], $0x4000  }
0x37: {  	[sflag:s16] =	ssyncset.done $0x0  }
0x38: {  	[sflag:s16] =	ssyncadd.s32 $0xFFFFC000  }
0x39: {  	[tilespmem:s4], [sflag:$0x7] =	stream.linear.gather [hbm4b:s10+s4], $0x100, $0x38;
	[tilespmem:$0x1C200] =	vst v63  }
0x3a: {  	_ =	swait.ge [sflag:s16], $0x100  }
0x3b: {  	[sflag:s16] =	ssyncset.done $0x0  }
0x3c: {  	[sflag:s16] =	ssyncadd.s32 $0xFFFFFF00  }
0x3d: {  	[tilespmem:s17], [sflag:$0x7] =	stream.linear.gather [hbm4b:s11+s4], $0x100, $0x38;
	[tilespmem:$0x1C200] =	vst v63  }
0x3e: {  	_ =	swait.ge [sflag:s16], $0x100  }
0x3f: {  	[sflag:s16] =	ssyncset.done $0x0  }
0x40: {  	[sflag:s16] =	ssyncadd.s32 $0xFFFFFF00  }
0x41: {  	[tilespmem:s15], [sflag:$0x1] =	stream.indirect.gather [hbm4b:s1+s18], $0x80, s4, s18, $0xb8;
	[tilespmem:$0x1C200] =	vst v63  }
0x42: {  	_ = 	snop  }
0x43: {  	[tilespmem:s19], [sflag:$0x2] =	stream.indirect.gather [hbm4b:s1+s18], $0x80, s17, s18, $0xb8;
	[tilespmem:$0x1C200] =	vst v63  }
0x44: {  	[bflag:$0x0] =	sbarrier.arrive $0xFFFF  }
0x45: {  	_ =	swait.ge [sflag:s20], $0x4000  }
0x46: {  	[sflag:s20] =	ssyncset.done $0x0  }
0x47: {  	[sflag:s20] =	ssyncadd.s32 $0xFFFFC000  }
0x48: {  	[spmem:s3] =	stream.indirect.scatter.add.f32 [tilespmem:s15], [sflag:$0x3], $0x80, s18, s18, $0xb8;
	[tilespmem:$0x1C200] =	vst v63  }
0x49: {  	_ =	swait.ge [sflag:s21], $0x4000  }
0x4a: {  	[sflag:s21] =	ssyncset.done $0x0  }
0x4b: {  	[sflag:s21] =	ssyncadd.s32 $0xFFFFC000  }
0x4c: {  	_ =	swait.ge [sflag:s22], $0x4000  }
0x4d: {  	s29 =	sadd.s32 $0xFFFFF600, s14;
	[sflag:s22] =	ssyncset.done $0x0  }
0x4e: {  	s30 =	sadd.s32 $0xA40, s29;
	[sflag:s22] =	ssyncadd.s32 $0xFFFFC000  }
0x4f: {  	[tilespmem:s4], [sflag:$0x5] =	stream.linear.gather [hbm4b:s30+s4], $0x100, $0x38;
	[tilespmem:$0x1C200] =	vst v63  }
0x50: {  	_ = 	snop  }
0x51: {  	[spmem:s3] =	stream.indirect.scatter.add.f32 [tilespmem:s19], [sflag:$0x4], $0x80, s23, s18, $0xb8;
	[tilespmem:$0x1C200] =	vst v63  }
0x52: {  	_ =	swait.ge [sflag:s24], $0x100  }
0x53: {  	[sflag:s24] =	ssyncset.done $0x0  }
0x54: {  	[sflag:s24] =	ssyncadd.s32 $0xFFFFFF00  }
0x55: {  	[tilespmem:s15], [sflag:$0x1] =	stream.indirect.gather [hbm4b:s1+s18], $0x80, s4, s18, $0xb8;
	[tilespmem:$0x1C200] =	vst v63  }
0x56: {  	_ =	swait.ge [sflag:s25], $0x4000  }
0x57: {  	[sflag:s25] =	ssyncset.done $0x0  }
0x58: {  	s29 =	sadd.s32 $0xA60, s29;
	[sflag:s25] =	ssyncadd.s32 $0xFFFFC000  }
0x59: {  	[tilespmem:s17], [sflag:$0x6] =	stream.linear.gather [hbm4b:s29+s4], $0x100, $0x38;
	[tilespmem:$0x1C200] =	vst v63  }
0x5a: {  	_ =	swait.ge [sflag:s26], $0x100  }
0x5b: {  	[sflag:s26] =	ssyncset.done $0x0  }
0x5c: {  	s29 =	simm.s32 $0xFFFFF640;
	[sflag:s26] =	ssyncadd.s32 $0xFFFFFF00  }
.LBB2_4:
0x5d: {  	[tilespmem:s19], [sflag:$0x2] =	stream.indirect.gather [hbm4b:s1+s18], $0x80, s17, s18, $0xb8;
	[tilespmem:$0x1C200] =	vst v63  }
0x5e: {  	s30 =	smov.u32 s29  }
0x5f: {  	p0 =	sne.s32 s29, $0xFFFFFFC0;
	s29 =	sadd.s32 $0x40, s29;
	_ =	swait.ge [sflag:s20], $0x4000  }
0x60: {  	[sflag:s20] =	ssyncset.done $0x0  }
0x61: {  	[sflag:s20] =	ssyncadd.s32 $0xFFFFC000  }
0x62: {  	[spmem:s3] =	stream.indirect.scatter.add.f32 [tilespmem:s15], [sflag:$0x3], $0x80, s18, s18, $0xb8;
	[tilespmem:$0x1C200] =	vst v63  }
0x63: {  	_ =	swait.ge [sflag:s21], $0x4000  }
0x64: {  	[sflag:s21] =	ssyncset.done $0x0  }
0x65: {  	[sflag:s21] =	ssyncadd.s32 $0xFFFFC000  }
0x66: {  	_ =	swait.ge [sflag:s22], $0x4000  }
0x67: {  	s30 =	sadd.s32 s30, s14;
	[sflag:s22] =	ssyncset.done $0x0  }
0x68: {  	s31 =	sadd.s32 $0xA40, s30;
	[sflag:s22] =	ssyncadd.s32 $0xFFFFC000  }
0x69: {  	[tilespmem:s4], [sflag:$0x5] =	stream.linear.gather [hbm4b:s31+s4], $0x100, $0x38;
	[tilespmem:$0x1C200] =	vst v63  }
0x6a: {  	_ = 	snop  }
0x6b: {  	[spmem:s3] =	stream.indirect.scatter.add.f32 [tilespmem:s19], [sflag:$0x4], $0x80, s23, s18, $0xb8;
	[tilespmem:$0x1C200] =	vst v63  }
0x6c: {  	_ =	swait.ge [sflag:s24], $0x100  }
0x6d: {  	[sflag:s24] =	ssyncset.done $0x0  }
0x6e: {  	[sflag:s24] =	ssyncadd.s32 $0xFFFFFF00  }
0x6f: {  	[tilespmem:s15], [sflag:$0x1] =	stream.indirect.gather [hbm4b:s1+s18], $0x80, s4, s18, $0xb8;
	[tilespmem:$0x1C200] =	vst v63  }
0x70: {  	_ =	swait.ge [sflag:s25], $0x4000  }
0x71: {  	[sflag:s25] =	ssyncset.done $0x0  }
.Ltmp1:
0x72: {  	s30 =	sadd.s32 $0xA60, s30;
	[sflag:s25] =	ssyncadd.s32 $0xFFFFC000;
	(pc) =	sbr.rel @p0 .LBB2_4-.Ltmp1, $4  }
0x73: {  	[tilespmem:s17], [sflag:$0x6] =	stream.linear.gather [hbm4b:s30+s4], $0x100, $0x38;
	[tilespmem:$0x1C200] =	vst v63  }
0x74: {  	_ =	swait.ge [sflag:s26], $0x100  }
0x75: {  	[sflag:s26] =	ssyncset.done $0x0  }
0x76: {  	[sflag:s26] =	ssyncadd.s32 $0xFFFFFF00  }
0x77: {  	[tilespmem:s19], [sflag:$0x2] =	stream.indirect.gather [hbm4b:s1+s18], $0x80, s17, s18, $0xb8;
	[tilespmem:$0x1C200] =	vst v63  }
0x78: {  	_ =	swait.ge [sflag:s20], $0x4000  }
0x79: {  	[sflag:s20] =	ssyncset.done $0x0  }
0x7a: {  	[sflag:s20] =	ssyncadd.s32 $0xFFFFC000  }
0x7b: {  	_ =	swait.ge [sflag:s21], $0x4000  }
0x7c: {  	s29 =	sshll.u32 s0, $0x6;
	s28 =	sadd.s32 $0x1, s28;
	[sflag:s21] =	ssyncset.done $0x0  }
0x7d: {  	s30 =	sshrl.u32 s5, $0x3;
	p0 =	sne.s32 s28, s13;
	[sflag:s21] =	ssyncadd.s32 $0xFFFFC000  }
.Ltmp2:
0x7e: {  	s29 =	sor.u32 $0x1C07, s29;
	[bflag:$0x0] =	sbarrier.arrive $0xFFFF;
	(pc) =	sbr.rel @p0 .LBB2_1-.Ltmp2, $4  }
0x7f: {  	[hbm:s12], [sflag:s29] =	dma.local [spmem:s30], $0x2800  }
0x80: {  	_ =	swait.ge [sflag:s16], $0x2800  }
0x81: {  	[sflag:s16] =	ssyncset.done $0x0  }
0x82: {  	[sflag:s16] =	ssyncadd.s32 $0xFFFFD800  }
0x83: {  	_ =	sfence.sel $0x180000  }
0x84: {  	[bflag:$0x0] =	sbarrier.arrive $0xFFFF  }
0x85: {  	p0 =	sne.s32 s0, $0x0;
	_ =	strace $0x90000056  }
0x86: {  	s0 =	sadd.s32 @!p0 $0x100000, s2;
	[bflag:$0x2] =	sbarrier.arrive $0xFFFF  }
0x87: {  	[sflag:s0] =	ssyncadd.tile.s32 @!p0 $0x1;
	_ =	shalt  }
.Lfunc_end2:
_tile_overlayer_lowered:
.L_overlay_start_2:
0x88: {  	(tag) =	ssettag $0x2  }
0x89: {  	s0 =	rddreg [dreg:$0x0];
	s2 =	stileid.u32  }
0x8a: {  	s1 =	rddreg [dreg:$0x1];
	p0 =	sne.s32 s2, $0x0  }
0x8b: {  	s3 =	rddreg [dreg:$0x2];
	[bflag:$0x3] =	sbarrier.arrive $0xFFFF;
	s2 =	simm.s32 @!p0 $0x1C07  }
0x8c: {  	[timem:s3], [sflag:s2] =	dma.local @!p0 [hbm:s0], s1  }
0x8d: {  	s0 =	simm.s32 @!p0 $0x7  }
0x8e: {  	_ =	swait.ge @!p0 [sflag:s0], s1  }
0x8f: {  	s1 =	ssub.s32 @!p0 $0x0, s1;
	[sflag:s0] =	ssyncset.done @!p0 $0x0  }
0x90: {  	[sflag:s0] =	ssyncadd.s32 @!p0 s1  }
0x91: {  	[bflag:$0x3] =	sbarrier.arrive $0xFFFF  }
0x92: {  	_ =	shalt  }

// kernel: sc_mp128.8.cloned.1.call-start
scs
__scs_entry_jumppad:
0x0: {  	(pc) =	sbr.rel $0x88, $3  }
0x1: {  	(tag) =	ssettag $0x0;
	lr =	simm.s32 $0x1  }
0x2: {  	[smem:$0x3F85] =	sst lr;
	_ =	strace $0xD0000000  }
0x3: {  	_ = 	snop  }
0x4: {  	_ = 	snop  }
0x5: {  	_ = 	snop  }
0x6: {  	_ = 	snop  }
0x7: {  	_ = 	snop  }
__scs_overlays_trampoline_lowered:
0x8: {  	[smem:$0x3F94] =	sst s0  }
0x9: {  	[smem:$0x3F95] =	sst s1  }
0xa: {  	[smem:$0x3F96] =	sst s2  }
0xb: {  	[smem:$0x3F97] =	sst s3  }
0xc: {  	[smem:$0x3F98] =	sst s4  }
0xd: {  	[smem:$0x3F99] =	sst s5  }
0xe: {  	[smem:$0x3F9A] =	sst s6  }
0xf: {  	[smem:$0x3F9B] =	sst s7  }
0x10: {  	[smem:$0x3F9C] =	sst s8  }
0x11: {  	[smem:$0x3F9D] =	sst s9;
	s0 =	simm.s32 @!p0 $0x0  }
0x12: {  	s1 =	sld [smem:$0x3F83];
	s0 =	simm.s32 @p0 $0x1  }
0x13: {  	[smem:$0x3F9E] =	sst s0;
	s0 =	simm.s32 @!p1 $0x0  }
0x14: {  	s2 =	sld [smem:$0x3F82];
	s0 =	simm.s32 @p1 $0x1  }
0x15: {  	[smem:$0x3F9F] =	sst s0;
	s0 =	simm.s32 @!p2 $0x0  }
0x16: {  	s3 =	sld [smem:$0x3FDB];
	s0 =	simm.s32 @p2 $0x1  }
0x17: {  	s4 =	simm.s32 $0x1BF5;
	[smem:$0x3FA1] =	sst s0  }
0x18: {  	s0 =	sld [smem:$0x3F84];
	_ =	swait.ge [sflag:s4], $0x0  }
0x19: {  	s7 =	sld [smem:$0x3F85]  }
0x1a: {  	s8 =	sadd.s32 $0xFFFFE003, lr  }
0x1b: {  	s9 =	sadd.s32 $0xFFFFFEF7, lr;
	s5 =	simm.s32 $0xFFFFFFFF;
	p2 =	slt.u32 s8, $0xFFFFF086  }
0x1c: {  	p1 =	slt.u32 s9, $0xF7A;
	s5 =	simm.s32 @!p2 $0x0  }
0x1d: {  	s5 =	simm.s32 @p1 $0x1;
	p0 =	seq.s32 s7, s2  }
0x1e: {  	s7 =	smul.u32 @!p0 $0xF7A, s2;
	p2 =	seq.s32 @!p0 s5, $0x0  }
0x1f: {  	s9 =	smul.u32 $0xF7A, s1;
	s8 =	simm.s32 @!p0 $0x1BF5;
	p2 =	por !p2, p0  }
0x20: {  	[sflag:s8] =	ssyncset.s32 @!p0 $0xFFFFF086;
	s6 =	sadd.s32 @!p0 s3, s7;
	s7 =	simm.s32 @!p0 $0x108  }
0x21: {  	s3 =	sadd.s32 s3, s9;
	s6 =	sadd.s32 @!p0 $0x88, s6;
	s7 =	simm.s32 @p2 $0x1082  }
0x22: {  	[simem:s7], [sflag:s8] =	dma.local @!p0 [hbm:s6], $0xF7A  }
0x23: {  	s9 =	sor.u32 $0xD0000000, s2;
	s6 =	simm.s32 $0x108;
	_ =	swait.ge @!p0 [sflag:s8], $0x0  }
0x24: {  	s3 =	sadd.s32 $0x88, s3;
	s6 =	simm.s32 @!p1 $0x1082;
	[sflag:s4] =	ssyncset.s32 $0xFFFFF086  }
0x25: {  	[simem:s6], [sflag:s4] =	dma.local [hbm:s3], $0xF7A  }
0x26: {  	[smem:$0x3F85] =	sst s1;
	(tag) =	ssettag s2;
	_ =	strace s9  }
0x27: {  	s1 =	sld [smem:$0x3F95]  }
0x28: {  	s2 =	sld [smem:$0x3F96]  }
0x29: {  	s4 =	sld [smem:$0x3F98]  }
0x2a: {  	p0 =	seq.s32 s5, $0x0;
	s5 =	sld [smem:$0x3F99]  }
0x2b: {  	s6 =	sld [smem:$0x3F9A]  }
0x2c: {  	s7 =	sld [smem:$0x3F9B]  }
0x2d: {  	s3 =	simm.s32 $0x108;
	s8 =	sld [smem:$0x3F9C]  }
0x2e: {  	s3 =	simm.s32 @!p0 $0x1082;
	s9 =	sld [smem:$0x3F9D]  }
0x2f: {  	lr =	sadd.s32 s0, s3;
	s0 =	sld [smem:$0x3F94]  }
0x30: {  	s3 =	sld [smem:$0x3F97]  }
0x31: {  	[smem:$0x3FA0] =	sst s10  }
0x32: {  	s10 =	sld [smem:$0x3F9E];
	_ =	sdelay $0x3  }
0x33: {  	p0 =	seq.s32 s10, $0x1;
	s10 =	sld [smem:$0x3FA0];
	_ =	sdelay $0x3  }
0x34: {  	[smem:$0x3FA0] =	sst s10  }
0x35: {  	s10 =	sld [smem:$0x3F9F];
	_ =	sdelay $0x3  }
0x36: {  	p1 =	seq.s32 s10, $0x1;
	s10 =	sld [smem:$0x3FA0];
	_ =	sdelay $0x3  }
0x37: {  	[smem:$0x3FA0] =	sst s10  }
0x38: {  	s10 =	sld [smem:$0x3FA1]  }
0x39: {  	_ = 	snop;
	(pc) =	sbr.ind lr, $3  }
0x3a: {  	_ = 	snop  }
0x3b: {  	_ = 	snop  }
0x3c: {  	p2 =	seq.s32 s10, $0x1;
	s10 =	sld [smem:$0x3FA0]  }
0x3d: {  	_ =	shalt  }
0x3e: {  	_ =	shalt  }
0x3f: {  	_ =	shalt  }
0x40: {  	_ =	shalt  }
0x41: {  	_ =	shalt  }
0x42: {  	_ =	shalt  }
0x43: {  	_ =	shalt  }
0x44: {  	_ =	shalt  }
0x45: {  	_ =	shalt  }
0x46: {  	_ =	shalt  }
0x47: {  	_ =	shalt  }
0x48: {  	_ =	shalt  }
0x49: {  	_ =	shalt  }
0x4a: {  	_ =	shalt  }
0x4b: {  	_ =	shalt  }
0x4c: {  	_ =	shalt  }
0x4d: {  	_ =	shalt  }
0x4e: {  	_ =	shalt  }
0x4f: {  	_ =	shalt  }
0x50: {  	_ =	shalt  }
0x51: {  	_ =	shalt  }
0x52: {  	_ =	shalt  }
0x53: {  	_ =	shalt  }
0x54: {  	_ =	shalt  }
0x55: {  	_ =	shalt  }
0x56: {  	_ =	shalt  }
0x57: {  	_ =	shalt  }
0x58: {  	_ =	shalt  }
0x59: {  	_ =	shalt  }
0x5a: {  	_ =	shalt  }
0x5b: {  	_ =	shalt  }
0x5c: {  	_ =	shalt  }
0x5d: {  	_ =	shalt  }
0x5e: {  	_ =	shalt  }
0x5f: {  	_ =	shalt  }
0x60: {  	_ =	shalt  }
0x61: {  	_ =	shalt  }
0x62: {  	_ =	shalt  }
0x63: {  	_ =	shalt  }
0x64: {  	_ =	shalt  }
0x65: {  	_ =	shalt  }
0x66: {  	_ =	shalt  }
0x67: {  	_ =	shalt  }
0x68: {  	_ =	shalt  }
0x69: {  	_ =	shalt  }
0x6a: {  	_ =	shalt  }
0x6b: {  	_ =	shalt  }
0x6c: {  	_ =	shalt  }
0x6d: {  	_ =	shalt  }
0x6e: {  	_ =	shalt  }
0x6f: {  	_ =	shalt  }
0x70: {  	_ =	shalt  }
0x71: {  	_ =	shalt  }
0x72: {  	_ =	shalt  }
0x73: {  	_ =	shalt  }
0x74: {  	_ =	shalt  }
0x75: {  	_ =	shalt  }
0x76: {  	_ =	shalt  }
0x77: {  	_ =	shalt  }
0x78: {  	_ =	shalt  }
0x79: {  	_ =	shalt  }
0x7a: {  	_ =	shalt  }
0x7b: {  	_ =	shalt  }
0x7c: {  	_ =	shalt  }
0x7d: {  	_ =	shalt  }
0x7e: {  	_ =	shalt  }
0x7f: {  	_ =	shalt  }
0x80: {  	_ =	shalt  }
0x81: {  	_ =	shalt  }
0x82: {  	_ =	shalt  }
0x83: {  	_ =	shalt  }
0x84: {  	_ =	shalt  }
0x85: {  	_ =	shalt  }
0x86: {  	_ =	shalt  }
0x87: {  	_ =	shalt  }
.Lfunc_end0:
.L_simem_size_0:
called_computation_lowered:
.L_overlay_start_0:
0x88: {  	s2 =	sld [smem:$0x3FD9]  }
0x89: {  	s3 =	sld [smem:$0x3FFE];
	_ =	sdelay $0x1  }
0x8a: {  	s1 =	srdreg.scid  }
0x8b: {  	s0 =	sand.u32 $0x1, s1  }
0x8c: {  	s14 =	sshll.u32 s0, $0xA;
	s2 =	sadd.s32 s3, s2  }
0x8d: {  	s2 =	sadd.s32 s2, s14  }
0x8e: {  	[smem:$0x3FAC] =	sst s2  }
0x8f: {  	_ = 	snop  }
0x90: {  	s2 =	sld [smem:$0x3FD0];
	_ =	sdelay $0x2  }
0x91: {  	s15 =	simm.s32 $0xA;
	s4 =	simm.s32 $0x10  }
0x92: {  	[smem:s4], [sflag:s15] =	dma.local [hbm:s2], $0x1  }
0x93: {  	_ =	swait.eq [sflag:s15], $0x1  }
0x94: {  	[sflag:s15] =	ssyncset.done $0x0  }
0x95: {  	[sflag:s15] =	ssyncadd.s32 $0xFFFFFFFF  }
0x96: {  	s16 =	sld [smem:$0x12];
	(tm) =	ssettm $0x1  }
0x97: {  	s17 =	sld [smem:$0x3FFB];
	_ =	sdelay $0x3  }
0x98: {  	_ =	strace s17  }
0x99: {  	s3 =	sld [smem:$0x3FFC];
	_ =	sdelay $0x3  }
0x9a: {  	_ =	strace s3  }
0x9b: {  	s3 =	sld [smem:$0x3FFD];
	_ =	sdelay $0x3  }
0x9c: {  	_ =	strace s3  }
0x9d: {  	_ =	strace $0x8FFFFFFF  }
0x9e: {  	s18 =	sld [smem:$0x3FDB];
	_ =	sdelay $0x1  }
0x9f: {  	s19 =	simm.s32 $_scs_section_size  }
0xa0: {  	s5 =	simm.s32 $_size__tile_overlayer_lowered;
	s6 =	simm.s32 $_tile_overlayer_lowered  }
0xa1: {  	s22 =	simm.s32 $0x1BFF;
	s21 =	sshll.u32 s6, $0x1;
	s3 =	sadd.s32 s19, s18  }
0xa2: {  	s7 =	simm.s32 $0x0;
	s20 =	sshll.u32 s5, $0x1;
	s5 =	sadd.s32 s21, s3  }
0xa3: {  	[timem:s7], [sflag:s22] =	dma.local [hbm:s5], s20  }
0xa4: {  	_ =	swait.ge [sflag:s22], s20  }
0xa5: {  	s4 =	ssub.s32 $0x0, s20;
	[sflag:s22] =	ssyncset.done $0x0  }
0xa6: {  	[sflag:s22] =	ssyncadd.s32 s4;
	_ =	sdelay $0x1  }
0xa7: {  	s23 =	simm.s32 $0x1B8B  }
0xa8: {  	_ =	swait.ge [sflag:s23], $0x1  }
0xa9: {  	[sflag:s23] =	ssyncset.done $0x0  }
0xaa: {  	s25 =	simm.s32 $0x1B8E;
	s24 =	sld [smem:$0x3FFE];
	[sflag:s23] =	ssyncadd.s32 $0xFFFFFFFF  }
0xab: {  	s26 =	simm.s32 $execute0_lowered;
	[smem:$0x3FD2] =	sst s25  }
0xac: {  	s5 =	sshll.u32 s26, $0x1;
	_ =	strace $0x80000046;
	[dreg:$0x1] =	wrdreg $0xFFFFFFFF  }
0xad: {  	s28 =	simm.s32 $_size_execute0_lowered;
	s3 =	sadd.s32 s3, s5;
	[dreg:$0x0] =	wrdreg $0x0  }
0xae: {  	s5 =	sshll.u32 s28, $0x1;
	[dreg:$0x2] =	wrdreg s3  }
0xaf: {  	[dreg:$0x3] =	wrdreg s5  }
0xb0: {  	[dreg:$0x4] =	wrdreg $0xC0  }
0xb1: {  	_ =	task [dreg:s7], $0x5FFFF  }
0xb2: {  	[dreg:$0x1] =	wrdreg $0xFFFFFFFF  }
0xb3: {  	[dreg:$0x0] =	wrdreg $0x60  }
0xb4: {  	[dreg:$0x2] =	wrdreg s24  }
0xb5: {  	[dreg:$0x3] =	wrdreg s16  }
0xb6: {  	[dreg:$0x4] =	wrdreg $0x82000  }
0xb7: {  	[dreg:$0x5] =	wrdreg $0x9  }
0xb8: {  	_ =	task.clear_ibuf [dreg:s7], $0x6FFFF;
	_ =	strace $0x90000046  }
0xb9: {  	s29 =	simm.s32 $0x9;
	_ =	strace $0x80000048  }
0xba: {  	_ =	swait.ge [sflag:s29], $0x1  }
0xbb: {  	[sflag:s29] =	ssyncadd.s32 $0xFFFFFFFF  }
0xbc: {  	_ =	strace $0x90000048  }
0xbd: {  	_ =	sfence  }
0xbe: {  	s30 =	sld [smem:$0x0];
	_ =	sdelay $0x2  }
0xbf: {  	s31 =	sshll.u32 s1, $0xD;
	s1 =	sshrl.u32 s1, $0x2  }
0xc0: {  	s3 =	sand.u32 $0x4000, s31;
	s1 =	sadd.s32 s1, s30  }
0xc1: {  	s0 =	sor.u32 s3, s0;
	s1 =	sshll.u32 s1, $0x11  }
0xc2: {  	s0 =	sor.u32 s1, s0  }
0xc3: {  	s0 =	sadd.s32 $0x8F2B, s0  }
0xc4: {  	[sflag:s0] =	ssyncadd.remote.s32 $0x1  }
0xc5: {  	_ =	sfence.sel $0xFFFF  }
0xc6: {  	[dreg:$0x0] =	wrdreg $0xFFFFFFFF;
	(pc) =	sbr.abs _section_cstart, $3  }
0xc7: {  	[dreg:$0x1] =	wrdreg $0xFFFFFFFF  }
0xc8: {  	_ =	task.clear_ibuf [dreg:s7], $0x2FFFF;
	_ =	strace $0x9FFFFFFF  }
0xc9: {  	(tm) =	ssettm $0x7FFFFFFF  }
tec
execute0_lowered:
.L_overlay_start_1:
0x0: {  	(tag) =	ssettag $0x1  }
0x1: {  	s5 =	rddreg [dreg:$0x0]  }
0x2: {  	s12 =	rddreg [dreg:$0x1]  }
0x3: {  	s2 =	rddreg [dreg:$0x2]  }
0x4: {  	s0 =	rddreg [dreg:$0x3];
	s4 =	srdreg.scid  }
0x5: {  	s3 =	simm.s32 $0x0;
	s1 =	stileid.u32;
	s18 =	simm.s32 $0x80  }
0x6: {  	s19 =	simm.s32 $0x4200;
	s20 =	simm.s32 $0x1;
	s21 =	simm.s32 $0x2  }
0x7: {  	s22 =	simm.s32 $0x3;
	s23 =	simm.s32 $0x180;
	s24 =	simm.s32 $0x5  }
0x8: {  	s25 =	simm.s32 $0x4;
	s28 =	simm.s32 $0x0;
	s7 =	smul.u32 $0x50000, s1  }
0x9: {  	s11 =	sand.u32 $0x1, s4;
	[smem:$0x7FF] =	sst s3;
	s15 =	smul.u32 $0x14000, s1  }
0xa: {  	s4 =	sadd.s32 $0x5000, s5;
	s13 =	sadd.s32 $0x2D000, s5;
	s17 =	smul.u32 $0x1400, s1  }
0xb: {  	s29 =	sshll.u32 s1, $0x1;
	s6 =	ssub.s32 $0x2, s11;
	s10 =	smul.u32 $0x140000, s11  }
0xc: {  	_ =	strace $0x80000047;
	s9 =	sor.u32 s11, s29;
	s30 =	smul.u32 $0xA00, s11  }
0xd: {  	s8 =	sshrl.u32 s6, $0x1;
	s26 =	sshrl.u32 s7, $0x2;
	s16 =	smul.u32 $0xA00, s9  }
0xe: {  	s31 =	sadd.s32 s17, s13;
	s17 =	simm.s32 $0x100;
	s14 =	ssub.s32 s6, s8  }
0xf: {  	s5 =	sadd.s32 s26, s2;
	s15 =	sadd.s32 s15, s10;
	s26 =	simm.s32 $0x6  }
0x10: {  	s6 =	sadd.s32 $0x4000, s5;
	s7 =	sadd.s32 $0x8000, s5;
	s8 =	sadd.s32 $0xC000, s5  }
0x11: {  	s9 =	sadd.s32 $0x10000, s5;
	s10 =	sadd.s32 s13, s16;
	s15 =	sshrl.u32 s15, $0x3  }
0x12: {  	s13 =	smax.u32 s14, $0x1;
	s14 =	sadd.s32 s30, s31;
	s16 =	simm.s32 $0x7  }
0x13: {  	v0 =	vimm.f32 $0.0e+00;
	s11 =	sadd.s32 $0x20, s10;
	s12 =	sadd.s32 s12, s15;
	s15 =	simm.s32 $0x200  }
.LBB2_1:
0x14: {  	s29 =	simm.s32 $0x0;
	s30 =	simm.s32 $0x200  }
.LBB2_2:
0x15: {  	p0 =	sne.s32 s30, $0xFE00;
	[tilespmem:s29+$0x270] =	vst v0  }
0x16: {  	[tilespmem:s29+$0x200] =	vst v0  }
0x17: {  	[tilespmem:s29+$0x210] =	vst v0  }
.Ltmp0:
0x18: {  	[tilespmem:s29+$0x220] =	vst v0;
	(pc) =	sbr.rel @p0 .LBB2_2-.Ltmp0, $4  }
0x19: {  	[tilespmem:s29+$0x230] =	vst v0  }
0x1a: {  	[tilespmem:s29+$0x240] =	vst v0  }
0x1b: {  	[tilespmem:s29+$0x250] =	vst v0  }
0x1c: {  	[tilespmem:s29+$0x260] =	vst v0;
	s29 =	sshra.s32 s30, $0x2;
	s30 =	sadd.s32 $0x200, s30  }
0x1d: {  	[tilespmem:s29+$0x270] =	vst v0  }
0x1e: {  	[tilespmem:s29+$0x200] =	vst v0  }
0x1f: {  	[tilespmem:s29+$0x210] =	vst v0  }
0x20: {  	[tilespmem:s29+$0x220] =	vst v0  }
0x21: {  	[tilespmem:s29+$0x230] =	vst v0  }
0x22: {  	[tilespmem:s29+$0x240] =	vst v0  }
0x23: {  	[tilespmem:s29+$0x250] =	vst v0  }
0x24: {  	[tilespmem:s29+$0x260] =	vst v0  }
0x25: {  	[spmem:s5] =	stream.linear.scatter [tilespmem:s15], [sflag:$0x7], $0x4000, $0x38;
	[tilespmem:$0x1C200] =	vst v63  }
0x26: {  	_ =	swait.ge [sflag:s16], $0x4000  }
0x27: {  	[sflag:s16] =	ssyncset.done $0x0  }
0x28: {  	[sflag:s16] =	ssyncadd.s32 $0xFFFFC000  }
0x29: {  	[spmem:s6] =	stream.linear.scatter [tilespmem:s15], [sflag:$0x7], $0x4000, $0x38;
	[tilespmem:$0x1C200] =	vst v63  }
0x2a: {  	_ =	swait.ge [sflag:s16], $0x4000  }
0x2b: {  	[sflag:s16] =	ssyncset.done $0x0  }
0x2c: {  	[sflag:s16] =	ssyncadd.s32 $0xFFFFC000  }
0x2d: {  	[spmem:s7] =	stream.linear.scatter [tilespmem:s15], [sflag:$0x7], $0x4000, $0x38;
	[tilespmem:$0x1C200] =	vst v63  }
0x2e: {  	_ =	swait.ge [sflag:s16], $0x4000  }
0x2f: {  	[sflag:s16] =	ssyncset.done $0x0  }
0x30: {  	[sflag:s16] =	ssyncadd.s32 $0xFFFFC000  }
0x31: {  	[spmem:s8] =	stream.linear.scatter [tilespmem:s15], [sflag:$0x7], $0x4000, $0x38;
	[tilespmem:$0x1C200] =	vst v63  }
0x32: {  	_ =	swait.ge [sflag:s16], $0x4000  }
0x33: {  	[sflag:s16] =	ssyncset.done $0x0  }
0x34: {  	[sflag:s16] =	ssyncadd.s32 $0xFFFFC000  }
0x35: {  	[spmem:s9] =	stream.linear.scatter [tilespmem:s15], [sflag:$0x7], $0x4000, $0x38;
	[tilespmem:$0x1C200] =	vst v63  }
0x36: {  	_ =	swait.ge [sflag:s16], $0x4000  }
0x37: {  	[sflag:s16] =	ssyncset.done $0x0  }
0x38: {  	[sflag:s16] =	ssyncadd.s32 $0xFFFFC000  }
0x39: {  	[tilespmem:s3], [sflag:$0x7] =	stream.linear.gather [hbm4b:s10+s3], $0x100, $0x38;
	[tilespmem:$0x1C200] =	vst v63  }
0x3a: {  	_ =	swait.ge [sflag:s16], $0x100  }
0x3b: {  	[sflag:s16] =	ssyncset.done $0x0  }
0x3c: {  	[sflag:s16] =	ssyncadd.s32 $0xFFFFFF00  }
0x3d: {  	[tilespmem:s17], [sflag:$0x7] =	stream.linear.gather [hbm4b:s11+s3], $0x100, $0x38;
	[tilespmem:$0x1C200] =	vst v63  }
0x3e: {  	_ =	swait.ge [sflag:s16], $0x100  }
0x3f: {  	[sflag:s16] =	ssyncset.done $0x0  }
0x40: {  	[sflag:s16] =	ssyncadd.s32 $0xFFFFFF00  }
0x41: {  	[tilespmem:s15], [sflag:$0x1] =	stream.indirect.gather [hbm4b:s4+s18], $0x80, s3, s18, $0xb8;
	[tilespmem:$0x1C200] =	vst v63  }
0x42: {  	_ = 	snop  }
0x43: {  	[tilespmem:s19], [sflag:$0x2] =	stream.indirect.gather [hbm4b:s4+s18], $0x80, s17, s18, $0xb8;
	[tilespmem:$0x1C200] =	vst v63  }
0x44: {  	[bflag:$0x0] =	sbarrier.arrive $0xFFFF  }
0x45: {  	_ =	swait.ge [sflag:s20], $0x4000  }
0x46: {  	[sflag:s20] =	ssyncset.done $0x0  }
0x47: {  	[sflag:s20] =	ssyncadd.s32 $0xFFFFC000  }
0x48: {  	[spmem:s2] =	stream.indirect.scatter.add.f32 [tilespmem:s15], [sflag:$0x3], $0x80, s18, s18, $0xb8;
	[tilespmem:$0x1C200] =	vst v63  }
0x49: {  	_ =	swait.ge [sflag:s21], $0x4000  }
0x4a: {  	[sflag:s21] =	ssyncset.done $0x0  }
0x4b: {  	[sflag:s21] =	ssyncadd.s32 $0xFFFFC000  }
0x4c: {  	_ =	swait.ge [sflag:s22], $0x4000  }
0x4d: {  	s29 =	sadd.s32 $0xFFFFF600, s14;
	[sflag:s22] =	ssyncset.done $0x0  }
0x4e: {  	s30 =	sadd.s32 $0xA40, s29;
	[sflag:s22] =	ssyncadd.s32 $0xFFFFC000  }
0x4f: {  	[tilespmem:s3], [sflag:$0x5] =	stream.linear.gather [hbm4b:s30+s3], $0x100, $0x38;
	[tilespmem:$0x1C200] =	vst v63  }
0x50: {  	_ = 	snop  }
0x51: {  	[spmem:s2] =	stream.indirect.scatter.add.f32 [tilespmem:s19], [sflag:$0x4], $0x80, s23, s18, $0xb8;
	[tilespmem:$0x1C200] =	vst v63  }
0x52: {  	_ =	swait.ge [sflag:s24], $0x100  }
0x53: {  	[sflag:s24] =	ssyncset.done $0x0  }
0x54: {  	[sflag:s24] =	ssyncadd.s32 $0xFFFFFF00  }
0x55: {  	[tilespmem:s15], [sflag:$0x1] =	stream.indirect.gather [hbm4b:s4+s18], $0x80, s3, s18, $0xb8;
	[tilespmem:$0x1C200] =	vst v63  }
0x56: {  	_ =	swait.ge [sflag:s25], $0x4000  }
0x57: {  	[sflag:s25] =	ssyncset.done $0x0  }
0x58: {  	s29 =	sadd.s32 $0xA60, s29;
	[sflag:s25] =	ssyncadd.s32 $0xFFFFC000  }
0x59: {  	[tilespmem:s17], [sflag:$0x6] =	stream.linear.gather [hbm4b:s29+s3], $0x100, $0x38;
	[tilespmem:$0x1C200] =	vst v63  }
0x5a: {  	_ =	swait.ge [sflag:s26], $0x100  }
0x5b: {  	[sflag:s26] =	ssyncset.done $0x0  }
0x5c: {  	s29 =	simm.s32 $0xFFFFF640;
	[sflag:s26] =	ssyncadd.s32 $0xFFFFFF00  }
.LBB2_4:
0x5d: {  	[tilespmem:s19], [sflag:$0x2] =	stream.indirect.gather [hbm4b:s4+s18], $0x80, s17, s18, $0xb8;
	[tilespmem:$0x1C200] =	vst v63  }
0x5e: {  	s30 =	smov.u32 s29  }
0x5f: {  	p0 =	sne.s32 s29, $0xFFFFFFC0;
	s29 =	sadd.s32 $0x40, s29;
	_ =	swait.ge [sflag:s20], $0x4000  }
0x60: {  	[sflag:s20] =	ssyncset.done $0x0  }
0x61: {  	[sflag:s20] =	ssyncadd.s32 $0xFFFFC000  }
0x62: {  	[spmem:s2] =	stream.indirect.scatter.add.f32 [tilespmem:s15], [sflag:$0x3], $0x80, s18, s18, $0xb8;
	[tilespmem:$0x1C200] =	vst v63  }
0x63: {  	_ =	swait.ge [sflag:s21], $0x4000  }
0x64: {  	[sflag:s21] =	ssyncset.done $0x0  }
0x65: {  	[sflag:s21] =	ssyncadd.s32 $0xFFFFC000  }
0x66: {  	_ =	swait.ge [sflag:s22], $0x4000  }
0x67: {  	s30 =	sadd.s32 s30, s14;
	[sflag:s22] =	ssyncset.done $0x0  }
0x68: {  	s31 =	sadd.s32 $0xA40, s30;
	[sflag:s22] =	ssyncadd.s32 $0xFFFFC000  }
0x69: {  	[tilespmem:s3], [sflag:$0x5] =	stream.linear.gather [hbm4b:s31+s3], $0x100, $0x38;
	[tilespmem:$0x1C200] =	vst v63  }
0x6a: {  	_ = 	snop  }
0x6b: {  	[spmem:s2] =	stream.indirect.scatter.add.f32 [tilespmem:s19], [sflag:$0x4], $0x80, s23, s18, $0xb8;
	[tilespmem:$0x1C200] =	vst v63  }
0x6c: {  	_ =	swait.ge [sflag:s24], $0x100  }
0x6d: {  	[sflag:s24] =	ssyncset.done $0x0  }
0x6e: {  	[sflag:s24] =	ssyncadd.s32 $0xFFFFFF00  }
0x6f: {  	[tilespmem:s15], [sflag:$0x1] =	stream.indirect.gather [hbm4b:s4+s18], $0x80, s3, s18, $0xb8;
	[tilespmem:$0x1C200] =	vst v63  }
0x70: {  	_ =	swait.ge [sflag:s25], $0x4000  }
0x71: {  	[sflag:s25] =	ssyncset.done $0x0  }
.Ltmp1:
0x72: {  	s30 =	sadd.s32 $0xA60, s30;
	[sflag:s25] =	ssyncadd.s32 $0xFFFFC000;
	(pc) =	sbr.rel @p0 .LBB2_4-.Ltmp1, $4  }
0x73: {  	[tilespmem:s17], [sflag:$0x6] =	stream.linear.gather [hbm4b:s30+s3], $0x100, $0x38;
	[tilespmem:$0x1C200] =	vst v63  }
0x74: {  	_ =	swait.ge [sflag:s26], $0x100  }
0x75: {  	[sflag:s26] =	ssyncset.done $0x0  }
0x76: {  	[sflag:s26] =	ssyncadd.s32 $0xFFFFFF00  }
0x77: {  	[tilespmem:s19], [sflag:$0x2] =	stream.indirect.gather [hbm4b:s4+s18], $0x80, s17, s18, $0xb8;
	[tilespmem:$0x1C200] =	vst v63  }
0x78: {  	_ =	swait.ge [sflag:s20], $0x4000  }
0x79: {  	[sflag:s20] =	ssyncset.done $0x0  }
0x7a: {  	[sflag:s20] =	ssyncadd.s32 $0xFFFFC000  }
0x7b: {  	_ =	swait.ge [sflag:s21], $0x4000  }
0x7c: {  	s29 =	sshll.u32 s1, $0x6;
	s28 =	sadd.s32 $0x1, s28;
	[sflag:s21] =	ssyncset.done $0x0  }
0x7d: {  	s30 =	sshrl.u32 s5, $0x3;
	p0 =	sne.s32 s28, s13;
	[sflag:s21] =	ssyncadd.s32 $0xFFFFC000  }
.Ltmp2:
0x7e: {  	s29 =	sor.u32 $0x1C07, s29;
	[bflag:$0x0] =	sbarrier.arrive $0xFFFF;
	(pc) =	sbr.rel @p0 .LBB2_1-.Ltmp2, $4  }
0x7f: {  	[hbm:s12], [sflag:s29] =	dma.local [spmem:s30], $0x2800  }
0x80: {  	_ =	swait.ge [sflag:s16], $0x2800  }
0x81: {  	[sflag:s16] =	ssyncset.done $0x0  }
0x82: {  	[sflag:s16] =	ssyncadd.s32 $0xFFFFD800  }
0x83: {  	_ =	sfence.sel $0x180000  }
0x84: {  	[bflag:$0x0] =	sbarrier.arrive $0xFFFF  }
0x85: {  	p0 =	sne.s32 s1, $0x0;
	_ =	strace $0x90000047  }
0x86: {  	s0 =	sadd.s32 @!p0 $0x100000, s0;
	[bflag:$0x2] =	sbarrier.arrive $0xFFFF  }
0x87: {  	[sflag:s0] =	ssyncadd.tile.s32 @!p0 $0x1;
	_ =	shalt  }
.Lfunc_end2:
_tile_overlayer_lowered:
.L_overlay_start_2:
0x88: {  	(tag) =	ssettag $0x2  }
0x89: {  	s0 =	rddreg [dreg:$0x0];
	s2 =	stileid.u32  }
0x8a: {  	s1 =	rddreg [dreg:$0x1];
	p0 =	sne.s32 s2, $0x0  }
0x8b: {  	s3 =	rddreg [dreg:$0x2];
	[bflag:$0x3] =	sbarrier.arrive $0xFFFF;
	s2 =	simm.s32 @!p0 $0x1C07  }
0x8c: {  	[timem:s3], [sflag:s2] =	dma.local @!p0 [hbm:s0], s1  }
0x8d: {  	s0 =	simm.s32 @!p0 $0x7  }
0x8e: {  	_ =	swait.ge @!p0 [sflag:s0], s1  }
0x8f: {  	s1 =	ssub.s32 @!p0 $0x0, s1;
	[sflag:s0] =	ssyncset.done @!p0 $0x0  }
0x90: {  	[sflag:s0] =	ssyncadd.s32 @!p0 s1  }
0x91: {  	[bflag:$0x3] =	sbarrier.arrive $0xFFFF  }
0x92: {  	_ =	shalt  }

</sc_bundles>
